<compile_context>
chip_gen: v7x
topology: tpu7x:2x2x1
jax: 0.10.2.dev20260603
libtpu: 0.0.44.dev20260713+nightly
codegen_flags: <defaults>
</compile_context>

<pallas_src>
import functools

import jax
import jax.numpy as jnp
from jax import lax
from jax.experimental import pallas as pl
from jax.experimental.pallas import tpu as pltpu
from jax.experimental.pallas import tpu_sc as plsc

D = 128
NF = 4
V = 32
PV = V * V
LANES = 16
NC, NS = 2, 16
NW = NC * NS
NQ = 4
NR = NW // NQ
DQ = D // NQ
T = 800
RD = 2


def _sc_embed(b, l):
    n_tokens = b * l
    tpw = n_tokens // NR
    g_count = tpw // T

    mesh = plsc.VectorSubcoreMesh(
        core_axis_name="c", subcore_axis_name="s",
        num_cores=NC, num_subcores=NS)

    @functools.partial(
        pl.kernel,
        out_type=jax.ShapeDtypeStruct((b * l, D), jnp.float32),
        mesh=mesh,
        compiler_params=pltpu.CompilerParams(use_tc_tiling_on_sc=False),
        scratch_types=[
            pltpu.VMEM((2 * PV, DQ), jnp.float32),
            pltpu.VMEM((RD, T), jnp.int32),
            pltpu.VMEM((RD, T, DQ), jnp.float32),
        ] + [pltpu.SemaphoreType.DMA] * (2 * RD),
    )
    def body(x_hbm, w_hbm, o_hbm, w_v, idx_v, out_v, *sems):
        sin = sems[:RD]
        sout = sems[RD:]
        wid = lax.axis_index("s") * NC + lax.axis_index("c")
        quarter = wid % NQ
        rng = wid // NQ
        base = rng * tpw
        col0 = quarter * DQ
        o2 = o_hbm

        for p in range(RD):
            pltpu.async_copy(
                x_hbm.at[pl.ds(base + p * T, T)], idx_v.at[p], sin[p])
        pltpu.sync_copy(w_hbm.at[:, pl.ds(col0, DQ)], w_v)

        @pl.loop(0, g_count, step=RD)
        def _(g0):
            for p in range(RD):
                g = g0 + p
                start = base + g * T
                pltpu.make_async_copy(
                    x_hbm.at[pl.ds(start, T)], idx_v.at[p], sin[p]).wait()

                @pl.when(g >= RD)
                def _():
                    pltpu.make_async_copy(
                        out_v.at[p],
                        o2.at[pl.ds(start - RD * T, T), pl.ds(col0, DQ)],
                        sout[p]).wait()

                @plsc.parallel_loop(0, T // 16, unroll=2)
                def _(q):
                    pk = idx_v[p, pl.ds(q * 16, 16)]
                    for k in range(16):
                        t = q * 16 + k
                        w0 = pk[k]
                        i0 = w0 & 0xFFFF
                        i1 = w0 >> 16
                        for j in range(DQ // LANES):
                            sl = pl.ds(j * LANES, LANES)
                            out_v[p, t, sl] = w_v[i0, sl] + w_v[i1, sl]

                pltpu.async_copy(
                    out_v.at[p],
                    o2.at[pl.ds(start, T), pl.ds(col0, DQ)], sout[p])

                @pl.when(g + RD < g_count)
                def _():
                    pltpu.async_copy(
                        x_hbm.at[pl.ds(start + RD * T, T)],
                        idx_v.at[p], sin[p])

        for p in range(RD):
            pltpu.make_async_copy(
                out_v.at[p],
                o2.at[pl.ds(base + (g_count - RD + p) * T, T),
                      pl.ds(col0, DQ)],
                sout[p]).wait()

    return body


def kernel(x, W_hour, W_day, W_weekday, W_month):
    b, l, nf = x.shape
    assert nf == NF
    assert (b * l) % (NR * T * RD) == 0
    hd = x[..., 0] * V + x[..., 1]
    wm = x[..., 2] * V + x[..., 3] + PV
    xp = (hd | (wm << 16)).reshape(b * l)
    pair_hd = (W_hour[:, None, :] + W_day[None, :, :]).reshape(PV, D)
    pair_wm = (W_weekday[:, None, :] + W_month[None, :, :]).reshape(PV, D)
    w = jnp.concatenate([pair_hd, pair_wm])
    return _sc_embed(b, l)(xp, w).reshape(b, l, D)

# --- scband reference (transcript-rebuilt; emitter-appended) ---
"""Pipeline reference for scband-temporal-embedding-86904368267666 (READ-ONLY COPY).

The authoritative reference and input builder live on the scoring server;
editing this copy changes nothing except your own understanding.
"""

import jax, jax.numpy as jnp
import numpy as np

B, L, NF = 4096, 200, 4
D_MODEL = 128
VOCAB = 32

def setup_inputs(seed: int = 0) -> dict:
    key = jax.random.key(seed)
    kx, kh, kd, kw, km = jax.random.split(key, 5)
    x = jax.random.randint(kx, (B, L, NF), 0, VOCAB, dtype=jnp.int64 if jax.config.jax_enable_x64 else jnp.int32).astype(jnp.int32)
    # nn.Embedding default init: N(0, 1)
    W_hour = jax.random.normal(kh, (VOCAB, D_MODEL), dtype=jnp.float32)
    W_day = jax.random.normal(kd, (VOCAB, D_MODEL), dtype=jnp.float32)
    W_weekday = jax.random.normal(kw, (VOCAB, D_MODEL), dtype=jnp.float32)
    W_month = jax.random.normal(km, (VOCAB, D_MODEL), dtype=jnp.float32)
    return {"x": x, "W_hour": W_hour, "W_day": W_day, "W_weekday": W_weekday, "W_month": W_month}

def reference(x, W_hour, W_day, W_weekday, W_month):
    # ModuleDict preserves insertion order: hour, day, weekday, month -> feature indices 0..3
    emb = jnp.take(W_hour, x[:, :, 0], axis=0)
    emb = emb + jnp.take(W_day, x[:, :, 1], axis=0)
    emb = emb + jnp.take(W_weekday, x[:, :, 2], axis=0)
    emb = emb + jnp.take(W_month, x[:, :, 3], axis=0)
    return emb

if __name__ == "__main__":
    import jax
    _d = setup_inputs()
    print(jax.jit(kernel)(*tuple(_d.values())))

</pallas_src>

<mosaic_0001>
#map = affine_map<(d0, d1) -> (0)>
#map1 = affine_map<(d0, d1) -> (0, 0)>
module attributes {stable_mosaic.version = 14 : i64} {
  func.func @body(%arg0: i32, %arg1: i32, %arg2: memref<819200xi32, #tpu.memory_space<hbm>>, %arg3: memref<2048x128xf32, #tpu.memory_space<hbm>>, %arg4: memref<819200x128xf32, #tpu.memory_space<hbm>>, %arg5: memref<2048x32xf32, #tpu.memory_space<vmem>>, %arg6: memref<2x800xi32, #tpu.memory_space<vmem>>, %arg7: memref<2x800x32xf32, #tpu.memory_space<vmem>>, %arg8: memref<!tpu.dma_semaphore, #tpu.memory_space<semaphore_mem>>, %arg9: memref<!tpu.dma_semaphore, #tpu.memory_space<semaphore_mem>>, %arg10: memref<!tpu.dma_semaphore, #tpu.memory_space<semaphore_mem>>, %arg11: memref<!tpu.dma_semaphore, #tpu.memory_space<semaphore_mem>>) attributes {dimension_semantics = [#tpu.dimension_semantics<core_parallel>, #tpu.dimension_semantics<subcore_parallel>], iteration_bounds = array<i64: 2, 16>, scalar_prefetch = 0 : i64, scratch_operands = 7 : i64, tpu.core_type = #tpu.core_type<sc_vector_subcore>, window_params = [{transform_indices = #map}, {transform_indices = #map1}, {transform_indices = #map1}]} {
    %mul3A = arith.constant 2 : i32
    %mul3A_0 = arith.muli %arg1, %mul3A : i32
    %add3A = arith.addi %mul3A_0, %arg0 : i32
    %jit3A = arith.constant 4 : i32
    %eq3A = arith.constant 0 : i32
    %eq3A_1 = arith.cmpi eq, %jit3A, %eq3A : i32
    %jit3A_2 = arith.constant 1 : i32
    %select_n3A = arith.select %eq3A_1, %jit3A_2, %jit3A : i32
    %rem3A = arith.remsi %add3A, %select_n3A : i32
    %ne3A = arith.constant 0 : i32
    %ne3A_3 = arith.cmpi ne, %rem3A, %ne3A : i32
    %lt3A = arith.constant 0 : i32
    %lt3A_4 = arith.cmpi slt, %rem3A, %lt3A : i32
    %lt3A_5 = arith.constant 0 : i32
    %lt3A_6 = arith.cmpi slt, %select_n3A, %lt3A_5 : i32
    %ne3A_7 = arith.xori %lt3A_4, %lt3A_6 : i1
    %and3A = arith.andi %ne3A_7, %ne3A_3 : i1
    %add3A_8 = arith.addi %rem3A, %select_n3A : i32
    %select_n3A_9 = arith.select %and3A, %add3A_8, %rem3A : i32
    %jit3A_10 = arith.constant 4 : i32
    %div3A = arith.divsi %add3A, %jit3A_10 : i32
    %sign3A = arith.constant 0 : i32
    %sign3A_11 = arith.cmpi sgt, %add3A, %sign3A : i32
    %sign3A_12 = arith.extui %sign3A_11 : i1 to i32
    %sign3A_13 = arith.constant 0 : i32
    %sign3A_14 = arith.cmpi slt, %add3A, %sign3A_13 : i32
    %sign3A_15 = arith.extui %sign3A_14 : i1 to i32
    %sign3A_16 = arith.subi %sign3A_12, %sign3A_15 : i32
    %sign3A_17 = arith.constant 0 : i32
    %sign3A_18 = arith.cmpi sgt, %jit3A_10, %sign3A_17 : i32
    %sign3A_19 = arith.extui %sign3A_18 : i1 to i32
    %sign3A_20 = arith.constant 0 : i32
    %sign3A_21 = arith.cmpi slt, %jit3A_10, %sign3A_20 : i32
    %sign3A_22 = arith.extui %sign3A_21 : i1 to i32
    %sign3A_23 = arith.subi %sign3A_19, %sign3A_22 : i32
    %ne3A_24 = arith.cmpi ne, %sign3A_16, %sign3A_23 : i32
    %rem3A_25 = arith.remsi %add3A, %jit3A_10 : i32
    %ne3A_26 = arith.constant 0 : i32
    %ne3A_27 = arith.cmpi ne, %rem3A_25, %ne3A_26 : i32
    %and3A_28 = arith.andi %ne3A_24, %ne3A_27 : i1
    %sub3A = arith.constant 1 : i32
    %sub3A_29 = arith.subi %div3A, %sub3A : i32
    %select_n3A_30 = arith.select %and3A_28, %sub3A_29, %div3A : i32
    %mul3A_31 = arith.constant 102400 : i32
    %mul3A_32 = arith.muli %select_n3A_30, %mul3A_31 : i32
    %mul3A_33 = arith.constant 32 : i32
    %mul3A_34 = arith.muli %select_n3A_9, %mul3A_33 : i32
    %add3A_35 = arith.constant 0 : i32
    %add3A_36 = arith.addi %mul3A_32, %add3A_35 : i32
    %dma_start3A = arith.constant 0 : i32
    %dma_start3A_37 = arith.constant 0 : i32
    %dma_start3A_38 = tpu.memref_slice %arg6[%dma_start3A, %dma_start3A_37] : memref<2x800xi32, #tpu.memory_space<vmem>> -> memref<1x800xi32, #tpu.memory_space<vmem>>
    %dma_start3A_39 = tpu.memref_squeeze %dma_start3A_38 : memref<1x800xi32, #tpu.memory_space<vmem>> -> memref<800xi32, #tpu.memory_space<vmem>>
    %dma_start3A_40 = tpu.memref_slice %arg2[%add3A_36] : memref<819200xi32, #tpu.memory_space<hbm>> -> memref<800xi32, #tpu.memory_space<hbm>>
    %dma_start3A_41 = arith.constant 0 : i32
    %dma_start3A_42 = tpu.memref_slice %arg6[%dma_start3A, %dma_start3A_41] : memref<2x800xi32, #tpu.memory_space<vmem>> -> memref<1x800xi32, #tpu.memory_space<vmem>>
    %dma_start3A_43 = tpu.memref_squeeze %dma_start3A_42 : memref<1x800xi32, #tpu.memory_space<vmem>> -> memref<800xi32, #tpu.memory_space<vmem>>
    %dma_start3A_44 = tpu.memref_slice %arg2[%add3A_36] : memref<819200xi32, #tpu.memory_space<hbm>> -> memref<800xi32, #tpu.memory_space<hbm>>
    tpu.enqueue_dma source(%dma_start3A_44 : memref<800xi32, #tpu.memory_space<hbm>>) target(%dma_start3A_43 : memref<800xi32, #tpu.memory_space<vmem>>) target_semaphore(%arg8 : memref<!tpu.dma_semaphore, #tpu.memory_space<semaphore_mem>>)
    %add3A_45 = arith.constant 800 : i32
    %add3A_46 = arith.addi %mul3A_32, %add3A_45 : i32
    %dma_start3A_47 = arith.constant 1 : i32
    %dma_start3A_48 = arith.constant 0 : i32
    %dma_start3A_49 = tpu.memref_slice %arg6[%dma_start3A_47, %dma_start3A_48] : memref<2x800xi32, #tpu.memory_space<vmem>> -> memref<1x800xi32, #tpu.memory_space<vmem>>
    %dma_start3A_50 = tpu.memref_squeeze %dma_start3A_49 : memref<1x800xi32, #tpu.memory_space<vmem>> -> memref<800xi32, #tpu.memory_space<vmem>>
    %dma_start3A_51 = tpu.memref_slice %arg2[%add3A_46] : memref<819200xi32, #tpu.memory_space<hbm>> -> memref<800xi32, #tpu.memory_space<hbm>>
    %dma_start3A_52 = arith.constant 0 : i32
    %dma_start3A_53 = tpu.memref_slice %arg6[%dma_start3A_47, %dma_start3A_52] : memref<2x800xi32, #tpu.memory_space<vmem>> -> memref<1x800xi32, #tpu.memory_space<vmem>>
    %dma_start3A_54 = tpu.memref_squeeze %dma_start3A_53 : memref<1x800xi32, #tpu.memory_space<vmem>> -> memref<800xi32, #tpu.memory_space<vmem>>
    %dma_start3A_55 = tpu.memref_slice %arg2[%add3A_46] : memref<819200xi32, #tpu.memory_space<hbm>> -> memref<800xi32, #tpu.memory_space<hbm>>
    tpu.enqueue_dma source(%dma_start3A_55 : memref<800xi32, #tpu.memory_space<hbm>>) target(%dma_start3A_54 : memref<800xi32, #tpu.memory_space<vmem>>) target_semaphore(%arg9 : memref<!tpu.dma_semaphore, #tpu.memory_space<semaphore_mem>>)
    "tpu.region"() ({
      %run_scoped3A = tpu.sem_alloc : memref<!tpu.dma_semaphore, #tpu.memory_space<semaphore_mem>>
      %dma_start3A_85 = arith.constant 0 : i32
      %dma_start3A_86 = tpu.memref_slice %arg3[%dma_start3A_85, %mul3A_34] : memref<2048x128xf32, #tpu.memory_space<hbm>> -> memref<2048x32xf32, #tpu.memory_space<hbm>>
      %dma_start3A_87 = arith.constant 0 : i32
      %dma_start3A_88 = tpu.memref_slice %arg3[%dma_start3A_87, %mul3A_34] : memref<2048x128xf32, #tpu.memory_space<hbm>> -> memref<2048x32xf32, #tpu.memory_space<hbm>>
      tpu.enqueue_dma source(%dma_start3A_88 : memref<2048x32xf32, #tpu.memory_space<hbm>>) target(%arg5 : memref<2048x32xf32, #tpu.memory_space<vmem>>) target_semaphore(%run_scoped3A : memref<!tpu.dma_semaphore, #tpu.memory_space<semaphore_mem>>)
      %dma_wait3A_89 = arith.constant 0 : i32
      %dma_wait3A_90 = tpu.memref_slice %arg3[%dma_wait3A_89, %mul3A_34] : memref<2048x128xf32, #tpu.memory_space<hbm>> -> memref<2048x32xf32, #tpu.memory_space<hbm>>
      %dma_wait3A_91 = arith.constant 0 : i32
      %dma_wait3A_92 = tpu.memref_slice %arg3[%dma_wait3A_91, %mul3A_34] : memref<2048x128xf32, #tpu.memory_space<hbm>> -> memref<2048x32xf32, #tpu.memory_space<hbm>>
      tpu.wait_dma2 semaphore(%run_scoped3A : memref<!tpu.dma_semaphore, #tpu.memory_space<semaphore_mem>>) src(%dma_wait3A_92 : memref<2048x32xf32, #tpu.memory_space<hbm>>) dst(%arg5 : memref<2048x32xf32, #tpu.memory_space<vmem>>)
      tpu.yield
    }) : () -> ()
    %scan3A = arith.constant 0 : i32
    %scan3A_56 = arith.constant 64 : i32
    %scan3A_57 = arith.addi %scan3A, %scan3A_56 : i32
    %scan3A_58 = arith.constant 1 : i32
    scf.for %scan3A_85 = %scan3A to %scan3A_57 step %scan3A_58  : i32 {
      %mul3A_86 = arith.constant 2 : i32
      %mul3A_87 = arith.muli %scan3A_85, %mul3A_86 : i32
      %add3A_88 = arith.constant 0 : i32
      %add3A_89 = arith.addi %add3A_88, %mul3A_87 : i32
      %add3A_90 = arith.constant 0 : i32
      %add3A_91 = arith.addi %add3A_89, %add3A_90 : i32
      %mul3A_92 = arith.constant 800 : i32
      %mul3A_93 = arith.muli %add3A_91, %mul3A_92 : i32
      %add3A_94 = arith.addi %mul3A_32, %mul3A_93 : i32
      %dma_wait3A_95 = arith.constant 0 : i32
      %dma_wait3A_96 = arith.constant 0 : i32
      %dma_wait3A_97 = tpu.memref_slice %arg6[%dma_wait3A_95, %dma_wait3A_96] : memref<2x800xi32, #tpu.memory_space<vmem>> -> memref<1x800xi32, #tpu.memory_space<vmem>>
      %dma_wait3A_98 = tpu.memref_squeeze %dma_wait3A_97 : memref<1x800xi32, #tpu.memory_space<vmem>> -> memref<800xi32, #tpu.memory_space<vmem>>
      %dma_wait3A_99 = tpu.memref_slice %arg2[%add3A_94] : memref<819200xi32, #tpu.memory_space<hbm>> -> memref<800xi32, #tpu.memory_space<hbm>>
      %dma_wait3A_100 = arith.constant 0 : i32
      %dma_wait3A_101 = tpu.memref_slice %arg6[%dma_wait3A_95, %dma_wait3A_100] : memref<2x800xi32, #tpu.memory_space<vmem>> -> memref<1x800xi32, #tpu.memory_space<vmem>>
      %dma_wait3A_102 = tpu.memref_squeeze %dma_wait3A_101 : memref<1x800xi32, #tpu.memory_space<vmem>> -> memref<800xi32, #tpu.memory_space<vmem>>
      %dma_wait3A_103 = tpu.memref_slice %arg2[%add3A_94] : memref<819200xi32, #tpu.memory_space<hbm>> -> memref<800xi32, #tpu.memory_space<hbm>>
      tpu.wait_dma2 semaphore(%arg8 : memref<!tpu.dma_semaphore, #tpu.memory_space<semaphore_mem>>) src(%dma_wait3A_103 : memref<800xi32, #tpu.memory_space<hbm>>) dst(%dma_wait3A_102 : memref<800xi32, #tpu.memory_space<vmem>>)
      %ge3A = arith.constant 2 : i32
      %ge3A_104 = arith.cmpi sge, %add3A_91, %ge3A : i32
      %convert_element_type3A = arith.extui %ge3A_104 : i1 to i32
      %cond3A = arith.constant 0 : i32
      %cond3A_105 = arith.cmpi ne, %convert_element_type3A, %cond3A : i32
      scf.if %cond3A_105 {
        %sub3A_166 = arith.constant 1600 : i32
        %sub3A_167 = arith.subi %add3A_94, %sub3A_166 : i32
        %dma_wait3A_168 = arith.constant 0 : i32
        %dma_wait3A_169 = arith.constant 0 : i32
        %dma_wait3A_170 = arith.constant 0 : i32
        %dma_wait3A_171 = tpu.memref_slice %arg7[%dma_wait3A_168, %dma_wait3A_169, %dma_wait3A_170] : memref<2x800x32xf32, #tpu.memory_space<vmem>> -> memref<1x800x32xf32, #tpu.memory_space<vmem>>
        %dma_wait3A_172 = tpu.memref_squeeze %dma_wait3A_171 : memref<1x800x32xf32, #tpu.memory_space<vmem>> -> memref<800x32xf32, #tpu.memory_space<vmem>>
        %dma_wait3A_173 = tpu.memref_slice %arg4[%sub3A_167, %mul3A_34] : memref<819200x128xf32, #tpu.memory_space<hbm>> -> memref<800x32xf32, #tpu.memory_space<hbm>>
        %dma_wait3A_174 = tpu.memref_slice %arg4[%sub3A_167, %mul3A_34] : memref<819200x128xf32, #tpu.memory_space<hbm>> -> memref<800x32xf32, #tpu.memory_space<hbm>>
        %dma_wait3A_175 = arith.constant 0 : i32
        %dma_wait3A_176 = arith.constant 0 : i32
        %dma_wait3A_177 = tpu.memref_slice %arg7[%dma_wait3A_168, %dma_wait3A_175, %dma_wait3A_176] : memref<2x800x32xf32, #tpu.memory_space<vmem>> -> memref<1x800x32xf32, #tpu.memory_space<vmem>>
        %dma_wait3A_178 = tpu.memref_squeeze %dma_wait3A_177 : memref<1x800x32xf32, #tpu.memory_space<vmem>> -> memref<800x32xf32, #tpu.memory_space<vmem>>
        tpu.wait_dma2 semaphore(%arg10 : memref<!tpu.dma_semaphore, #tpu.memory_space<semaphore_mem>>) src(%dma_wait3A_178 : memref<800x32xf32, #tpu.memory_space<vmem>>) dst(%dma_wait3A_174 : memref<800x32xf32, #tpu.memory_space<hbm>>)
      } else {
      }
      %parallel_loop3A = arith.constant 0 : i32
      %parallel_loop3A_106 = arith.constant 50 : i32
      %parallel_loop3A_107 = arith.constant 1 : i32
      scf.for %parallel_loop3A_166 = %parallel_loop3A to %parallel_loop3A_106 step %parallel_loop3A_107  : i32 {
        %parallel_loop3A_167 = arith.constant 16 : i32
        %parallel_loop3A_168 = arith.muli %parallel_loop3A_166, %parallel_loop3A_167 : i32
        %parallel_loop3A_169 = arith.constant 0 : i32
        %parallel_loop3A_170 = arith.index_cast %parallel_loop3A_169 : i32 to index
        %parallel_loop3A_171 = arith.index_cast %parallel_loop3A_168 : i32 to index
        %parallel_loop3A_172 = tpu.vector_load %arg6[%parallel_loop3A_170, %parallel_loop3A_171] {strides = array<i32>} : memref<2x800xi32, #tpu.memory_space<vmem>>, vector<1x16xi32>,
        %parallel_loop3A_173 = vector.shape_cast %parallel_loop3A_172 : vector<1x16xi32> to vector<16xi32>
        %parallel_loop3A_174 = arith.constant 16 : i32
        %parallel_loop3A_175 = arith.muli %parallel_loop3A_166, %parallel_loop3A_174 : i32
        %parallel_loop3A_176 = arith.constant 0 : i32
        %parallel_loop3A_177 = arith.addi %parallel_loop3A_175, %parallel_loop3A_176 : i32
        %parallel_loop3A_178 = vector.extract_strided_slice %parallel_loop3A_173 {offsets = [0], sizes = [1], strides = [1]} : vector<16xi32> to vector<1xi32>
        %parallel_loop3A_179 = vector.extract %parallel_loop3A_178[0] : i32 from vector<1xi32>
        %parallel_loop3A_180 = arith.constant 65535 : i32
        %parallel_loop3A_181 = arith.andi %parallel_loop3A_179, %parallel_loop3A_180 : i32
        %parallel_loop3A_182 = arith.constant 16 : i32
        %parallel_loop3A_183 = arith.shrsi %parallel_loop3A_179, %parallel_loop3A_182 : i32
        %parallel_loop3A_184 = arith.index_cast %parallel_loop3A_181 : i32 to index
        %parallel_loop3A_185 = arith.constant 0 : index
        %parallel_loop3A_186 = tpu.vector_load %arg5[%parallel_loop3A_184, %parallel_loop3A_185] {strides = array<i32>} : memref<2048x32xf32, #tpu.memory_space<vmem>>, vector<1x16xf32>,
        %parallel_loop3A_187 = vector.shape_cast %parallel_loop3A_186 : vector<1x16xf32> to vector<16xf32>
        %parallel_loop3A_188 = arith.index_cast %parallel_loop3A_183 : i32 to index
        %parallel_loop3A_189 = arith.constant 0 : index
        %parallel_loop3A_190 = tpu.vector_load %arg5[%parallel_loop3A_188, %parallel_loop3A_189] {strides = array<i32>} : memref<2048x32xf32, #tpu.memory_space<vmem>>, vector<1x16xf32>,
        %parallel_loop3A_191 = vector.shape_cast %parallel_loop3A_190 : vector<1x16xf32> to vector<16xf32>
        %parallel_loop3A_192 = arith.addf %parallel_loop3A_187, %parallel_loop3A_191 : vector<16xf32>
        %parallel_loop3A_193 = arith.constant 0 : i32
        %parallel_loop3A_194 = arith.index_cast %parallel_loop3A_193 : i32 to index
        %parallel_loop3A_195 = arith.index_cast %parallel_loop3A_177 : i32 to index
        %parallel_loop3A_196 = arith.constant 0 : index
        %parallel_loop3A_197 = tpu.vector_load %arg7[%parallel_loop3A_194, %parallel_loop3A_195, %parallel_loop3A_196] {strides = array<i32>} : memref<2x800x32xf32, #tpu.memory_space<vmem>>, vector<1x1x16xf32>,
        %parallel_loop3A_198 = vector.shape_cast %parallel_loop3A_197 : vector<1x1x16xf32> to vector<16xf32>
        %parallel_loop3A_199 = vector.shape_cast %parallel_loop3A_192 : vector<16xf32> to vector<1x1x16xf32>
        tpu.vector_store %arg7[%parallel_loop3A_194, %parallel_loop3A_195, %parallel_loop3A_196], %parallel_loop3A_199 {strides = array<i32>} : memref<2x800x32xf32, #tpu.memory_space<vmem>>, vector<1x1x16xf32>,
        %parallel_loop3A_200 = arith.index_cast %parallel_loop3A_181 : i32 to index
        %parallel_loop3A_201 = arith.constant 16 : index
        %parallel_loop3A_202 = tpu.vector_load %arg5[%parallel_loop3A_200, %parallel_loop3A_201] {strides = array<i32>} : memref<2048x32xf32, #tpu.memory_space<vmem>>, vector<1x16xf32>,
        %parallel_loop3A_203 = vector.shape_cast %parallel_loop3A_202 : vector<1x16xf32> to vector<16xf32>
        %parallel_loop3A_204 = arith.index_cast %parallel_loop3A_183 : i32 to index
        %parallel_loop3A_205 = arith.constant 16 : index
        %parallel_loop3A_206 = tpu.vector_load %arg5[%parallel_loop3A_204, %parallel_loop3A_205] {strides = array<i32>} : memref<2048x32xf32, #tpu.memory_space<vmem>>, vector<1x16xf32>,
        %parallel_loop3A_207 = vector.shape_cast %parallel_loop3A_206 : vector<1x16xf32> to vector<16xf32>
        %parallel_loop3A_208 = arith.addf %parallel_loop3A_203, %parallel_loop3A_207 : vector<16xf32>
        %parallel_loop3A_209 = arith.constant 0 : i32
        %parallel_loop3A_210 = arith.index_cast %parallel_loop3A_209 : i32 to index
        %parallel_loop3A_211 = arith.index_cast %parallel_loop3A_177 : i32 to index
        %parallel_loop3A_212 = arith.constant 16 : index
        %parallel_loop3A_213 = tpu.vector_load %arg7[%parallel_loop3A_210, %parallel_loop3A_211, %parallel_loop3A_212] {strides = array<i32>} : memref<2x800x32xf32, #tpu.memory_space<vmem>>, vector<1x1x16xf32>,
        %parallel_loop3A_214 = vector.shape_cast %parallel_loop3A_213 : vector<1x1x16xf32> to vector<16xf32>
        %parallel_loop3A_215 = vector.shape_cast %parallel_loop3A_208 : vector<16xf32> to vector<1x1x16xf32>
        tpu.vector_store %arg7[%parallel_loop3A_210, %parallel_loop3A_211, %parallel_loop3A_212], %parallel_loop3A_215 {strides = array<i32>} : memref<2x800x32xf32, #tpu.memory_space<vmem>>, vector<1x1x16xf32>,
        %parallel_loop3A_216 = arith.constant 16 : i32
        %parallel_loop3A_217 = arith.muli %parallel_loop3A_166, %parallel_loop3A_216 : i32
        %parallel_loop3A_218 = arith.constant 1 : i32
        %parallel_loop3A_219 = arith.addi %parallel_loop3A_217, %parallel_loop3A_218 : i32
        %parallel_loop3A_220 = vector.extract_strided_slice %parallel_loop3A_173 {offsets = [1], sizes = [1], strides = [1]} : vector<16xi32> to vector<1xi32>
        %parallel_loop3A_221 = vector.extract %parallel_loop3A_220[0] : i32 from vector<1xi32>
        %parallel_loop3A_222 = arith.constant 65535 : i32
        %parallel_loop3A_223 = arith.andi %parallel_loop3A_221, %parallel_loop3A_222 : i32
        %parallel_loop3A_224 = arith.constant 16 : i32
        %parallel_loop3A_225 = arith.shrsi %parallel_loop3A_221, %parallel_loop3A_224 : i32
        %parallel_loop3A_226 = arith.index_cast %parallel_loop3A_223 : i32 to index
        %parallel_loop3A_227 = arith.constant 0 : index
        %parallel_loop3A_228 = tpu.vector_load %arg5[%parallel_loop3A_226, %parallel_loop3A_227] {strides = array<i32>} : memref<2048x32xf32, #tpu.memory_space<vmem>>, vector<1x16xf32>,
        %parallel_loop3A_229 = vector.shape_cast %parallel_loop3A_228 : vector<1x16xf32> to vector<16xf32>
        %parallel_loop3A_230 = arith.index_cast %parallel_loop3A_225 : i32 to index
        %parallel_loop3A_231 = arith.constant 0 : index
        %parallel_loop3A_232 = tpu.vector_load %arg5[%parallel_loop3A_230, %parallel_loop3A_231] {strides = array<i32>} : memref<2048x32xf32, #tpu.memory_space<vmem>>, vector<1x16xf32>,
        %parallel_loop3A_233 = vector.shape_cast %parallel_loop3A_232 : vector<1x16xf32> to vector<16xf32>
        %parallel_loop3A_234 = arith.addf %parallel_loop3A_229, %parallel_loop3A_233 : vector<16xf32>
        %parallel_loop3A_235 = arith.constant 0 : i32
        %parallel_loop3A_236 = arith.index_cast %parallel_loop3A_235 : i32 to index
        %parallel_loop3A_237 = arith.index_cast %parallel_loop3A_219 : i32 to index
        %parallel_loop3A_238 = arith.constant 0 : index
        %parallel_loop3A_239 = tpu.vector_load %arg7[%parallel_loop3A_236, %parallel_loop3A_237, %parallel_loop3A_238] {strides = array<i32>} : memref<2x800x32xf32, #tpu.memory_space<vmem>>, vector<1x1x16xf32>,
        %parallel_loop3A_240 = vector.shape_cast %parallel_loop3A_239 : vector<1x1x16xf32> to vector<16xf32>
        %parallel_loop3A_241 = vector.shape_cast %parallel_loop3A_234 : vector<16xf32> to vector<1x1x16xf32>
        tpu.vector_store %arg7[%parallel_loop3A_236, %parallel_loop3A_237, %parallel_loop3A_238], %parallel_loop3A_241 {strides = array<i32>} : memref<2x800x32xf32, #tpu.memory_space<vmem>>, vector<1x1x16xf32>,
        %parallel_loop3A_242 = arith.index_cast %parallel_loop3A_223 : i32 to index
        %parallel_loop3A_243 = arith.constant 16 : index
        %parallel_loop3A_244 = tpu.vector_load %arg5[%parallel_loop3A_242, %parallel_loop3A_243] {strides = array<i32>} : memref<2048x32xf32, #tpu.memory_space<vmem>>, vector<1x16xf32>,
        %parallel_loop3A_245 = vector.shape_cast %parallel_loop3A_244 : vector<1x16xf32> to vector<16xf32>
        %parallel_loop3A_246 = arith.index_cast %parallel_loop3A_225 : i32 to index
        %parallel_loop3A_247 = arith.constant 16 : index
        %parallel_loop3A_248 = tpu.vector_load %arg5[%parallel_loop3A_246, %parallel_loop3A_247] {strides = array<i32>} : memref<2048x32xf32, #tpu.memory_space<vmem>>, vector<1x16xf32>,
        %parallel_loop3A_249 = vector.shape_cast %parallel_loop3A_248 : vector<1x16xf32> to vector<16xf32>
        %parallel_loop3A_250 = arith.addf %parallel_loop3A_245, %parallel_loop3A_249 : vector<16xf32>
        %parallel_loop3A_251 = arith.constant 0 : i32
        %parallel_loop3A_252 = arith.index_cast %parallel_loop3A_251 : i32 to index
        %parallel_loop3A_253 = arith.index_cast %parallel_loop3A_219 : i32 to index
        %parallel_loop3A_254 = arith.constant 16 : index
        %parallel_loop3A_255 = tpu.vector_load %arg7[%parallel_loop3A_252, %parallel_loop3A_253, %parallel_loop3A_254] {strides = array<i32>} : memref<2x800x32xf32, #tpu.memory_space<vmem>>, vector<1x1x16xf32>,
        %parallel_loop3A_256 = vector.shape_cast %parallel_loop3A_255 : vector<1x1x16xf32> to vector<16xf32>
        %parallel_loop3A_257 = vector.shape_cast %parallel_loop3A_250 : vector<16xf32> to vector<1x1x16xf32>
        tpu.vector_store %arg7[%parallel_loop3A_252, %parallel_loop3A_253, %parallel_loop3A_254], %parallel_loop3A_257 {strides = array<i32>} : memref<2x800x32xf32, #tpu.memory_space<vmem>>, vector<1x1x16xf32>,
        %parallel_loop3A_258 = arith.constant 16 : i32
        %parallel_loop3A_259 = arith.muli %parallel_loop3A_166, %parallel_loop3A_258 : i32
        %parallel_loop3A_260 = arith.constant 2 : i32
        %parallel_loop3A_261 = arith.addi %parallel_loop3A_259, %parallel_loop3A_260 : i32
        %parallel_loop3A_262 = vector.extract_strided_slice %parallel_loop3A_173 {offsets = [2], sizes = [1], strides = [1]} : vector<16xi32> to vector<1xi32>
        %parallel_loop3A_263 = vector.extract %parallel_loop3A_262[0] : i32 from vector<1xi32>
        %parallel_loop3A_264 = arith.constant 65535 : i32
        %parallel_loop3A_265 = arith.andi %parallel_loop3A_263, %parallel_loop3A_264 : i32
        %parallel_loop3A_266 = arith.constant 16 : i32
        %parallel_loop3A_267 = arith.shrsi %parallel_loop3A_263, %parallel_loop3A_266 : i32
        %parallel_loop3A_268 = arith.index_cast %parallel_loop3A_265 : i32 to index
        %parallel_loop3A_269 = arith.constant 0 : index
        %parallel_loop3A_270 = tpu.vector_load %arg5[%parallel_loop3A_268, %parallel_loop3A_269] {strides = array<i32>} : memref<2048x32xf32, #tpu.memory_space<vmem>>, vector<1x16xf32>,
        %parallel_loop3A_271 = vector.shape_cast %parallel_loop3A_270 : vector<1x16xf32> to vector<16xf32>
        %parallel_loop3A_272 = arith.index_cast %parallel_loop3A_267 : i32 to index
        %parallel_loop3A_273 = arith.constant 0 : index
        %parallel_loop3A_274 = tpu.vector_load %arg5[%parallel_loop3A_272, %parallel_loop3A_273] {strides = array<i32>} : memref<2048x32xf32, #tpu.memory_space<vmem>>, vector<1x16xf32>,
        %parallel_loop3A_275 = vector.shape_cast %parallel_loop3A_274 : vector<1x16xf32> to vector<16xf32>
        %parallel_loop3A_276 = arith.addf %parallel_loop3A_271, %parallel_loop3A_275 : vector<16xf32>
        %parallel_loop3A_277 = arith.constant 0 : i32
        %parallel_loop3A_278 = arith.index_cast %parallel_loop3A_277 : i32 to index
        %parallel_loop3A_279 = arith.index_cast %parallel_loop3A_261 : i32 to index
        %parallel_loop3A_280 = arith.constant 0 : index
        %parallel_loop3A_281 = tpu.vector_load %arg7[%parallel_loop3A_278, %parallel_loop3A_279, %parallel_loop3A_280] {strides = array<i32>} : memref<2x800x32xf32, #tpu.memory_space<vmem>>, vector<1x1x16xf32>,
        %parallel_loop3A_282 = vector.shape_cast %parallel_loop3A_281 : vector<1x1x16xf32> to vector<16xf32>
        %parallel_loop3A_283 = vector.shape_cast %parallel_loop3A_276 : vector<16xf32> to vector<1x1x16xf32>
        tpu.vector_store %arg7[%parallel_loop3A_278, %parallel_loop3A_279, %parallel_loop3A_280], %parallel_loop3A_283 {strides = array<i32>} : memref<2x800x32xf32, #tpu.memory_space<vmem>>, vector<1x1x16xf32>,
        %parallel_loop3A_284 = arith.index_cast %parallel_loop3A_265 : i32 to index
        %parallel_loop3A_285 = arith.constant 16 : index
        %parallel_loop3A_286 = tpu.vector_load %arg5[%parallel_loop3A_284, %parallel_loop3A_285] {strides = array<i32>} : memref<2048x32xf32, #tpu.memory_space<vmem>>, vector<1x16xf32>,
        %parallel_loop3A_287 = vector.shape_cast %parallel_loop3A_286 : vector<1x16xf32> to vector<16xf32>
        %parallel_loop3A_288 = arith.index_cast %parallel_loop3A_267 : i32 to index
        %parallel_loop3A_289 = arith.constant 16 : index
        %parallel_loop3A_290 = tpu.vector_load %arg5[%parallel_loop3A_288, %parallel_loop3A_289] {strides = array<i32>} : memref<2048x32xf32, #tpu.memory_space<vmem>>, vector<1x16xf32>,
        %parallel_loop3A_291 = vector.shape_cast %parallel_loop3A_290 : vector<1x16xf32> to vector<16xf32>
        %parallel_loop3A_292 = arith.addf %parallel_loop3A_287, %parallel_loop3A_291 : vector<16xf32>
        %parallel_loop3A_293 = arith.constant 0 : i32
        %parallel_loop3A_294 = arith.index_cast %parallel_loop3A_293 : i32 to index
        %parallel_loop3A_295 = arith.index_cast %parallel_loop3A_261 : i32 to index
        %parallel_loop3A_296 = arith.constant 16 : index
        %parallel_loop3A_297 = tpu.vector_load %arg7[%parallel_loop3A_294, %parallel_loop3A_295, %parallel_loop3A_296] {strides = array<i32>} : memref<2x800x32xf32, #tpu.memory_space<vmem>>, vector<1x1x16xf32>,
        %parallel_loop3A_298 = vector.shape_cast %parallel_loop3A_297 : vector<1x1x16xf32> to vector<16xf32>
        %parallel_loop3A_299 = vector.shape_cast %parallel_loop3A_292 : vector<16xf32> to vector<1x1x16xf32>
        tpu.vector_store %arg7[%parallel_loop3A_294, %parallel_loop3A_295, %parallel_loop3A_296], %parallel_loop3A_299 {strides = array<i32>} : memref<2x800x32xf32, #tpu.memory_space<vmem>>, vector<1x1x16xf32>,
        %parallel_loop3A_300 = arith.constant 16 : i32
        %parallel_loop3A_301 = arith.muli %parallel_loop3A_166, %parallel_loop3A_300 : i32
        %parallel_loop3A_302 = arith.constant 3 : i32
        %parallel_loop3A_303 = arith.addi %parallel_loop3A_301, %parallel_loop3A_302 : i32
        %parallel_loop3A_304 = vector.extract_strided_slice %parallel_loop3A_173 {offsets = [3], sizes = [1], strides = [1]} : vector<16xi32> to vector<1xi32>
        %parallel_loop3A_305 = vector.extract %parallel_loop3A_304[0] : i32 from vector<1xi32>
        %parallel_loop3A_306 = arith.constant 65535 : i32
        %parallel_loop3A_307 = arith.andi %parallel_loop3A_305, %parallel_loop3A_306 : i32
        %parallel_loop3A_308 = arith.constant 16 : i32
        %parallel_loop3A_309 = arith.shrsi %parallel_loop3A_305, %parallel_loop3A_308 : i32
        %parallel_loop3A_310 = arith.index_cast %parallel_loop3A_307 : i32 to index
        %parallel_loop3A_311 = arith.constant 0 : index
        %parallel_loop3A_312 = tpu.vector_load %arg5[%parallel_loop3A_310, %parallel_loop3A_311] {strides = array<i32>} : memref<2048x32xf32, #tpu.memory_space<vmem>>, vector<1x16xf32>,
        %parallel_loop3A_313 = vector.shape_cast %parallel_loop3A_312 : vector<1x16xf32> to vector<16xf32>
        %parallel_loop3A_314 = arith.index_cast %parallel_loop3A_309 : i32 to index
        %parallel_loop3A_315 = arith.constant 0 : index
        %parallel_loop3A_316 = tpu.vector_load %arg5[%parallel_loop3A_314, %parallel_loop3A_315] {strides = array<i32>} : memref<2048x32xf32, #tpu.memory_space<vmem>>, vector<1x16xf32>,
        %parallel_loop3A_317 = vector.shape_cast %parallel_loop3A_316 : vector<1x16xf32> to vector<16xf32>
        %parallel_loop3A_318 = arith.addf %parallel_loop3A_313, %parallel_loop3A_317 : vector<16xf32>
        %parallel_loop3A_319 = arith.constant 0 : i32
        %parallel_loop3A_320 = arith.index_cast %parallel_loop3A_319 : i32 to index
        %parallel_loop3A_321 = arith.index_cast %parallel_loop3A_303 : i32 to index
        %parallel_loop3A_322 = arith.constant 0 : index
        %parallel_loop3A_323 = tpu.vector_load %arg7[%parallel_loop3A_320, %parallel_loop3A_321, %parallel_loop3A_322] {strides = array<i32>} : memref<2x800x32xf32, #tpu.memory_space<vmem>>, vector<1x1x16xf32>,
        %parallel_loop3A_324 = vector.shape_cast %parallel_loop3A_323 : vector<1x1x16xf32> to vector<16xf32>
        %parallel_loop3A_325 = vector.shape_cast %parallel_loop3A_318 : vector<16xf32> to vector<1x1x16xf32>
        tpu.vector_store %arg7[%parallel_loop3A_320, %parallel_loop3A_321, %parallel_loop3A_322], %parallel_loop3A_325 {strides = array<i32>} : memref<2x800x32xf32, #tpu.memory_space<vmem>>, vector<1x1x16xf32>,
        %parallel_loop3A_326 = arith.index_cast %parallel_loop3A_307 : i32 to index
        %parallel_loop3A_327 = arith.constant 16 : index
        %parallel_loop3A_328 = tpu.vector_load %arg5[%parallel_loop3A_326, %parallel_loop3A_327] {strides = array<i32>} : memref<2048x32xf32, #tpu.memory_space<vmem>>, vector<1x16xf32>,
        %parallel_loop3A_329 = vector.shape_cast %parallel_loop3A_328 : vector<1x16xf32> to vector<16xf32>
        %parallel_loop3A_330 = arith.index_cast %parallel_loop3A_309 : i32 to index
        %parallel_loop3A_331 = arith.constant 16 : index
        %parallel_loop3A_332 = tpu.vector_load %arg5[%parallel_loop3A_330, %parallel_loop3A_331] {strides = array<i32>} : memref<2048x32xf32, #tpu.memory_space<vmem>>, vector<1x16xf32>,
        %parallel_loop3A_333 = vector.shape_cast %parallel_loop3A_332 : vector<1x16xf32> to vector<16xf32>
        %parallel_loop3A_334 = arith.addf %parallel_loop3A_329, %parallel_loop3A_333 : vector<16xf32>
        %parallel_loop3A_335 = arith.constant 0 : i32
        %parallel_loop3A_336 = arith.index_cast %parallel_loop3A_335 : i32 to index
        %parallel_loop3A_337 = arith.index_cast %parallel_loop3A_303 : i32 to index
        %parallel_loop3A_338 = arith.constant 16 : index
        %parallel_loop3A_339 = tpu.vector_load %arg7[%parallel_loop3A_336, %parallel_loop3A_337, %parallel_loop3A_338] {strides = array<i32>} : memref<2x800x32xf32, #tpu.memory_space<vmem>>, vector<1x1x16xf32>,
        %parallel_loop3A_340 = vector.shape_cast %parallel_loop3A_339 : vector<1x1x16xf32> to vector<16xf32>
        %parallel_loop3A_341 = vector.shape_cast %parallel_loop3A_334 : vector<16xf32> to vector<1x1x16xf32>
        tpu.vector_store %arg7[%parallel_loop3A_336, %parallel_loop3A_337, %parallel_loop3A_338], %parallel_loop3A_341 {strides = array<i32>} : memref<2x800x32xf32, #tpu.memory_space<vmem>>, vector<1x1x16xf32>,
        %parallel_loop3A_342 = arith.constant 16 : i32
        %parallel_loop3A_343 = arith.muli %parallel_loop3A_166, %parallel_loop3A_342 : i32
        %parallel_loop3A_344 = arith.constant 4 : i32
        %parallel_loop3A_345 = arith.addi %parallel_loop3A_343, %parallel_loop3A_344 : i32
        %parallel_loop3A_346 = vector.extract_strided_slice %parallel_loop3A_173 {offsets = [4], sizes = [1], strides = [1]} : vector<16xi32> to vector<1xi32>
        %parallel_loop3A_347 = vector.extract %parallel_loop3A_346[0] : i32 from vector<1xi32>
        %parallel_loop3A_348 = arith.constant 65535 : i32
        %parallel_loop3A_349 = arith.andi %parallel_loop3A_347, %parallel_loop3A_348 : i32
        %parallel_loop3A_350 = arith.constant 16 : i32
        %parallel_loop3A_351 = arith.shrsi %parallel_loop3A_347, %parallel_loop3A_350 : i32
        %parallel_loop3A_352 = arith.index_cast %parallel_loop3A_349 : i32 to index
        %parallel_loop3A_353 = arith.constant 0 : index
        %parallel_loop3A_354 = tpu.vector_load %arg5[%parallel_loop3A_352, %parallel_loop3A_353] {strides = array<i32>} : memref<2048x32xf32, #tpu.memory_space<vmem>>, vector<1x16xf32>,
        %parallel_loop3A_355 = vector.shape_cast %parallel_loop3A_354 : vector<1x16xf32> to vector<16xf32>
        %parallel_loop3A_356 = arith.index_cast %parallel_loop3A_351 : i32 to index
        %parallel_loop3A_357 = arith.constant 0 : index
        %parallel_loop3A_358 = tpu.vector_load %arg5[%parallel_loop3A_356, %parallel_loop3A_357] {strides = array<i32>} : memref<2048x32xf32, #tpu.memory_space<vmem>>, vector<1x16xf32>,
        %parallel_loop3A_359 = vector.shape_cast %parallel_loop3A_358 : vector<1x16xf32> to vector<16xf32>
        %parallel_loop3A_360 = arith.addf %parallel_loop3A_355, %parallel_loop3A_359 : vector<16xf32>
        %parallel_loop3A_361 = arith.constant 0 : i32
        %parallel_loop3A_362 = arith.index_cast %parallel_loop3A_361 : i32 to index
        %parallel_loop3A_363 = arith.index_cast %parallel_loop3A_345 : i32 to index
        %parallel_loop3A_364 = arith.constant 0 : index
        %parallel_loop3A_365 = tpu.vector_load %arg7[%parallel_loop3A_362, %parallel_loop3A_363, %parallel_loop3A_364] {strides = array<i32>} : memref<2x800x32xf32, #tpu.memory_space<vmem>>, vector<1x1x16xf32>,
        %parallel_loop3A_366 = vector.shape_cast %parallel_loop3A_365 : vector<1x1x16xf32> to vector<16xf32>
        %parallel_loop3A_367 = vector.shape_cast %parallel_loop3A_360 : vector<16xf32> to vector<1x1x16xf32>
        tpu.vector_store %arg7[%parallel_loop3A_362, %parallel_loop3A_363, %parallel_loop3A_364], %parallel_loop3A_367 {strides = array<i32>} : memref<2x800x32xf32, #tpu.memory_space<vmem>>, vector<1x1x16xf32>,
        %parallel_loop3A_368 = arith.index_cast %parallel_loop3A_349 : i32 to index
        %parallel_loop3A_369 = arith.constant 16 : index
        %parallel_loop3A_370 = tpu.vector_load %arg5[%parallel_loop3A_368, %parallel_loop3A_369] {strides = array<i32>} : memref<2048x32xf32, #tpu.memory_space<vmem>>, vector<1x16xf32>,
        %parallel_loop3A_371 = vector.shape_cast %parallel_loop3A_370 : vector<1x16xf32> to vector<16xf32>
        %parallel_loop3A_372 = arith.index_cast %parallel_loop3A_351 : i32 to index
        %parallel_loop3A_373 = arith.constant 16 : index
        %parallel_loop3A_374 = tpu.vector_load %arg5[%parallel_loop3A_372, %parallel_loop3A_373] {strides = array<i32>} : memref<2048x32xf32, #tpu.memory_space<vmem>>, vector<1x16xf32>,
        %parallel_loop3A_375 = vector.shape_cast %parallel_loop3A_374 : vector<1x16xf32> to vector<16xf32>
        %parallel_loop3A_376 = arith.addf %parallel_loop3A_371, %parallel_loop3A_375 : vector<16xf32>
        %parallel_loop3A_377 = arith.constant 0 : i32
        %parallel_loop3A_378 = arith.index_cast %parallel_loop3A_377 : i32 to index
        %parallel_loop3A_379 = arith.index_cast %parallel_loop3A_345 : i32 to index
        %parallel_loop3A_380 = arith.constant 16 : index
        %parallel_loop3A_381 = tpu.vector_load %arg7[%parallel_loop3A_378, %parallel_loop3A_379, %parallel_loop3A_380] {strides = array<i32>} : memref<2x800x32xf32, #tpu.memory_space<vmem>>, vector<1x1x16xf32>,
        %parallel_loop3A_382 = vector.shape_cast %parallel_loop3A_381 : vector<1x1x16xf32> to vector<16xf32>
        %parallel_loop3A_383 = vector.shape_cast %parallel_loop3A_376 : vector<16xf32> to vector<1x1x16xf32>
        tpu.vector_store %arg7[%parallel_loop3A_378, %parallel_loop3A_379, %parallel_loop3A_380], %parallel_loop3A_383 {strides = array<i32>} : memref<2x800x32xf32, #tpu.memory_space<vmem>>, vector<1x1x16xf32>,
        %parallel_loop3A_384 = arith.constant 16 : i32
        %parallel_loop3A_385 = arith.muli %parallel_loop3A_166, %parallel_loop3A_384 : i32
        %parallel_loop3A_386 = arith.constant 5 : i32
        %parallel_loop3A_387 = arith.addi %parallel_loop3A_385, %parallel_loop3A_386 : i32
        %parallel_loop3A_388 = vector.extract_strided_slice %parallel_loop3A_173 {offsets = [5], sizes = [1], strides = [1]} : vector<16xi32> to vector<1xi32>
        %parallel_loop3A_389 = vector.extract %parallel_loop3A_388[0] : i32 from vector<1xi32>
        %parallel_loop3A_390 = arith.constant 65535 : i32
        %parallel_loop3A_391 = arith.andi %parallel_loop3A_389, %parallel_loop3A_390 : i32
        %parallel_loop3A_392 = arith.constant 16 : i32
        %parallel_loop3A_393 = arith.shrsi %parallel_loop3A_389, %parallel_loop3A_392 : i32
        %parallel_loop3A_394 = arith.index_cast %parallel_loop3A_391 : i32 to index
        %parallel_loop3A_395 = arith.constant 0 : index
        %parallel_loop3A_396 = tpu.vector_load %arg5[%parallel_loop3A_394, %parallel_loop3A_395] {strides = array<i32>} : memref<2048x32xf32, #tpu.memory_space<vmem>>, vector<1x16xf32>,
        %parallel_loop3A_397 = vector.shape_cast %parallel_loop3A_396 : vector<1x16xf32> to vector<16xf32>
        %parallel_loop3A_398 = arith.index_cast %parallel_loop3A_393 : i32 to index
        %parallel_loop3A_399 = arith.constant 0 : index
        %parallel_loop3A_400 = tpu.vector_load %arg5[%parallel_loop3A_398, %parallel_loop3A_399] {strides = array<i32>} : memref<2048x32xf32, #tpu.memory_space<vmem>>, vector<1x16xf32>,
        %parallel_loop3A_401 = vector.shape_cast %parallel_loop3A_400 : vector<1x16xf32> to vector<16xf32>
        %parallel_loop3A_402 = arith.addf %parallel_loop3A_397, %parallel_loop3A_401 : vector<16xf32>
        %parallel_loop3A_403 = arith.constant 0 : i32
        %parallel_loop3A_404 = arith.index_cast %parallel_loop3A_403 : i32 to index
        %parallel_loop3A_405 = arith.index_cast %parallel_loop3A_387 : i32 to index
        %parallel_loop3A_406 = arith.constant 0 : index
        %parallel_loop3A_407 = tpu.vector_load %arg7[%parallel_loop3A_404, %parallel_loop3A_405, %parallel_loop3A_406] {strides = array<i32>} : memref<2x800x32xf32, #tpu.memory_space<vmem>>, vector<1x1x16xf32>,
        %parallel_loop3A_408 = vector.shape_cast %parallel_loop3A_407 : vector<1x1x16xf32> to vector<16xf32>
        %parallel_loop3A_409 = vector.shape_cast %parallel_loop3A_402 : vector<16xf32> to vector<1x1x16xf32>
        tpu.vector_store %arg7[%parallel_loop3A_404, %parallel_loop3A_405, %parallel_loop3A_406], %parallel_loop3A_409 {strides = array<i32>} : memref<2x800x32xf32, #tpu.memory_space<vmem>>, vector<1x1x16xf32>,
        %parallel_loop3A_410 = arith.index_cast %parallel_loop3A_391 : i32 to index
        %parallel_loop3A_411 = arith.constant 16 : index
        %parallel_loop3A_412 = tpu.vector_load %arg5[%parallel_loop3A_410, %parallel_loop3A_411] {strides = array<i32>} : memref<2048x32xf32, #tpu.memory_space<vmem>>, vector<1x16xf32>,
        %parallel_loop3A_413 = vector.shape_cast %parallel_loop3A_412 : vector<1x16xf32> to vector<16xf32>
        %parallel_loop3A_414 = arith.index_cast %parallel_loop3A_393 : i32 to index
        %parallel_loop3A_415 = arith.constant 16 : index
        %parallel_loop3A_416 = tpu.vector_load %arg5[%parallel_loop3A_414, %parallel_loop3A_415] {strides = array<i32>} : memref<2048x32xf32, #tpu.memory_space<vmem>>, vector<1x16xf32>,
        %parallel_loop3A_417 = vector.shape_cast %parallel_loop3A_416 : vector<1x16xf32> to vector<16xf32>
        %parallel_loop3A_418 = arith.addf %parallel_loop3A_413, %parallel_loop3A_417 : vector<16xf32>
        %parallel_loop3A_419 = arith.constant 0 : i32
        %parallel_loop3A_420 = arith.index_cast %parallel_loop3A_419 : i32 to index
        %parallel_loop3A_421 = arith.index_cast %parallel_loop3A_387 : i32 to index
        %parallel_loop3A_422 = arith.constant 16 : index
        %parallel_loop3A_423 = tpu.vector_load %arg7[%parallel_loop3A_420, %parallel_loop3A_421, %parallel_loop3A_422] {strides = array<i32>} : memref<2x800x32xf32, #tpu.memory_space<vmem>>, vector<1x1x16xf32>,
        %parallel_loop3A_424 = vector.shape_cast %parallel_loop3A_423 : vector<1x1x16xf32> to vector<16xf32>
        %parallel_loop3A_425 = vector.shape_cast %parallel_loop3A_418 : vector<16xf32> to vector<1x1x16xf32>
        tpu.vector_store %arg7[%parallel_loop3A_420, %parallel_loop3A_421, %parallel_loop3A_422], %parallel_loop3A_425 {strides = array<i32>} : memref<2x800x32xf32, #tpu.memory_space<vmem>>, vector<1x1x16xf32>,
        %parallel_loop3A_426 = arith.constant 16 : i32
        %parallel_loop3A_427 = arith.muli %parallel_loop3A_166, %parallel_loop3A_426 : i32
        %parallel_loop3A_428 = arith.constant 6 : i32
        %parallel_loop3A_429 = arith.addi %parallel_loop3A_427, %parallel_loop3A_428 : i32
        %parallel_loop3A_430 = vector.extract_strided_slice %parallel_loop3A_173 {offsets = [6], sizes = [1], strides = [1]} : vector<16xi32> to vector<1xi32>
        %parallel_loop3A_431 = vector.extract %parallel_loop3A_430[0] : i32 from vector<1xi32>
        %parallel_loop3A_432 = arith.constant 65535 : i32
        %parallel_loop3A_433 = arith.andi %parallel_loop3A_431, %parallel_loop3A_432 : i32
        %parallel_loop3A_434 = arith.constant 16 : i32
        %parallel_loop3A_435 = arith.shrsi %parallel_loop3A_431, %parallel_loop3A_434 : i32
        %parallel_loop3A_436 = arith.index_cast %parallel_loop3A_433 : i32 to index
        %parallel_loop3A_437 = arith.constant 0 : index
        %parallel_loop3A_438 = tpu.vector_load %arg5[%parallel_loop3A_436, %parallel_loop3A_437] {strides = array<i32>} : memref<2048x32xf32, #tpu.memory_space<vmem>>, vector<1x16xf32>,
        %parallel_loop3A_439 = vector.shape_cast %parallel_loop3A_438 : vector<1x16xf32> to vector<16xf32>
        %parallel_loop3A_440 = arith.index_cast %parallel_loop3A_435 : i32 to index
        %parallel_loop3A_441 = arith.constant 0 : index
        %parallel_loop3A_442 = tpu.vector_load %arg5[%parallel_loop3A_440, %parallel_loop3A_441] {strides = array<i32>} : memref<2048x32xf32, #tpu.memory_space<vmem>>, vector<1x16xf32>,
        %parallel_loop3A_443 = vector.shape_cast %parallel_loop3A_442 : vector<1x16xf32> to vector<16xf32>
        %parallel_loop3A_444 = arith.addf %parallel_loop3A_439, %parallel_loop3A_443 : vector<16xf32>
        %parallel_loop3A_445 = arith.constant 0 : i32
        %parallel_loop3A_446 = arith.index_cast %parallel_loop3A_445 : i32 to index
        %parallel_loop3A_447 = arith.index_cast %parallel_loop3A_429 : i32 to index
        %parallel_loop3A_448 = arith.constant 0 : index
        %parallel_loop3A_449 = tpu.vector_load %arg7[%parallel_loop3A_446, %parallel_loop3A_447, %parallel_loop3A_448] {strides = array<i32>} : memref<2x800x32xf32, #tpu.memory_space<vmem>>, vector<1x1x16xf32>,
        %parallel_loop3A_450 = vector.shape_cast %parallel_loop3A_449 : vector<1x1x16xf32> to vector<16xf32>
        %parallel_loop3A_451 = vector.shape_cast %parallel_loop3A_444 : vector<16xf32> to vector<1x1x16xf32>
        tpu.vector_store %arg7[%parallel_loop3A_446, %parallel_loop3A_447, %parallel_loop3A_448], %parallel_loop3A_451 {strides = array<i32>} : memref<2x800x32xf32, #tpu.memory_space<vmem>>, vector<1x1x16xf32>,
        %parallel_loop3A_452 = arith.index_cast %parallel_loop3A_433 : i32 to index
        %parallel_loop3A_453 = arith.constant 16 : index
        %parallel_loop3A_454 = tpu.vector_load %arg5[%parallel_loop3A_452, %parallel_loop3A_453] {strides = array<i32>} : memref<2048x32xf32, #tpu.memory_space<vmem>>, vector<1x16xf32>,
        %parallel_loop3A_455 = vector.shape_cast %parallel_loop3A_454 : vector<1x16xf32> to vector<16xf32>
        %parallel_loop3A_456 = arith.index_cast %parallel_loop3A_435 : i32 to index
        %parallel_loop3A_457 = arith.constant 16 : index
        %parallel_loop3A_458 = tpu.vector_load %arg5[%parallel_loop3A_456, %parallel_loop3A_457] {strides = array<i32>} : memref<2048x32xf32, #tpu.memory_space<vmem>>, vector<1x16xf32>,
        %parallel_loop3A_459 = vector.shape_cast %parallel_loop3A_458 : vector<1x16xf32> to vector<16xf32>
        %parallel_loop3A_460 = arith.addf %parallel_loop3A_455, %parallel_loop3A_459 : vector<16xf32>
        %parallel_loop3A_461 = arith.constant 0 : i32
        %parallel_loop3A_462 = arith.index_cast %parallel_loop3A_461 : i32 to index
        %parallel_loop3A_463 = arith.index_cast %parallel_loop3A_429 : i32 to index
        %parallel_loop3A_464 = arith.constant 16 : index
        %parallel_loop3A_465 = tpu.vector_load %arg7[%parallel_loop3A_462, %parallel_loop3A_463, %parallel_loop3A_464] {strides = array<i32>} : memref<2x800x32xf32, #tpu.memory_space<vmem>>, vector<1x1x16xf32>,
        %parallel_loop3A_466 = vector.shape_cast %parallel_loop3A_465 : vector<1x1x16xf32> to vector<16xf32>
        %parallel_loop3A_467 = vector.shape_cast %parallel_loop3A_460 : vector<16xf32> to vector<1x1x16xf32>
        tpu.vector_store %arg7[%parallel_loop3A_462, %parallel_loop3A_463, %parallel_loop3A_464], %parallel_loop3A_467 {strides = array<i32>} : memref<2x800x32xf32, #tpu.memory_space<vmem>>, vector<1x1x16xf32>,
        %parallel_loop3A_468 = arith.constant 16 : i32
        %parallel_loop3A_469 = arith.muli %parallel_loop3A_166, %parallel_loop3A_468 : i32
        %parallel_loop3A_470 = arith.constant 7 : i32
        %parallel_loop3A_471 = arith.addi %parallel_loop3A_469, %parallel_loop3A_470 : i32
        %parallel_loop3A_472 = vector.extract_strided_slice %parallel_loop3A_173 {offsets = [7], sizes = [1], strides = [1]} : vector<16xi32> to vector<1xi32>
        %parallel_loop3A_473 = vector.extract %parallel_loop3A_472[0] : i32 from vector<1xi32>
        %parallel_loop3A_474 = arith.constant 65535 : i32
        %parallel_loop3A_475 = arith.andi %parallel_loop3A_473, %parallel_loop3A_474 : i32
        %parallel_loop3A_476 = arith.constant 16 : i32
        %parallel_loop3A_477 = arith.shrsi %parallel_loop3A_473, %parallel_loop3A_476 : i32
        %parallel_loop3A_478 = arith.index_cast %parallel_loop3A_475 : i32 to index
        %parallel_loop3A_479 = arith.constant 0 : index
        %parallel_loop3A_480 = tpu.vector_load %arg5[%parallel_loop3A_478, %parallel_loop3A_479] {strides = array<i32>} : memref<2048x32xf32, #tpu.memory_space<vmem>>, vector<1x16xf32>,
        %parallel_loop3A_481 = vector.shape_cast %parallel_loop3A_480 : vector<1x16xf32> to vector<16xf32>
        %parallel_loop3A_482 = arith.index_cast %parallel_loop3A_477 : i32 to index
        %parallel_loop3A_483 = arith.constant 0 : index
        %parallel_loop3A_484 = tpu.vector_load %arg5[%parallel_loop3A_482, %parallel_loop3A_483] {strides = array<i32>} : memref<2048x32xf32, #tpu.memory_space<vmem>>, vector<1x16xf32>,
        %parallel_loop3A_485 = vector.shape_cast %parallel_loop3A_484 : vector<1x16xf32> to vector<16xf32>
        %parallel_loop3A_486 = arith.addf %parallel_loop3A_481, %parallel_loop3A_485 : vector<16xf32>
        %parallel_loop3A_487 = arith.constant 0 : i32
        %parallel_loop3A_488 = arith.index_cast %parallel_loop3A_487 : i32 to index
        %parallel_loop3A_489 = arith.index_cast %parallel_loop3A_471 : i32 to index
        %parallel_loop3A_490 = arith.constant 0 : index
        %parallel_loop3A_491 = tpu.vector_load %arg7[%parallel_loop3A_488, %parallel_loop3A_489, %parallel_loop3A_490] {strides = array<i32>} : memref<2x800x32xf32, #tpu.memory_space<vmem>>, vector<1x1x16xf32>,
        %parallel_loop3A_492 = vector.shape_cast %parallel_loop3A_491 : vector<1x1x16xf32> to vector<16xf32>
        %parallel_loop3A_493 = vector.shape_cast %parallel_loop3A_486 : vector<16xf32> to vector<1x1x16xf32>
        tpu.vector_store %arg7[%parallel_loop3A_488, %parallel_loop3A_489, %parallel_loop3A_490], %parallel_loop3A_493 {strides = array<i32>} : memref<2x800x32xf32, #tpu.memory_space<vmem>>, vector<1x1x16xf32>,
        %parallel_loop3A_494 = arith.index_cast %parallel_loop3A_475 : i32 to index
        %parallel_loop3A_495 = arith.constant 16 : index
        %parallel_loop3A_496 = tpu.vector_load %arg5[%parallel_loop3A_494, %parallel_loop3A_495] {strides = array<i32>} : memref<2048x32xf32, #tpu.memory_space<vmem>>, vector<1x16xf32>,
        %parallel_loop3A_497 = vector.shape_cast %parallel_loop3A_496 : vector<1x16xf32> to vector<16xf32>
        %parallel_loop3A_498 = arith.index_cast %parallel_loop3A_477 : i32 to index
        %parallel_loop3A_499 = arith.constant 16 : index
        %parallel_loop3A_500 = tpu.vector_load %arg5[%parallel_loop3A_498, %parallel_loop3A_499] {strides = array<i32>} : memref<2048x32xf32, #tpu.memory_space<vmem>>, vector<1x16xf32>,
        %parallel_loop3A_501 = vector.shape_cast %parallel_loop3A_500 : vector<1x16xf32> to vector<16xf32>
        %parallel_loop3A_502 = arith.addf %parallel_loop3A_497, %parallel_loop3A_501 : vector<16xf32>
        %parallel_loop3A_503 = arith.constant 0 : i32
        %parallel_loop3A_504 = arith.index_cast %parallel_loop3A_503 : i32 to index
        %parallel_loop3A_505 = arith.index_cast %parallel_loop3A_471 : i32 to index
        %parallel_loop3A_506 = arith.constant 16 : index
        %parallel_loop3A_507 = tpu.vector_load %arg7[%parallel_loop3A_504, %parallel_loop3A_505, %parallel_loop3A_506] {strides = array<i32>} : memref<2x800x32xf32, #tpu.memory_space<vmem>>, vector<1x1x16xf32>,
        %parallel_loop3A_508 = vector.shape_cast %parallel_loop3A_507 : vector<1x1x16xf32> to vector<16xf32>
        %parallel_loop3A_509 = vector.shape_cast %parallel_loop3A_502 : vector<16xf32> to vector<1x1x16xf32>
        tpu.vector_store %arg7[%parallel_loop3A_504, %parallel_loop3A_505, %parallel_loop3A_506], %parallel_loop3A_509 {strides = array<i32>} : memref<2x800x32xf32, #tpu.memory_space<vmem>>, vector<1x1x16xf32>,
        %parallel_loop3A_510 = arith.constant 16 : i32
        %parallel_loop3A_511 = arith.muli %parallel_loop3A_166, %parallel_loop3A_510 : i32
        %parallel_loop3A_512 = arith.constant 8 : i32
        %parallel_loop3A_513 = arith.addi %parallel_loop3A_511, %parallel_loop3A_512 : i32
        %parallel_loop3A_514 = vector.extract_strided_slice %parallel_loop3A_173 {offsets = [8], sizes = [1], strides = [1]} : vector<16xi32> to vector<1xi32>
        %parallel_loop3A_515 = vector.extract %parallel_loop3A_514[0] : i32 from vector<1xi32>
        %parallel_loop3A_516 = arith.constant 65535 : i32
        %parallel_loop3A_517 = arith.andi %parallel_loop3A_515, %parallel_loop3A_516 : i32
        %parallel_loop3A_518 = arith.constant 16 : i32
        %parallel_loop3A_519 = arith.shrsi %parallel_loop3A_515, %parallel_loop3A_518 : i32
        %parallel_loop3A_520 = arith.index_cast %parallel_loop3A_517 : i32 to index
        %parallel_loop3A_521 = arith.constant 0 : index
        %parallel_loop3A_522 = tpu.vector_load %arg5[%parallel_loop3A_520, %parallel_loop3A_521] {strides = array<i32>} : memref<2048x32xf32, #tpu.memory_space<vmem>>, vector<1x16xf32>,
        %parallel_loop3A_523 = vector.shape_cast %parallel_loop3A_522 : vector<1x16xf32> to vector<16xf32>
        %parallel_loop3A_524 = arith.index_cast %parallel_loop3A_519 : i32 to index
        %parallel_loop3A_525 = arith.constant 0 : index
        %parallel_loop3A_526 = tpu.vector_load %arg5[%parallel_loop3A_524, %parallel_loop3A_525] {strides = array<i32>} : memref<2048x32xf32, #tpu.memory_space<vmem>>, vector<1x16xf32>,
        %parallel_loop3A_527 = vector.shape_cast %parallel_loop3A_526 : vector<1x16xf32> to vector<16xf32>
        %parallel_loop3A_528 = arith.addf %parallel_loop3A_523, %parallel_loop3A_527 : vector<16xf32>
        %parallel_loop3A_529 = arith.constant 0 : i32
        %parallel_loop3A_530 = arith.index_cast %parallel_loop3A_529 : i32 to index
        %parallel_loop3A_531 = arith.index_cast %parallel_loop3A_513 : i32 to index
        %parallel_loop3A_532 = arith.constant 0 : index
        %parallel_loop3A_533 = tpu.vector_load %arg7[%parallel_loop3A_530, %parallel_loop3A_531, %parallel_loop3A_532] {strides = array<i32>} : memref<2x800x32xf32, #tpu.memory_space<vmem>>, vector<1x1x16xf32>,
        %parallel_loop3A_534 = vector.shape_cast %parallel_loop3A_533 : vector<1x1x16xf32> to vector<16xf32>
        %parallel_loop3A_535 = vector.shape_cast %parallel_loop3A_528 : vector<16xf32> to vector<1x1x16xf32>
        tpu.vector_store %arg7[%parallel_loop3A_530, %parallel_loop3A_531, %parallel_loop3A_532], %parallel_loop3A_535 {strides = array<i32>} : memref<2x800x32xf32, #tpu.memory_space<vmem>>, vector<1x1x16xf32>,
        %parallel_loop3A_536 = arith.index_cast %parallel_loop3A_517 : i32 to index
        %parallel_loop3A_537 = arith.constant 16 : index
        %parallel_loop3A_538 = tpu.vector_load %arg5[%parallel_loop3A_536, %parallel_loop3A_537] {strides = array<i32>} : memref<2048x32xf32, #tpu.memory_space<vmem>>, vector<1x16xf32>,
        %parallel_loop3A_539 = vector.shape_cast %parallel_loop3A_538 : vector<1x16xf32> to vector<16xf32>
        %parallel_loop3A_540 = arith.index_cast %parallel_loop3A_519 : i32 to index
        %parallel_loop3A_541 = arith.constant 16 : index
        %parallel_loop3A_542 = tpu.vector_load %arg5[%parallel_loop3A_540, %parallel_loop3A_541] {strides = array<i32>} : memref<2048x32xf32, #tpu.memory_space<vmem>>, vector<1x16xf32>,
        %parallel_loop3A_543 = vector.shape_cast %parallel_loop3A_542 : vector<1x16xf32> to vector<16xf32>
        %parallel_loop3A_544 = arith.addf %parallel_loop3A_539, %parallel_loop3A_543 : vector<16xf32>
        %parallel_loop3A_545 = arith.constant 0 : i32
        %parallel_loop3A_546 = arith.index_cast %parallel_loop3A_545 : i32 to index
        %parallel_loop3A_547 = arith.index_cast %parallel_loop3A_513 : i32 to index
        %parallel_loop3A_548 = arith.constant 16 : index
        %parallel_loop3A_549 = tpu.vector_load %arg7[%parallel_loop3A_546, %parallel_loop3A_547, %parallel_loop3A_548] {strides = array<i32>} : memref<2x800x32xf32, #tpu.memory_space<vmem>>, vector<1x1x16xf32>,
        %parallel_loop3A_550 = vector.shape_cast %parallel_loop3A_549 : vector<1x1x16xf32> to vector<16xf32>
        %parallel_loop3A_551 = vector.shape_cast %parallel_loop3A_544 : vector<16xf32> to vector<1x1x16xf32>
        tpu.vector_store %arg7[%parallel_loop3A_546, %parallel_loop3A_547, %parallel_loop3A_548], %parallel_loop3A_551 {strides = array<i32>} : memref<2x800x32xf32, #tpu.memory_space<vmem>>, vector<1x1x16xf32>,
        %parallel_loop3A_552 = arith.constant 16 : i32
        %parallel_loop3A_553 = arith.muli %parallel_loop3A_166, %parallel_loop3A_552 : i32
        %parallel_loop3A_554 = arith.constant 9 : i32
        %parallel_loop3A_555 = arith.addi %parallel_loop3A_553, %parallel_loop3A_554 : i32
        %parallel_loop3A_556 = vector.extract_strided_slice %parallel_loop3A_173 {offsets = [9], sizes = [1], strides = [1]} : vector<16xi32> to vector<1xi32>
        %parallel_loop3A_557 = vector.extract %parallel_loop3A_556[0] : i32 from vector<1xi32>
        %parallel_loop3A_558 = arith.constant 65535 : i32
        %parallel_loop3A_559 = arith.andi %parallel_loop3A_557, %parallel_loop3A_558 : i32
        %parallel_loop3A_560 = arith.constant 16 : i32
        %parallel_loop3A_561 = arith.shrsi %parallel_loop3A_557, %parallel_loop3A_560 : i32
        %parallel_loop3A_562 = arith.index_cast %parallel_loop3A_559 : i32 to index
        %parallel_loop3A_563 = arith.constant 0 : index
        %parallel_loop3A_564 = tpu.vector_load %arg5[%parallel_loop3A_562, %parallel_loop3A_563] {strides = array<i32>} : memref<2048x32xf32, #tpu.memory_space<vmem>>, vector<1x16xf32>,
        %parallel_loop3A_565 = vector.shape_cast %parallel_loop3A_564 : vector<1x16xf32> to vector<16xf32>
        %parallel_loop3A_566 = arith.index_cast %parallel_loop3A_561 : i32 to index
        %parallel_loop3A_567 = arith.constant 0 : index
        %parallel_loop3A_568 = tpu.vector_load %arg5[%parallel_loop3A_566, %parallel_loop3A_567] {strides = array<i32>} : memref<2048x32xf32, #tpu.memory_space<vmem>>, vector<1x16xf32>,
        %parallel_loop3A_569 = vector.shape_cast %parallel_loop3A_568 : vector<1x16xf32> to vector<16xf32>
        %parallel_loop3A_570 = arith.addf %parallel_loop3A_565, %parallel_loop3A_569 : vector<16xf32>
        %parallel_loop3A_571 = arith.constant 0 : i32
        %parallel_loop3A_572 = arith.index_cast %parallel_loop3A_571 : i32 to index
        %parallel_loop3A_573 = arith.index_cast %parallel_loop3A_555 : i32 to index
        %parallel_loop3A_574 = arith.constant 0 : index
        %parallel_loop3A_575 = tpu.vector_load %arg7[%parallel_loop3A_572, %parallel_loop3A_573, %parallel_loop3A_574] {strides = array<i32>} : memref<2x800x32xf32, #tpu.memory_space<vmem>>, vector<1x1x16xf32>,
        %parallel_loop3A_576 = vector.shape_cast %parallel_loop3A_575 : vector<1x1x16xf32> to vector<16xf32>
        %parallel_loop3A_577 = vector.shape_cast %parallel_loop3A_570 : vector<16xf32> to vector<1x1x16xf32>
        tpu.vector_store %arg7[%parallel_loop3A_572, %parallel_loop3A_573, %parallel_loop3A_574], %parallel_loop3A_577 {strides = array<i32>} : memref<2x800x32xf32, #tpu.memory_space<vmem>>, vector<1x1x16xf32>,
        %parallel_loop3A_578 = arith.index_cast %parallel_loop3A_559 : i32 to index
        %parallel_loop3A_579 = arith.constant 16 : index
        %parallel_loop3A_580 = tpu.vector_load %arg5[%parallel_loop3A_578, %parallel_loop3A_579] {strides = array<i32>} : memref<2048x32xf32, #tpu.memory_space<vmem>>, vector<1x16xf32>,
        %parallel_loop3A_581 = vector.shape_cast %parallel_loop3A_580 : vector<1x16xf32> to vector<16xf32>
        %parallel_loop3A_582 = arith.index_cast %parallel_loop3A_561 : i32 to index
        %parallel_loop3A_583 = arith.constant 16 : index
        %parallel_loop3A_584 = tpu.vector_load %arg5[%parallel_loop3A_582, %parallel_loop3A_583] {strides = array<i32>} : memref<2048x32xf32, #tpu.memory_space<vmem>>, vector<1x16xf32>,
        %parallel_loop3A_585 = vector.shape_cast %parallel_loop3A_584 : vector<1x16xf32> to vector<16xf32>
        %parallel_loop3A_586 = arith.addf %parallel_loop3A_581, %parallel_loop3A_585 : vector<16xf32>
        %parallel_loop3A_587 = arith.constant 0 : i32
        %parallel_loop3A_588 = arith.index_cast %parallel_loop3A_587 : i32 to index
        %parallel_loop3A_589 = arith.index_cast %parallel_loop3A_555 : i32 to index
        %parallel_loop3A_590 = arith.constant 16 : index
        %parallel_loop3A_591 = tpu.vector_load %arg7[%parallel_loop3A_588, %parallel_loop3A_589, %parallel_loop3A_590] {strides = array<i32>} : memref<2x800x32xf32, #tpu.memory_space<vmem>>, vector<1x1x16xf32>,
        %parallel_loop3A_592 = vector.shape_cast %parallel_loop3A_591 : vector<1x1x16xf32> to vector<16xf32>
        %parallel_loop3A_593 = vector.shape_cast %parallel_loop3A_586 : vector<16xf32> to vector<1x1x16xf32>
        tpu.vector_store %arg7[%parallel_loop3A_588, %parallel_loop3A_589, %parallel_loop3A_590], %parallel_loop3A_593 {strides = array<i32>} : memref<2x800x32xf32, #tpu.memory_space<vmem>>, vector<1x1x16xf32>,
        %parallel_loop3A_594 = arith.constant 16 : i32
        %parallel_loop3A_595 = arith.muli %parallel_loop3A_166, %parallel_loop3A_594 : i32
        %parallel_loop3A_596 = arith.constant 10 : i32
        %parallel_loop3A_597 = arith.addi %parallel_loop3A_595, %parallel_loop3A_596 : i32
        %parallel_loop3A_598 = vector.extract_strided_slice %parallel_loop3A_173 {offsets = [10], sizes = [1], strides = [1]} : vector<16xi32> to vector<1xi32>
        %parallel_loop3A_599 = vector.extract %parallel_loop3A_598[0] : i32 from vector<1xi32>
        %parallel_loop3A_600 = arith.constant 65535 : i32
        %parallel_loop3A_601 = arith.andi %parallel_loop3A_599, %parallel_loop3A_600 : i32
        %parallel_loop3A_602 = arith.constant 16 : i32
        %parallel_loop3A_603 = arith.shrsi %parallel_loop3A_599, %parallel_loop3A_602 : i32
        %parallel_loop3A_604 = arith.index_cast %parallel_loop3A_601 : i32 to index
        %parallel_loop3A_605 = arith.constant 0 : index
        %parallel_loop3A_606 = tpu.vector_load %arg5[%parallel_loop3A_604, %parallel_loop3A_605] {strides = array<i32>} : memref<2048x32xf32, #tpu.memory_space<vmem>>, vector<1x16xf32>,
        %parallel_loop3A_607 = vector.shape_cast %parallel_loop3A_606 : vector<1x16xf32> to vector<16xf32>
        %parallel_loop3A_608 = arith.index_cast %parallel_loop3A_603 : i32 to index
        %parallel_loop3A_609 = arith.constant 0 : index
        %parallel_loop3A_610 = tpu.vector_load %arg5[%parallel_loop3A_608, %parallel_loop3A_609] {strides = array<i32>} : memref<2048x32xf32, #tpu.memory_space<vmem>>, vector<1x16xf32>,
        %parallel_loop3A_611 = vector.shape_cast %parallel_loop3A_610 : vector<1x16xf32> to vector<16xf32>
        %parallel_loop3A_612 = arith.addf %parallel_loop3A_607, %parallel_loop3A_611 : vector<16xf32>
        %parallel_loop3A_613 = arith.constant 0 : i32
        %parallel_loop3A_614 = arith.index_cast %parallel_loop3A_613 : i32 to index
        %parallel_loop3A_615 = arith.index_cast %parallel_loop3A_597 : i32 to index
        %parallel_loop3A_616 = arith.constant 0 : index
        %parallel_loop3A_617 = tpu.vector_load %arg7[%parallel_loop3A_614, %parallel_loop3A_615, %parallel_loop3A_616] {strides = array<i32>} : memref<2x800x32xf32, #tpu.memory_space<vmem>>, vector<1x1x16xf32>,
        %parallel_loop3A_618 = vector.shape_cast %parallel_loop3A_617 : vector<1x1x16xf32> to vector<16xf32>
        %parallel_loop3A_619 = vector.shape_cast %parallel_loop3A_612 : vector<16xf32> to vector<1x1x16xf32>
        tpu.vector_store %arg7[%parallel_loop3A_614, %parallel_loop3A_615, %parallel_loop3A_616], %parallel_loop3A_619 {strides = array<i32>} : memref<2x800x32xf32, #tpu.memory_space<vmem>>, vector<1x1x16xf32>,
        %parallel_loop3A_620 = arith.index_cast %parallel_loop3A_601 : i32 to index
        %parallel_loop3A_621 = arith.constant 16 : index
        %parallel_loop3A_622 = tpu.vector_load %arg5[%parallel_loop3A_620, %parallel_loop3A_621] {strides = array<i32>} : memref<2048x32xf32, #tpu.memory_space<vmem>>, vector<1x16xf32>,
        %parallel_loop3A_623 = vector.shape_cast %parallel_loop3A_622 : vector<1x16xf32> to vector<16xf32>
        %parallel_loop3A_624 = arith.index_cast %parallel_loop3A_603 : i32 to index
        %parallel_loop3A_625 = arith.constant 16 : index
        %parallel_loop3A_626 = tpu.vector_load %arg5[%parallel_loop3A_624, %parallel_loop3A_625] {strides = array<i32>} : memref<2048x32xf32, #tpu.memory_space<vmem>>, vector<1x16xf32>,
        %parallel_loop3A_627 = vector.shape_cast %parallel_loop3A_626 : vector<1x16xf32> to vector<16xf32>
        %parallel_loop3A_628 = arith.addf %parallel_loop3A_623, %parallel_loop3A_627 : vector<16xf32>
        %parallel_loop3A_629 = arith.constant 0 : i32
        %parallel_loop3A_630 = arith.index_cast %parallel_loop3A_629 : i32 to index
        %parallel_loop3A_631 = arith.index_cast %parallel_loop3A_597 : i32 to index
        %parallel_loop3A_632 = arith.constant 16 : index
        %parallel_loop3A_633 = tpu.vector_load %arg7[%parallel_loop3A_630, %parallel_loop3A_631, %parallel_loop3A_632] {strides = array<i32>} : memref<2x800x32xf32, #tpu.memory_space<vmem>>, vector<1x1x16xf32>,
        %parallel_loop3A_634 = vector.shape_cast %parallel_loop3A_633 : vector<1x1x16xf32> to vector<16xf32>
        %parallel_loop3A_635 = vector.shape_cast %parallel_loop3A_628 : vector<16xf32> to vector<1x1x16xf32>
        tpu.vector_store %arg7[%parallel_loop3A_630, %parallel_loop3A_631, %parallel_loop3A_632], %parallel_loop3A_635 {strides = array<i32>} : memref<2x800x32xf32, #tpu.memory_space<vmem>>, vector<1x1x16xf32>,
        %parallel_loop3A_636 = arith.constant 16 : i32
        %parallel_loop3A_637 = arith.muli %parallel_loop3A_166, %parallel_loop3A_636 : i32
        %parallel_loop3A_638 = arith.constant 11 : i32
        %parallel_loop3A_639 = arith.addi %parallel_loop3A_637, %parallel_loop3A_638 : i32
        %parallel_loop3A_640 = vector.extract_strided_slice %parallel_loop3A_173 {offsets = [11], sizes = [1], strides = [1]} : vector<16xi32> to vector<1xi32>
        %parallel_loop3A_641 = vector.extract %parallel_loop3A_640[0] : i32 from vector<1xi32>
        %parallel_loop3A_642 = arith.constant 65535 : i32
        %parallel_loop3A_643 = arith.andi %parallel_loop3A_641, %parallel_loop3A_642 : i32
        %parallel_loop3A_644 = arith.constant 16 : i32
        %parallel_loop3A_645 = arith.shrsi %parallel_loop3A_641, %parallel_loop3A_644 : i32
        %parallel_loop3A_646 = arith.index_cast %parallel_loop3A_643 : i32 to index
        %parallel_loop3A_647 = arith.constant 0 : index
        %parallel_loop3A_648 = tpu.vector_load %arg5[%parallel_loop3A_646, %parallel_loop3A_647] {strides = array<i32>} : memref<2048x32xf32, #tpu.memory_space<vmem>>, vector<1x16xf32>,
        %parallel_loop3A_649 = vector.shape_cast %parallel_loop3A_648 : vector<1x16xf32> to vector<16xf32>
        %parallel_loop3A_650 = arith.index_cast %parallel_loop3A_645 : i32 to index
        %parallel_loop3A_651 = arith.constant 0 : index
        %parallel_loop3A_652 = tpu.vector_load %arg5[%parallel_loop3A_650, %parallel_loop3A_651] {strides = array<i32>} : memref<2048x32xf32, #tpu.memory_space<vmem>>, vector<1x16xf32>,
        %parallel_loop3A_653 = vector.shape_cast %parallel_loop3A_652 : vector<1x16xf32> to vector<16xf32>
        %parallel_loop3A_654 = arith.addf %parallel_loop3A_649, %parallel_loop3A_653 : vector<16xf32>
        %parallel_loop3A_655 = arith.constant 0 : i32
        %parallel_loop3A_656 = arith.index_cast %parallel_loop3A_655 : i32 to index
        %parallel_loop3A_657 = arith.index_cast %parallel_loop3A_639 : i32 to index
        %parallel_loop3A_658 = arith.constant 0 : index
        %parallel_loop3A_659 = tpu.vector_load %arg7[%parallel_loop3A_656, %parallel_loop3A_657, %parallel_loop3A_658] {strides = array<i32>} : memref<2x800x32xf32, #tpu.memory_space<vmem>>, vector<1x1x16xf32>,
        %parallel_loop3A_660 = vector.shape_cast %parallel_loop3A_659 : vector<1x1x16xf32> to vector<16xf32>
        %parallel_loop3A_661 = vector.shape_cast %parallel_loop3A_654 : vector<16xf32> to vector<1x1x16xf32>
        tpu.vector_store %arg7[%parallel_loop3A_656, %parallel_loop3A_657, %parallel_loop3A_658], %parallel_loop3A_661 {strides = array<i32>} : memref<2x800x32xf32, #tpu.memory_space<vmem>>, vector<1x1x16xf32>,
        %parallel_loop3A_662 = arith.index_cast %parallel_loop3A_643 : i32 to index
        %parallel_loop3A_663 = arith.constant 16 : index
        %parallel_loop3A_664 = tpu.vector_load %arg5[%parallel_loop3A_662, %parallel_loop3A_663] {strides = array<i32>} : memref<2048x32xf32, #tpu.memory_space<vmem>>, vector<1x16xf32>,
        %parallel_loop3A_665 = vector.shape_cast %parallel_loop3A_664 : vector<1x16xf32> to vector<16xf32>
        %parallel_loop3A_666 = arith.index_cast %parallel_loop3A_645 : i32 to index
        %parallel_loop3A_667 = arith.constant 16 : index
        %parallel_loop3A_668 = tpu.vector_load %arg5[%parallel_loop3A_666, %parallel_loop3A_667] {strides = array<i32>} : memref<2048x32xf32, #tpu.memory_space<vmem>>, vector<1x16xf32>,
        %parallel_loop3A_669 = vector.shape_cast %parallel_loop3A_668 : vector<1x16xf32> to vector<16xf32>
        %parallel_loop3A_670 = arith.addf %parallel_loop3A_665, %parallel_loop3A_669 : vector<16xf32>
        %parallel_loop3A_671 = arith.constant 0 : i32
        %parallel_loop3A_672 = arith.index_cast %parallel_loop3A_671 : i32 to index
        %parallel_loop3A_673 = arith.index_cast %parallel_loop3A_639 : i32 to index
        %parallel_loop3A_674 = arith.constant 16 : index
        %parallel_loop3A_675 = tpu.vector_load %arg7[%parallel_loop3A_672, %parallel_loop3A_673, %parallel_loop3A_674] {strides = array<i32>} : memref<2x800x32xf32, #tpu.memory_space<vmem>>, vector<1x1x16xf32>,
        %parallel_loop3A_676 = vector.shape_cast %parallel_loop3A_675 : vector<1x1x16xf32> to vector<16xf32>
        %parallel_loop3A_677 = vector.shape_cast %parallel_loop3A_670 : vector<16xf32> to vector<1x1x16xf32>
        tpu.vector_store %arg7[%parallel_loop3A_672, %parallel_loop3A_673, %parallel_loop3A_674], %parallel_loop3A_677 {strides = array<i32>} : memref<2x800x32xf32, #tpu.memory_space<vmem>>, vector<1x1x16xf32>,
        %parallel_loop3A_678 = arith.constant 16 : i32
        %parallel_loop3A_679 = arith.muli %parallel_loop3A_166, %parallel_loop3A_678 : i32
        %parallel_loop3A_680 = arith.constant 12 : i32
        %parallel_loop3A_681 = arith.addi %parallel_loop3A_679, %parallel_loop3A_680 : i32
        %parallel_loop3A_682 = vector.extract_strided_slice %parallel_loop3A_173 {offsets = [12], sizes = [1], strides = [1]} : vector<16xi32> to vector<1xi32>
        %parallel_loop3A_683 = vector.extract %parallel_loop3A_682[0] : i32 from vector<1xi32>
        %parallel_loop3A_684 = arith.constant 65535 : i32
        %parallel_loop3A_685 = arith.andi %parallel_loop3A_683, %parallel_loop3A_684 : i32
        %parallel_loop3A_686 = arith.constant 16 : i32
        %parallel_loop3A_687 = arith.shrsi %parallel_loop3A_683, %parallel_loop3A_686 : i32
        %parallel_loop3A_688 = arith.index_cast %parallel_loop3A_685 : i32 to index
        %parallel_loop3A_689 = arith.constant 0 : index
        %parallel_loop3A_690 = tpu.vector_load %arg5[%parallel_loop3A_688, %parallel_loop3A_689] {strides = array<i32>} : memref<2048x32xf32, #tpu.memory_space<vmem>>, vector<1x16xf32>,
        %parallel_loop3A_691 = vector.shape_cast %parallel_loop3A_690 : vector<1x16xf32> to vector<16xf32>
        %parallel_loop3A_692 = arith.index_cast %parallel_loop3A_687 : i32 to index
        %parallel_loop3A_693 = arith.constant 0 : index
        %parallel_loop3A_694 = tpu.vector_load %arg5[%parallel_loop3A_692, %parallel_loop3A_693] {strides = array<i32>} : memref<2048x32xf32, #tpu.memory_space<vmem>>, vector<1x16xf32>,
        %parallel_loop3A_695 = vector.shape_cast %parallel_loop3A_694 : vector<1x16xf32> to vector<16xf32>
        %parallel_loop3A_696 = arith.addf %parallel_loop3A_691, %parallel_loop3A_695 : vector<16xf32>
        %parallel_loop3A_697 = arith.constant 0 : i32
        %parallel_loop3A_698 = arith.index_cast %parallel_loop3A_697 : i32 to index
        %parallel_loop3A_699 = arith.index_cast %parallel_loop3A_681 : i32 to index
        %parallel_loop3A_700 = arith.constant 0 : index
        %parallel_loop3A_701 = tpu.vector_load %arg7[%parallel_loop3A_698, %parallel_loop3A_699, %parallel_loop3A_700] {strides = array<i32>} : memref<2x800x32xf32, #tpu.memory_space<vmem>>, vector<1x1x16xf32>,
        %parallel_loop3A_702 = vector.shape_cast %parallel_loop3A_701 : vector<1x1x16xf32> to vector<16xf32>
        %parallel_loop3A_703 = vector.shape_cast %parallel_loop3A_696 : vector<16xf32> to vector<1x1x16xf32>
        tpu.vector_store %arg7[%parallel_loop3A_698, %parallel_loop3A_699, %parallel_loop3A_700], %parallel_loop3A_703 {strides = array<i32>} : memref<2x800x32xf32, #tpu.memory_space<vmem>>, vector<1x1x16xf32>,
        %parallel_loop3A_704 = arith.index_cast %parallel_loop3A_685 : i32 to index
        %parallel_loop3A_705 = arith.constant 16 : index
        %parallel_loop3A_706 = tpu.vector_load %arg5[%parallel_loop3A_704, %parallel_loop3A_705] {strides = array<i32>} : memref<2048x32xf32, #tpu.memory_space<vmem>>, vector<1x16xf32>,
        %parallel_loop3A_707 = vector.shape_cast %parallel_loop3A_706 : vector<1x16xf32> to vector<16xf32>
        %parallel_loop3A_708 = arith.index_cast %parallel_loop3A_687 : i32 to index
        %parallel_loop3A_709 = arith.constant 16 : index
        %parallel_loop3A_710 = tpu.vector_load %arg5[%parallel_loop3A_708, %parallel_loop3A_709] {strides = array<i32>} : memref<2048x32xf32, #tpu.memory_space<vmem>>, vector<1x16xf32>,
        %parallel_loop3A_711 = vector.shape_cast %parallel_loop3A_710 : vector<1x16xf32> to vector<16xf32>
        %parallel_loop3A_712 = arith.addf %parallel_loop3A_707, %parallel_loop3A_711 : vector<16xf32>
        %parallel_loop3A_713 = arith.constant 0 : i32
        %parallel_loop3A_714 = arith.index_cast %parallel_loop3A_713 : i32 to index
        %parallel_loop3A_715 = arith.index_cast %parallel_loop3A_681 : i32 to index
        %parallel_loop3A_716 = arith.constant 16 : index
        %parallel_loop3A_717 = tpu.vector_load %arg7[%parallel_loop3A_714, %parallel_loop3A_715, %parallel_loop3A_716] {strides = array<i32>} : memref<2x800x32xf32, #tpu.memory_space<vmem>>, vector<1x1x16xf32>,
        %parallel_loop3A_718 = vector.shape_cast %parallel_loop3A_717 : vector<1x1x16xf32> to vector<16xf32>
        %parallel_loop3A_719 = vector.shape_cast %parallel_loop3A_712 : vector<16xf32> to vector<1x1x16xf32>
        tpu.vector_store %arg7[%parallel_loop3A_714, %parallel_loop3A_715, %parallel_loop3A_716], %parallel_loop3A_719 {strides = array<i32>} : memref<2x800x32xf32, #tpu.memory_space<vmem>>, vector<1x1x16xf32>,
        %parallel_loop3A_720 = arith.constant 16 : i32
        %parallel_loop3A_721 = arith.muli %parallel_loop3A_166, %parallel_loop3A_720 : i32
        %parallel_loop3A_722 = arith.constant 13 : i32
        %parallel_loop3A_723 = arith.addi %parallel_loop3A_721, %parallel_loop3A_722 : i32
        %parallel_loop3A_724 = vector.extract_strided_slice %parallel_loop3A_173 {offsets = [13], sizes = [1], strides = [1]} : vector<16xi32> to vector<1xi32>
        %parallel_loop3A_725 = vector.extract %parallel_loop3A_724[0] : i32 from vector<1xi32>
        %parallel_loop3A_726 = arith.constant 65535 : i32
        %parallel_loop3A_727 = arith.andi %parallel_loop3A_725, %parallel_loop3A_726 : i32
        %parallel_loop3A_728 = arith.constant 16 : i32
        %parallel_loop3A_729 = arith.shrsi %parallel_loop3A_725, %parallel_loop3A_728 : i32
        %parallel_loop3A_730 = arith.index_cast %parallel_loop3A_727 : i32 to index
        %parallel_loop3A_731 = arith.constant 0 : index
        %parallel_loop3A_732 = tpu.vector_load %arg5[%parallel_loop3A_730, %parallel_loop3A_731] {strides = array<i32>} : memref<2048x32xf32, #tpu.memory_space<vmem>>, vector<1x16xf32>,
        %parallel_loop3A_733 = vector.shape_cast %parallel_loop3A_732 : vector<1x16xf32> to vector<16xf32>
        %parallel_loop3A_734 = arith.index_cast %parallel_loop3A_729 : i32 to index
        %parallel_loop3A_735 = arith.constant 0 : index
        %parallel_loop3A_736 = tpu.vector_load %arg5[%parallel_loop3A_734, %parallel_loop3A_735] {strides = array<i32>} : memref<2048x32xf32, #tpu.memory_space<vmem>>, vector<1x16xf32>,
        %parallel_loop3A_737 = vector.shape_cast %parallel_loop3A_736 : vector<1x16xf32> to vector<16xf32>
        %parallel_loop3A_738 = arith.addf %parallel_loop3A_733, %parallel_loop3A_737 : vector<16xf32>
        %parallel_loop3A_739 = arith.constant 0 : i32
        %parallel_loop3A_740 = arith.index_cast %parallel_loop3A_739 : i32 to index
        %parallel_loop3A_741 = arith.index_cast %parallel_loop3A_723 : i32 to index
        %parallel_loop3A_742 = arith.constant 0 : index
        %parallel_loop3A_743 = tpu.vector_load %arg7[%parallel_loop3A_740, %parallel_loop3A_741, %parallel_loop3A_742] {strides = array<i32>} : memref<2x800x32xf32, #tpu.memory_space<vmem>>, vector<1x1x16xf32>,
        %parallel_loop3A_744 = vector.shape_cast %parallel_loop3A_743 : vector<1x1x16xf32> to vector<16xf32>
        %parallel_loop3A_745 = vector.shape_cast %parallel_loop3A_738 : vector<16xf32> to vector<1x1x16xf32>
        tpu.vector_store %arg7[%parallel_loop3A_740, %parallel_loop3A_741, %parallel_loop3A_742], %parallel_loop3A_745 {strides = array<i32>} : memref<2x800x32xf32, #tpu.memory_space<vmem>>, vector<1x1x16xf32>,
        %parallel_loop3A_746 = arith.index_cast %parallel_loop3A_727 : i32 to index
        %parallel_loop3A_747 = arith.constant 16 : index
        %parallel_loop3A_748 = tpu.vector_load %arg5[%parallel_loop3A_746, %parallel_loop3A_747] {strides = array<i32>} : memref<2048x32xf32, #tpu.memory_space<vmem>>, vector<1x16xf32>,
        %parallel_loop3A_749 = vector.shape_cast %parallel_loop3A_748 : vector<1x16xf32> to vector<16xf32>
        %parallel_loop3A_750 = arith.index_cast %parallel_loop3A_729 : i32 to index
        %parallel_loop3A_751 = arith.constant 16 : index
        %parallel_loop3A_752 = tpu.vector_load %arg5[%parallel_loop3A_750, %parallel_loop3A_751] {strides = array<i32>} : memref<2048x32xf32, #tpu.memory_space<vmem>>, vector<1x16xf32>,
        %parallel_loop3A_753 = vector.shape_cast %parallel_loop3A_752 : vector<1x16xf32> to vector<16xf32>
        %parallel_loop3A_754 = arith.addf %parallel_loop3A_749, %parallel_loop3A_753 : vector<16xf32>
        %parallel_loop3A_755 = arith.constant 0 : i32
        %parallel_loop3A_756 = arith.index_cast %parallel_loop3A_755 : i32 to index
        %parallel_loop3A_757 = arith.index_cast %parallel_loop3A_723 : i32 to index
        %parallel_loop3A_758 = arith.constant 16 : index
        %parallel_loop3A_759 = tpu.vector_load %arg7[%parallel_loop3A_756, %parallel_loop3A_757, %parallel_loop3A_758] {strides = array<i32>} : memref<2x800x32xf32, #tpu.memory_space<vmem>>, vector<1x1x16xf32>,
        %parallel_loop3A_760 = vector.shape_cast %parallel_loop3A_759 : vector<1x1x16xf32> to vector<16xf32>
        %parallel_loop3A_761 = vector.shape_cast %parallel_loop3A_754 : vector<16xf32> to vector<1x1x16xf32>
        tpu.vector_store %arg7[%parallel_loop3A_756, %parallel_loop3A_757, %parallel_loop3A_758], %parallel_loop3A_761 {strides = array<i32>} : memref<2x800x32xf32, #tpu.memory_space<vmem>>, vector<1x1x16xf32>,
        %parallel_loop3A_762 = arith.constant 16 : i32
        %parallel_loop3A_763 = arith.muli %parallel_loop3A_166, %parallel_loop3A_762 : i32
        %parallel_loop3A_764 = arith.constant 14 : i32
        %parallel_loop3A_765 = arith.addi %parallel_loop3A_763, %parallel_loop3A_764 : i32
        %parallel_loop3A_766 = vector.extract_strided_slice %parallel_loop3A_173 {offsets = [14], sizes = [1], strides = [1]} : vector<16xi32> to vector<1xi32>
        %parallel_loop3A_767 = vector.extract %parallel_loop3A_766[0] : i32 from vector<1xi32>
        %parallel_loop3A_768 = arith.constant 65535 : i32
        %parallel_loop3A_769 = arith.andi %parallel_loop3A_767, %parallel_loop3A_768 : i32
        %parallel_loop3A_770 = arith.constant 16 : i32
        %parallel_loop3A_771 = arith.shrsi %parallel_loop3A_767, %parallel_loop3A_770 : i32
        %parallel_loop3A_772 = arith.index_cast %parallel_loop3A_769 : i32 to index
        %parallel_loop3A_773 = arith.constant 0 : index
        %parallel_loop3A_774 = tpu.vector_load %arg5[%parallel_loop3A_772, %parallel_loop3A_773] {strides = array<i32>} : memref<2048x32xf32, #tpu.memory_space<vmem>>, vector<1x16xf32>,
        %parallel_loop3A_775 = vector.shape_cast %parallel_loop3A_774 : vector<1x16xf32> to vector<16xf32>
        %parallel_loop3A_776 = arith.index_cast %parallel_loop3A_771 : i32 to index
        %parallel_loop3A_777 = arith.constant 0 : index
        %parallel_loop3A_778 = tpu.vector_load %arg5[%parallel_loop3A_776, %parallel_loop3A_777] {strides = array<i32>} : memref<2048x32xf32, #tpu.memory_space<vmem>>, vector<1x16xf32>,
        %parallel_loop3A_779 = vector.shape_cast %parallel_loop3A_778 : vector<1x16xf32> to vector<16xf32>
        %parallel_loop3A_780 = arith.addf %parallel_loop3A_775, %parallel_loop3A_779 : vector<16xf32>
        %parallel_loop3A_781 = arith.constant 0 : i32
        %parallel_loop3A_782 = arith.index_cast %parallel_loop3A_781 : i32 to index
        %parallel_loop3A_783 = arith.index_cast %parallel_loop3A_765 : i32 to index
        %parallel_loop3A_784 = arith.constant 0 : index
        %parallel_loop3A_785 = tpu.vector_load %arg7[%parallel_loop3A_782, %parallel_loop3A_783, %parallel_loop3A_784] {strides = array<i32>} : memref<2x800x32xf32, #tpu.memory_space<vmem>>, vector<1x1x16xf32>,
        %parallel_loop3A_786 = vector.shape_cast %parallel_loop3A_785 : vector<1x1x16xf32> to vector<16xf32>
        %parallel_loop3A_787 = vector.shape_cast %parallel_loop3A_780 : vector<16xf32> to vector<1x1x16xf32>
        tpu.vector_store %arg7[%parallel_loop3A_782, %parallel_loop3A_783, %parallel_loop3A_784], %parallel_loop3A_787 {strides = array<i32>} : memref<2x800x32xf32, #tpu.memory_space<vmem>>, vector<1x1x16xf32>,
        %parallel_loop3A_788 = arith.index_cast %parallel_loop3A_769 : i32 to index
        %parallel_loop3A_789 = arith.constant 16 : index
        %parallel_loop3A_790 = tpu.vector_load %arg5[%parallel_loop3A_788, %parallel_loop3A_789] {strides = array<i32>} : memref<2048x32xf32, #tpu.memory_space<vmem>>, vector<1x16xf32>,
        %parallel_loop3A_791 = vector.shape_cast %parallel_loop3A_790 : vector<1x16xf32> to vector<16xf32>
        %parallel_loop3A_792 = arith.index_cast %parallel_loop3A_771 : i32 to index
        %parallel_loop3A_793 = arith.constant 16 : index
        %parallel_loop3A_794 = tpu.vector_load %arg5[%parallel_loop3A_792, %parallel_loop3A_793] {strides = array<i32>} : memref<2048x32xf32, #tpu.memory_space<vmem>>, vector<1x16xf32>,
        %parallel_loop3A_795 = vector.shape_cast %parallel_loop3A_794 : vector<1x16xf32> to vector<16xf32>
        %parallel_loop3A_796 = arith.addf %parallel_loop3A_791, %parallel_loop3A_795 : vector<16xf32>
        %parallel_loop3A_797 = arith.constant 0 : i32
        %parallel_loop3A_798 = arith.index_cast %parallel_loop3A_797 : i32 to index
        %parallel_loop3A_799 = arith.index_cast %parallel_loop3A_765 : i32 to index
        %parallel_loop3A_800 = arith.constant 16 : index
        %parallel_loop3A_801 = tpu.vector_load %arg7[%parallel_loop3A_798, %parallel_loop3A_799, %parallel_loop3A_800] {strides = array<i32>} : memref<2x800x32xf32, #tpu.memory_space<vmem>>, vector<1x1x16xf32>,
        %parallel_loop3A_802 = vector.shape_cast %parallel_loop3A_801 : vector<1x1x16xf32> to vector<16xf32>
        %parallel_loop3A_803 = vector.shape_cast %parallel_loop3A_796 : vector<16xf32> to vector<1x1x16xf32>
        tpu.vector_store %arg7[%parallel_loop3A_798, %parallel_loop3A_799, %parallel_loop3A_800], %parallel_loop3A_803 {strides = array<i32>} : memref<2x800x32xf32, #tpu.memory_space<vmem>>, vector<1x1x16xf32>,
        %parallel_loop3A_804 = arith.constant 16 : i32
        %parallel_loop3A_805 = arith.muli %parallel_loop3A_166, %parallel_loop3A_804 : i32
        %parallel_loop3A_806 = arith.constant 15 : i32
        %parallel_loop3A_807 = arith.addi %parallel_loop3A_805, %parallel_loop3A_806 : i32
        %parallel_loop3A_808 = vector.extract_strided_slice %parallel_loop3A_173 {offsets = [15], sizes = [1], strides = [1]} : vector<16xi32> to vector<1xi32>
        %parallel_loop3A_809 = vector.extract %parallel_loop3A_808[0] : i32 from vector<1xi32>
        %parallel_loop3A_810 = arith.constant 65535 : i32
        %parallel_loop3A_811 = arith.andi %parallel_loop3A_809, %parallel_loop3A_810 : i32
        %parallel_loop3A_812 = arith.constant 16 : i32
        %parallel_loop3A_813 = arith.shrsi %parallel_loop3A_809, %parallel_loop3A_812 : i32
        %parallel_loop3A_814 = arith.index_cast %parallel_loop3A_811 : i32 to index
        %parallel_loop3A_815 = arith.constant 0 : index
        %parallel_loop3A_816 = tpu.vector_load %arg5[%parallel_loop3A_814, %parallel_loop3A_815] {strides = array<i32>} : memref<2048x32xf32, #tpu.memory_space<vmem>>, vector<1x16xf32>,
        %parallel_loop3A_817 = vector.shape_cast %parallel_loop3A_816 : vector<1x16xf32> to vector<16xf32>
        %parallel_loop3A_818 = arith.index_cast %parallel_loop3A_813 : i32 to index
        %parallel_loop3A_819 = arith.constant 0 : index
        %parallel_loop3A_820 = tpu.vector_load %arg5[%parallel_loop3A_818, %parallel_loop3A_819] {strides = array<i32>} : memref<2048x32xf32, #tpu.memory_space<vmem>>, vector<1x16xf32>,
        %parallel_loop3A_821 = vector.shape_cast %parallel_loop3A_820 : vector<1x16xf32> to vector<16xf32>
        %parallel_loop3A_822 = arith.addf %parallel_loop3A_817, %parallel_loop3A_821 : vector<16xf32>
        %parallel_loop3A_823 = arith.constant 0 : i32
        %parallel_loop3A_824 = arith.index_cast %parallel_loop3A_823 : i32 to index
        %parallel_loop3A_825 = arith.index_cast %parallel_loop3A_807 : i32 to index
        %parallel_loop3A_826 = arith.constant 0 : index
        %parallel_loop3A_827 = tpu.vector_load %arg7[%parallel_loop3A_824, %parallel_loop3A_825, %parallel_loop3A_826] {strides = array<i32>} : memref<2x800x32xf32, #tpu.memory_space<vmem>>, vector<1x1x16xf32>,
        %parallel_loop3A_828 = vector.shape_cast %parallel_loop3A_827 : vector<1x1x16xf32> to vector<16xf32>
        %parallel_loop3A_829 = vector.shape_cast %parallel_loop3A_822 : vector<16xf32> to vector<1x1x16xf32>
        tpu.vector_store %arg7[%parallel_loop3A_824, %parallel_loop3A_825, %parallel_loop3A_826], %parallel_loop3A_829 {strides = array<i32>} : memref<2x800x32xf32, #tpu.memory_space<vmem>>, vector<1x1x16xf32>,
        %parallel_loop3A_830 = arith.index_cast %parallel_loop3A_811 : i32 to index
        %parallel_loop3A_831 = arith.constant 16 : index
        %parallel_loop3A_832 = tpu.vector_load %arg5[%parallel_loop3A_830, %parallel_loop3A_831] {strides = array<i32>} : memref<2048x32xf32, #tpu.memory_space<vmem>>, vector<1x16xf32>,
        %parallel_loop3A_833 = vector.shape_cast %parallel_loop3A_832 : vector<1x16xf32> to vector<16xf32>
        %parallel_loop3A_834 = arith.index_cast %parallel_loop3A_813 : i32 to index
        %parallel_loop3A_835 = arith.constant 16 : index
        %parallel_loop3A_836 = tpu.vector_load %arg5[%parallel_loop3A_834, %parallel_loop3A_835] {strides = array<i32>} : memref<2048x32xf32, #tpu.memory_space<vmem>>, vector<1x16xf32>,
        %parallel_loop3A_837 = vector.shape_cast %parallel_loop3A_836 : vector<1x16xf32> to vector<16xf32>
        %parallel_loop3A_838 = arith.addf %parallel_loop3A_833, %parallel_loop3A_837 : vector<16xf32>
        %parallel_loop3A_839 = arith.constant 0 : i32
        %parallel_loop3A_840 = arith.index_cast %parallel_loop3A_839 : i32 to index
        %parallel_loop3A_841 = arith.index_cast %parallel_loop3A_807 : i32 to index
        %parallel_loop3A_842 = arith.constant 16 : index
        %parallel_loop3A_843 = tpu.vector_load %arg7[%parallel_loop3A_840, %parallel_loop3A_841, %parallel_loop3A_842] {strides = array<i32>} : memref<2x800x32xf32, #tpu.memory_space<vmem>>, vector<1x1x16xf32>,
        %parallel_loop3A_844 = vector.shape_cast %parallel_loop3A_843 : vector<1x1x16xf32> to vector<16xf32>
        %parallel_loop3A_845 = vector.shape_cast %parallel_loop3A_838 : vector<16xf32> to vector<1x1x16xf32>
        tpu.vector_store %arg7[%parallel_loop3A_840, %parallel_loop3A_841, %parallel_loop3A_842], %parallel_loop3A_845 {strides = array<i32>} : memref<2x800x32xf32, #tpu.memory_space<vmem>>, vector<1x1x16xf32>,
      } {sc.loop_unroll_factor = 2 : i64, sc.parallel_access}
      %dma_start3A_108 = arith.constant 0 : i32
      %dma_start3A_109 = arith.constant 0 : i32
      %dma_start3A_110 = arith.constant 0 : i32
      %dma_start3A_111 = tpu.memref_slice %arg7[%dma_start3A_108, %dma_start3A_109, %dma_start3A_110] : memref<2x800x32xf32, #tpu.memory_space<vmem>> -> memref<1x800x32xf32, #tpu.memory_space<vmem>>
      %dma_start3A_112 = tpu.memref_squeeze %dma_start3A_111 : memref<1x800x32xf32, #tpu.memory_space<vmem>> -> memref<800x32xf32, #tpu.memory_space<vmem>>
      %dma_start3A_113 = tpu.memref_slice %arg4[%add3A_94, %mul3A_34] : memref<819200x128xf32, #tpu.memory_space<hbm>> -> memref<800x32xf32, #tpu.memory_space<hbm>>
      %dma_start3A_114 = tpu.memref_slice %arg4[%add3A_94, %mul3A_34] : memref<819200x128xf32, #tpu.memory_space<hbm>> -> memref<800x32xf32, #tpu.memory_space<hbm>>
      %dma_start3A_115 = arith.constant 0 : i32
      %dma_start3A_116 = arith.constant 0 : i32
      %dma_start3A_117 = tpu.memref_slice %arg7[%dma_start3A_108, %dma_start3A_115, %dma_start3A_116] : memref<2x800x32xf32, #tpu.memory_space<vmem>> -> memref<1x800x32xf32, #tpu.memory_space<vmem>>
      %dma_start3A_118 = tpu.memref_squeeze %dma_start3A_117 : memref<1x800x32xf32, #tpu.memory_space<vmem>> -> memref<800x32xf32, #tpu.memory_space<vmem>>
      tpu.enqueue_dma source(%dma_start3A_118 : memref<800x32xf32, #tpu.memory_space<vmem>>) target(%dma_start3A_114 : memref<800x32xf32, #tpu.memory_space<hbm>>) target_semaphore(%arg10 : memref<!tpu.dma_semaphore, #tpu.memory_space<semaphore_mem>>)
      %add3A_119 = arith.constant 2 : i32
      %add3A_120 = arith.addi %add3A_91, %add3A_119 : i32
      %lt3A_121 = arith.constant 128 : i32
      %lt3A_122 = arith.cmpi slt, %add3A_120, %lt3A_121 : i32
      %convert_element_type3A_123 = arith.extui %lt3A_122 : i1 to i32
      %cond3A_124 = arith.constant 0 : i32
      %cond3A_125 = arith.cmpi ne, %convert_element_type3A_123, %cond3A_124 : i32
      scf.if %cond3A_125 {
        %add3A_166 = arith.constant 1600 : i32
        %add3A_167 = arith.addi %add3A_94, %add3A_166 : i32
        %dma_start3A_168 = arith.constant 0 : i32
        %dma_start3A_169 = arith.constant 0 : i32
        %dma_start3A_170 = tpu.memref_slice %arg6[%dma_start3A_168, %dma_start3A_169] : memref<2x800xi32, #tpu.memory_space<vmem>> -> memref<1x800xi32, #tpu.memory_space<vmem>>
        %dma_start3A_171 = tpu.memref_squeeze %dma_start3A_170 : memref<1x800xi32, #tpu.memory_space<vmem>> -> memref<800xi32, #tpu.memory_space<vmem>>
        %dma_start3A_172 = tpu.memref_slice %arg2[%add3A_167] : memref<819200xi32, #tpu.memory_space<hbm>> -> memref<800xi32, #tpu.memory_space<hbm>>
        %dma_start3A_173 = arith.constant 0 : i32
        %dma_start3A_174 = tpu.memref_slice %arg6[%dma_start3A_168, %dma_start3A_173] : memref<2x800xi32, #tpu.memory_space<vmem>> -> memref<1x800xi32, #tpu.memory_space<vmem>>
        %dma_start3A_175 = tpu.memref_squeeze %dma_start3A_174 : memref<1x800xi32, #tpu.memory_space<vmem>> -> memref<800xi32, #tpu.memory_space<vmem>>
        %dma_start3A_176 = tpu.memref_slice %arg2[%add3A_167] : memref<819200xi32, #tpu.memory_space<hbm>> -> memref<800xi32, #tpu.memory_space<hbm>>
        tpu.enqueue_dma source(%dma_start3A_176 : memref<800xi32, #tpu.memory_space<hbm>>) target(%dma_start3A_175 : memref<800xi32, #tpu.memory_space<vmem>>) target_semaphore(%arg8 : memref<!tpu.dma_semaphore, #tpu.memory_space<semaphore_mem>>)
      } else {
      }
      %add3A_126 = arith.constant 1 : i32
      %add3A_127 = arith.addi %add3A_89, %add3A_126 : i32
      %mul3A_128 = arith.constant 800 : i32
      %mul3A_129 = arith.muli %add3A_127, %mul3A_128 : i32
      %add3A_130 = arith.addi %mul3A_32, %mul3A_129 : i32
      %dma_wait3A_131 = arith.constant 1 : i32
      %dma_wait3A_132 = arith.constant 0 : i32
      %dma_wait3A_133 = tpu.memref_slice %arg6[%dma_wait3A_131, %dma_wait3A_132] : memref<2x800xi32, #tpu.memory_space<vmem>> -> memref<1x800xi32, #tpu.memory_space<vmem>>
      %dma_wait3A_134 = tpu.memref_squeeze %dma_wait3A_133 : memref<1x800xi32, #tpu.memory_space<vmem>> -> memref<800xi32, #tpu.memory_space<vmem>>
      %dma_wait3A_135 = tpu.memref_slice %arg2[%add3A_130] : memref<819200xi32, #tpu.memory_space<hbm>> -> memref<800xi32, #tpu.memory_space<hbm>>
      %dma_wait3A_136 = arith.constant 0 : i32
      %dma_wait3A_137 = tpu.memref_slice %arg6[%dma_wait3A_131, %dma_wait3A_136] : memref<2x800xi32, #tpu.memory_space<vmem>> -> memref<1x800xi32, #tpu.memory_space<vmem>>
      %dma_wait3A_138 = tpu.memref_squeeze %dma_wait3A_137 : memref<1x800xi32, #tpu.memory_space<vmem>> -> memref<800xi32, #tpu.memory_space<vmem>>
      %dma_wait3A_139 = tpu.memref_slice %arg2[%add3A_130] : memref<819200xi32, #tpu.memory_space<hbm>> -> memref<800xi32, #tpu.memory_space<hbm>>
      tpu.wait_dma2 semaphore(%arg9 : memref<!tpu.dma_semaphore, #tpu.memory_space<semaphore_mem>>) src(%dma_wait3A_139 : memref<800xi32, #tpu.memory_space<hbm>>) dst(%dma_wait3A_138 : memref<800xi32, #tpu.memory_space<vmem>>)
      %ge3A_140 = arith.constant 2 : i32
      %ge3A_141 = arith.cmpi sge, %add3A_127, %ge3A_140 : i32
      %convert_element_type3A_142 = arith.extui %ge3A_141 : i1 to i32
      %cond3A_143 = arith.constant 0 : i32
      %cond3A_144 = arith.cmpi ne, %convert_element_type3A_142, %cond3A_143 : i32
      scf.if %cond3A_144 {
        %sub3A_166 = arith.constant 1600 : i32
        %sub3A_167 = arith.subi %add3A_130, %sub3A_166 : i32
        %dma_wait3A_168 = arith.constant 1 : i32
        %dma_wait3A_169 = arith.constant 0 : i32
        %dma_wait3A_170 = arith.constant 0 : i32
        %dma_wait3A_171 = tpu.memref_slice %arg7[%dma_wait3A_168, %dma_wait3A_169, %dma_wait3A_170] : memref<2x800x32xf32, #tpu.memory_space<vmem>> -> memref<1x800x32xf32, #tpu.memory_space<vmem>>
        %dma_wait3A_172 = tpu.memref_squeeze %dma_wait3A_171 : memref<1x800x32xf32, #tpu.memory_space<vmem>> -> memref<800x32xf32, #tpu.memory_space<vmem>>
        %dma_wait3A_173 = tpu.memref_slice %arg4[%sub3A_167, %mul3A_34] : memref<819200x128xf32, #tpu.memory_space<hbm>> -> memref<800x32xf32, #tpu.memory_space<hbm>>
        %dma_wait3A_174 = tpu.memref_slice %arg4[%sub3A_167, %mul3A_34] : memref<819200x128xf32, #tpu.memory_space<hbm>> -> memref<800x32xf32, #tpu.memory_space<hbm>>
        %dma_wait3A_175 = arith.constant 0 : i32
        %dma_wait3A_176 = arith.constant 0 : i32
        %dma_wait3A_177 = tpu.memref_slice %arg7[%dma_wait3A_168, %dma_wait3A_175, %dma_wait3A_176] : memref<2x800x32xf32, #tpu.memory_space<vmem>> -> memref<1x800x32xf32, #tpu.memory_space<vmem>>
        %dma_wait3A_178 = tpu.memref_squeeze %dma_wait3A_177 : memref<1x800x32xf32, #tpu.memory_space<vmem>> -> memref<800x32xf32, #tpu.memory_space<vmem>>
        tpu.wait_dma2 semaphore(%arg11 : memref<!tpu.dma_semaphore, #tpu.memory_space<semaphore_mem>>) src(%dma_wait3A_178 : memref<800x32xf32, #tpu.memory_space<vmem>>) dst(%dma_wait3A_174 : memref<800x32xf32, #tpu.memory_space<hbm>>)
      } else {
      }
      %parallel_loop3A_145 = arith.constant 0 : i32
      %parallel_loop3A_146 = arith.constant 50 : i32
      %parallel_loop3A_147 = arith.constant 1 : i32
      scf.for %parallel_loop3A_166 = %parallel_loop3A_145 to %parallel_loop3A_146 step %parallel_loop3A_147  : i32 {
        %parallel_loop3A_167 = arith.constant 16 : i32
        %parallel_loop3A_168 = arith.muli %parallel_loop3A_166, %parallel_loop3A_167 : i32
        %parallel_loop3A_169 = arith.constant 1 : i32
        %parallel_loop3A_170 = arith.index_cast %parallel_loop3A_169 : i32 to index
        %parallel_loop3A_171 = arith.index_cast %parallel_loop3A_168 : i32 to index
        %parallel_loop3A_172 = tpu.vector_load %arg6[%parallel_loop3A_170, %parallel_loop3A_171] {strides = array<i32>} : memref<2x800xi32, #tpu.memory_space<vmem>>, vector<1x16xi32>,
        %parallel_loop3A_173 = vector.shape_cast %parallel_loop3A_172 : vector<1x16xi32> to vector<16xi32>
        %parallel_loop3A_174 = arith.constant 16 : i32
        %parallel_loop3A_175 = arith.muli %parallel_loop3A_166, %parallel_loop3A_174 : i32
        %parallel_loop3A_176 = arith.constant 0 : i32
        %parallel_loop3A_177 = arith.addi %parallel_loop3A_175, %parallel_loop3A_176 : i32
        %parallel_loop3A_178 = vector.extract_strided_slice %parallel_loop3A_173 {offsets = [0], sizes = [1], strides = [1]} : vector<16xi32> to vector<1xi32>
        %parallel_loop3A_179 = vector.extract %parallel_loop3A_178[0] : i32 from vector<1xi32>
        %parallel_loop3A_180 = arith.constant 65535 : i32
        %parallel_loop3A_181 = arith.andi %parallel_loop3A_179, %parallel_loop3A_180 : i32
        %parallel_loop3A_182 = arith.constant 16 : i32
        %parallel_loop3A_183 = arith.shrsi %parallel_loop3A_179, %parallel_loop3A_182 : i32
        %parallel_loop3A_184 = arith.index_cast %parallel_loop3A_181 : i32 to index
        %parallel_loop3A_185 = arith.constant 0 : index
        %parallel_loop3A_186 = tpu.vector_load %arg5[%parallel_loop3A_184, %parallel_loop3A_185] {strides = array<i32>} : memref<2048x32xf32, #tpu.memory_space<vmem>>, vector<1x16xf32>,
        %parallel_loop3A_187 = vector.shape_cast %parallel_loop3A_186 : vector<1x16xf32> to vector<16xf32>
        %parallel_loop3A_188 = arith.index_cast %parallel_loop3A_183 : i32 to index
        %parallel_loop3A_189 = arith.constant 0 : index
        %parallel_loop3A_190 = tpu.vector_load %arg5[%parallel_loop3A_188, %parallel_loop3A_189] {strides = array<i32>} : memref<2048x32xf32, #tpu.memory_space<vmem>>, vector<1x16xf32>,
        %parallel_loop3A_191 = vector.shape_cast %parallel_loop3A_190 : vector<1x16xf32> to vector<16xf32>
        %parallel_loop3A_192 = arith.addf %parallel_loop3A_187, %parallel_loop3A_191 : vector<16xf32>
        %parallel_loop3A_193 = arith.constant 1 : i32
        %parallel_loop3A_194 = arith.index_cast %parallel_loop3A_193 : i32 to index
        %parallel_loop3A_195 = arith.index_cast %parallel_loop3A_177 : i32 to index
        %parallel_loop3A_196 = arith.constant 0 : index
        %parallel_loop3A_197 = tpu.vector_load %arg7[%parallel_loop3A_194, %parallel_loop3A_195, %parallel_loop3A_196] {strides = array<i32>} : memref<2x800x32xf32, #tpu.memory_space<vmem>>, vector<1x1x16xf32>,
        %parallel_loop3A_198 = vector.shape_cast %parallel_loop3A_197 : vector<1x1x16xf32> to vector<16xf32>
        %parallel_loop3A_199 = vector.shape_cast %parallel_loop3A_192 : vector<16xf32> to vector<1x1x16xf32>
        tpu.vector_store %arg7[%parallel_loop3A_194, %parallel_loop3A_195, %parallel_loop3A_196], %parallel_loop3A_199 {strides = array<i32>} : memref<2x800x32xf32, #tpu.memory_space<vmem>>, vector<1x1x16xf32>,
        %parallel_loop3A_200 = arith.index_cast %parallel_loop3A_181 : i32 to index
        %parallel_loop3A_201 = arith.constant 16 : index
        %parallel_loop3A_202 = tpu.vector_load %arg5[%parallel_loop3A_200, %parallel_loop3A_201] {strides = array<i32>} : memref<2048x32xf32, #tpu.memory_space<vmem>>, vector<1x16xf32>,
        %parallel_loop3A_203 = vector.shape_cast %parallel_loop3A_202 : vector<1x16xf32> to vector<16xf32>
        %parallel_loop3A_204 = arith.index_cast %parallel_loop3A_183 : i32 to index
        %parallel_loop3A_205 = arith.constant 16 : index
        %parallel_loop3A_206 = tpu.vector_load %arg5[%parallel_loop3A_204, %parallel_loop3A_205] {strides = array<i32>} : memref<2048x32xf32, #tpu.memory_space<vmem>>, vector<1x16xf32>,
        %parallel_loop3A_207 = vector.shape_cast %parallel_loop3A_206 : vector<1x16xf32> to vector<16xf32>
        %parallel_loop3A_208 = arith.addf %parallel_loop3A_203, %parallel_loop3A_207 : vector<16xf32>
        %parallel_loop3A_209 = arith.constant 1 : i32
        %parallel_loop3A_210 = arith.index_cast %parallel_loop3A_209 : i32 to index
        %parallel_loop3A_211 = arith.index_cast %parallel_loop3A_177 : i32 to index
        %parallel_loop3A_212 = arith.constant 16 : index
        %parallel_loop3A_213 = tpu.vector_load %arg7[%parallel_loop3A_210, %parallel_loop3A_211, %parallel_loop3A_212] {strides = array<i32>} : memref<2x800x32xf32, #tpu.memory_space<vmem>>, vector<1x1x16xf32>,
        %parallel_loop3A_214 = vector.shape_cast %parallel_loop3A_213 : vector<1x1x16xf32> to vector<16xf32>
        %parallel_loop3A_215 = vector.shape_cast %parallel_loop3A_208 : vector<16xf32> to vector<1x1x16xf32>
        tpu.vector_store %arg7[%parallel_loop3A_210, %parallel_loop3A_211, %parallel_loop3A_212], %parallel_loop3A_215 {strides = array<i32>} : memref<2x800x32xf32, #tpu.memory_space<vmem>>, vector<1x1x16xf32>,
        %parallel_loop3A_216 = arith.constant 16 : i32
        %parallel_loop3A_217 = arith.muli %parallel_loop3A_166, %parallel_loop3A_216 : i32
        %parallel_loop3A_218 = arith.constant 1 : i32
        %parallel_loop3A_219 = arith.addi %parallel_loop3A_217, %parallel_loop3A_218 : i32
        %parallel_loop3A_220 = vector.extract_strided_slice %parallel_loop3A_173 {offsets = [1], sizes = [1], strides = [1]} : vector<16xi32> to vector<1xi32>
        %parallel_loop3A_221 = vector.extract %parallel_loop3A_220[0] : i32 from vector<1xi32>
        %parallel_loop3A_222 = arith.constant 65535 : i32
        %parallel_loop3A_223 = arith.andi %parallel_loop3A_221, %parallel_loop3A_222 : i32
        %parallel_loop3A_224 = arith.constant 16 : i32
        %parallel_loop3A_225 = arith.shrsi %parallel_loop3A_221, %parallel_loop3A_224 : i32
        %parallel_loop3A_226 = arith.index_cast %parallel_loop3A_223 : i32 to index
        %parallel_loop3A_227 = arith.constant 0 : index
        %parallel_loop3A_228 = tpu.vector_load %arg5[%parallel_loop3A_226, %parallel_loop3A_227] {strides = array<i32>} : memref<2048x32xf32, #tpu.memory_space<vmem>>, vector<1x16xf32>,
        %parallel_loop3A_229 = vector.shape_cast %parallel_loop3A_228 : vector<1x16xf32> to vector<16xf32>
        %parallel_loop3A_230 = arith.index_cast %parallel_loop3A_225 : i32 to index
        %parallel_loop3A_231 = arith.constant 0 : index
        %parallel_loop3A_232 = tpu.vector_load %arg5[%parallel_loop3A_230, %parallel_loop3A_231] {strides = array<i32>} : memref<2048x32xf32, #tpu.memory_space<vmem>>, vector<1x16xf32>,
        %parallel_loop3A_233 = vector.shape_cast %parallel_loop3A_232 : vector<1x16xf32> to vector<16xf32>
        %parallel_loop3A_234 = arith.addf %parallel_loop3A_229, %parallel_loop3A_233 : vector<16xf32>
        %parallel_loop3A_235 = arith.constant 1 : i32
        %parallel_loop3A_236 = arith.index_cast %parallel_loop3A_235 : i32 to index
        %parallel_loop3A_237 = arith.index_cast %parallel_loop3A_219 : i32 to index
        %parallel_loop3A_238 = arith.constant 0 : index
        %parallel_loop3A_239 = tpu.vector_load %arg7[%parallel_loop3A_236, %parallel_loop3A_237, %parallel_loop3A_238] {strides = array<i32>} : memref<2x800x32xf32, #tpu.memory_space<vmem>>, vector<1x1x16xf32>,
        %parallel_loop3A_240 = vector.shape_cast %parallel_loop3A_239 : vector<1x1x16xf32> to vector<16xf32>
        %parallel_loop3A_241 = vector.shape_cast %parallel_loop3A_234 : vector<16xf32> to vector<1x1x16xf32>
        tpu.vector_store %arg7[%parallel_loop3A_236, %parallel_loop3A_237, %parallel_loop3A_238], %parallel_loop3A_241 {strides = array<i32>} : memref<2x800x32xf32, #tpu.memory_space<vmem>>, vector<1x1x16xf32>,
        %parallel_loop3A_242 = arith.index_cast %parallel_loop3A_223 : i32 to index
        %parallel_loop3A_243 = arith.constant 16 : index
        %parallel_loop3A_244 = tpu.vector_load %arg5[%parallel_loop3A_242, %parallel_loop3A_243] {strides = array<i32>} : memref<2048x32xf32, #tpu.memory_space<vmem>>, vector<1x16xf32>,
        %parallel_loop3A_245 = vector.shape_cast %parallel_loop3A_244 : vector<1x16xf32> to vector<16xf32>
        %parallel_loop3A_246 = arith.index_cast %parallel_loop3A_225 : i32 to index
        %parallel_loop3A_247 = arith.constant 16 : index
        %parallel_loop3A_248 = tpu.vector_load %arg5[%parallel_loop3A_246, %parallel_loop3A_247] {strides = array<i32>} : memref<2048x32xf32, #tpu.memory_space<vmem>>, vector<1x16xf32>,
        %parallel_loop3A_249 = vector.shape_cast %parallel_loop3A_248 : vector<1x16xf32> to vector<16xf32>
        %parallel_loop3A_250 = arith.addf %parallel_loop3A_245, %parallel_loop3A_249 : vector<16xf32>
        %parallel_loop3A_251 = arith.constant 1 : i32
        %parallel_loop3A_252 = arith.index_cast %parallel_loop3A_251 : i32 to index
        %parallel_loop3A_253 = arith.index_cast %parallel_loop3A_219 : i32 to index
        %parallel_loop3A_254 = arith.constant 16 : index
        %parallel_loop3A_255 = tpu.vector_load %arg7[%parallel_loop3A_252, %parallel_loop3A_253, %parallel_loop3A_254] {strides = array<i32>} : memref<2x800x32xf32, #tpu.memory_space<vmem>>, vector<1x1x16xf32>,
        %parallel_loop3A_256 = vector.shape_cast %parallel_loop3A_255 : vector<1x1x16xf32> to vector<16xf32>
        %parallel_loop3A_257 = vector.shape_cast %parallel_loop3A_250 : vector<16xf32> to vector<1x1x16xf32>
        tpu.vector_store %arg7[%parallel_loop3A_252, %parallel_loop3A_253, %parallel_loop3A_254], %parallel_loop3A_257 {strides = array<i32>} : memref<2x800x32xf32, #tpu.memory_space<vmem>>, vector<1x1x16xf32>,
        %parallel_loop3A_258 = arith.constant 16 : i32
        %parallel_loop3A_259 = arith.muli %parallel_loop3A_166, %parallel_loop3A_258 : i32
        %parallel_loop3A_260 = arith.constant 2 : i32
        %parallel_loop3A_261 = arith.addi %parallel_loop3A_259, %parallel_loop3A_260 : i32
        %parallel_loop3A_262 = vector.extract_strided_slice %parallel_loop3A_173 {offsets = [2], sizes = [1], strides = [1]} : vector<16xi32> to vector<1xi32>
        %parallel_loop3A_263 = vector.extract %parallel_loop3A_262[0] : i32 from vector<1xi32>
        %parallel_loop3A_264 = arith.constant 65535 : i32
        %parallel_loop3A_265 = arith.andi %parallel_loop3A_263, %parallel_loop3A_264 : i32
        %parallel_loop3A_266 = arith.constant 16 : i32
        %parallel_loop3A_267 = arith.shrsi %parallel_loop3A_263, %parallel_loop3A_266 : i32
        %parallel_loop3A_268 = arith.index_cast %parallel_loop3A_265 : i32 to index
        %parallel_loop3A_269 = arith.constant 0 : index
        %parallel_loop3A_270 = tpu.vector_load %arg5[%parallel_loop3A_268, %parallel_loop3A_269] {strides = array<i32>} : memref<2048x32xf32, #tpu.memory_space<vmem>>, vector<1x16xf32>,
        %parallel_loop3A_271 = vector.shape_cast %parallel_loop3A_270 : vector<1x16xf32> to vector<16xf32>
        %parallel_loop3A_272 = arith.index_cast %parallel_loop3A_267 : i32 to index
        %parallel_loop3A_273 = arith.constant 0 : index
        %parallel_loop3A_274 = tpu.vector_load %arg5[%parallel_loop3A_272, %parallel_loop3A_273] {strides = array<i32>} : memref<2048x32xf32, #tpu.memory_space<vmem>>, vector<1x16xf32>,
        %parallel_loop3A_275 = vector.shape_cast %parallel_loop3A_274 : vector<1x16xf32> to vector<16xf32>
        %parallel_loop3A_276 = arith.addf %parallel_loop3A_271, %parallel_loop3A_275 : vector<16xf32>
        %parallel_loop3A_277 = arith.constant 1 : i32
        %parallel_loop3A_278 = arith.index_cast %parallel_loop3A_277 : i32 to index
        %parallel_loop3A_279 = arith.index_cast %parallel_loop3A_261 : i32 to index
        %parallel_loop3A_280 = arith.constant 0 : index
        %parallel_loop3A_281 = tpu.vector_load %arg7[%parallel_loop3A_278, %parallel_loop3A_279, %parallel_loop3A_280] {strides = array<i32>} : memref<2x800x32xf32, #tpu.memory_space<vmem>>, vector<1x1x16xf32>,
        %parallel_loop3A_282 = vector.shape_cast %parallel_loop3A_281 : vector<1x1x16xf32> to vector<16xf32>
        %parallel_loop3A_283 = vector.shape_cast %parallel_loop3A_276 : vector<16xf32> to vector<1x1x16xf32>
        tpu.vector_store %arg7[%parallel_loop3A_278, %parallel_loop3A_279, %parallel_loop3A_280], %parallel_loop3A_283 {strides = array<i32>} : memref<2x800x32xf32, #tpu.memory_space<vmem>>, vector<1x1x16xf32>,
        %parallel_loop3A_284 = arith.index_cast %parallel_loop3A_265 : i32 to index
        %parallel_loop3A_285 = arith.constant 16 : index
        %parallel_loop3A_286 = tpu.vector_load %arg5[%parallel_loop3A_284, %parallel_loop3A_285] {strides = array<i32>} : memref<2048x32xf32, #tpu.memory_space<vmem>>, vector<1x16xf32>,
        %parallel_loop3A_287 = vector.shape_cast %parallel_loop3A_286 : vector<1x16xf32> to vector<16xf32>
        %parallel_loop3A_288 = arith.index_cast %parallel_loop3A_267 : i32 to index
        %parallel_loop3A_289 = arith.constant 16 : index
        %parallel_loop3A_290 = tpu.vector_load %arg5[%parallel_loop3A_288, %parallel_loop3A_289] {strides = array<i32>} : memref<2048x32xf32, #tpu.memory_space<vmem>>, vector<1x16xf32>,
        %parallel_loop3A_291 = vector.shape_cast %parallel_loop3A_290 : vector<1x16xf32> to vector<16xf32>
        %parallel_loop3A_292 = arith.addf %parallel_loop3A_287, %parallel_loop3A_291 : vector<16xf32>
        %parallel_loop3A_293 = arith.constant 1 : i32
        %parallel_loop3A_294 = arith.index_cast %parallel_loop3A_293 : i32 to index
        %parallel_loop3A_295 = arith.index_cast %parallel_loop3A_261 : i32 to index
        %parallel_loop3A_296 = arith.constant 16 : index
        %parallel_loop3A_297 = tpu.vector_load %arg7[%parallel_loop3A_294, %parallel_loop3A_295, %parallel_loop3A_296] {strides = array<i32>} : memref<2x800x32xf32, #tpu.memory_space<vmem>>, vector<1x1x16xf32>,
        %parallel_loop3A_298 = vector.shape_cast %parallel_loop3A_297 : vector<1x1x16xf32> to vector<16xf32>
        %parallel_loop3A_299 = vector.shape_cast %parallel_loop3A_292 : vector<16xf32> to vector<1x1x16xf32>
        tpu.vector_store %arg7[%parallel_loop3A_294, %parallel_loop3A_295, %parallel_loop3A_296], %parallel_loop3A_299 {strides = array<i32>} : memref<2x800x32xf32, #tpu.memory_space<vmem>>, vector<1x1x16xf32>,
        %parallel_loop3A_300 = arith.constant 16 : i32
        %parallel_loop3A_301 = arith.muli %parallel_loop3A_166, %parallel_loop3A_300 : i32
        %parallel_loop3A_302 = arith.constant 3 : i32
        %parallel_loop3A_303 = arith.addi %parallel_loop3A_301, %parallel_loop3A_302 : i32
        %parallel_loop3A_304 = vector.extract_strided_slice %parallel_loop3A_173 {offsets = [3], sizes = [1], strides = [1]} : vector<16xi32> to vector<1xi32>
        %parallel_loop3A_305 = vector.extract %parallel_loop3A_304[0] : i32 from vector<1xi32>
        %parallel_loop3A_306 = arith.constant 65535 : i32
        %parallel_loop3A_307 = arith.andi %parallel_loop3A_305, %parallel_loop3A_306 : i32
        %parallel_loop3A_308 = arith.constant 16 : i32
        %parallel_loop3A_309 = arith.shrsi %parallel_loop3A_305, %parallel_loop3A_308 : i32
        %parallel_loop3A_310 = arith.index_cast %parallel_loop3A_307 : i32 to index
        %parallel_loop3A_311 = arith.constant 0 : index
        %parallel_loop3A_312 = tpu.vector_load %arg5[%parallel_loop3A_310, %parallel_loop3A_311] {strides = array<i32>} : memref<2048x32xf32, #tpu.memory_space<vmem>>, vector<1x16xf32>,
        %parallel_loop3A_313 = vector.shape_cast %parallel_loop3A_312 : vector<1x16xf32> to vector<16xf32>
        %parallel_loop3A_314 = arith.index_cast %parallel_loop3A_309 : i32 to index
        %parallel_loop3A_315 = arith.constant 0 : index
        %parallel_loop3A_316 = tpu.vector_load %arg5[%parallel_loop3A_314, %parallel_loop3A_315] {strides = array<i32>} : memref<2048x32xf32, #tpu.memory_space<vmem>>, vector<1x16xf32>,
        %parallel_loop3A_317 = vector.shape_cast %parallel_loop3A_316 : vector<1x16xf32> to vector<16xf32>
        %parallel_loop3A_318 = arith.addf %parallel_loop3A_313, %parallel_loop3A_317 : vector<16xf32>
        %parallel_loop3A_319 = arith.constant 1 : i32
        %parallel_loop3A_320 = arith.index_cast %parallel_loop3A_319 : i32 to index
        %parallel_loop3A_321 = arith.index_cast %parallel_loop3A_303 : i32 to index
        %parallel_loop3A_322 = arith.constant 0 : index
        %parallel_loop3A_323 = tpu.vector_load %arg7[%parallel_loop3A_320, %parallel_loop3A_321, %parallel_loop3A_322] {strides = array<i32>} : memref<2x800x32xf32, #tpu.memory_space<vmem>>, vector<1x1x16xf32>,
        %parallel_loop3A_324 = vector.shape_cast %parallel_loop3A_323 : vector<1x1x16xf32> to vector<16xf32>
        %parallel_loop3A_325 = vector.shape_cast %parallel_loop3A_318 : vector<16xf32> to vector<1x1x16xf32>
        tpu.vector_store %arg7[%parallel_loop3A_320, %parallel_loop3A_321, %parallel_loop3A_322], %parallel_loop3A_325 {strides = array<i32>} : memref<2x800x32xf32, #tpu.memory_space<vmem>>, vector<1x1x16xf32>,
        %parallel_loop3A_326 = arith.index_cast %parallel_loop3A_307 : i32 to index
        %parallel_loop3A_327 = arith.constant 16 : index
        %parallel_loop3A_328 = tpu.vector_load %arg5[%parallel_loop3A_326, %parallel_loop3A_327] {strides = array<i32>} : memref<2048x32xf32, #tpu.memory_space<vmem>>, vector<1x16xf32>,
        %parallel_loop3A_329 = vector.shape_cast %parallel_loop3A_328 : vector<1x16xf32> to vector<16xf32>
        %parallel_loop3A_330 = arith.index_cast %parallel_loop3A_309 : i32 to index
        %parallel_loop3A_331 = arith.constant 16 : index
        %parallel_loop3A_332 = tpu.vector_load %arg5[%parallel_loop3A_330, %parallel_loop3A_331] {strides = array<i32>} : memref<2048x32xf32, #tpu.memory_space<vmem>>, vector<1x16xf32>,
        %parallel_loop3A_333 = vector.shape_cast %parallel_loop3A_332 : vector<1x16xf32> to vector<16xf32>
        %parallel_loop3A_334 = arith.addf %parallel_loop3A_329, %parallel_loop3A_333 : vector<16xf32>
        %parallel_loop3A_335 = arith.constant 1 : i32
        %parallel_loop3A_336 = arith.index_cast %parallel_loop3A_335 : i32 to index
        %parallel_loop3A_337 = arith.index_cast %parallel_loop3A_303 : i32 to index
        %parallel_loop3A_338 = arith.constant 16 : index
        %parallel_loop3A_339 = tpu.vector_load %arg7[%parallel_loop3A_336, %parallel_loop3A_337, %parallel_loop3A_338] {strides = array<i32>} : memref<2x800x32xf32, #tpu.memory_space<vmem>>, vector<1x1x16xf32>,
        %parallel_loop3A_340 = vector.shape_cast %parallel_loop3A_339 : vector<1x1x16xf32> to vector<16xf32>
        %parallel_loop3A_341 = vector.shape_cast %parallel_loop3A_334 : vector<16xf32> to vector<1x1x16xf32>
        tpu.vector_store %arg7[%parallel_loop3A_336, %parallel_loop3A_337, %parallel_loop3A_338], %parallel_loop3A_341 {strides = array<i32>} : memref<2x800x32xf32, #tpu.memory_space<vmem>>, vector<1x1x16xf32>,
        %parallel_loop3A_342 = arith.constant 16 : i32
        %parallel_loop3A_343 = arith.muli %parallel_loop3A_166, %parallel_loop3A_342 : i32
        %parallel_loop3A_344 = arith.constant 4 : i32
        %parallel_loop3A_345 = arith.addi %parallel_loop3A_343, %parallel_loop3A_344 : i32
        %parallel_loop3A_346 = vector.extract_strided_slice %parallel_loop3A_173 {offsets = [4], sizes = [1], strides = [1]} : vector<16xi32> to vector<1xi32>
        %parallel_loop3A_347 = vector.extract %parallel_loop3A_346[0] : i32 from vector<1xi32>
        %parallel_loop3A_348 = arith.constant 65535 : i32
        %parallel_loop3A_349 = arith.andi %parallel_loop3A_347, %parallel_loop3A_348 : i32
        %parallel_loop3A_350 = arith.constant 16 : i32
        %parallel_loop3A_351 = arith.shrsi %parallel_loop3A_347, %parallel_loop3A_350 : i32
        %parallel_loop3A_352 = arith.index_cast %parallel_loop3A_349 : i32 to index
        %parallel_loop3A_353 = arith.constant 0 : index
        %parallel_loop3A_354 = tpu.vector_load %arg5[%parallel_loop3A_352, %parallel_loop3A_353] {strides = array<i32>} : memref<2048x32xf32, #tpu.memory_space<vmem>>, vector<1x16xf32>,
        %parallel_loop3A_355 = vector.shape_cast %parallel_loop3A_354 : vector<1x16xf32> to vector<16xf32>
        %parallel_loop3A_356 = arith.index_cast %parallel_loop3A_351 : i32 to index
        %parallel_loop3A_357 = arith.constant 0 : index
        %parallel_loop3A_358 = tpu.vector_load %arg5[%parallel_loop3A_356, %parallel_loop3A_357] {strides = array<i32>} : memref<2048x32xf32, #tpu.memory_space<vmem>>, vector<1x16xf32>,
        %parallel_loop3A_359 = vector.shape_cast %parallel_loop3A_358 : vector<1x16xf32> to vector<16xf32>
        %parallel_loop3A_360 = arith.addf %parallel_loop3A_355, %parallel_loop3A_359 : vector<16xf32>
        %parallel_loop3A_361 = arith.constant 1 : i32
        %parallel_loop3A_362 = arith.index_cast %parallel_loop3A_361 : i32 to index
        %parallel_loop3A_363 = arith.index_cast %parallel_loop3A_345 : i32 to index
        %parallel_loop3A_364 = arith.constant 0 : index
        %parallel_loop3A_365 = tpu.vector_load %arg7[%parallel_loop3A_362, %parallel_loop3A_363, %parallel_loop3A_364] {strides = array<i32>} : memref<2x800x32xf32, #tpu.memory_space<vmem>>, vector<1x1x16xf32>,
        %parallel_loop3A_366 = vector.shape_cast %parallel_loop3A_365 : vector<1x1x16xf32> to vector<16xf32>
        %parallel_loop3A_367 = vector.shape_cast %parallel_loop3A_360 : vector<16xf32> to vector<1x1x16xf32>
        tpu.vector_store %arg7[%parallel_loop3A_362, %parallel_loop3A_363, %parallel_loop3A_364], %parallel_loop3A_367 {strides = array<i32>} : memref<2x800x32xf32, #tpu.memory_space<vmem>>, vector<1x1x16xf32>,
        %parallel_loop3A_368 = arith.index_cast %parallel_loop3A_349 : i32 to index
        %parallel_loop3A_369 = arith.constant 16 : index
        %parallel_loop3A_370 = tpu.vector_load %arg5[%parallel_loop3A_368, %parallel_loop3A_369] {strides = array<i32>} : memref<2048x32xf32, #tpu.memory_space<vmem>>, vector<1x16xf32>,
        %parallel_loop3A_371 = vector.shape_cast %parallel_loop3A_370 : vector<1x16xf32> to vector<16xf32>
        %parallel_loop3A_372 = arith.index_cast %parallel_loop3A_351 : i32 to index
        %parallel_loop3A_373 = arith.constant 16 : index
        %parallel_loop3A_374 = tpu.vector_load %arg5[%parallel_loop3A_372, %parallel_loop3A_373] {strides = array<i32>} : memref<2048x32xf32, #tpu.memory_space<vmem>>, vector<1x16xf32>,
        %parallel_loop3A_375 = vector.shape_cast %parallel_loop3A_374 : vector<1x16xf32> to vector<16xf32>
        %parallel_loop3A_376 = arith.addf %parallel_loop3A_371, %parallel_loop3A_375 : vector<16xf32>
        %parallel_loop3A_377 = arith.constant 1 : i32
        %parallel_loop3A_378 = arith.index_cast %parallel_loop3A_377 : i32 to index
        %parallel_loop3A_379 = arith.index_cast %parallel_loop3A_345 : i32 to index
        %parallel_loop3A_380 = arith.constant 16 : index
        %parallel_loop3A_381 = tpu.vector_load %arg7[%parallel_loop3A_378, %parallel_loop3A_379, %parallel_loop3A_380] {strides = array<i32>} : memref<2x800x32xf32, #tpu.memory_space<vmem>>, vector<1x1x16xf32>,
        %parallel_loop3A_382 = vector.shape_cast %parallel_loop3A_381 : vector<1x1x16xf32> to vector<16xf32>
        %parallel_loop3A_383 = vector.shape_cast %parallel_loop3A_376 : vector<16xf32> to vector<1x1x16xf32>
        tpu.vector_store %arg7[%parallel_loop3A_378, %parallel_loop3A_379, %parallel_loop3A_380], %parallel_loop3A_383 {strides = array<i32>} : memref<2x800x32xf32, #tpu.memory_space<vmem>>, vector<1x1x16xf32>,
        %parallel_loop3A_384 = arith.constant 16 : i32
        %parallel_loop3A_385 = arith.muli %parallel_loop3A_166, %parallel_loop3A_384 : i32
        %parallel_loop3A_386 = arith.constant 5 : i32
        %parallel_loop3A_387 = arith.addi %parallel_loop3A_385, %parallel_loop3A_386 : i32
        %parallel_loop3A_388 = vector.extract_strided_slice %parallel_loop3A_173 {offsets = [5], sizes = [1], strides = [1]} : vector<16xi32> to vector<1xi32>
        %parallel_loop3A_389 = vector.extract %parallel_loop3A_388[0] : i32 from vector<1xi32>
        %parallel_loop3A_390 = arith.constant 65535 : i32
        %parallel_loop3A_391 = arith.andi %parallel_loop3A_389, %parallel_loop3A_390 : i32
        %parallel_loop3A_392 = arith.constant 16 : i32
        %parallel_loop3A_393 = arith.shrsi %parallel_loop3A_389, %parallel_loop3A_392 : i32
        %parallel_loop3A_394 = arith.index_cast %parallel_loop3A_391 : i32 to index
        %parallel_loop3A_395 = arith.constant 0 : index
        %parallel_loop3A_396 = tpu.vector_load %arg5[%parallel_loop3A_394, %parallel_loop3A_395] {strides = array<i32>} : memref<2048x32xf32, #tpu.memory_space<vmem>>, vector<1x16xf32>,
        %parallel_loop3A_397 = vector.shape_cast %parallel_loop3A_396 : vector<1x16xf32> to vector<16xf32>
        %parallel_loop3A_398 = arith.index_cast %parallel_loop3A_393 : i32 to index
        %parallel_loop3A_399 = arith.constant 0 : index
        %parallel_loop3A_400 = tpu.vector_load %arg5[%parallel_loop3A_398, %parallel_loop3A_399] {strides = array<i32>} : memref<2048x32xf32, #tpu.memory_space<vmem>>, vector<1x16xf32>,
        %parallel_loop3A_401 = vector.shape_cast %parallel_loop3A_400 : vector<1x16xf32> to vector<16xf32>
        %parallel_loop3A_402 = arith.addf %parallel_loop3A_397, %parallel_loop3A_401 : vector<16xf32>
        %parallel_loop3A_403 = arith.constant 1 : i32
        %parallel_loop3A_404 = arith.index_cast %parallel_loop3A_403 : i32 to index
        %parallel_loop3A_405 = arith.index_cast %parallel_loop3A_387 : i32 to index
        %parallel_loop3A_406 = arith.constant 0 : index
        %parallel_loop3A_407 = tpu.vector_load %arg7[%parallel_loop3A_404, %parallel_loop3A_405, %parallel_loop3A_406] {strides = array<i32>} : memref<2x800x32xf32, #tpu.memory_space<vmem>>, vector<1x1x16xf32>,
        %parallel_loop3A_408 = vector.shape_cast %parallel_loop3A_407 : vector<1x1x16xf32> to vector<16xf32>
        %parallel_loop3A_409 = vector.shape_cast %parallel_loop3A_402 : vector<16xf32> to vector<1x1x16xf32>
        tpu.vector_store %arg7[%parallel_loop3A_404, %parallel_loop3A_405, %parallel_loop3A_406], %parallel_loop3A_409 {strides = array<i32>} : memref<2x800x32xf32, #tpu.memory_space<vmem>>, vector<1x1x16xf32>,
        %parallel_loop3A_410 = arith.index_cast %parallel_loop3A_391 : i32 to index
        %parallel_loop3A_411 = arith.constant 16 : index
        %parallel_loop3A_412 = tpu.vector_load %arg5[%parallel_loop3A_410, %parallel_loop3A_411] {strides = array<i32>} : memref<2048x32xf32, #tpu.memory_space<vmem>>, vector<1x16xf32>,
        %parallel_loop3A_413 = vector.shape_cast %parallel_loop3A_412 : vector<1x16xf32> to vector<16xf32>
        %parallel_loop3A_414 = arith.index_cast %parallel_loop3A_393 : i32 to index
        %parallel_loop3A_415 = arith.constant 16 : index
        %parallel_loop3A_416 = tpu.vector_load %arg5[%parallel_loop3A_414, %parallel_loop3A_415] {strides = array<i32>} : memref<2048x32xf32, #tpu.memory_space<vmem>>, vector<1x16xf32>,
        %parallel_loop3A_417 = vector.shape_cast %parallel_loop3A_416 : vector<1x16xf32> to vector<16xf32>
        %parallel_loop3A_418 = arith.addf %parallel_loop3A_413, %parallel_loop3A_417 : vector<16xf32>
        %parallel_loop3A_419 = arith.constant 1 : i32
        %parallel_loop3A_420 = arith.index_cast %parallel_loop3A_419 : i32 to index
        %parallel_loop3A_421 = arith.index_cast %parallel_loop3A_387 : i32 to index
        %parallel_loop3A_422 = arith.constant 16 : index
        %parallel_loop3A_423 = tpu.vector_load %arg7[%parallel_loop3A_420, %parallel_loop3A_421, %parallel_loop3A_422] {strides = array<i32>} : memref<2x800x32xf32, #tpu.memory_space<vmem>>, vector<1x1x16xf32>,
        %parallel_loop3A_424 = vector.shape_cast %parallel_loop3A_423 : vector<1x1x16xf32> to vector<16xf32>
        %parallel_loop3A_425 = vector.shape_cast %parallel_loop3A_418 : vector<16xf32> to vector<1x1x16xf32>
        tpu.vector_store %arg7[%parallel_loop3A_420, %parallel_loop3A_421, %parallel_loop3A_422], %parallel_loop3A_425 {strides = array<i32>} : memref<2x800x32xf32, #tpu.memory_space<vmem>>, vector<1x1x16xf32>,
        %parallel_loop3A_426 = arith.constant 16 : i32
        %parallel_loop3A_427 = arith.muli %parallel_loop3A_166, %parallel_loop3A_426 : i32
        %parallel_loop3A_428 = arith.constant 6 : i32
        %parallel_loop3A_429 = arith.addi %parallel_loop3A_427, %parallel_loop3A_428 : i32
        %parallel_loop3A_430 = vector.extract_strided_slice %parallel_loop3A_173 {offsets = [6], sizes = [1], strides = [1]} : vector<16xi32> to vector<1xi32>
        %parallel_loop3A_431 = vector.extract %parallel_loop3A_430[0] : i32 from vector<1xi32>
        %parallel_loop3A_432 = arith.constant 65535 : i32
        %parallel_loop3A_433 = arith.andi %parallel_loop3A_431, %parallel_loop3A_432 : i32
        %parallel_loop3A_434 = arith.constant 16 : i32
        %parallel_loop3A_435 = arith.shrsi %parallel_loop3A_431, %parallel_loop3A_434 : i32
        %parallel_loop3A_436 = arith.index_cast %parallel_loop3A_433 : i32 to index
        %parallel_loop3A_437 = arith.constant 0 : index
        %parallel_loop3A_438 = tpu.vector_load %arg5[%parallel_loop3A_436, %parallel_loop3A_437] {strides = array<i32>} : memref<2048x32xf32, #tpu.memory_space<vmem>>, vector<1x16xf32>,
        %parallel_loop3A_439 = vector.shape_cast %parallel_loop3A_438 : vector<1x16xf32> to vector<16xf32>
        %parallel_loop3A_440 = arith.index_cast %parallel_loop3A_435 : i32 to index
        %parallel_loop3A_441 = arith.constant 0 : index
        %parallel_loop3A_442 = tpu.vector_load %arg5[%parallel_loop3A_440, %parallel_loop3A_441] {strides = array<i32>} : memref<2048x32xf32, #tpu.memory_space<vmem>>, vector<1x16xf32>,
        %parallel_loop3A_443 = vector.shape_cast %parallel_loop3A_442 : vector<1x16xf32> to vector<16xf32>
        %parallel_loop3A_444 = arith.addf %parallel_loop3A_439, %parallel_loop3A_443 : vector<16xf32>
        %parallel_loop3A_445 = arith.constant 1 : i32
        %parallel_loop3A_446 = arith.index_cast %parallel_loop3A_445 : i32 to index
        %parallel_loop3A_447 = arith.index_cast %parallel_loop3A_429 : i32 to index
        %parallel_loop3A_448 = arith.constant 0 : index
        %parallel_loop3A_449 = tpu.vector_load %arg7[%parallel_loop3A_446, %parallel_loop3A_447, %parallel_loop3A_448] {strides = array<i32>} : memref<2x800x32xf32, #tpu.memory_space<vmem>>, vector<1x1x16xf32>,
        %parallel_loop3A_450 = vector.shape_cast %parallel_loop3A_449 : vector<1x1x16xf32> to vector<16xf32>
        %parallel_loop3A_451 = vector.shape_cast %parallel_loop3A_444 : vector<16xf32> to vector<1x1x16xf32>
        tpu.vector_store %arg7[%parallel_loop3A_446, %parallel_loop3A_447, %parallel_loop3A_448], %parallel_loop3A_451 {strides = array<i32>} : memref<2x800x32xf32, #tpu.memory_space<vmem>>, vector<1x1x16xf32>,
        %parallel_loop3A_452 = arith.index_cast %parallel_loop3A_433 : i32 to index
        %parallel_loop3A_453 = arith.constant 16 : index
        %parallel_loop3A_454 = tpu.vector_load %arg5[%parallel_loop3A_452, %parallel_loop3A_453] {strides = array<i32>} : memref<2048x32xf32, #tpu.memory_space<vmem>>, vector<1x16xf32>,
        %parallel_loop3A_455 = vector.shape_cast %parallel_loop3A_454 : vector<1x16xf32> to vector<16xf32>
        %parallel_loop3A_456 = arith.index_cast %parallel_loop3A_435 : i32 to index
        %parallel_loop3A_457 = arith.constant 16 : index
        %parallel_loop3A_458 = tpu.vector_load %arg5[%parallel_loop3A_456, %parallel_loop3A_457] {strides = array<i32>} : memref<2048x32xf32, #tpu.memory_space<vmem>>, vector<1x16xf32>,
        %parallel_loop3A_459 = vector.shape_cast %parallel_loop3A_458 : vector<1x16xf32> to vector<16xf32>
        %parallel_loop3A_460 = arith.addf %parallel_loop3A_455, %parallel_loop3A_459 : vector<16xf32>
        %parallel_loop3A_461 = arith.constant 1 : i32
        %parallel_loop3A_462 = arith.index_cast %parallel_loop3A_461 : i32 to index
        %parallel_loop3A_463 = arith.index_cast %parallel_loop3A_429 : i32 to index
        %parallel_loop3A_464 = arith.constant 16 : index
        %parallel_loop3A_465 = tpu.vector_load %arg7[%parallel_loop3A_462, %parallel_loop3A_463, %parallel_loop3A_464] {strides = array<i32>} : memref<2x800x32xf32, #tpu.memory_space<vmem>>, vector<1x1x16xf32>,
        %parallel_loop3A_466 = vector.shape_cast %parallel_loop3A_465 : vector<1x1x16xf32> to vector<16xf32>
        %parallel_loop3A_467 = vector.shape_cast %parallel_loop3A_460 : vector<16xf32> to vector<1x1x16xf32>
        tpu.vector_store %arg7[%parallel_loop3A_462, %parallel_loop3A_463, %parallel_loop3A_464], %parallel_loop3A_467 {strides = array<i32>} : memref<2x800x32xf32, #tpu.memory_space<vmem>>, vector<1x1x16xf32>,
        %parallel_loop3A_468 = arith.constant 16 : i32
        %parallel_loop3A_469 = arith.muli %parallel_loop3A_166, %parallel_loop3A_468 : i32
        %parallel_loop3A_470 = arith.constant 7 : i32
        %parallel_loop3A_471 = arith.addi %parallel_loop3A_469, %parallel_loop3A_470 : i32
        %parallel_loop3A_472 = vector.extract_strided_slice %parallel_loop3A_173 {offsets = [7], sizes = [1], strides = [1]} : vector<16xi32> to vector<1xi32>
        %parallel_loop3A_473 = vector.extract %parallel_loop3A_472[0] : i32 from vector<1xi32>
        %parallel_loop3A_474 = arith.constant 65535 : i32
        %parallel_loop3A_475 = arith.andi %parallel_loop3A_473, %parallel_loop3A_474 : i32
        %parallel_loop3A_476 = arith.constant 16 : i32
        %parallel_loop3A_477 = arith.shrsi %parallel_loop3A_473, %parallel_loop3A_476 : i32
        %parallel_loop3A_478 = arith.index_cast %parallel_loop3A_475 : i32 to index
        %parallel_loop3A_479 = arith.constant 0 : index
        %parallel_loop3A_480 = tpu.vector_load %arg5[%parallel_loop3A_478, %parallel_loop3A_479] {strides = array<i32>} : memref<2048x32xf32, #tpu.memory_space<vmem>>, vector<1x16xf32>,
        %parallel_loop3A_481 = vector.shape_cast %parallel_loop3A_480 : vector<1x16xf32> to vector<16xf32>
        %parallel_loop3A_482 = arith.index_cast %parallel_loop3A_477 : i32 to index
        %parallel_loop3A_483 = arith.constant 0 : index
        %parallel_loop3A_484 = tpu.vector_load %arg5[%parallel_loop3A_482, %parallel_loop3A_483] {strides = array<i32>} : memref<2048x32xf32, #tpu.memory_space<vmem>>, vector<1x16xf32>,
        %parallel_loop3A_485 = vector.shape_cast %parallel_loop3A_484 : vector<1x16xf32> to vector<16xf32>
        %parallel_loop3A_486 = arith.addf %parallel_loop3A_481, %parallel_loop3A_485 : vector<16xf32>
        %parallel_loop3A_487 = arith.constant 1 : i32
        %parallel_loop3A_488 = arith.index_cast %parallel_loop3A_487 : i32 to index
        %parallel_loop3A_489 = arith.index_cast %parallel_loop3A_471 : i32 to index
        %parallel_loop3A_490 = arith.constant 0 : index
        %parallel_loop3A_491 = tpu.vector_load %arg7[%parallel_loop3A_488, %parallel_loop3A_489, %parallel_loop3A_490] {strides = array<i32>} : memref<2x800x32xf32, #tpu.memory_space<vmem>>, vector<1x1x16xf32>,
        %parallel_loop3A_492 = vector.shape_cast %parallel_loop3A_491 : vector<1x1x16xf32> to vector<16xf32>
        %parallel_loop3A_493 = vector.shape_cast %parallel_loop3A_486 : vector<16xf32> to vector<1x1x16xf32>
        tpu.vector_store %arg7[%parallel_loop3A_488, %parallel_loop3A_489, %parallel_loop3A_490], %parallel_loop3A_493 {strides = array<i32>} : memref<2x800x32xf32, #tpu.memory_space<vmem>>, vector<1x1x16xf32>,
        %parallel_loop3A_494 = arith.index_cast %parallel_loop3A_475 : i32 to index
        %parallel_loop3A_495 = arith.constant 16 : index
        %parallel_loop3A_496 = tpu.vector_load %arg5[%parallel_loop3A_494, %parallel_loop3A_495] {strides = array<i32>} : memref<2048x32xf32, #tpu.memory_space<vmem>>, vector<1x16xf32>,
        %parallel_loop3A_497 = vector.shape_cast %parallel_loop3A_496 : vector<1x16xf32> to vector<16xf32>
        %parallel_loop3A_498 = arith.index_cast %parallel_loop3A_477 : i32 to index
        %parallel_loop3A_499 = arith.constant 16 : index
        %parallel_loop3A_500 = tpu.vector_load %arg5[%parallel_loop3A_498, %parallel_loop3A_499] {strides = array<i32>} : memref<2048x32xf32, #tpu.memory_space<vmem>>, vector<1x16xf32>,
        %parallel_loop3A_501 = vector.shape_cast %parallel_loop3A_500 : vector<1x16xf32> to vector<16xf32>
        %parallel_loop3A_502 = arith.addf %parallel_loop3A_497, %parallel_loop3A_501 : vector<16xf32>
        %parallel_loop3A_503 = arith.constant 1 : i32
        %parallel_loop3A_504 = arith.index_cast %parallel_loop3A_503 : i32 to index
        %parallel_loop3A_505 = arith.index_cast %parallel_loop3A_471 : i32 to index
        %parallel_loop3A_506 = arith.constant 16 : index
        %parallel_loop3A_507 = tpu.vector_load %arg7[%parallel_loop3A_504, %parallel_loop3A_505, %parallel_loop3A_506] {strides = array<i32>} : memref<2x800x32xf32, #tpu.memory_space<vmem>>, vector<1x1x16xf32>,
        %parallel_loop3A_508 = vector.shape_cast %parallel_loop3A_507 : vector<1x1x16xf32> to vector<16xf32>
        %parallel_loop3A_509 = vector.shape_cast %parallel_loop3A_502 : vector<16xf32> to vector<1x1x16xf32>
        tpu.vector_store %arg7[%parallel_loop3A_504, %parallel_loop3A_505, %parallel_loop3A_506], %parallel_loop3A_509 {strides = array<i32>} : memref<2x800x32xf32, #tpu.memory_space<vmem>>, vector<1x1x16xf32>,
        %parallel_loop3A_510 = arith.constant 16 : i32
        %parallel_loop3A_511 = arith.muli %parallel_loop3A_166, %parallel_loop3A_510 : i32
        %parallel_loop3A_512 = arith.constant 8 : i32
        %parallel_loop3A_513 = arith.addi %parallel_loop3A_511, %parallel_loop3A_512 : i32
        %parallel_loop3A_514 = vector.extract_strided_slice %parallel_loop3A_173 {offsets = [8], sizes = [1], strides = [1]} : vector<16xi32> to vector<1xi32>
        %parallel_loop3A_515 = vector.extract %parallel_loop3A_514[0] : i32 from vector<1xi32>
        %parallel_loop3A_516 = arith.constant 65535 : i32
        %parallel_loop3A_517 = arith.andi %parallel_loop3A_515, %parallel_loop3A_516 : i32
        %parallel_loop3A_518 = arith.constant 16 : i32
        %parallel_loop3A_519 = arith.shrsi %parallel_loop3A_515, %parallel_loop3A_518 : i32
        %parallel_loop3A_520 = arith.index_cast %parallel_loop3A_517 : i32 to index
        %parallel_loop3A_521 = arith.constant 0 : index
        %parallel_loop3A_522 = tpu.vector_load %arg5[%parallel_loop3A_520, %parallel_loop3A_521] {strides = array<i32>} : memref<2048x32xf32, #tpu.memory_space<vmem>>, vector<1x16xf32>,
        %parallel_loop3A_523 = vector.shape_cast %parallel_loop3A_522 : vector<1x16xf32> to vector<16xf32>
        %parallel_loop3A_524 = arith.index_cast %parallel_loop3A_519 : i32 to index
        %parallel_loop3A_525 = arith.constant 0 : index
        %parallel_loop3A_526 = tpu.vector_load %arg5[%parallel_loop3A_524, %parallel_loop3A_525] {strides = array<i32>} : memref<2048x32xf32, #tpu.memory_space<vmem>>, vector<1x16xf32>,
        %parallel_loop3A_527 = vector.shape_cast %parallel_loop3A_526 : vector<1x16xf32> to vector<16xf32>
        %parallel_loop3A_528 = arith.addf %parallel_loop3A_523, %parallel_loop3A_527 : vector<16xf32>
        %parallel_loop3A_529 = arith.constant 1 : i32
        %parallel_loop3A_530 = arith.index_cast %parallel_loop3A_529 : i32 to index
        %parallel_loop3A_531 = arith.index_cast %parallel_loop3A_513 : i32 to index
        %parallel_loop3A_532 = arith.constant 0 : index
        %parallel_loop3A_533 = tpu.vector_load %arg7[%parallel_loop3A_530, %parallel_loop3A_531, %parallel_loop3A_532] {strides = array<i32>} : memref<2x800x32xf32, #tpu.memory_space<vmem>>, vector<1x1x16xf32>,
        %parallel_loop3A_534 = vector.shape_cast %parallel_loop3A_533 : vector<1x1x16xf32> to vector<16xf32>
        %parallel_loop3A_535 = vector.shape_cast %parallel_loop3A_528 : vector<16xf32> to vector<1x1x16xf32>
        tpu.vector_store %arg7[%parallel_loop3A_530, %parallel_loop3A_531, %parallel_loop3A_532], %parallel_loop3A_535 {strides = array<i32>} : memref<2x800x32xf32, #tpu.memory_space<vmem>>, vector<1x1x16xf32>,
        %parallel_loop3A_536 = arith.index_cast %parallel_loop3A_517 : i32 to index
        %parallel_loop3A_537 = arith.constant 16 : index
        %parallel_loop3A_538 = tpu.vector_load %arg5[%parallel_loop3A_536, %parallel_loop3A_537] {strides = array<i32>} : memref<2048x32xf32, #tpu.memory_space<vmem>>, vector<1x16xf32>,
        %parallel_loop3A_539 = vector.shape_cast %parallel_loop3A_538 : vector<1x16xf32> to vector<16xf32>
        %parallel_loop3A_540 = arith.index_cast %parallel_loop3A_519 : i32 to index
        %parallel_loop3A_541 = arith.constant 16 : index
        %parallel_loop3A_542 = tpu.vector_load %arg5[%parallel_loop3A_540, %parallel_loop3A_541] {strides = array<i32>} : memref<2048x32xf32, #tpu.memory_space<vmem>>, vector<1x16xf32>,
        %parallel_loop3A_543 = vector.shape_cast %parallel_loop3A_542 : vector<1x16xf32> to vector<16xf32>
        %parallel_loop3A_544 = arith.addf %parallel_loop3A_539, %parallel_loop3A_543 : vector<16xf32>
        %parallel_loop3A_545 = arith.constant 1 : i32
        %parallel_loop3A_546 = arith.index_cast %parallel_loop3A_545 : i32 to index
        %parallel_loop3A_547 = arith.index_cast %parallel_loop3A_513 : i32 to index
        %parallel_loop3A_548 = arith.constant 16 : index
        %parallel_loop3A_549 = tpu.vector_load %arg7[%parallel_loop3A_546, %parallel_loop3A_547, %parallel_loop3A_548] {strides = array<i32>} : memref<2x800x32xf32, #tpu.memory_space<vmem>>, vector<1x1x16xf32>,
        %parallel_loop3A_550 = vector.shape_cast %parallel_loop3A_549 : vector<1x1x16xf32> to vector<16xf32>
        %parallel_loop3A_551 = vector.shape_cast %parallel_loop3A_544 : vector<16xf32> to vector<1x1x16xf32>
        tpu.vector_store %arg7[%parallel_loop3A_546, %parallel_loop3A_547, %parallel_loop3A_548], %parallel_loop3A_551 {strides = array<i32>} : memref<2x800x32xf32, #tpu.memory_space<vmem>>, vector<1x1x16xf32>,
        %parallel_loop3A_552 = arith.constant 16 : i32
        %parallel_loop3A_553 = arith.muli %parallel_loop3A_166, %parallel_loop3A_552 : i32
        %parallel_loop3A_554 = arith.constant 9 : i32
        %parallel_loop3A_555 = arith.addi %parallel_loop3A_553, %parallel_loop3A_554 : i32
        %parallel_loop3A_556 = vector.extract_strided_slice %parallel_loop3A_173 {offsets = [9], sizes = [1], strides = [1]} : vector<16xi32> to vector<1xi32>
        %parallel_loop3A_557 = vector.extract %parallel_loop3A_556[0] : i32 from vector<1xi32>
        %parallel_loop3A_558 = arith.constant 65535 : i32
        %parallel_loop3A_559 = arith.andi %parallel_loop3A_557, %parallel_loop3A_558 : i32
        %parallel_loop3A_560 = arith.constant 16 : i32
        %parallel_loop3A_561 = arith.shrsi %parallel_loop3A_557, %parallel_loop3A_560 : i32
        %parallel_loop3A_562 = arith.index_cast %parallel_loop3A_559 : i32 to index
        %parallel_loop3A_563 = arith.constant 0 : index
        %parallel_loop3A_564 = tpu.vector_load %arg5[%parallel_loop3A_562, %parallel_loop3A_563] {strides = array<i32>} : memref<2048x32xf32, #tpu.memory_space<vmem>>, vector<1x16xf32>,
        %parallel_loop3A_565 = vector.shape_cast %parallel_loop3A_564 : vector<1x16xf32> to vector<16xf32>
        %parallel_loop3A_566 = arith.index_cast %parallel_loop3A_561 : i32 to index
        %parallel_loop3A_567 = arith.constant 0 : index
        %parallel_loop3A_568 = tpu.vector_load %arg5[%parallel_loop3A_566, %parallel_loop3A_567] {strides = array<i32>} : memref<2048x32xf32, #tpu.memory_space<vmem>>, vector<1x16xf32>,
        %parallel_loop3A_569 = vector.shape_cast %parallel_loop3A_568 : vector<1x16xf32> to vector<16xf32>
        %parallel_loop3A_570 = arith.addf %parallel_loop3A_565, %parallel_loop3A_569 : vector<16xf32>
        %parallel_loop3A_571 = arith.constant 1 : i32
        %parallel_loop3A_572 = arith.index_cast %parallel_loop3A_571 : i32 to index
        %parallel_loop3A_573 = arith.index_cast %parallel_loop3A_555 : i32 to index
        %parallel_loop3A_574 = arith.constant 0 : index
        %parallel_loop3A_575 = tpu.vector_load %arg7[%parallel_loop3A_572, %parallel_loop3A_573, %parallel_loop3A_574] {strides = array<i32>} : memref<2x800x32xf32, #tpu.memory_space<vmem>>, vector<1x1x16xf32>,
        %parallel_loop3A_576 = vector.shape_cast %parallel_loop3A_575 : vector<1x1x16xf32> to vector<16xf32>
        %parallel_loop3A_577 = vector.shape_cast %parallel_loop3A_570 : vector<16xf32> to vector<1x1x16xf32>
        tpu.vector_store %arg7[%parallel_loop3A_572, %parallel_loop3A_573, %parallel_loop3A_574], %parallel_loop3A_577 {strides = array<i32>} : memref<2x800x32xf32, #tpu.memory_space<vmem>>, vector<1x1x16xf32>,
        %parallel_loop3A_578 = arith.index_cast %parallel_loop3A_559 : i32 to index
        %parallel_loop3A_579 = arith.constant 16 : index
        %parallel_loop3A_580 = tpu.vector_load %arg5[%parallel_loop3A_578, %parallel_loop3A_579] {strides = array<i32>} : memref<2048x32xf32, #tpu.memory_space<vmem>>, vector<1x16xf32>,
        %parallel_loop3A_581 = vector.shape_cast %parallel_loop3A_580 : vector<1x16xf32> to vector<16xf32>
        %parallel_loop3A_582 = arith.index_cast %parallel_loop3A_561 : i32 to index
        %parallel_loop3A_583 = arith.constant 16 : index
        %parallel_loop3A_584 = tpu.vector_load %arg5[%parallel_loop3A_582, %parallel_loop3A_583] {strides = array<i32>} : memref<2048x32xf32, #tpu.memory_space<vmem>>, vector<1x16xf32>,
        %parallel_loop3A_585 = vector.shape_cast %parallel_loop3A_584 : vector<1x16xf32> to vector<16xf32>
        %parallel_loop3A_586 = arith.addf %parallel_loop3A_581, %parallel_loop3A_585 : vector<16xf32>
        %parallel_loop3A_587 = arith.constant 1 : i32
        %parallel_loop3A_588 = arith.index_cast %parallel_loop3A_587 : i32 to index
        %parallel_loop3A_589 = arith.index_cast %parallel_loop3A_555 : i32 to index
        %parallel_loop3A_590 = arith.constant 16 : index
        %parallel_loop3A_591 = tpu.vector_load %arg7[%parallel_loop3A_588, %parallel_loop3A_589, %parallel_loop3A_590] {strides = array<i32>} : memref<2x800x32xf32, #tpu.memory_space<vmem>>, vector<1x1x16xf32>,
        %parallel_loop3A_592 = vector.shape_cast %parallel_loop3A_591 : vector<1x1x16xf32> to vector<16xf32>
        %parallel_loop3A_593 = vector.shape_cast %parallel_loop3A_586 : vector<16xf32> to vector<1x1x16xf32>
        tpu.vector_store %arg7[%parallel_loop3A_588, %parallel_loop3A_589, %parallel_loop3A_590], %parallel_loop3A_593 {strides = array<i32>} : memref<2x800x32xf32, #tpu.memory_space<vmem>>, vector<1x1x16xf32>,
        %parallel_loop3A_594 = arith.constant 16 : i32
        %parallel_loop3A_595 = arith.muli %parallel_loop3A_166, %parallel_loop3A_594 : i32
        %parallel_loop3A_596 = arith.constant 10 : i32
        %parallel_loop3A_597 = arith.addi %parallel_loop3A_595, %parallel_loop3A_596 : i32
        %parallel_loop3A_598 = vector.extract_strided_slice %parallel_loop3A_173 {offsets = [10], sizes = [1], strides = [1]} : vector<16xi32> to vector<1xi32>
        %parallel_loop3A_599 = vector.extract %parallel_loop3A_598[0] : i32 from vector<1xi32>
        %parallel_loop3A_600 = arith.constant 65535 : i32
        %parallel_loop3A_601 = arith.andi %parallel_loop3A_599, %parallel_loop3A_600 : i32
        %parallel_loop3A_602 = arith.constant 16 : i32
        %parallel_loop3A_603 = arith.shrsi %parallel_loop3A_599, %parallel_loop3A_602 : i32
        %parallel_loop3A_604 = arith.index_cast %parallel_loop3A_601 : i32 to index
        %parallel_loop3A_605 = arith.constant 0 : index
        %parallel_loop3A_606 = tpu.vector_load %arg5[%parallel_loop3A_604, %parallel_loop3A_605] {strides = array<i32>} : memref<2048x32xf32, #tpu.memory_space<vmem>>, vector<1x16xf32>,
        %parallel_loop3A_607 = vector.shape_cast %parallel_loop3A_606 : vector<1x16xf32> to vector<16xf32>
        %parallel_loop3A_608 = arith.index_cast %parallel_loop3A_603 : i32 to index
        %parallel_loop3A_609 = arith.constant 0 : index
        %parallel_loop3A_610 = tpu.vector_load %arg5[%parallel_loop3A_608, %parallel_loop3A_609] {strides = array<i32>} : memref<2048x32xf32, #tpu.memory_space<vmem>>, vector<1x16xf32>,
        %parallel_loop3A_611 = vector.shape_cast %parallel_loop3A_610 : vector<1x16xf32> to vector<16xf32>
        %parallel_loop3A_612 = arith.addf %parallel_loop3A_607, %parallel_loop3A_611 : vector<16xf32>
        %parallel_loop3A_613 = arith.constant 1 : i32
        %parallel_loop3A_614 = arith.index_cast %parallel_loop3A_613 : i32 to index
        %parallel_loop3A_615 = arith.index_cast %parallel_loop3A_597 : i32 to index
        %parallel_loop3A_616 = arith.constant 0 : index
        %parallel_loop3A_617 = tpu.vector_load %arg7[%parallel_loop3A_614, %parallel_loop3A_615, %parallel_loop3A_616] {strides = array<i32>} : memref<2x800x32xf32, #tpu.memory_space<vmem>>, vector<1x1x16xf32>,
        %parallel_loop3A_618 = vector.shape_cast %parallel_loop3A_617 : vector<1x1x16xf32> to vector<16xf32>
        %parallel_loop3A_619 = vector.shape_cast %parallel_loop3A_612 : vector<16xf32> to vector<1x1x16xf32>
        tpu.vector_store %arg7[%parallel_loop3A_614, %parallel_loop3A_615, %parallel_loop3A_616], %parallel_loop3A_619 {strides = array<i32>} : memref<2x800x32xf32, #tpu.memory_space<vmem>>, vector<1x1x16xf32>,
        %parallel_loop3A_620 = arith.index_cast %parallel_loop3A_601 : i32 to index
        %parallel_loop3A_621 = arith.constant 16 : index
        %parallel_loop3A_622 = tpu.vector_load %arg5[%parallel_loop3A_620, %parallel_loop3A_621] {strides = array<i32>} : memref<2048x32xf32, #tpu.memory_space<vmem>>, vector<1x16xf32>,
        %parallel_loop3A_623 = vector.shape_cast %parallel_loop3A_622 : vector<1x16xf32> to vector<16xf32>
        %parallel_loop3A_624 = arith.index_cast %parallel_loop3A_603 : i32 to index
        %parallel_loop3A_625 = arith.constant 16 : index
        %parallel_loop3A_626 = tpu.vector_load %arg5[%parallel_loop3A_624, %parallel_loop3A_625] {strides = array<i32>} : memref<2048x32xf32, #tpu.memory_space<vmem>>, vector<1x16xf32>,
        %parallel_loop3A_627 = vector.shape_cast %parallel_loop3A_626 : vector<1x16xf32> to vector<16xf32>
        %parallel_loop3A_628 = arith.addf %parallel_loop3A_623, %parallel_loop3A_627 : vector<16xf32>
        %parallel_loop3A_629 = arith.constant 1 : i32
        %parallel_loop3A_630 = arith.index_cast %parallel_loop3A_629 : i32 to index
        %parallel_loop3A_631 = arith.index_cast %parallel_loop3A_597 : i32 to index
        %parallel_loop3A_632 = arith.constant 16 : index
        %parallel_loop3A_633 = tpu.vector_load %arg7[%parallel_loop3A_630, %parallel_loop3A_631, %parallel_loop3A_632] {strides = array<i32>} : memref<2x800x32xf32, #tpu.memory_space<vmem>>, vector<1x1x16xf32>,
        %parallel_loop3A_634 = vector.shape_cast %parallel_loop3A_633 : vector<1x1x16xf32> to vector<16xf32>
        %parallel_loop3A_635 = vector.shape_cast %parallel_loop3A_628 : vector<16xf32> to vector<1x1x16xf32>
        tpu.vector_store %arg7[%parallel_loop3A_630, %parallel_loop3A_631, %parallel_loop3A_632], %parallel_loop3A_635 {strides = array<i32>} : memref<2x800x32xf32, #tpu.memory_space<vmem>>, vector<1x1x16xf32>,
        %parallel_loop3A_636 = arith.constant 16 : i32
        %parallel_loop3A_637 = arith.muli %parallel_loop3A_166, %parallel_loop3A_636 : i32
        %parallel_loop3A_638 = arith.constant 11 : i32
        %parallel_loop3A_639 = arith.addi %parallel_loop3A_637, %parallel_loop3A_638 : i32
        %parallel_loop3A_640 = vector.extract_strided_slice %parallel_loop3A_173 {offsets = [11], sizes = [1], strides = [1]} : vector<16xi32> to vector<1xi32>
        %parallel_loop3A_641 = vector.extract %parallel_loop3A_640[0] : i32 from vector<1xi32>
        %parallel_loop3A_642 = arith.constant 65535 : i32
        %parallel_loop3A_643 = arith.andi %parallel_loop3A_641, %parallel_loop3A_642 : i32
        %parallel_loop3A_644 = arith.constant 16 : i32
        %parallel_loop3A_645 = arith.shrsi %parallel_loop3A_641, %parallel_loop3A_644 : i32
        %parallel_loop3A_646 = arith.index_cast %parallel_loop3A_643 : i32 to index
        %parallel_loop3A_647 = arith.constant 0 : index
        %parallel_loop3A_648 = tpu.vector_load %arg5[%parallel_loop3A_646, %parallel_loop3A_647] {strides = array<i32>} : memref<2048x32xf32, #tpu.memory_space<vmem>>, vector<1x16xf32>,
        %parallel_loop3A_649 = vector.shape_cast %parallel_loop3A_648 : vector<1x16xf32> to vector<16xf32>
        %parallel_loop3A_650 = arith.index_cast %parallel_loop3A_645 : i32 to index
        %parallel_loop3A_651 = arith.constant 0 : index
        %parallel_loop3A_652 = tpu.vector_load %arg5[%parallel_loop3A_650, %parallel_loop3A_651] {strides = array<i32>} : memref<2048x32xf32, #tpu.memory_space<vmem>>, vector<1x16xf32>,
        %parallel_loop3A_653 = vector.shape_cast %parallel_loop3A_652 : vector<1x16xf32> to vector<16xf32>
        %parallel_loop3A_654 = arith.addf %parallel_loop3A_649, %parallel_loop3A_653 : vector<16xf32>
        %parallel_loop3A_655 = arith.constant 1 : i32
        %parallel_loop3A_656 = arith.index_cast %parallel_loop3A_655 : i32 to index
        %parallel_loop3A_657 = arith.index_cast %parallel_loop3A_639 : i32 to index
        %parallel_loop3A_658 = arith.constant 0 : index
        %parallel_loop3A_659 = tpu.vector_load %arg7[%parallel_loop3A_656, %parallel_loop3A_657, %parallel_loop3A_658] {strides = array<i32>} : memref<2x800x32xf32, #tpu.memory_space<vmem>>, vector<1x1x16xf32>,
        %parallel_loop3A_660 = vector.shape_cast %parallel_loop3A_659 : vector<1x1x16xf32> to vector<16xf32>
        %parallel_loop3A_661 = vector.shape_cast %parallel_loop3A_654 : vector<16xf32> to vector<1x1x16xf32>
        tpu.vector_store %arg7[%parallel_loop3A_656, %parallel_loop3A_657, %parallel_loop3A_658], %parallel_loop3A_661 {strides = array<i32>} : memref<2x800x32xf32, #tpu.memory_space<vmem>>, vector<1x1x16xf32>,
        %parallel_loop3A_662 = arith.index_cast %parallel_loop3A_643 : i32 to index
        %parallel_loop3A_663 = arith.constant 16 : index
        %parallel_loop3A_664 = tpu.vector_load %arg5[%parallel_loop3A_662, %parallel_loop3A_663] {strides = array<i32>} : memref<2048x32xf32, #tpu.memory_space<vmem>>, vector<1x16xf32>,
        %parallel_loop3A_665 = vector.shape_cast %parallel_loop3A_664 : vector<1x16xf32> to vector<16xf32>
        %parallel_loop3A_666 = arith.index_cast %parallel_loop3A_645 : i32 to index
        %parallel_loop3A_667 = arith.constant 16 : index
        %parallel_loop3A_668 = tpu.vector_load %arg5[%parallel_loop3A_666, %parallel_loop3A_667] {strides = array<i32>} : memref<2048x32xf32, #tpu.memory_space<vmem>>, vector<1x16xf32>,
        %parallel_loop3A_669 = vector.shape_cast %parallel_loop3A_668 : vector<1x16xf32> to vector<16xf32>
        %parallel_loop3A_670 = arith.addf %parallel_loop3A_665, %parallel_loop3A_669 : vector<16xf32>
        %parallel_loop3A_671 = arith.constant 1 : i32
        %parallel_loop3A_672 = arith.index_cast %parallel_loop3A_671 : i32 to index
        %parallel_loop3A_673 = arith.index_cast %parallel_loop3A_639 : i32 to index
        %parallel_loop3A_674 = arith.constant 16 : index
        %parallel_loop3A_675 = tpu.vector_load %arg7[%parallel_loop3A_672, %parallel_loop3A_673, %parallel_loop3A_674] {strides = array<i32>} : memref<2x800x32xf32, #tpu.memory_space<vmem>>, vector<1x1x16xf32>,
        %parallel_loop3A_676 = vector.shape_cast %parallel_loop3A_675 : vector<1x1x16xf32> to vector<16xf32>
        %parallel_loop3A_677 = vector.shape_cast %parallel_loop3A_670 : vector<16xf32> to vector<1x1x16xf32>
        tpu.vector_store %arg7[%parallel_loop3A_672, %parallel_loop3A_673, %parallel_loop3A_674], %parallel_loop3A_677 {strides = array<i32>} : memref<2x800x32xf32, #tpu.memory_space<vmem>>, vector<1x1x16xf32>,
        %parallel_loop3A_678 = arith.constant 16 : i32
        %parallel_loop3A_679 = arith.muli %parallel_loop3A_166, %parallel_loop3A_678 : i32
        %parallel_loop3A_680 = arith.constant 12 : i32
        %parallel_loop3A_681 = arith.addi %parallel_loop3A_679, %parallel_loop3A_680 : i32
        %parallel_loop3A_682 = vector.extract_strided_slice %parallel_loop3A_173 {offsets = [12], sizes = [1], strides = [1]} : vector<16xi32> to vector<1xi32>
        %parallel_loop3A_683 = vector.extract %parallel_loop3A_682[0] : i32 from vector<1xi32>
        %parallel_loop3A_684 = arith.constant 65535 : i32
        %parallel_loop3A_685 = arith.andi %parallel_loop3A_683, %parallel_loop3A_684 : i32
        %parallel_loop3A_686 = arith.constant 16 : i32
        %parallel_loop3A_687 = arith.shrsi %parallel_loop3A_683, %parallel_loop3A_686 : i32
        %parallel_loop3A_688 = arith.index_cast %parallel_loop3A_685 : i32 to index
        %parallel_loop3A_689 = arith.constant 0 : index
        %parallel_loop3A_690 = tpu.vector_load %arg5[%parallel_loop3A_688, %parallel_loop3A_689] {strides = array<i32>} : memref<2048x32xf32, #tpu.memory_space<vmem>>, vector<1x16xf32>,
        %parallel_loop3A_691 = vector.shape_cast %parallel_loop3A_690 : vector<1x16xf32> to vector<16xf32>
        %parallel_loop3A_692 = arith.index_cast %parallel_loop3A_687 : i32 to index
        %parallel_loop3A_693 = arith.constant 0 : index
        %parallel_loop3A_694 = tpu.vector_load %arg5[%parallel_loop3A_692, %parallel_loop3A_693] {strides = array<i32>} : memref<2048x32xf32, #tpu.memory_space<vmem>>, vector<1x16xf32>,
        %parallel_loop3A_695 = vector.shape_cast %parallel_loop3A_694 : vector<1x16xf32> to vector<16xf32>
        %parallel_loop3A_696 = arith.addf %parallel_loop3A_691, %parallel_loop3A_695 : vector<16xf32>
        %parallel_loop3A_697 = arith.constant 1 : i32
        %parallel_loop3A_698 = arith.index_cast %parallel_loop3A_697 : i32 to index
        %parallel_loop3A_699 = arith.index_cast %parallel_loop3A_681 : i32 to index
        %parallel_loop3A_700 = arith.constant 0 : index
        %parallel_loop3A_701 = tpu.vector_load %arg7[%parallel_loop3A_698, %parallel_loop3A_699, %parallel_loop3A_700] {strides = array<i32>} : memref<2x800x32xf32, #tpu.memory_space<vmem>>, vector<1x1x16xf32>,
        %parallel_loop3A_702 = vector.shape_cast %parallel_loop3A_701 : vector<1x1x16xf32> to vector<16xf32>
        %parallel_loop3A_703 = vector.shape_cast %parallel_loop3A_696 : vector<16xf32> to vector<1x1x16xf32>
        tpu.vector_store %arg7[%parallel_loop3A_698, %parallel_loop3A_699, %parallel_loop3A_700], %parallel_loop3A_703 {strides = array<i32>} : memref<2x800x32xf32, #tpu.memory_space<vmem>>, vector<1x1x16xf32>,
        %parallel_loop3A_704 = arith.index_cast %parallel_loop3A_685 : i32 to index
        %parallel_loop3A_705 = arith.constant 16 : index
        %parallel_loop3A_706 = tpu.vector_load %arg5[%parallel_loop3A_704, %parallel_loop3A_705] {strides = array<i32>} : memref<2048x32xf32, #tpu.memory_space<vmem>>, vector<1x16xf32>,
        %parallel_loop3A_707 = vector.shape_cast %parallel_loop3A_706 : vector<1x16xf32> to vector<16xf32>
        %parallel_loop3A_708 = arith.index_cast %parallel_loop3A_687 : i32 to index
        %parallel_loop3A_709 = arith.constant 16 : index
        %parallel_loop3A_710 = tpu.vector_load %arg5[%parallel_loop3A_708, %parallel_loop3A_709] {strides = array<i32>} : memref<2048x32xf32, #tpu.memory_space<vmem>>, vector<1x16xf32>,
        %parallel_loop3A_711 = vector.shape_cast %parallel_loop3A_710 : vector<1x16xf32> to vector<16xf32>
        %parallel_loop3A_712 = arith.addf %parallel_loop3A_707, %parallel_loop3A_711 : vector<16xf32>
        %parallel_loop3A_713 = arith.constant 1 : i32
        %parallel_loop3A_714 = arith.index_cast %parallel_loop3A_713 : i32 to index
        %parallel_loop3A_715 = arith.index_cast %parallel_loop3A_681 : i32 to index
        %parallel_loop3A_716 = arith.constant 16 : index
        %parallel_loop3A_717 = tpu.vector_load %arg7[%parallel_loop3A_714, %parallel_loop3A_715, %parallel_loop3A_716] {strides = array<i32>} : memref<2x800x32xf32, #tpu.memory_space<vmem>>, vector<1x1x16xf32>,
        %parallel_loop3A_718 = vector.shape_cast %parallel_loop3A_717 : vector<1x1x16xf32> to vector<16xf32>
        %parallel_loop3A_719 = vector.shape_cast %parallel_loop3A_712 : vector<16xf32> to vector<1x1x16xf32>
        tpu.vector_store %arg7[%parallel_loop3A_714, %parallel_loop3A_715, %parallel_loop3A_716], %parallel_loop3A_719 {strides = array<i32>} : memref<2x800x32xf32, #tpu.memory_space<vmem>>, vector<1x1x16xf32>,
        %parallel_loop3A_720 = arith.constant 16 : i32
        %parallel_loop3A_721 = arith.muli %parallel_loop3A_166, %parallel_loop3A_720 : i32
        %parallel_loop3A_722 = arith.constant 13 : i32
        %parallel_loop3A_723 = arith.addi %parallel_loop3A_721, %parallel_loop3A_722 : i32
        %parallel_loop3A_724 = vector.extract_strided_slice %parallel_loop3A_173 {offsets = [13], sizes = [1], strides = [1]} : vector<16xi32> to vector<1xi32>
        %parallel_loop3A_725 = vector.extract %parallel_loop3A_724[0] : i32 from vector<1xi32>
        %parallel_loop3A_726 = arith.constant 65535 : i32
        %parallel_loop3A_727 = arith.andi %parallel_loop3A_725, %parallel_loop3A_726 : i32
        %parallel_loop3A_728 = arith.constant 16 : i32
        %parallel_loop3A_729 = arith.shrsi %parallel_loop3A_725, %parallel_loop3A_728 : i32
        %parallel_loop3A_730 = arith.index_cast %parallel_loop3A_727 : i32 to index
        %parallel_loop3A_731 = arith.constant 0 : index
        %parallel_loop3A_732 = tpu.vector_load %arg5[%parallel_loop3A_730, %parallel_loop3A_731] {strides = array<i32>} : memref<2048x32xf32, #tpu.memory_space<vmem>>, vector<1x16xf32>,
        %parallel_loop3A_733 = vector.shape_cast %parallel_loop3A_732 : vector<1x16xf32> to vector<16xf32>
        %parallel_loop3A_734 = arith.index_cast %parallel_loop3A_729 : i32 to index
        %parallel_loop3A_735 = arith.constant 0 : index
        %parallel_loop3A_736 = tpu.vector_load %arg5[%parallel_loop3A_734, %parallel_loop3A_735] {strides = array<i32>} : memref<2048x32xf32, #tpu.memory_space<vmem>>, vector<1x16xf32>,
        %parallel_loop3A_737 = vector.shape_cast %parallel_loop3A_736 : vector<1x16xf32> to vector<16xf32>
        %parallel_loop3A_738 = arith.addf %parallel_loop3A_733, %parallel_loop3A_737 : vector<16xf32>
        %parallel_loop3A_739 = arith.constant 1 : i32
        %parallel_loop3A_740 = arith.index_cast %parallel_loop3A_739 : i32 to index
        %parallel_loop3A_741 = arith.index_cast %parallel_loop3A_723 : i32 to index
        %parallel_loop3A_742 = arith.constant 0 : index
        %parallel_loop3A_743 = tpu.vector_load %arg7[%parallel_loop3A_740, %parallel_loop3A_741, %parallel_loop3A_742] {strides = array<i32>} : memref<2x800x32xf32, #tpu.memory_space<vmem>>, vector<1x1x16xf32>,
        %parallel_loop3A_744 = vector.shape_cast %parallel_loop3A_743 : vector<1x1x16xf32> to vector<16xf32>
        %parallel_loop3A_745 = vector.shape_cast %parallel_loop3A_738 : vector<16xf32> to vector<1x1x16xf32>
        tpu.vector_store %arg7[%parallel_loop3A_740, %parallel_loop3A_741, %parallel_loop3A_742], %parallel_loop3A_745 {strides = array<i32>} : memref<2x800x32xf32, #tpu.memory_space<vmem>>, vector<1x1x16xf32>,
        %parallel_loop3A_746 = arith.index_cast %parallel_loop3A_727 : i32 to index
        %parallel_loop3A_747 = arith.constant 16 : index
        %parallel_loop3A_748 = tpu.vector_load %arg5[%parallel_loop3A_746, %parallel_loop3A_747] {strides = array<i32>} : memref<2048x32xf32, #tpu.memory_space<vmem>>, vector<1x16xf32>,
        %parallel_loop3A_749 = vector.shape_cast %parallel_loop3A_748 : vector<1x16xf32> to vector<16xf32>
        %parallel_loop3A_750 = arith.index_cast %parallel_loop3A_729 : i32 to index
        %parallel_loop3A_751 = arith.constant 16 : index
        %parallel_loop3A_752 = tpu.vector_load %arg5[%parallel_loop3A_750, %parallel_loop3A_751] {strides = array<i32>} : memref<2048x32xf32, #tpu.memory_space<vmem>>, vector<1x16xf32>,
        %parallel_loop3A_753 = vector.shape_cast %parallel_loop3A_752 : vector<1x16xf32> to vector<16xf32>
        %parallel_loop3A_754 = arith.addf %parallel_loop3A_749, %parallel_loop3A_753 : vector<16xf32>
        %parallel_loop3A_755 = arith.constant 1 : i32
        %parallel_loop3A_756 = arith.index_cast %parallel_loop3A_755 : i32 to index
        %parallel_loop3A_757 = arith.index_cast %parallel_loop3A_723 : i32 to index
        %parallel_loop3A_758 = arith.constant 16 : index
        %parallel_loop3A_759 = tpu.vector_load %arg7[%parallel_loop3A_756, %parallel_loop3A_757, %parallel_loop3A_758] {strides = array<i32>} : memref<2x800x32xf32, #tpu.memory_space<vmem>>, vector<1x1x16xf32>,
        %parallel_loop3A_760 = vector.shape_cast %parallel_loop3A_759 : vector<1x1x16xf32> to vector<16xf32>
        %parallel_loop3A_761 = vector.shape_cast %parallel_loop3A_754 : vector<16xf32> to vector<1x1x16xf32>
        tpu.vector_store %arg7[%parallel_loop3A_756, %parallel_loop3A_757, %parallel_loop3A_758], %parallel_loop3A_761 {strides = array<i32>} : memref<2x800x32xf32, #tpu.memory_space<vmem>>, vector<1x1x16xf32>,
        %parallel_loop3A_762 = arith.constant 16 : i32
        %parallel_loop3A_763 = arith.muli %parallel_loop3A_166, %parallel_loop3A_762 : i32
        %parallel_loop3A_764 = arith.constant 14 : i32
        %parallel_loop3A_765 = arith.addi %parallel_loop3A_763, %parallel_loop3A_764 : i32
        %parallel_loop3A_766 = vector.extract_strided_slice %parallel_loop3A_173 {offsets = [14], sizes = [1], strides = [1]} : vector<16xi32> to vector<1xi32>
        %parallel_loop3A_767 = vector.extract %parallel_loop3A_766[0] : i32 from vector<1xi32>
        %parallel_loop3A_768 = arith.constant 65535 : i32
        %parallel_loop3A_769 = arith.andi %parallel_loop3A_767, %parallel_loop3A_768 : i32
        %parallel_loop3A_770 = arith.constant 16 : i32
        %parallel_loop3A_771 = arith.shrsi %parallel_loop3A_767, %parallel_loop3A_770 : i32
        %parallel_loop3A_772 = arith.index_cast %parallel_loop3A_769 : i32 to index
        %parallel_loop3A_773 = arith.constant 0 : index
        %parallel_loop3A_774 = tpu.vector_load %arg5[%parallel_loop3A_772, %parallel_loop3A_773] {strides = array<i32>} : memref<2048x32xf32, #tpu.memory_space<vmem>>, vector<1x16xf32>,
        %parallel_loop3A_775 = vector.shape_cast %parallel_loop3A_774 : vector<1x16xf32> to vector<16xf32>
        %parallel_loop3A_776 = arith.index_cast %parallel_loop3A_771 : i32 to index
        %parallel_loop3A_777 = arith.constant 0 : index
        %parallel_loop3A_778 = tpu.vector_load %arg5[%parallel_loop3A_776, %parallel_loop3A_777] {strides = array<i32>} : memref<2048x32xf32, #tpu.memory_space<vmem>>, vector<1x16xf32>,
        %parallel_loop3A_779 = vector.shape_cast %parallel_loop3A_778 : vector<1x16xf32> to vector<16xf32>
        %parallel_loop3A_780 = arith.addf %parallel_loop3A_775, %parallel_loop3A_779 : vector<16xf32>
        %parallel_loop3A_781 = arith.constant 1 : i32
        %parallel_loop3A_782 = arith.index_cast %parallel_loop3A_781 : i32 to index
        %parallel_loop3A_783 = arith.index_cast %parallel_loop3A_765 : i32 to index
        %parallel_loop3A_784 = arith.constant 0 : index
        %parallel_loop3A_785 = tpu.vector_load %arg7[%parallel_loop3A_782, %parallel_loop3A_783, %parallel_loop3A_784] {strides = array<i32>} : memref<2x800x32xf32, #tpu.memory_space<vmem>>, vector<1x1x16xf32>,
        %parallel_loop3A_786 = vector.shape_cast %parallel_loop3A_785 : vector<1x1x16xf32> to vector<16xf32>
        %parallel_loop3A_787 = vector.shape_cast %parallel_loop3A_780 : vector<16xf32> to vector<1x1x16xf32>
        tpu.vector_store %arg7[%parallel_loop3A_782, %parallel_loop3A_783, %parallel_loop3A_784], %parallel_loop3A_787 {strides = array<i32>} : memref<2x800x32xf32, #tpu.memory_space<vmem>>, vector<1x1x16xf32>,
        %parallel_loop3A_788 = arith.index_cast %parallel_loop3A_769 : i32 to index
        %parallel_loop3A_789 = arith.constant 16 : index
        %parallel_loop3A_790 = tpu.vector_load %arg5[%parallel_loop3A_788, %parallel_loop3A_789] {strides = array<i32>} : memref<2048x32xf32, #tpu.memory_space<vmem>>, vector<1x16xf32>,
        %parallel_loop3A_791 = vector.shape_cast %parallel_loop3A_790 : vector<1x16xf32> to vector<16xf32>
        %parallel_loop3A_792 = arith.index_cast %parallel_loop3A_771 : i32 to index
        %parallel_loop3A_793 = arith.constant 16 : index
        %parallel_loop3A_794 = tpu.vector_load %arg5[%parallel_loop3A_792, %parallel_loop3A_793] {strides = array<i32>} : memref<2048x32xf32, #tpu.memory_space<vmem>>, vector<1x16xf32>,
        %parallel_loop3A_795 = vector.shape_cast %parallel_loop3A_794 : vector<1x16xf32> to vector<16xf32>
        %parallel_loop3A_796 = arith.addf %parallel_loop3A_791, %parallel_loop3A_795 : vector<16xf32>
        %parallel_loop3A_797 = arith.constant 1 : i32
        %parallel_loop3A_798 = arith.index_cast %parallel_loop3A_797 : i32 to index
        %parallel_loop3A_799 = arith.index_cast %parallel_loop3A_765 : i32 to index
        %parallel_loop3A_800 = arith.constant 16 : index
        %parallel_loop3A_801 = tpu.vector_load %arg7[%parallel_loop3A_798, %parallel_loop3A_799, %parallel_loop3A_800] {strides = array<i32>} : memref<2x800x32xf32, #tpu.memory_space<vmem>>, vector<1x1x16xf32>,
        %parallel_loop3A_802 = vector.shape_cast %parallel_loop3A_801 : vector<1x1x16xf32> to vector<16xf32>
        %parallel_loop3A_803 = vector.shape_cast %parallel_loop3A_796 : vector<16xf32> to vector<1x1x16xf32>
        tpu.vector_store %arg7[%parallel_loop3A_798, %parallel_loop3A_799, %parallel_loop3A_800], %parallel_loop3A_803 {strides = array<i32>} : memref<2x800x32xf32, #tpu.memory_space<vmem>>, vector<1x1x16xf32>,
        %parallel_loop3A_804 = arith.constant 16 : i32
        %parallel_loop3A_805 = arith.muli %parallel_loop3A_166, %parallel_loop3A_804 : i32
        %parallel_loop3A_806 = arith.constant 15 : i32
        %parallel_loop3A_807 = arith.addi %parallel_loop3A_805, %parallel_loop3A_806 : i32
        %parallel_loop3A_808 = vector.extract_strided_slice %parallel_loop3A_173 {offsets = [15], sizes = [1], strides = [1]} : vector<16xi32> to vector<1xi32>
        %parallel_loop3A_809 = vector.extract %parallel_loop3A_808[0] : i32 from vector<1xi32>
        %parallel_loop3A_810 = arith.constant 65535 : i32
        %parallel_loop3A_811 = arith.andi %parallel_loop3A_809, %parallel_loop3A_810 : i32
        %parallel_loop3A_812 = arith.constant 16 : i32
        %parallel_loop3A_813 = arith.shrsi %parallel_loop3A_809, %parallel_loop3A_812 : i32
        %parallel_loop3A_814 = arith.index_cast %parallel_loop3A_811 : i32 to index
        %parallel_loop3A_815 = arith.constant 0 : index
        %parallel_loop3A_816 = tpu.vector_load %arg5[%parallel_loop3A_814, %parallel_loop3A_815] {strides = array<i32>} : memref<2048x32xf32, #tpu.memory_space<vmem>>, vector<1x16xf32>,
        %parallel_loop3A_817 = vector.shape_cast %parallel_loop3A_816 : vector<1x16xf32> to vector<16xf32>
        %parallel_loop3A_818 = arith.index_cast %parallel_loop3A_813 : i32 to index
        %parallel_loop3A_819 = arith.constant 0 : index
        %parallel_loop3A_820 = tpu.vector_load %arg5[%parallel_loop3A_818, %parallel_loop3A_819] {strides = array<i32>} : memref<2048x32xf32, #tpu.memory_space<vmem>>, vector<1x16xf32>,
        %parallel_loop3A_821 = vector.shape_cast %parallel_loop3A_820 : vector<1x16xf32> to vector<16xf32>
        %parallel_loop3A_822 = arith.addf %parallel_loop3A_817, %parallel_loop3A_821 : vector<16xf32>
        %parallel_loop3A_823 = arith.constant 1 : i32
        %parallel_loop3A_824 = arith.index_cast %parallel_loop3A_823 : i32 to index
        %parallel_loop3A_825 = arith.index_cast %parallel_loop3A_807 : i32 to index
        %parallel_loop3A_826 = arith.constant 0 : index
        %parallel_loop3A_827 = tpu.vector_load %arg7[%parallel_loop3A_824, %parallel_loop3A_825, %parallel_loop3A_826] {strides = array<i32>} : memref<2x800x32xf32, #tpu.memory_space<vmem>>, vector<1x1x16xf32>,
        %parallel_loop3A_828 = vector.shape_cast %parallel_loop3A_827 : vector<1x1x16xf32> to vector<16xf32>
        %parallel_loop3A_829 = vector.shape_cast %parallel_loop3A_822 : vector<16xf32> to vector<1x1x16xf32>
        tpu.vector_store %arg7[%parallel_loop3A_824, %parallel_loop3A_825, %parallel_loop3A_826], %parallel_loop3A_829 {strides = array<i32>} : memref<2x800x32xf32, #tpu.memory_space<vmem>>, vector<1x1x16xf32>,
        %parallel_loop3A_830 = arith.index_cast %parallel_loop3A_811 : i32 to index
        %parallel_loop3A_831 = arith.constant 16 : index
        %parallel_loop3A_832 = tpu.vector_load %arg5[%parallel_loop3A_830, %parallel_loop3A_831] {strides = array<i32>} : memref<2048x32xf32, #tpu.memory_space<vmem>>, vector<1x16xf32>,
        %parallel_loop3A_833 = vector.shape_cast %parallel_loop3A_832 : vector<1x16xf32> to vector<16xf32>
        %parallel_loop3A_834 = arith.index_cast %parallel_loop3A_813 : i32 to index
        %parallel_loop3A_835 = arith.constant 16 : index
        %parallel_loop3A_836 = tpu.vector_load %arg5[%parallel_loop3A_834, %parallel_loop3A_835] {strides = array<i32>} : memref<2048x32xf32, #tpu.memory_space<vmem>>, vector<1x16xf32>,
        %parallel_loop3A_837 = vector.shape_cast %parallel_loop3A_836 : vector<1x16xf32> to vector<16xf32>
        %parallel_loop3A_838 = arith.addf %parallel_loop3A_833, %parallel_loop3A_837 : vector<16xf32>
        %parallel_loop3A_839 = arith.constant 1 : i32
        %parallel_loop3A_840 = arith.index_cast %parallel_loop3A_839 : i32 to index
        %parallel_loop3A_841 = arith.index_cast %parallel_loop3A_807 : i32 to index
        %parallel_loop3A_842 = arith.constant 16 : index
        %parallel_loop3A_843 = tpu.vector_load %arg7[%parallel_loop3A_840, %parallel_loop3A_841, %parallel_loop3A_842] {strides = array<i32>} : memref<2x800x32xf32, #tpu.memory_space<vmem>>, vector<1x1x16xf32>,
        %parallel_loop3A_844 = vector.shape_cast %parallel_loop3A_843 : vector<1x1x16xf32> to vector<16xf32>
        %parallel_loop3A_845 = vector.shape_cast %parallel_loop3A_838 : vector<16xf32> to vector<1x1x16xf32>
        tpu.vector_store %arg7[%parallel_loop3A_840, %parallel_loop3A_841, %parallel_loop3A_842], %parallel_loop3A_845 {strides = array<i32>} : memref<2x800x32xf32, #tpu.memory_space<vmem>>, vector<1x1x16xf32>,
      } {sc.loop_unroll_factor = 2 : i64, sc.parallel_access}
      %dma_start3A_148 = arith.constant 1 : i32
      %dma_start3A_149 = arith.constant 0 : i32
      %dma_start3A_150 = arith.constant 0 : i32
      %dma_start3A_151 = tpu.memref_slice %arg7[%dma_start3A_148, %dma_start3A_149, %dma_start3A_150] : memref<2x800x32xf32, #tpu.memory_space<vmem>> -> memref<1x800x32xf32, #tpu.memory_space<vmem>>
      %dma_start3A_152 = tpu.memref_squeeze %dma_start3A_151 : memref<1x800x32xf32, #tpu.memory_space<vmem>> -> memref<800x32xf32, #tpu.memory_space<vmem>>
      %dma_start3A_153 = tpu.memref_slice %arg4[%add3A_130, %mul3A_34] : memref<819200x128xf32, #tpu.memory_space<hbm>> -> memref<800x32xf32, #tpu.memory_space<hbm>>
      %dma_start3A_154 = tpu.memref_slice %arg4[%add3A_130, %mul3A_34] : memref<819200x128xf32, #tpu.memory_space<hbm>> -> memref<800x32xf32, #tpu.memory_space<hbm>>
      %dma_start3A_155 = arith.constant 0 : i32
      %dma_start3A_156 = arith.constant 0 : i32
      %dma_start3A_157 = tpu.memref_slice %arg7[%dma_start3A_148, %dma_start3A_155, %dma_start3A_156] : memref<2x800x32xf32, #tpu.memory_space<vmem>> -> memref<1x800x32xf32, #tpu.memory_space<vmem>>
      %dma_start3A_158 = tpu.memref_squeeze %dma_start3A_157 : memref<1x800x32xf32, #tpu.memory_space<vmem>> -> memref<800x32xf32, #tpu.memory_space<vmem>>
      tpu.enqueue_dma source(%dma_start3A_158 : memref<800x32xf32, #tpu.memory_space<vmem>>) target(%dma_start3A_154 : memref<800x32xf32, #tpu.memory_space<hbm>>) target_semaphore(%arg11 : memref<!tpu.dma_semaphore, #tpu.memory_space<semaphore_mem>>)
      %add3A_159 = arith.constant 2 : i32
      %add3A_160 = arith.addi %add3A_127, %add3A_159 : i32
      %lt3A_161 = arith.constant 128 : i32
      %lt3A_162 = arith.cmpi slt, %add3A_160, %lt3A_161 : i32
      %convert_element_type3A_163 = arith.extui %lt3A_162 : i1 to i32
      %cond3A_164 = arith.constant 0 : i32
      %cond3A_165 = arith.cmpi ne, %convert_element_type3A_163, %cond3A_164 : i32
      scf.if %cond3A_165 {
        %add3A_166 = arith.constant 1600 : i32
        %add3A_167 = arith.addi %add3A_130, %add3A_166 : i32
        %dma_start3A_168 = arith.constant 1 : i32
        %dma_start3A_169 = arith.constant 0 : i32
        %dma_start3A_170 = tpu.memref_slice %arg6[%dma_start3A_168, %dma_start3A_169] : memref<2x800xi32, #tpu.memory_space<vmem>> -> memref<1x800xi32, #tpu.memory_space<vmem>>
        %dma_start3A_171 = tpu.memref_squeeze %dma_start3A_170 : memref<1x800xi32, #tpu.memory_space<vmem>> -> memref<800xi32, #tpu.memory_space<vmem>>
        %dma_start3A_172 = tpu.memref_slice %arg2[%add3A_167] : memref<819200xi32, #tpu.memory_space<hbm>> -> memref<800xi32, #tpu.memory_space<hbm>>
        %dma_start3A_173 = arith.constant 0 : i32
        %dma_start3A_174 = tpu.memref_slice %arg6[%dma_start3A_168, %dma_start3A_173] : memref<2x800xi32, #tpu.memory_space<vmem>> -> memref<1x800xi32, #tpu.memory_space<vmem>>
        %dma_start3A_175 = tpu.memref_squeeze %dma_start3A_174 : memref<1x800xi32, #tpu.memory_space<vmem>> -> memref<800xi32, #tpu.memory_space<vmem>>
        %dma_start3A_176 = tpu.memref_slice %arg2[%add3A_167] : memref<819200xi32, #tpu.memory_space<hbm>> -> memref<800xi32, #tpu.memory_space<hbm>>
        tpu.enqueue_dma source(%dma_start3A_176 : memref<800xi32, #tpu.memory_space<hbm>>) target(%dma_start3A_175 : memref<800xi32, #tpu.memory_space<vmem>>) target_semaphore(%arg9 : memref<!tpu.dma_semaphore, #tpu.memory_space<semaphore_mem>>)
      } else {
      }
    }
    %scan3A_59 = arith.constant 64 : i32
    %add3A_60 = arith.constant 100800 : i32
    %add3A_61 = arith.addi %mul3A_32, %add3A_60 : i32
    %dma_wait3A = arith.constant 0 : i32
    %dma_wait3A_62 = arith.constant 0 : i32
    %dma_wait3A_63 = arith.constant 0 : i32
    %dma_wait3A_64 = tpu.memref_slice %arg7[%dma_wait3A, %dma_wait3A_62, %dma_wait3A_63] : memref<2x800x32xf32, #tpu.memory_space<vmem>> -> memref<1x800x32xf32, #tpu.memory_space<vmem>>
    %dma_wait3A_65 = tpu.memref_squeeze %dma_wait3A_64 : memref<1x800x32xf32, #tpu.memory_space<vmem>> -> memref<800x32xf32, #tpu.memory_space<vmem>>
    %dma_wait3A_66 = tpu.memref_slice %arg4[%add3A_61, %mul3A_34] : memref<819200x128xf32, #tpu.memory_space<hbm>> -> memref<800x32xf32, #tpu.memory_space<hbm>>
    %dma_wait3A_67 = tpu.memref_slice %arg4[%add3A_61, %mul3A_34] : memref<819200x128xf32, #tpu.memory_space<hbm>> -> memref<800x32xf32, #tpu.memory_space<hbm>>
    %dma_wait3A_68 = arith.constant 0 : i32
    %dma_wait3A_69 = arith.constant 0 : i32
    %dma_wait3A_70 = tpu.memref_slice %arg7[%dma_wait3A, %dma_wait3A_68, %dma_wait3A_69] : memref<2x800x32xf32, #tpu.memory_space<vmem>> -> memref<1x800x32xf32, #tpu.memory_space<vmem>>
    %dma_wait3A_71 = tpu.memref_squeeze %dma_wait3A_70 : memref<1x800x32xf32, #tpu.memory_space<vmem>> -> memref<800x32xf32, #tpu.memory_space<vmem>>
    tpu.wait_dma2 semaphore(%arg10 : memref<!tpu.dma_semaphore, #tpu.memory_space<semaphore_mem>>) src(%dma_wait3A_71 : memref<800x32xf32, #tpu.memory_space<vmem>>) dst(%dma_wait3A_67 : memref<800x32xf32, #tpu.memory_space<hbm>>)
    %add3A_72 = arith.constant 101600 : i32
    %add3A_73 = arith.addi %mul3A_32, %add3A_72 : i32
    %dma_wait3A_74 = arith.constant 1 : i32
    %dma_wait3A_75 = arith.constant 0 : i32
    %dma_wait3A_76 = arith.constant 0 : i32
    %dma_wait3A_77 = tpu.memref_slice %arg7[%dma_wait3A_74, %dma_wait3A_75, %dma_wait3A_76] : memref<2x800x32xf32, #tpu.memory_space<vmem>> -> memref<1x800x32xf32, #tpu.memory_space<vmem>>
    %dma_wait3A_78 = tpu.memref_squeeze %dma_wait3A_77 : memref<1x800x32xf32, #tpu.memory_space<vmem>> -> memref<800x32xf32, #tpu.memory_space<vmem>>
    %dma_wait3A_79 = tpu.memref_slice %arg4[%add3A_73, %mul3A_34] : memref<819200x128xf32, #tpu.memory_space<hbm>> -> memref<800x32xf32, #tpu.memory_space<hbm>>
    %dma_wait3A_80 = tpu.memref_slice %arg4[%add3A_73, %mul3A_34] : memref<819200x128xf32, #tpu.memory_space<hbm>> -> memref<800x32xf32, #tpu.memory_space<hbm>>
    %dma_wait3A_81 = arith.constant 0 : i32
    %dma_wait3A_82 = arith.constant 0 : i32
    %dma_wait3A_83 = tpu.memref_slice %arg7[%dma_wait3A_74, %dma_wait3A_81, %dma_wait3A_82] : memref<2x800x32xf32, #tpu.memory_space<vmem>> -> memref<1x800x32xf32, #tpu.memory_space<vmem>>
    %dma_wait3A_84 = tpu.memref_squeeze %dma_wait3A_83 : memref<1x800x32xf32, #tpu.memory_space<vmem>> -> memref<800x32xf32, #tpu.memory_space<vmem>>
    tpu.wait_dma2 semaphore(%arg11 : memref<!tpu.dma_semaphore, #tpu.memory_space<semaphore_mem>>) src(%dma_wait3A_84 : memref<800x32xf32, #tpu.memory_space<vmem>>) dst(%dma_wait3A_80 : memref<800x32xf32, #tpu.memory_space<hbm>>)
    return
  }
}

</mosaic_0001>

<sc_bundles>
// kernel: kernel.3.cloned.1.call-start
scs
__scs_entry_jumppad:
0x0: {  	(pc) =	sbr.rel $0x88, $3  }
0x1: {  	(tag) =	ssettag $0x0;
	lr =	simm.s32 $0x1  }
0x2: {  	[smem:$0x3F9C] =	sst lr;
	_ =	strace $0xD0000000  }
0x3: {  	_ = 	snop  }
0x4: {  	_ = 	snop  }
0x5: {  	_ = 	snop  }
0x6: {  	_ = 	snop  }
0x7: {  	_ = 	snop  }
__scs_overlays_trampoline_lowered:
0x8: {  	[smem:$0x3FAB] =	sst s0  }
0x9: {  	[smem:$0x3FAC] =	sst s1  }
0xa: {  	[smem:$0x3FAD] =	sst s2  }
0xb: {  	[smem:$0x3FAE] =	sst s3  }
0xc: {  	[smem:$0x3FAF] =	sst s4  }
0xd: {  	[smem:$0x3FB0] =	sst s5  }
0xe: {  	[smem:$0x3FB1] =	sst s6  }
0xf: {  	[smem:$0x3FB2] =	sst s7  }
0x10: {  	[smem:$0x3FB3] =	sst s8  }
0x11: {  	[smem:$0x3FB4] =	sst s9;
	s0 =	simm.s32 @!p0 $0x0  }
0x12: {  	s1 =	sld [smem:$0x3F9A];
	s0 =	simm.s32 @p0 $0x1  }
0x13: {  	[smem:$0x3FB5] =	sst s0;
	s0 =	simm.s32 @!p1 $0x0  }
0x14: {  	s2 =	sld [smem:$0x3F99];
	s0 =	simm.s32 @p1 $0x1  }
0x15: {  	[smem:$0x3FB6] =	sst s0;
	s0 =	simm.s32 @!p2 $0x0  }
0x16: {  	s3 =	sld [smem:$0x3FDB];
	s0 =	simm.s32 @p2 $0x1  }
0x17: {  	s4 =	simm.s32 $0x1BF5;
	[smem:$0x3FB8] =	sst s0  }
0x18: {  	s0 =	sld [smem:$0x3F9B];
	_ =	swait.ge [sflag:s4], $0x0  }
0x19: {  	s7 =	sld [smem:$0x3F9C]  }
0x1a: {  	s8 =	sadd.s32 $0xFFFFE003, lr  }
0x1b: {  	s9 =	sadd.s32 $0xFFFFFEF7, lr;
	s5 =	simm.s32 $0xFFFFFFFF;
	p2 =	slt.u32 s8, $0xFFFFF086  }
0x1c: {  	p1 =	slt.u32 s9, $0xF7A;
	s5 =	simm.s32 @!p2 $0x0  }
0x1d: {  	s5 =	simm.s32 @p1 $0x1;
	p0 =	seq.s32 s7, s2  }
0x1e: {  	s7 =	smul.u32 @!p0 $0xF7A, s2;
	p2 =	seq.s32 @!p0 s5, $0x0  }
0x1f: {  	s9 =	smul.u32 $0xF7A, s1;
	s8 =	simm.s32 @!p0 $0x1BF5;
	p2 =	por !p2, p0  }
0x20: {  	[sflag:s8] =	ssyncset.s32 @!p0 $0xFFFFF086;
	s6 =	sadd.s32 @!p0 s3, s7;
	s7 =	simm.s32 @!p0 $0x108  }
0x21: {  	s3 =	sadd.s32 s3, s9;
	s6 =	sadd.s32 @!p0 $0x88, s6;
	s7 =	simm.s32 @p2 $0x1082  }
0x22: {  	[simem:s7], [sflag:s8] =	dma.local @!p0 [hbm:s6], $0xF7A  }
0x23: {  	s9 =	sor.u32 $0xD0000000, s2;
	s6 =	simm.s32 $0x108;
	_ =	swait.ge @!p0 [sflag:s8], $0x0  }
0x24: {  	s3 =	sadd.s32 $0x88, s3;
	s6 =	simm.s32 @!p1 $0x1082;
	[sflag:s4] =	ssyncset.s32 $0xFFFFF086  }
0x25: {  	[simem:s6], [sflag:s4] =	dma.local [hbm:s3], $0xF7A  }
0x26: {  	[smem:$0x3F9C] =	sst s1;
	(tag) =	ssettag s2;
	_ =	strace s9  }
0x27: {  	s1 =	sld [smem:$0x3FAC]  }
0x28: {  	s2 =	sld [smem:$0x3FAD]  }
0x29: {  	s4 =	sld [smem:$0x3FAF]  }
0x2a: {  	p0 =	seq.s32 s5, $0x0;
	s5 =	sld [smem:$0x3FB0]  }
0x2b: {  	s6 =	sld [smem:$0x3FB1]  }
0x2c: {  	s7 =	sld [smem:$0x3FB2]  }
0x2d: {  	s3 =	simm.s32 $0x108;
	s8 =	sld [smem:$0x3FB3]  }
0x2e: {  	s3 =	simm.s32 @!p0 $0x1082;
	s9 =	sld [smem:$0x3FB4]  }
0x2f: {  	lr =	sadd.s32 s0, s3;
	s0 =	sld [smem:$0x3FAB]  }
0x30: {  	s3 =	sld [smem:$0x3FAE]  }
0x31: {  	[smem:$0x3FB7] =	sst s10  }
0x32: {  	s10 =	sld [smem:$0x3FB5];
	_ =	sdelay $0x3  }
0x33: {  	p0 =	seq.s32 s10, $0x1;
	s10 =	sld [smem:$0x3FB7];
	_ =	sdelay $0x3  }
0x34: {  	[smem:$0x3FB7] =	sst s10  }
0x35: {  	s10 =	sld [smem:$0x3FB6];
	_ =	sdelay $0x3  }
0x36: {  	p1 =	seq.s32 s10, $0x1;
	s10 =	sld [smem:$0x3FB7];
	_ =	sdelay $0x3  }
0x37: {  	[smem:$0x3FB7] =	sst s10  }
0x38: {  	s10 =	sld [smem:$0x3FB8]  }
0x39: {  	_ = 	snop;
	(pc) =	sbr.ind lr, $3  }
0x3a: {  	_ = 	snop  }
0x3b: {  	_ = 	snop  }
0x3c: {  	p2 =	seq.s32 s10, $0x1;
	s10 =	sld [smem:$0x3FB7]  }
0x3d: {  	_ =	shalt  }
0x3e: {  	_ =	shalt  }
0x3f: {  	_ =	shalt  }
0x40: {  	_ =	shalt  }
0x41: {  	_ =	shalt  }
0x42: {  	_ =	shalt  }
0x43: {  	_ =	shalt  }
0x44: {  	_ =	shalt  }
0x45: {  	_ =	shalt  }
0x46: {  	_ =	shalt  }
0x47: {  	_ =	shalt  }
0x48: {  	_ =	shalt  }
0x49: {  	_ =	shalt  }
0x4a: {  	_ =	shalt  }
0x4b: {  	_ =	shalt  }
0x4c: {  	_ =	shalt  }
0x4d: {  	_ =	shalt  }
0x4e: {  	_ =	shalt  }
0x4f: {  	_ =	shalt  }
0x50: {  	_ =	shalt  }
0x51: {  	_ =	shalt  }
0x52: {  	_ =	shalt  }
0x53: {  	_ =	shalt  }
0x54: {  	_ =	shalt  }
0x55: {  	_ =	shalt  }
0x56: {  	_ =	shalt  }
0x57: {  	_ =	shalt  }
0x58: {  	_ =	shalt  }
0x59: {  	_ =	shalt  }
0x5a: {  	_ =	shalt  }
0x5b: {  	_ =	shalt  }
0x5c: {  	_ =	shalt  }
0x5d: {  	_ =	shalt  }
0x5e: {  	_ =	shalt  }
0x5f: {  	_ =	shalt  }
0x60: {  	_ =	shalt  }
0x61: {  	_ =	shalt  }
0x62: {  	_ =	shalt  }
0x63: {  	_ =	shalt  }
0x64: {  	_ =	shalt  }
0x65: {  	_ =	shalt  }
0x66: {  	_ =	shalt  }
0x67: {  	_ =	shalt  }
0x68: {  	_ =	shalt  }
0x69: {  	_ =	shalt  }
0x6a: {  	_ =	shalt  }
0x6b: {  	_ =	shalt  }
0x6c: {  	_ =	shalt  }
0x6d: {  	_ =	shalt  }
0x6e: {  	_ =	shalt  }
0x6f: {  	_ =	shalt  }
0x70: {  	_ =	shalt  }
0x71: {  	_ =	shalt  }
0x72: {  	_ =	shalt  }
0x73: {  	_ =	shalt  }
0x74: {  	_ =	shalt  }
0x75: {  	_ =	shalt  }
0x76: {  	_ =	shalt  }
0x77: {  	_ =	shalt  }
0x78: {  	_ =	shalt  }
0x79: {  	_ =	shalt  }
0x7a: {  	_ =	shalt  }
0x7b: {  	_ =	shalt  }
0x7c: {  	_ =	shalt  }
0x7d: {  	_ =	shalt  }
0x7e: {  	_ =	shalt  }
0x7f: {  	_ =	shalt  }
0x80: {  	_ =	shalt  }
0x81: {  	_ =	shalt  }
0x82: {  	_ =	shalt  }
0x83: {  	_ =	shalt  }
0x84: {  	_ =	shalt  }
0x85: {  	_ =	shalt  }
0x86: {  	_ =	shalt  }
0x87: {  	_ =	shalt  }
.Lfunc_end0:
.L_simem_size_0:
called_computation_lowered:
.L_overlay_start_0:
0x88: {  	s2 =	sld [smem:$0x3FD9]  }
0x89: {  	s3 =	sld [smem:$0x3FFE];
	_ =	sdelay $0x1  }
0x8a: {  	s1 =	srdreg.scid  }
0x8b: {  	s0 =	sand.u32 $0x1, s1  }
0x8c: {  	s17 =	sshll.u32 s0, $0xA;
	s2 =	sadd.s32 s3, s2  }
0x8d: {  	s2 =	sadd.s32 s2, s17  }
0x8e: {  	[smem:$0x3FC3] =	sst s2  }
0x8f: {  	_ = 	snop  }
0x90: {  	s2 =	sld [smem:$0x3FD0];
	(tm) =	ssettm $0x1  }
0x91: {  	s18 =	sld [smem:$0x3FFB];
	_ =	sdelay $0x3  }
0x92: {  	_ =	strace s18  }
0x93: {  	s3 =	sld [smem:$0x3FFC];
	_ =	sdelay $0x3  }
0x94: {  	_ =	strace s3  }
0x95: {  	s3 =	sld [smem:$0x3FFD];
	_ =	sdelay $0x3  }
0x96: {  	_ =	strace s3  }
0x97: {  	_ =	strace $0x8FFFFFFF  }
0x98: {  	s19 =	sld [smem:$0x3FDB];
	_ =	sdelay $0x1  }
0x99: {  	s4 =	simm.s32 $_scs_section_size  }
0x9a: {  	s5 =	simm.s32 $_size__tile_overlayer_lowered;
	s6 =	simm.s32 $_tile_overlayer_lowered  }
0x9b: {  	s22 =	simm.s32 $0x1BFF;
	s21 =	sshll.u32 s6, $0x1;
	s3 =	sadd.s32 s4, s19  }
0x9c: {  	s7 =	simm.s32 $0x0;
	s20 =	sshll.u32 s5, $0x1;
	s5 =	sadd.s32 s21, s3  }
0x9d: {  	[timem:s7], [sflag:s22] =	dma.local [hbm:s5], s20  }
0x9e: {  	_ =	swait.ge [sflag:s22], s20  }
0x9f: {  	s4 =	ssub.s32 $0x0, s20;
	[sflag:s22] =	ssyncset.done $0x0  }
0xa0: {  	[sflag:s22] =	ssyncadd.s32 s4;
	_ =	sdelay $0x1  }
0xa1: {  	s23 =	simm.s32 $0x1B8B  }
0xa2: {  	_ =	swait.ge [sflag:s23], $0x1  }
0xa3: {  	[sflag:s23] =	ssyncset.done $0x0  }
0xa4: {  	s25 =	simm.s32 $0x1B8E;
	s24 =	sld [smem:$0x3FFE];
	[sflag:s23] =	ssyncadd.s32 $0xFFFFFFFF  }
0xa5: {  	s26 =	simm.s32 $execute0_lowered;
	[smem:$0x3FD2] =	sst s25  }
0xa6: {  	s5 =	sshll.u32 s26, $0x1;
	_ =	strace $0x80000046;
	[dreg:$0x1] =	wrdreg $0xFFFFFFFF  }
0xa7: {  	s28 =	simm.s32 $_size_execute0_lowered;
	s3 =	sadd.s32 s3, s5;
	[dreg:$0x0] =	wrdreg $0x0  }
0xa8: {  	s5 =	sshll.u32 s28, $0x1;
	[dreg:$0x2] =	wrdreg s3  }
0xa9: {  	[dreg:$0x3] =	wrdreg s5  }
0xaa: {  	[dreg:$0x4] =	wrdreg $0xC0  }
0xab: {  	_ =	task [dreg:s7], $0x5FFFF  }
0xac: {  	[dreg:$0x1] =	wrdreg $0xFFFFFFFF  }
0xad: {  	[dreg:$0x0] =	wrdreg $0x60  }
0xae: {  	[dreg:$0x2] =	wrdreg s24  }
0xaf: {  	[dreg:$0x3] =	wrdreg s2  }
0xb0: {  	[dreg:$0x4] =	wrdreg $0x9  }
0xb1: {  	_ =	task.clear_ibuf [dreg:s7], $0x5FFFF;
	_ =	strace $0x90000046  }
0xb2: {  	s29 =	simm.s32 $0x9;
	_ =	strace $0x80000048  }
0xb3: {  	_ =	swait.ge [sflag:s29], $0x1  }
0xb4: {  	[sflag:s29] =	ssyncadd.s32 $0xFFFFFFFF  }
0xb5: {  	_ =	strace $0x90000048  }
0xb6: {  	_ =	sfence  }
0xb7: {  	s30 =	sld [smem:$0x0];
	_ =	sdelay $0x2  }
0xb8: {  	s31 =	sshll.u32 s1, $0xD;
	s1 =	sshrl.u32 s1, $0x2  }
0xb9: {  	s3 =	sand.u32 $0x4000, s31;
	s1 =	sadd.s32 s1, s30  }
0xba: {  	s0 =	sor.u32 s3, s0;
	s1 =	sshll.u32 s1, $0x11  }
0xbb: {  	s0 =	sor.u32 s1, s0  }
0xbc: {  	s0 =	sadd.s32 $0x8F2B, s0  }
0xbd: {  	[sflag:s0] =	ssyncadd.remote.s32 $0x1  }
0xbe: {  	_ =	sfence.sel $0xFFFF  }
0xbf: {  	[dreg:$0x0] =	wrdreg $0xFFFFFFFF;
	(pc) =	sbr.abs _section_cstart, $3  }
0xc0: {  	[dreg:$0x1] =	wrdreg $0xFFFFFFFF  }
0xc1: {  	_ =	task.clear_ibuf [dreg:s7], $0x2FFFF;
	_ =	strace $0x9FFFFFFF  }
0xc2: {  	(tm) =	ssettm $0x7FFFFFFF  }
0xc3: {  	_ =	shalt  }
tec
execute0_lowered:
.L_overlay_start_1:
0x0: {  	(tag) =	ssettag $0x1  }
0x1: {  	s0 =	rddreg [dreg:$0x0]  }
0x2: {  	s1 =	simm.s32 $0x0;
	s3 =	stileid.u32;
	s25 =	srdreg.scid  }
0x3: {  	[smem:$0x7FF] =	sst s1;
	s2 =	sshll.u32 s3, $0x1;
	s3 =	sshrl.u32 s3, $0x1  }
0x4: {  	s1 =	sand.u32 $0x1, s25;
	s6 =	sadd.s32 $0xE00, s0;
	s2 =	sand.u32 $0x2, s2  }
0x5: {  	s5 =	smul.u32 $0x19000, s3;
	_ =	strace $0x80000047;
	s2 =	sor.u32 s1, s2  }
0x6: {  	[smem:$0x7F6] =	sst s6;
	s1 =	ssub.s32 $0x2, s1;
	s26 =	sshll.u32 s2, $0x2  }
0x7: {  	s4 =	sshrl.u32 s5, $0x3;
	s2 =	sshll.u32 s2, $0x5;
	[smem:$0x7FB] =	sst s5  }
0x8: {  	s28 =	sshrl.u32 s1, $0x1;
	s30 =	sor.u32 $0x320, s5;
	[smem:$0x7F9] =	sst s2  }
.Ltmp0:
0x9: {  	s4 =	sadd.s32 s6, s4;
	[smem:$0x7FC] =	sst s30;
	(pc) =	sbr.rel .LBB2_1-.Ltmp0, $4  }
0xa: {  	s0 =	sadd.s32 s26, s0;
	[smem:$0x7F7] =	sst s4;
	s29 =	sadd.s32 $0x64, s4  }
0xb: {  	s1 =	ssub.s32 s1, s28;
	s0 =	sadd.s32 $0x19E00, s0;
	[smem:$0x7F8] =	sst s29  }
0xc: {  	s31 =	smax.u32 s1, $0x1;
	[smem:$0x7FA] =	sst s0  }
0xd: {  	s2 =	simm.s32 $0x0;
	[smem:$0x7FD] =	sst s31  }
.LBB2_8:
0xe: {  	s0 =	simm.s32 $0x3  }
0xf: {  	_ =	swait.ge [sflag:s0], $0x6400  }
0x10: {  	[sflag:s0] =	ssyncset.done $0x0  }
0x11: {  	s1 =	simm.s32 $0x4;
	[sflag:s0] =	ssyncadd.s32 $0xFFFF9C00  }
0x12: {  	_ =	swait.ge [sflag:s1], $0x6400  }
0x13: {  	s2 =	sld [smem:$0x7F5]  }
0x14: {  	s31 =	sld [smem:$0x7FD];
	_ =	sdelay $0x1  }
0x15: {  	s2 =	sadd.s32 $0x1, s2  }
0x16: {  	p0 =	sne.s32 s2, s31  }
.Ltmp1:
0x17: {  	_ = 	snop;
	(pc) =	sbr.rel @!p0 .LBB2_9-.Ltmp1, $3  }
0x18: {  	_ =	sdelay $0x1  }
0x19: {  	[sflag:s1] =	ssyncset.done $0x0  }
0x1a: {  	[sflag:s1] =	ssyncadd.s32 $0xFFFF9C00  }
.LBB2_1:
0x1b: {  	s1 =	sld [smem:$0x7F7]  }
0x1c: {  	[smem:$0x7F5] =	sst s2  }
0x1d: {  	s0 =	simm.s32 $0x0;
	s25 =	simm.s32 $0x10000;
	s26 =	sld [smem:$0x7F8]  }
0x1e: {  	[tilespmem:s25], [sflag:$0x1] =	stream.linear.gather [hbm4b:s1+s0], $0x320, $0x38;
	[tilespmem:$0x1CE40] =	vst v63  }
0x1f: {  	s28 =	simm.s32 $0x10320;
	s29 =	sld [smem:$0x7FA]  }
0x20: {  	[tilespmem:s28], [sflag:$0x2] =	stream.linear.gather [hbm4b:s26+s0], $0x320, $0x38;
	[tilespmem:$0x1CE40] =	vst v63  }
0x21: {  	s30 =	simm.s32 $0x20;
	s3 =	simm.s32 $0x80;
	s31 =	simm.s32 $0x5  }
0x22: {  	[tilespmem:s0], [sflag:$0x5] =	stream.strided.gather [hbm4b:s29+s30], $0x10000, s3, s30, $0x38;
	[tilespmem:$0x1CE40] =	vst v63  }
0x23: {  	_ =	swait.ge [sflag:s31], $0x10000  }
0x24: {  	[sflag:s31] =	ssyncset.done $0x0  }
0x25: {  	s1 =	simm.s32 $0x0;
	[sflag:s31] =	ssyncadd.s32 $0xFFFF0000  }
.LBB2_2:
0x26: {  	[smem:$0x7F2] =	sst s1;
	s0 =	simm.s32 $0x1  }
0x27: {  	_ =	swait.ge [sflag:s0], $0x320  }
0x28: {  	p0 =	seq.s32 s1, $0x0;
	[sflag:s0] =	ssyncset.done $0x0  }
0x29: {  	[sflag:s0] =	ssyncadd.s32 $0xFFFFFCE0;
	s0 =	simm.s32 @!p0 $0x3  }
0x2a: {  	_ =	swait.ge @!p0 [sflag:s0], $0x6400  }
0x2b: {  	[sflag:s0] =	ssyncset.done @!p0 $0x0  }
0x2c: {  	s12 =	simm.s32 $0x10010;
	[sflag:s0] =	ssyncadd.s32 @!p0 $0xFFFF9C00  }
0x2d: {  	v1 =	vld [tilespmem:s12+$0x0];
	_ =	sdelay $0x4  }
0x2e: {  	(v2sf) =	vpush v1, $0x0;
	_ =	sdelay $0x5  }
0x2f: {  	v0 =	vld [tilespmem:s12+$0xFFFFFFF0];
	_ =	sdelay $0x4  }
0x30: {  	(v2sf) =	vpush v0, $0x0  }
0x31: {  	(v2sf) =	vpush v0, $0x1  }
0x32: {  	(v2sf) =	vpush v0, $0x2  }
0x33: {  	(v2sf) =	vpush v0, $0x3  }
0x34: {  	(v2sf) =	vpush v0, $0x4;
	s13 =	spop (v2sf)  }
0x35: {  	(v2sf) =	vpush v0, $0x5;
	s14 =	sshll.u32 s13, $0x5  }
0x36: {  	(v2sf) =	vpush v0, $0x6;
	s0 =	sshra.s32 s13, $0xB;
	s1 =	sand.u32 $0x1FFFE0, s14  }
0x37: {  	(v2sf) =	vpush v1, $0x1;
	s0 =	sand.u32 $0xFFFFFFE0, s0;
	v2 =	vld [tilespmem:s1+$0x0]  }
0x38: {  	v3 =	vld [tilespmem:s0+$0x0];
	_ =	sdelay $0x4  }
0x39: {  	v2 =	vadd.f32 v3, v2  }
0x3a: {  	s25 =	simm.s32 $0x10840  }
0x3b: {  	s3 =	spop (v2sf);
	(v2sf) =	vpush v0, $0x7;
	[tilespmem:s25+$0x0] =	vst v2  }
0x3c: {  	s13 =	spop (v2sf);
	(v2sf) =	vpush v0, $0x8;
	v2 =	vld [tilespmem:s1+$0x10]  }
0x3d: {  	s12 =	spop (v2sf);
	(v2sf) =	vpush v0, $0x9;
	v3 =	vld [tilespmem:s0+$0x10]  }
0x3e: {  	s11 =	spop (v2sf);
	(v2sf) =	vpush v0, $0xA  }
0x3f: {  	s9 =	spop (v2sf);
	(v2sf) =	vpush v0, $0xB  }
0x40: {  	s7 =	spop (v2sf);
	(v2sf) =	vpush v0, $0xC  }
0x41: {  	s16 =	sshra.s32 s3, $0xB;
	s2 =	spop (v2sf);
	(v2sf) =	vpush v0, $0xD  }
0x42: {  	s15 =	sshll.u32 s3, $0x5;
	s4 =	sand.u32 $0xFFFFFFE0, s16;
	s17 =	spop (v2sf);
	(v2sf) =	vpush v0, $0xE;
	v2 =	vadd.f32 v3, v2  }
0x43: {  	v4 =	vld [tilespmem:s4+$0x0];
	s18 =	sshll.u32 s17, $0x5;
	(v2sf) =	vpush v0, $0xF;
	s0 =	sand.u32 $0x1FFFE0, s15  }
0x44: {  	s19 =	sshra.s32 s17, $0xB;
	s5 =	sand.u32 $0x1FFFE0, s18;
	v3 =	vld [tilespmem:s0+$0x0];
	[tilespmem:s25+$0x10] =	vst v2  }
0x45: {  	s3 =	sand.u32 $0xFFFFFFE0, s19;
	(v2sf) =	vpush v1, $0x2;
	v0 =	vld [tilespmem:s5+$0x0]  }
0x46: {  	v2 =	vld [tilespmem:s3+$0x0];
	_ =	sdelay $0x2  }
0x47: {  	v3 =	vadd.f32 v4, v3  }
0x48: {  	s1 =	spop (v2sf)  }
0x49: {  	s15 =	spop (v2sf);
	[tilespmem:s25+$0xFFFFFE00] =	vst v3;
	v0 =	vadd.f32 v2, v0  }
0x4a: {  	s10 =	spop (v2sf);
	v2 =	vld [tilespmem:s0+$0x10]  }
0x4b: {  	s8 =	spop (v2sf);
	v3 =	vld [tilespmem:s4+$0x10];
	[tilespmem:s25+$0x20] =	vst v0  }
0x4c: {  	v0 =	vld [tilespmem:s5+$0x10];
	s5 =	spop (v2sf)  }
0x4d: {  	v4 =	vld [tilespmem:s3+$0x10];
	s6 =	spop (v2sf)  }
0x4e: {  	s20 =	spop (v2sf)  }
0x4f: {  	[smem:$0x7E5] =	sst s20;
	s21 =	spop (v2sf)  }
0x50: {  	v2 =	vadd.f32 v3, v2;
	[smem:$0x7E6] =	sst s21;
	s22 =	spop (v2sf)  }
0x51: {  	s14 =	sshll.u32 s13, $0x5;
	[smem:$0x7E8] =	sst s22  }
0x52: {  	s13 =	sshra.s32 s13, $0xB;
	s14 =	sand.u32 $0x1FFFE0, s14;
	v0 =	vadd.f32 v4, v0;
	s16 =	spop (v2sf);
	[tilespmem:s25+$0xFFFFFE10] =	vst v2  }
0x53: {  	s13 =	sand.u32 $0xFFFFFFE0, s13;
	s17 =	sshll.u32 s16, $0x5;
	v2 =	vld [tilespmem:s14+$0x0]  }
0x54: {  	s16 =	sshra.s32 s16, $0xB;
	v3 =	vld [tilespmem:s13+$0x0];
	[tilespmem:s25+$0x30] =	vst v0;
	s17 =	sand.u32 $0x1FFFE0, s17  }
0x55: {  	(v2sf) =	vpush v1, $0x3;
	s16 =	sand.u32 $0xFFFFFFE0, s16;
	v0 =	vld [tilespmem:s17+$0x0]  }
0x56: {  	v4 =	vld [tilespmem:s16+$0x0];
	_ =	sdelay $0x2  }
0x57: {  	v2 =	vadd.f32 v3, v2;
	_ =	sdelay $0x1  }
0x58: {  	v0 =	vadd.f32 v4, v0;
	[tilespmem:s25+$0xFFFFFE20] =	vst v2  }
0x59: {  	v2 =	vld [tilespmem:s14+$0x10]  }
0x5a: {  	v3 =	vld [tilespmem:s13+$0x10];
	[tilespmem:s25+$0x40] =	vst v0  }
0x5b: {  	v0 =	vld [tilespmem:s17+$0x10]  }
0x5c: {  	v4 =	vld [tilespmem:s16+$0x10];
	_ =	sdelay $0x2  }
0x5d: {  	v2 =	vadd.f32 v3, v2  }
0x5e: {  	s23 =	sshll.u32 s12, $0x5  }
0x5f: {  	s12 =	sshra.s32 s12, $0xB;
	s24 =	spop (v2sf);
	s13 =	sand.u32 $0x1FFFE0, s23;
	v0 =	vadd.f32 v4, v0;
	[tilespmem:s25+$0xFFFFFE30] =	vst v2  }
0x60: {  	s12 =	sand.u32 $0xFFFFFFE0, s12;
	s26 =	sshll.u32 s24, $0x5;
	v2 =	vld [tilespmem:s13+$0x0]  }
0x61: {  	s14 =	sshra.s32 s24, $0xB;
	s16 =	sand.u32 $0x1FFFE0, s26;
	v3 =	vld [tilespmem:s12+$0x0];
	[tilespmem:s25+$0x50] =	vst v0  }
0x62: {  	(v2sf) =	vpush v1, $0x4;
	s14 =	sand.u32 $0xFFFFFFE0, s14;
	v0 =	vld [tilespmem:s16+$0x0]  }
0x63: {  	v4 =	vld [tilespmem:s14+$0x0];
	_ =	sdelay $0x2  }
0x64: {  	v2 =	vadd.f32 v3, v2;
	_ =	sdelay $0x1  }
0x65: {  	v0 =	vadd.f32 v4, v0;
	[tilespmem:s25+$0xFFFFFE40] =	vst v2  }
0x66: {  	v2 =	vld [tilespmem:s13+$0x10]  }
0x67: {  	v3 =	vld [tilespmem:s12+$0x10];
	[tilespmem:s25+$0x60] =	vst v0  }
0x68: {  	v0 =	vld [tilespmem:s16+$0x10]  }
0x69: {  	v4 =	vld [tilespmem:s14+$0x10];
	_ =	sdelay $0x2  }
0x6a: {  	v2 =	vadd.f32 v3, v2  }
0x6b: {  	s0 =	sshll.u32 s11, $0x5  }
0x6c: {  	s11 =	sshra.s32 s11, $0xB;
	s3 =	spop (v2sf);
	s12 =	sand.u32 $0x1FFFE0, s0;
	v0 =	vadd.f32 v4, v0;
	[tilespmem:s25+$0xFFFFFE50] =	vst v2  }
0x6d: {  	s11 =	sand.u32 $0xFFFFFFE0, s11;
	s4 =	sshll.u32 s3, $0x5;
	v2 =	vld [tilespmem:s12+$0x0]  }
0x6e: {  	s13 =	sshra.s32 s3, $0xB;
	s14 =	sand.u32 $0x1FFFE0, s4;
	v3 =	vld [tilespmem:s11+$0x0];
	[tilespmem:s25+$0x70] =	vst v0  }
0x6f: {  	(v2sf) =	vpush v1, $0x5;
	s13 =	sand.u32 $0xFFFFFFE0, s13;
	v0 =	vld [tilespmem:s14+$0x0]  }
0x70: {  	v4 =	vld [tilespmem:s13+$0x0];
	_ =	sdelay $0x2  }
0x71: {  	v2 =	vadd.f32 v3, v2;
	_ =	sdelay $0x1  }
0x72: {  	v0 =	vadd.f32 v4, v0;
	[tilespmem:s25+$0xFFFFFE60] =	vst v2  }
0x73: {  	v2 =	vld [tilespmem:s12+$0x10]  }
0x74: {  	v3 =	vld [tilespmem:s11+$0x10];
	[tilespmem:s25+$0x80] =	vst v0  }
0x75: {  	v0 =	vld [tilespmem:s14+$0x10]  }
0x76: {  	v4 =	vld [tilespmem:s13+$0x10];
	_ =	sdelay $0x2  }
0x77: {  	v2 =	vadd.f32 v3, v2  }
0x78: {  	s13 =	sshll.u32 s9, $0x5  }
0x79: {  	s9 =	sshra.s32 s9, $0xB;
	s14 =	spop (v2sf);
	s11 =	sand.u32 $0x1FFFE0, s13;
	v0 =	vadd.f32 v4, v0;
	[tilespmem:s25+$0xFFFFFE70] =	vst v2  }
0x7a: {  	s9 =	sand.u32 $0xFFFFFFE0, s9;
	s16 =	sshll.u32 s14, $0x5;
	v2 =	vld [tilespmem:s11+$0x0]  }
0x7b: {  	s12 =	sshra.s32 s14, $0xB;
	s13 =	sand.u32 $0x1FFFE0, s16;
	v3 =	vld [tilespmem:s9+$0x0];
	[tilespmem:s25+$0x90] =	vst v0  }
0x7c: {  	(v2sf) =	vpush v1, $0x6;
	s12 =	sand.u32 $0xFFFFFFE0, s12;
	v0 =	vld [tilespmem:s13+$0x0]  }
0x7d: {  	v4 =	vld [tilespmem:s12+$0x0];
	_ =	sdelay $0x2  }
0x7e: {  	v2 =	vadd.f32 v3, v2;
	_ =	sdelay $0x1  }
0x7f: {  	v0 =	vadd.f32 v4, v0;
	[tilespmem:s25+$0xFFFFFE80] =	vst v2  }
0x80: {  	v2 =	vld [tilespmem:s11+$0x10]  }
0x81: {  	v3 =	vld [tilespmem:s9+$0x10];
	[tilespmem:s25+$0xA0] =	vst v0  }
0x82: {  	v0 =	vld [tilespmem:s13+$0x10]  }
0x83: {  	v4 =	vld [tilespmem:s12+$0x10];
	_ =	sdelay $0x3  }
0x84: {  	v2 =	vadd.f32 v3, v2  }
0x85: {  	s19 =	simm.s32 $0x10030;
	s18 =	spop (v2sf);
	v0 =	vadd.f32 v4, v0  }
0x86: {  	v5 =	vld [tilespmem:s19+$0xFFFFFFF0];
	s20 =	sshll.u32 s18, $0x5;
	[tilespmem:s25+$0xFFFFFE90] =	vst v2  }
0x87: {  	s11 =	sshra.s32 s18, $0xB;
	s13 =	sand.u32 $0x1FFFE0, s20;
	v2 =	vld [tilespmem:s19+$0x0];
	[tilespmem:s25+$0xB0] =	vst v0  }
0x88: {  	(v2sf) =	vpush v1, $0x7;
	s17 =	sshll.u32 s7, $0x5;
	s11 =	sand.u32 $0xFFFFFFE0, s11;
	v0 =	vld [tilespmem:s13+$0x0]  }
0x89: {  	s7 =	sshra.s32 s7, $0xB;
	s9 =	sand.u32 $0x1FFFE0, s17;
	v4 =	vld [tilespmem:s11+$0x0]  }
0x8a: {  	s7 =	sand.u32 $0xFFFFFFE0, s7;
	v3 =	vld [tilespmem:s9+$0x0]  }
0x8b: {  	v6 =	vld [tilespmem:s7+$0x0]  }
0x8c: {  	(v2sf) =	vpush v2, $0x0;
	_ =	sdelay $0x1  }
0x8d: {  	v0 =	vadd.f32 v4, v0  }
0x8e: {  	(v2sf) =	vpush v5, $0x0  }
0x8f: {  	v3 =	vadd.f32 v6, v3;
	[tilespmem:s25+$0xC0] =	vst v0  }
0x90: {  	v0 =	vld [tilespmem:s13+$0x10]  }
0x91: {  	[tilespmem:s25+$0xFFFFFEA0] =	vst v3;
	v3 =	vld [tilespmem:s11+$0x10]  }
0x92: {  	v4 =	vld [tilespmem:s9+$0x10]  }
0x93: {  	(v2sf) =	vpush v5, $0x1;
	v6 =	vld [tilespmem:s7+$0x10]  }
0x94: {  	(v2sf) =	vpush v5, $0x2  }
0x95: {  	(v2sf) =	vpush v5, $0x3  }
0x96: {  	s21 =	spop (v2sf);
	(v2sf) =	vpush v5, $0x4;
	v0 =	vadd.f32 v3, v0  }
0x97: {  	s22 =	sshll.u32 s21, $0x5;
	(v2sf) =	vpush v5, $0x5  }
0x98: {  	s9 =	sand.u32 $0x1FFFE0, s22;
	s7 =	sshra.s32 s21, $0xB;
	v3 =	vadd.f32 v6, v4;
	[tilespmem:s25+$0xD0] =	vst v0  }
0x99: {  	s23 =	sshll.u32 s2, $0x5;
	s7 =	sand.u32 $0xFFFFFFE0, s7;
	(v2sf) =	vpush v1, $0x8;
	v0 =	vld [tilespmem:s9+$0x0]  }
0x9a: {  	s2 =	sshra.s32 s2, $0xB;
	s11 =	sand.u32 $0x1FFFE0, s23;
	[tilespmem:s25+$0xFFFFFEB0] =	vst v3;
	v3 =	vld [tilespmem:s7+$0x0];
	s24 =	spop (v2sf)  }
0x9b: {  	s2 =	sand.u32 $0xFFFFFFE0, s2;
	v4 =	vld [tilespmem:s11+$0x0];
	s26 =	sshll.u32 s24, $0x5  }
0x9c: {  	(v2sf) =	vpush v5, $0x6;
	v6 =	vld [tilespmem:s2+$0x0];
	s12 =	sshra.s32 s24, $0xB;
	s13 =	sand.u32 $0x1FFFE0, s26  }
0x9d: {  	(v2sf) =	vpush v2, $0x1;
	s0 =	spop (v2sf);
	s12 =	sand.u32 $0xFFFFFFE0, s12;
	v7 =	vld [tilespmem:s13+$0x0]  }
0x9e: {  	s3 =	sshll.u32 s0, $0x5;
	v8 =	vld [tilespmem:s12+$0x0]  }
0x9f: {  	s14 =	sshra.s32 s0, $0xB;
	s4 =	sand.u32 $0x1FFFE0, s3;
	v0 =	vadd.f32 v3, v0  }
0xa0: {  	s14 =	sand.u32 $0xFFFFFFE0, s14;
	v3 =	vld [tilespmem:s4+$0x0]  }
0xa1: {  	(v2sf) =	vpush v5, $0x7;
	v4 =	vadd.f32 v6, v4;
	v6 =	vld [tilespmem:s14+$0x0];
	[tilespmem:s25+$0xE0] =	vst v0  }
0xa2: {  	s19 =	spop (v2sf);
	(v2sf) =	vpush v5, $0x8;
	v0 =	vld [tilespmem:s9+$0x10]  }
0xa3: {  	s21 =	spop (v2sf);
	(v2sf) =	vpush v5, $0x9;
	[tilespmem:s25+$0xFFFFFEC0] =	vst v4;
	v4 =	vadd.f32 v8, v7;
	v7 =	vld [tilespmem:s7+$0x10]  }
0xa4: {  	s0 =	simm.s32 $0x10C40;
	s20 =	spop (v2sf);
	(v2sf) =	vpush v5, $0xA;
	v9 =	vld [tilespmem:s2+$0x10]  }
0xa5: {  	s18 =	spop (v2sf);
	(v2sf) =	vpush v5, $0xB;
	v8 =	vld [tilespmem:s11+$0x10];
	[tilespmem:s0+$0x0] =	vst v4  }
0xa6: {  	s16 =	spop (v2sf);
	(v2sf) =	vpush v5, $0xC;
	v3 =	vadd.f32 v6, v3;
	v4 =	vld [tilespmem:s13+$0x10]  }
0xa7: {  	v6 =	vld [tilespmem:s12+$0x10]  }
0xa8: {  	s22 =	spop (v2sf);
	(v2sf) =	vpush v5, $0xD;
	[tilespmem:s0+$0xFFFFFE00] =	vst v3;
	v0 =	vadd.f32 v7, v0  }
0xa9: {  	s23 =	sshll.u32 s22, $0x5;
	v3 =	vld [tilespmem:s4+$0x10]  }
0xaa: {  	(v2sf) =	vpush v5, $0xE;
	s2 =	sshra.s32 s22, $0xB;
	s7 =	sand.u32 $0x1FFFE0, s23;
	v7 =	vadd.f32 v9, v8;
	v8 =	vld [tilespmem:s14+$0x10];
	[tilespmem:s25+$0xF0] =	vst v0  }
0xab: {  	s24 =	sshll.u32 s1, $0x5;
	s11 =	spop (v2sf);
	s2 =	sand.u32 $0xFFFFFFE0, s2;
	v0 =	vld [tilespmem:s7+$0x0]  }
0xac: {  	s1 =	sshra.s32 s1, $0xB;
	(v2sf) =	vpush v1, $0x9;
	s26 =	spop (v2sf);
	s12 =	sand.u32 $0x1FFFE0, s24;
	[tilespmem:s25+$0xFFFFFED0] =	vst v7;
	v4 =	vadd.f32 v6, v4;
	v6 =	vld [tilespmem:s2+$0x0]  }
0xad: {  	s1 =	sand.u32 $0xFFFFFFE0, s1;
	s3 =	sshll.u32 s26, $0x5;
	v7 =	vld [tilespmem:s12+$0x0]  }
0xae: {  	(v2sf) =	vpush v5, $0xF;
	s22 =	sand.u32 $0x1FFFE0, s3;
	s13 =	sshra.s32 s26, $0xB;
	[tilespmem:s0+$0x10] =	vst v4;
	v4 =	vld [tilespmem:s1+$0x0]  }
0xaf: {  	s9 =	sshra.s32 s19, $0xB;
	s23 =	sand.u32 $0xFFFFFFE0, s13;
	v3 =	vadd.f32 v8, v3;
	v5 =	vld [tilespmem:s22+$0x0]  }
0xb0: {  	(v2sf) =	vpush v2, $0x2;
	s26 =	sand.u32 $0xFFFFFFE0, s9;
	s4 =	sshll.u32 s19, $0x5;
	s9 =	spop (v2sf);
	v8 =	vld [tilespmem:s23+$0x0]  }
0xb1: {  	s24 =	sand.u32 $0x1FFFE0, s4;
	s19 =	spop (v2sf);
	[tilespmem:s0+$0xFFFFFE10] =	vst v3;
	v0 =	vadd.f32 v6, v0  }
0xb2: {  	s17 =	spop (v2sf);
	v3 =	vld [tilespmem:s24+$0x0]  }
0xb3: {  	s14 =	spop (v2sf);
	v6 =	vld [tilespmem:s26+$0x0];
	v4 =	vadd.f32 v4, v7;
	[tilespmem:s25+$0x100] =	vst v0  }
0xb4: {  	s13 =	spop (v2sf);
	v0 =	vld [tilespmem:s7+$0x10]  }
0xb5: {  	s7 =	spop (v2sf);
	[tilespmem:s25+$0xFFFFFEE0] =	vst v4;
	v4 =	vadd.f32 v8, v5;
	v5 =	vld [tilespmem:s2+$0x10]  }
0xb6: {  	v7 =	vld [tilespmem:s12+$0x10];
	[smem:$0x7E7] =	sst s7  }
0xb7: {  	s12 =	spop (v2sf);
	[tilespmem:s0+$0x20] =	vst v4  }
0xb8: {  	v4 =	vld [tilespmem:s1+$0x10];
	[smem:$0x7E9] =	sst s12  }
0xb9: {  	v3 =	vadd.f32 v6, v3;
	v8 =	vld [tilespmem:s23+$0x10];
	s23 =	spop (v2sf)  }
0xba: {  	v6 =	vld [tilespmem:s22+$0x10];
	[smem:$0x7EA] =	sst s23  }
0xbb: {  	v0 =	vadd.f32 v5, v0;
	[tilespmem:s0+$0xFFFFFE20] =	vst v3;
	s0 =	spop (v2sf)  }
0xbc: {  	v3 =	vld [tilespmem:s24+$0x10];
	s1 =	sshll.u32 s0, $0x5  }
0xbd: {  	v5 =	vld [tilespmem:s26+$0x10];
	v4 =	vadd.f32 v4, v7;
	[tilespmem:s25+$0x110] =	vst v0;
	s12 =	sshra.s32 s0, $0xB;
	s4 =	spop (v2sf);
	s22 =	sand.u32 $0x1FFFE0, s1  }
0xbe: {  	s2 =	sshll.u32 s15, $0x5;
	(v2sf) =	vpush v1, $0xA;
	s3 =	sand.u32 $0xFFFFFFE0, s12;
	v0 =	vld [tilespmem:s22+$0x0];
	[smem:$0x7EB] =	sst s4  }
0xbf: {  	s15 =	sshra.s32 s15, $0xB;
	s23 =	sand.u32 $0x1FFFE0, s2;
	s7 =	spop (v2sf);
	v6 =	vadd.f32 v8, v6;
	[tilespmem:s25+$0xFFFFFEF0] =	vst v4;
	v4 =	vld [tilespmem:s3+$0x0]  }
0xc0: {  	s15 =	sand.u32 $0xFFFFFFE0, s15;
	s12 =	simm.s32 $0x10C40;
	s28 =	sshll.u32 s7, $0x5;
	v7 =	vld [tilespmem:s23+$0x0]  }
0xc1: {  	s26 =	sshra.s32 s7, $0xB;
	s28 =	sand.u32 $0x1FFFE0, s28;
	[tilespmem:s12+$0x30] =	vst v6;
	v6 =	vld [tilespmem:s15+$0x0]  }
0xc2: {  	(v2sf) =	vpush v2, $0x3;
	s26 =	sand.u32 $0xFFFFFFE0, s26;
	v3 =	vadd.f32 v5, v3;
	v5 =	vld [tilespmem:s28+$0x0]  }
0xc3: {  	s29 =	sshll.u32 s21, $0x5;
	v8 =	vld [tilespmem:s26+$0x0]  }
0xc4: {  	s21 =	sshra.s32 s21, $0xB;
	s29 =	sand.u32 $0x1FFFE0, s29;
	[tilespmem:s12+$0xFFFFFE30] =	vst v3;
	v0 =	vadd.f32 v4, v0  }
0xc5: {  	s21 =	sand.u32 $0xFFFFFFE0, s21;
	v3 =	vld [tilespmem:s29+$0x0]  }
0xc6: {  	v4 =	vld [tilespmem:s21+$0x0];
	v6 =	vadd.f32 v6, v7;
	[tilespmem:s25+$0x120] =	vst v0  }
0xc7: {  	v0 =	vld [tilespmem:s22+$0x10]  }
0xc8: {  	v5 =	vadd.f32 v8, v5;
	v7 =	vld [tilespmem:s3+$0x10];
	[tilespmem:s25+$0xFFFFFF00] =	vst v6  }
0xc9: {  	v6 =	vld [tilespmem:s23+$0x10]  }
0xca: {  	v8 =	vld [tilespmem:s15+$0x10];
	[tilespmem:s12+$0x40] =	vst v5  }
0xcb: {  	v3 =	vadd.f32 v4, v3;
	v4 =	vld [tilespmem:s28+$0x10]  }
0xcc: {  	v5 =	vld [tilespmem:s26+$0x10]  }
0xcd: {  	s26 =	spop (v2sf);
	[tilespmem:s12+$0xFFFFFE40] =	vst v3;
	v0 =	vadd.f32 v7, v0  }
0xce: {  	s0 =	sshll.u32 s26, $0x5;
	v3 =	vld [tilespmem:s29+$0x10]  }
0xcf: {  	s15 =	sshra.s32 s26, $0xB;
	s1 =	sand.u32 $0x1FFFE0, s0;
	v7 =	vld [tilespmem:s21+$0x10];
	v6 =	vadd.f32 v8, v6;
	[tilespmem:s25+$0x130] =	vst v0  }
0xd0: {  	s2 =	sshll.u32 s10, $0x5;
	(v2sf) =	vpush v1, $0xB;
	s15 =	sand.u32 $0xFFFFFFE0, s15;
	v0 =	vld [tilespmem:s1+$0x0]  }
0xd1: {  	s10 =	sshra.s32 s10, $0xB;
	s22 =	sand.u32 $0x1FFFE0, s2;
	s3 =	spop (v2sf);
	v4 =	vadd.f32 v5, v4;
	[tilespmem:s25+$0xFFFFFF10] =	vst v6;
	v5 =	vld [tilespmem:s15+$0x0]  }
0xd2: {  	s10 =	sand.u32 $0xFFFFFFE0, s10;
	s12 =	simm.s32 $0x10C40;
	s4 =	sshll.u32 s3, $0x5;
	v6 =	vld [tilespmem:s22+$0x0]  }
0xd3: {  	s23 =	sshra.s32 s3, $0xB;
	s24 =	sand.u32 $0x1FFFE0, s4;
	[tilespmem:s12+$0x50] =	vst v4;
	v4 =	vld [tilespmem:s10+$0x0]  }
0xd4: {  	(v2sf) =	vpush v2, $0x4;
	s23 =	sand.u32 $0xFFFFFFE0, s23;
	v3 =	vadd.f32 v7, v3;
	v7 =	vld [tilespmem:s24+$0x0]  }
0xd5: {  	s7 =	sshll.u32 s20, $0x5;
	v8 =	vld [tilespmem:s23+$0x0]  }
0xd6: {  	s20 =	sshra.s32 s20, $0xB;
	s26 =	sand.u32 $0x1FFFE0, s7;
	[tilespmem:s12+$0xFFFFFE50] =	vst v3;
	v0 =	vadd.f32 v5, v0  }
0xd7: {  	s20 =	sand.u32 $0xFFFFFFE0, s20;
	v3 =	vld [tilespmem:s26+$0x0]  }
0xd8: {  	v5 =	vld [tilespmem:s20+$0x0];
	v4 =	vadd.f32 v4, v6;
	[tilespmem:s25+$0x140] =	vst v0  }
0xd9: {  	v0 =	vld [tilespmem:s1+$0x10]  }
0xda: {  	v7 =	vadd.f32 v8, v7;
	v6 =	vld [tilespmem:s15+$0x10];
	[tilespmem:s25+$0xFFFFFF20] =	vst v4  }
0xdb: {  	v4 =	vld [tilespmem:s22+$0x10]  }
0xdc: {  	[tilespmem:s12+$0x60] =	vst v7;
	v7 =	vld [tilespmem:s10+$0x10]  }
0xdd: {  	v3 =	vadd.f32 v5, v3;
	v5 =	vld [tilespmem:s24+$0x10]  }
0xde: {  	v8 =	vld [tilespmem:s23+$0x10]  }
0xdf: {  	s24 =	spop (v2sf);
	[tilespmem:s12+$0xFFFFFE60] =	vst v3;
	v0 =	vadd.f32 v6, v0  }
0xe0: {  	s0 =	sshll.u32 s24, $0x5;
	v3 =	vld [tilespmem:s26+$0x10]  }
0xe1: {  	s10 =	sshra.s32 s24, $0xB;
	s15 =	sand.u32 $0x1FFFE0, s0;
	v6 =	vld [tilespmem:s20+$0x10];
	v4 =	vadd.f32 v7, v4;
	[tilespmem:s25+$0x150] =	vst v0  }
0xe2: {  	s1 =	sshll.u32 s8, $0x5;
	s10 =	sand.u32 $0xFFFFFFE0, s10;
	v0 =	vld [tilespmem:s15+$0x0]  }
0xe3: {  	(v2sf) =	vpush v1, $0xC;
	s8 =	sshra.s32 s8, $0xB;
	s2 =	spop (v2sf);
	s20 =	sand.u32 $0x1FFFE0, s1;
	v5 =	vadd.f32 v8, v5;
	[tilespmem:s25+$0xFFFFFF30] =	vst v4;
	v4 =	vld [tilespmem:s10+$0x0]  }
0xe4: {  	s8 =	sand.u32 $0xFFFFFFE0, s8;
	s3 =	sshll.u32 s2, $0x5;
	v7 =	vld [tilespmem:s20+$0x0]  }
0xe5: {  	s21 =	sshra.s32 s2, $0xB;
	s22 =	sand.u32 $0x1FFFE0, s3;
	[tilespmem:s12+$0x70] =	vst v5;
	v5 =	vld [tilespmem:s8+$0x0]  }
0xe6: {  	(v2sf) =	vpush v2, $0x5;
	s21 =	sand.u32 $0xFFFFFFE0, s21;
	v3 =	vadd.f32 v6, v3;
	v6 =	vld [tilespmem:s22+$0x0]  }
0xe7: {  	s4 =	sshll.u32 s18, $0x5;
	v8 =	vld [tilespmem:s21+$0x0]  }
0xe8: {  	s18 =	sshra.s32 s18, $0xB;
	s23 =	sand.u32 $0x1FFFE0, s4;
	[tilespmem:s12+$0xFFFFFE70] =	vst v3;
	v0 =	vadd.f32 v4, v0  }
0xe9: {  	s18 =	sand.u32 $0xFFFFFFE0, s18;
	v3 =	vld [tilespmem:s23+$0x0]  }
0xea: {  	v4 =	vld [tilespmem:s18+$0x0];
	v5 =	vadd.f32 v5, v7;
	[tilespmem:s25+$0x160] =	vst v0  }
0xeb: {  	v0 =	vld [tilespmem:s15+$0x10]  }
0xec: {  	v6 =	vadd.f32 v8, v6;
	[tilespmem:s25+$0xFFFFFF40] =	vst v5;
	v5 =	vld [tilespmem:s10+$0x10]  }
0xed: {  	v7 =	vld [tilespmem:s20+$0x10]  }
0xee: {  	[tilespmem:s12+$0x80] =	vst v6;
	v6 =	vld [tilespmem:s8+$0x10]  }
0xef: {  	v3 =	vadd.f32 v4, v3;
	v4 =	vld [tilespmem:s22+$0x10]  }
0xf0: {  	v8 =	vld [tilespmem:s21+$0x10]  }
0xf1: {  	[tilespmem:s12+$0xFFFFFE80] =	vst v3  }
0xf2: {  	s7 =	spop (v2sf);
	v0 =	vadd.f32 v5, v0;
	v3 =	vld [tilespmem:s23+$0x10]  }
0xf3: {  	s15 =	sshll.u32 s7, $0x5;
	v5 =	vld [tilespmem:s18+$0x10]  }
0xf4: {  	s10 =	sand.u32 $0x1FFFE0, s15;
	s8 =	sshra.s32 s7, $0xB;
	v6 =	vadd.f32 v6, v7;
	[tilespmem:s25+$0x170] =	vst v0  }
0xf5: {  	s20 =	sshll.u32 s5, $0x5;
	s8 =	sand.u32 $0xFFFFFFE0, s8;
	s21 =	spop (v2sf);
	v4 =	vadd.f32 v8, v4;
	v0 =	vld [tilespmem:s10+$0x0]  }
0xf6: {  	s15 =	sand.u32 $0x1FFFE0, s20;
	s22 =	sshll.u32 s21, $0x5;
	[tilespmem:s25+$0xFFFFFF50] =	vst v6;
	v6 =	vld [tilespmem:s8+$0x0]  }
0xf7: {  	s20 =	sand.u32 $0x1FFFE0, s22;
	s18 =	sshra.s32 s21, $0xB;
	v7 =	vld [tilespmem:s15+$0x0];
	[tilespmem:s12+$0x90] =	vst v4  }
0xf8: {  	s5 =	sshra.s32 s5, $0xB;
	s18 =	sand.u32 $0xFFFFFFE0, s18;
	v3 =	vadd.f32 v5, v3;
	v5 =	vld [tilespmem:s20+$0x0]  }
0xf9: {  	(v2sf) =	vpush v1, $0xD;
	s5 =	sand.u32 $0xFFFFFFE0, s5;
	v8 =	vld [tilespmem:s18+$0x0]  }
0xfa: {  	(v2sf) =	vpush v2, $0x6;
	v4 =	vld [tilespmem:s5+$0x0]  }
0xfb: {  	s23 =	sshll.u32 s16, $0x5  }
0xfc: {  	s16 =	sshra.s32 s16, $0xB;
	s21 =	sand.u32 $0x1FFFE0, s23;
	[tilespmem:s12+$0xFFFFFE90] =	vst v3;
	v0 =	vadd.f32 v6, v0  }
0xfd: {  	s16 =	sand.u32 $0xFFFFFFE0, s16;
	v3 =	vld [tilespmem:s21+$0x0]  }
0xfe: {  	v6 =	vld [tilespmem:s16+$0x0];
	[tilespmem:s25+$0x180] =	vst v0;
	v0 =	vadd.f32 v8, v5  }
0xff: {  	s24 =	simm.s32 $0x10050;
	v4 =	vadd.f32 v4, v7;
	v7 =	vld [tilespmem:s10+$0x10]  }
0x100: {  	[tilespmem:s12+$0xA0] =	vst v0;
	v0 =	vld [tilespmem:s24+$0x0]  }
0x101: {  	[tilespmem:s25+$0xFFFFFF60] =	vst v4;
	v4 =	vld [tilespmem:s8+$0x10]  }
0x102: {  	v5 =	vld [tilespmem:s15+$0x10]  }
0x103: {  	(v2sf) =	vpush v1, $0xE;
	v3 =	vadd.f32 v6, v3;
	v6 =	vld [tilespmem:s20+$0x10]  }
0x104: {  	(v2sf) =	vpush v2, $0x7;
	v8 =	vld [tilespmem:s18+$0x10]  }
0x105: {  	v9 =	vld [tilespmem:s5+$0x10];
	[tilespmem:s12+$0xFFFFFEA0] =	vst v3;
	(v2sf) =	vpush v0, $0x0  }
0x106: {  	v3 =	vadd.f32 v4, v7;
	v4 =	vld [tilespmem:s21+$0x10]  }
0x107: {  	v7 =	vld [tilespmem:s16+$0x10]  }
0x108: {  	s26 =	spop (v2sf)  }
0x109: {  	s1 =	spop (v2sf);
	[tilespmem:s25+$0x190] =	vst v3;
	v3 =	vadd.f32 v8, v6;
	v8 =	vld [tilespmem:s24+$0xFFFFFFF0]  }
0x10a: {  	s2 =	sshll.u32 s1, $0x5  }
0x10b: {  	s3 =	sand.u32 $0x1FFFE0, s2;
	s15 =	sshra.s32 s1, $0xB;
	v5 =	vadd.f32 v9, v5;
	[tilespmem:s12+$0xB0] =	vst v3  }
0x10c: {  	s7 =	sand.u32 $0xFFFFFFE0, s15;
	v3 =	vadd.f32 v7, v4;
	v4 =	vld [tilespmem:s3+$0x0]  }
0x10d: {  	[tilespmem:s25+$0xFFFFFF70] =	vst v5;
	v5 =	vld [tilespmem:s7+$0x0]  }
0x10e: {  	(v2sf) =	vpush v8, $0x0  }
0x10f: {  	(v2sf) =	vpush v8, $0x1  }
0x110: {  	(v2sf) =	vpush v8, $0x2  }
0x111: {  	(v2sf) =	vpush v8, $0x3  }
0x112: {  	s0 =	sshll.u32 s26, $0x5;
	s5 =	sshra.s32 s26, $0xB;
	s26 =	spop (v2sf);
	v4 =	vadd.f32 v5, v4;
	(v2sf) =	vpush v8, $0x4  }
0x113: {  	s21 =	spop (v2sf);
	(v2sf) =	vpush v1, $0xF  }
0x114: {  	[tilespmem:s12+$0xC0] =	vst v4;
	(v2sf) =	vpush v8, $0x5;
	s22 =	spop (v2sf)  }
0x115: {  	s8 =	sand.u32 $0x1FFFE0, s0;
	v1 =	vld [tilespmem:s3+$0x10];
	s23 =	sshll.u32 s22, $0x5  }
0x116: {  	s20 =	sshll.u32 s11, $0x5;
	v4 =	vld [tilespmem:s7+$0x10];
	(v2sf) =	vpush v2, $0x8;
	s0 =	sshra.s32 s22, $0xB;
	s24 =	sand.u32 $0x1FFFE0, s23  }
0x117: {  	s15 =	sand.u32 $0x1FFFE0, s20;
	(v2sf) =	vpush v8, $0x6;
	s20 =	sand.u32 $0xFFFFFFE0, s0;
	v5 =	vld [tilespmem:s24+$0x0]  }
0x118: {  	(v2sf) =	vpush v0, $0x1;
	v9 =	vld [tilespmem:s20+$0x0];
	_ =	sdelay $0x1  }
0x119: {  	s4 =	sand.u32 $0xFFFFFFE0, s5;
	v10 =	vld [tilespmem:s8+$0x0]  }
0x11a: {  	s1 =	sshra.s32 s11, $0xB;
	s5 =	sshll.u32 s6, $0x5;
	v6 =	vld [tilespmem:s4+$0x0];
	[tilespmem:s12+$0xFFFFFEB0] =	vst v3;
	v1 =	vadd.f32 v4, v1  }
0x11b: {  	s11 =	sand.u32 $0xFFFFFFE0, s1;
	s30 =	sand.u32 $0x1FFFE0, s5;
	s2 =	sshll.u32 s21, $0x5;
	v7 =	vld [tilespmem:s15+$0x0]  }
0x11c: {  	s28 =	sand.u32 $0x1FFFE0, s2;
	s3 =	sshra.s32 s21, $0xB;
	v4 =	vld [tilespmem:s11+$0x0];
	[tilespmem:s12+$0xD0] =	vst v1;
	s5 =	spop (v2sf);
	v1 =	vadd.f32 v9, v5  }
0x11d: {  	s29 =	simm.s32 $0x11040;
	s7 =	sand.u32 $0xFFFFFFE0, s3;
	s10 =	spop (v2sf);
	v5 =	vld [tilespmem:s28+$0x0]  }
0x11e: {  	v9 =	vld [tilespmem:s7+$0x0];
	s31 =	spop (v2sf);
	[tilespmem:s29+$0x0] =	vst v1  }
0x11f: {  	v1 =	vld [tilespmem:s24+$0x10];
	s24 =	spop (v2sf)  }
0x120: {  	v3 =	vld [tilespmem:s30+$0x0];
	s1 =	sshll.u32 s5, $0x5;
	s22 =	spop (v2sf)  }
0x121: {  	(v2sf) =	vpush v8, $0x7;
	s16 =	sshra.s32 s5, $0xB;
	s18 =	sand.u32 $0x1FFFE0, s1;
	v11 =	vld [tilespmem:s20+$0x10];
	s23 =	spop (v2sf)  }
0x122: {  	v4 =	vadd.f32 v4, v7;
	s16 =	sand.u32 $0xFFFFFFE0, s16;
	v7 =	vld [tilespmem:s18+$0x0];
	s21 =	spop (v2sf);
	(v2sf) =	vpush v8, $0x8  }
0x123: {  	v5 =	vadd.f32 v9, v5;
	v9 =	vld [tilespmem:s16+$0x0];
	(v2sf) =	vpush v8, $0x9  }
0x124: {  	s2 =	spop (v2sf);
	[tilespmem:s12+$0xFFFFFEC0] =	vst v4;
	(v2sf) =	vpush v8, $0xA  }
0x125: {  	[tilespmem:s12+$0xE0] =	vst v5;
	s20 =	spop (v2sf);
	v4 =	vld [tilespmem:s15+$0x10];
	(v2sf) =	vpush v8, $0xB  }
0x126: {  	v1 =	vadd.f32 v11, v1;
	v5 =	vld [tilespmem:s28+$0x10];
	s3 =	spop (v2sf);
	(v2sf) =	vpush v8, $0xC  }
0x127: {  	v11 =	vld [tilespmem:s7+$0x10];
	s28 =	sshll.u32 s3, $0x5  }
0x128: {  	v12 =	vld [tilespmem:s11+$0x10];
	[tilespmem:s29+$0x10] =	vst v1;
	s15 =	sshra.s32 s3, $0xB;
	s5 =	sand.u32 $0x1FFFE0, s28;
	(v2sf) =	vpush v8, $0xD;
	v1 =	vadd.f32 v9, v7  }
0x129: {  	s28 =	sand.u32 $0xFFFFFFE0, s15;
	v7 =	vld [tilespmem:s5+$0x0];
	(v2sf) =	vpush v8, $0xE  }
0x12a: {  	v9 =	vld [tilespmem:s28+$0x0];
	(v2sf) =	vpush v2, $0x9;
	[tilespmem:s29+$0xFFFFFE00] =	vst v1  }
0x12b: {  	v6 =	vadd.f32 v6, v10;
	(v2sf) =	vpush v8, $0xF;
	v1 =	vld [tilespmem:s18+$0x10]  }
0x12c: {  	v5 =	vadd.f32 v11, v5;
	v8 =	vld [tilespmem:s16+$0x10]  }
0x12d: {  	[tilespmem:s25+$0x1A0] =	vst v6;
	s7 =	sshll.u32 s2, $0x5;
	(v2sf) =	vpush v0, $0x2  }
0x12e: {  	v6 =	vld [tilespmem:s8+$0x10];
	s1 =	sshra.s32 s2, $0xB;
	s11 =	sand.u32 $0x1FFFE0, s7;
	v4 =	vadd.f32 v12, v4;
	[tilespmem:s12+$0xF0] =	vst v5  }
0x12f: {  	s3 =	sand.u32 $0xFFFFFFE0, s1;
	s15 =	sshll.u32 s9, $0x5;
	v5 =	vadd.f32 v9, v7;
	v7 =	vld [tilespmem:s11+$0x0]  }
0x130: {  	s16 =	sshra.s32 s9, $0xB;
	s9 =	sand.u32 $0x1FFFE0, s15;
	[tilespmem:s12+$0xFFFFFED0] =	vst v4;
	s18 =	spop (v2sf);
	v9 =	vld [tilespmem:s3+$0x0]  }
0x131: {  	s2 =	sand.u32 $0xFFFFFFE0, s16;
	v4 =	vld [tilespmem:s9+$0x0];
	[tilespmem:s29+$0x20] =	vst v5;
	v1 =	vadd.f32 v8, v1;
	s16 =	spop (v2sf)  }
0x132: {  	s1 =	sshll.u32 s10, $0x5;
	v5 =	vld [tilespmem:s5+$0x10];
	s15 =	spop (v2sf)  }
0x133: {  	s1 =	sand.u32 $0x1FFFE0, s1;
	s5 =	sshra.s32 s10, $0xB;
	v8 =	vld [tilespmem:s2+$0x0];
	[tilespmem:s29+$0xFFFFFE10] =	vst v1;
	s7 =	spop (v2sf)  }
0x134: {  	s5 =	sand.u32 $0xFFFFFFE0, s5;
	v1 =	vld [tilespmem:s1+$0x0];
	s8 =	spop (v2sf)  }
0x135: {  	v7 =	vadd.f32 v9, v7;
	v9 =	vld [tilespmem:s5+$0x0];
	[smem:$0x7EC] =	sst s8;
	s10 =	spop (v2sf)  }
0x136: {  	v10 =	vld [tilespmem:s28+$0x10];
	[smem:$0x7ED] =	sst s10  }
0x137: {  	s8 =	spop (v2sf);
	[tilespmem:s12+$0x100] =	vst v7  }
0x138: {  	s6 =	sshra.s32 s6, $0xB;
	v4 =	vadd.f32 v8, v4;
	v11 =	vld [tilespmem:s4+$0x10];
	s10 =	spop (v2sf);
	[smem:$0x7EE] =	sst s8  }
0x139: {  	s0 =	spop (v2sf);
	v7 =	vld [tilespmem:s11+$0x10];
	s11 =	sand.u32 $0xFFFFFFE0, s6;
	[smem:$0x7EF] =	sst s10  }
0x13a: {  	s4 =	spop (v2sf);
	v8 =	vld [tilespmem:s11+$0x0];
	[tilespmem:s12+$0xFFFFFEE0] =	vst v4  }
0x13b: {  	v1 =	vadd.f32 v9, v1;
	v46 =	vld [tilespmem:s3+$0x10];
	[smem:$0x7F0] =	sst s4  }
0x13c: {  	s6 =	spop (v2sf);
	v5 =	vadd.f32 v10, v5;
	v4 =	vld [tilespmem:s9+$0x10]  }
0x13d: {  	s8 =	sshll.u32 s6, $0x5;
	v9 =	vld [tilespmem:s2+$0x10];
	[tilespmem:s29+$0xFFFFFE20] =	vst v1  }
0x13e: {  	s9 =	sshra.s32 s6, $0xB;
	v10 =	vld [tilespmem:s1+$0x10];
	[tilespmem:s29+$0x30] =	vst v5;
	s1 =	sand.u32 $0x1FFFE0, s8  }
0x13f: {  	s2 =	sand.u32 $0xFFFFFFE0, s9;
	v1 =	vadd.f32 v8, v3;
	v3 =	vld [tilespmem:s1+$0x0]  }
0x140: {  	v5 =	vadd.f32 v46, v7;
	v7 =	vld [tilespmem:s2+$0x0]  }
0x141: {  	(v2sf) =	vpush v2, $0xA;
	s10 =	sshll.u32 s0, $0x5;
	v8 =	vld [tilespmem:s5+$0x10]  }
0x142: {  	(v2sf) =	vpush v0, $0x3;
	s0 =	sshra.s32 s0, $0xB;
	s3 =	sand.u32 $0x1FFFE0, s10;
	v4 =	vadd.f32 v9, v4;
	[tilespmem:s12+$0x110] =	vst v5  }
0x143: {  	s0 =	sand.u32 $0xFFFFFFE0, s0;
	s4 =	sshll.u32 s19, $0x5;
	v9 =	vld [tilespmem:s3+$0x0]  }
0x144: {  	s6 =	sshra.s32 s19, $0xB;
	s5 =	sand.u32 $0x1FFFE0, s4;
	[tilespmem:s12+$0xFFFFFEF0] =	vst v4;
	v4 =	vld [tilespmem:s0+$0x0]  }
0x145: {  	s9 =	sand.u32 $0xFFFFFFE0, s6;
	v47 =	vld [tilespmem:s5+$0x0];
	v3 =	vadd.f32 v7, v3  }
0x146: {  	[tilespmem:s25+$0xFFFFFF80] =	vst v1;
	v7 =	vld [tilespmem:s9+$0x0];
	v8 =	vadd.f32 v8, v10  }
0x147: {  	s8 =	sshll.u32 s31, $0x5;
	v5 =	vld [tilespmem:s11+$0x10];
	[tilespmem:s29+$0x40] =	vst v3  }
0x148: {  	s19 =	sshra.s32 s31, $0xB;
	s10 =	sand.u32 $0x1FFFE0, s8;
	[tilespmem:s29+$0xFFFFFE30] =	vst v8;
	v3 =	vld [tilespmem:s1+$0x10]  }
0x149: {  	s11 =	sand.u32 $0xFFFFFFE0, s19;
	v8 =	vld [tilespmem:s10+$0x0];
	v4 =	vadd.f32 v4, v9  }
0x14a: {  	v9 =	vld [tilespmem:s11+$0x0]  }
0x14b: {  	v10 =	vld [tilespmem:s2+$0x10];
	v7 =	vadd.f32 v7, v47;
	[tilespmem:s12+$0x120] =	vst v4  }
0x14c: {  	v6 =	vadd.f32 v11, v6;
	v4 =	vld [tilespmem:s3+$0x10]  }
0x14d: {  	s2 =	sshll.u32 s26, $0x5;
	v11 =	vld [tilespmem:s0+$0x10];
	[tilespmem:s12+$0xFFFFFF00] =	vst v7  }
0x14e: {  	[tilespmem:s25+$0x1B0] =	vst v6;
	s0 =	sand.u32 $0x1FFFE0, s2;
	v7 =	vld [tilespmem:s5+$0x10]  }
0x14f: {  	s3 =	sshra.s32 s26, $0xB;
	v6 =	vld [tilespmem:s0+$0x0];
	v8 =	vadd.f32 v9, v8  }
0x150: {  	s4 =	spop (v2sf);
	s2 =	sand.u32 $0xFFFFFFE0, s3;
	v3 =	vadd.f32 v10, v3;
	v10 =	vld [tilespmem:s9+$0x10]  }
0x151: {  	s6 =	spop (v2sf);
	v9 =	vld [tilespmem:s2+$0x0];
	[tilespmem:s29+$0xFFFFFE40] =	vst v8  }
0x152: {  	s8 =	sshll.u32 s6, $0x5;
	v8 =	vld [tilespmem:s10+$0x10]  }
0x153: {  	s5 =	sshra.s32 s6, $0xB;
	[tilespmem:s29+$0x50] =	vst v3;
	v4 =	vadd.f32 v11, v4;
	s10 =	sand.u32 $0x1FFFE0, s8;
	v11 =	vld [tilespmem:s11+$0x10]  }
0x154: {  	(v2sf) =	vpush v2, $0xB;
	s19 =	sshll.u32 s4, $0x5;
	s5 =	sand.u32 $0xFFFFFFE0, s5;
	v3 =	vld [tilespmem:s10+$0x0]  }
0x155: {  	(v2sf) =	vpush v0, $0x4;
	s9 =	sand.u32 $0x1FFFE0, s19;
	s3 =	sshra.s32 s4, $0xB;
	v7 =	vadd.f32 v10, v7;
	[tilespmem:s12+$0x130] =	vst v4;
	v4 =	vld [tilespmem:s5+$0x0]  }
0x156: {  	s26 =	sshll.u32 s17, $0x5;
	s3 =	sand.u32 $0xFFFFFFE0, s3;
	v6 =	vadd.f32 v9, v6;
	v9 =	vld [tilespmem:s9+$0x0]  }
0x157: {  	s4 =	sand.u32 $0x1FFFE0, s26;
	v10 =	vld [tilespmem:s3+$0x0];
	[tilespmem:s12+$0xFFFFFF10] =	vst v7  }
0x158: {  	[tilespmem:s25+$0x1C0] =	vst v6;
	v7 =	vld [tilespmem:s4+$0x0]  }
0x159: {  	s6 =	sshra.s32 s17, $0xB;
	v6 =	vld [tilespmem:s0+$0x10];
	v8 =	vadd.f32 v11, v8  }
0x15a: {  	s11 =	sand.u32 $0xFFFFFFE0, s6;
	s8 =	sshll.u32 s24, $0x5;
	v48 =	vld [tilespmem:s2+$0x10];
	v3 =	vadd.f32 v4, v3  }
0x15b: {  	s1 =	sand.u32 $0x1FFFE0, s8;
	v4 =	vld [tilespmem:s11+$0x0];
	[tilespmem:s29+$0xFFFFFE50] =	vst v8  }
0x15c: {  	v9 =	vadd.f32 v10, v9;
	v8 =	vld [tilespmem:s1+$0x0];
	[tilespmem:s29+$0x60] =	vst v3  }
0x15d: {  	v3 =	vld [tilespmem:s10+$0x10]  }
0x15e: {  	v10 =	vld [tilespmem:s5+$0x10];
	[tilespmem:s12+$0x140] =	vst v9  }
0x15f: {  	s10 =	sshra.s32 s24, $0xB;
	v9 =	vld [tilespmem:s9+$0x10]  }
0x160: {  	v6 =	vadd.f32 v48, v6;
	s2 =	sand.u32 $0xFFFFFFE0, s10;
	v11 =	vld [tilespmem:s3+$0x10]  }
0x161: {  	s17 =	sshll.u32 s23, $0x5;
	v4 =	vadd.f32 v4, v7;
	v7 =	vld [tilespmem:s2+$0x0]  }
0x162: {  	s24 =	sand.u32 $0x1FFFE0, s17;
	[tilespmem:s25+$0x1D0] =	vst v6  }
0x163: {  	s19 =	spop (v2sf);
	s26 =	sshra.s32 s23, $0xB;
	v6 =	vld [tilespmem:s24+$0x0];
	[tilespmem:s12+$0xFFFFFF20] =	vst v4  }
0x164: {  	s3 =	sand.u32 $0xFFFFFFE0, s26;
	v4 =	vld [tilespmem:s4+$0x10];
	v3 =	vadd.f32 v10, v3;
	s4 =	spop (v2sf)  }
0x165: {  	v10 =	vld [tilespmem:s3+$0x0];
	s6 =	sshll.u32 s4, $0x5  }
0x166: {  	s9 =	sshra.s32 s4, $0xB;
	[tilespmem:s29+$0x70] =	vst v3;
	s17 =	sand.u32 $0x1FFFE0, s6;
	v3 =	vadd.f32 v7, v8;
	v8 =	vadd.f32 v11, v9;
	v11 =	vld [tilespmem:s11+$0x10]  }
0x167: {  	s9 =	sand.u32 $0xFFFFFFE0, s9;
	v7 =	vld [tilespmem:s17+$0x0]  }
0x168: {  	(v2sf) =	vpush v2, $0xC;
	s8 =	sshll.u32 s19, $0x5;
	v9 =	vld [tilespmem:s9+$0x0];
	[tilespmem:s29+$0xFFFFFE60] =	vst v3  }
0x169: {  	(v2sf) =	vpush v0, $0x5;
	s5 =	sshra.s32 s19, $0xB;
	s10 =	sand.u32 $0x1FFFE0, s8;
	[tilespmem:s12+$0x150] =	vst v8;
	v49 =	vld [tilespmem:s1+$0x10]  }
0x16a: {  	s5 =	sand.u32 $0xFFFFFFE0, s5;
	v3 =	vadd.f32 v10, v6;
	v6 =	vld [tilespmem:s10+$0x0]  }
0x16b: {  	v8 =	vld [tilespmem:s5+$0x0]  }
0x16c: {  	v10 =	vld [tilespmem:s2+$0x10];
	_ =	sdelay $0x1  }
0x16d: {  	v1 =	vld [tilespmem:s30+$0x10];
	[tilespmem:s25+$0x1E0] =	vst v3;
	v7 =	vadd.f32 v9, v7  }
0x16e: {  	v3 =	vld [tilespmem:s24+$0x10];
	v9 =	vadd.f32 v11, v4  }
0x16f: {  	s11 =	sshll.u32 s14, $0x5;
	v4 =	vld [tilespmem:s3+$0x10];
	[tilespmem:s29+$0x80] =	vst v7;
	v6 =	vadd.f32 v8, v6  }
0x170: {  	s0 =	sand.u32 $0x1FFFE0, s11;
	[tilespmem:s12+$0xFFFFFF30] =	vst v9;
	v10 =	vadd.f32 v10, v49;
	v7 =	vld [tilespmem:s17+$0x10]  }
0x171: {  	s17 =	sshra.s32 s14, $0xB;
	v9 =	vld [tilespmem:s0+$0x0];
	[tilespmem:s12+$0x160] =	vst v6  }
0x172: {  	s19 =	sshll.u32 s22, $0x5;
	v11 =	vld [tilespmem:s9+$0x10];
	s2 =	sand.u32 $0xFFFFFFE0, s17;
	[tilespmem:s29+$0xFFFFFE70] =	vst v10  }
0x173: {  	v1 =	vadd.f32 v5, v1;
	s22 =	sshra.s32 s22, $0xB;
	s3 =	sand.u32 $0x1FFFE0, s19;
	v8 =	vld [tilespmem:s2+$0x0];
	s23 =	sld [smem:$0x7E5]  }
0x174: {  	s1 =	sand.u32 $0xFFFFFFE0, s22;
	v5 =	vld [tilespmem:s3+$0x0]  }
0x175: {  	[tilespmem:s25+$0xFFFFFF90] =	vst v1;
	v1 =	vld [tilespmem:s1+$0x0]  }
0x176: {  	s4 =	spop (v2sf);
	v6 =	vld [tilespmem:s10+$0x10];
	s24 =	sshll.u32 s23, $0x5  }
0x177: {  	s6 =	spop (v2sf);
	s26 =	sshra.s32 s23, $0xB;
	v7 =	vadd.f32 v11, v7;
	v11 =	vld [tilespmem:s5+$0x10];
	s9 =	sand.u32 $0x1FFFE0, s24  }
0x178: {  	s8 =	sshll.u32 s6, $0x5;
	s11 =	sand.u32 $0xFFFFFFE0, s26;
	v10 =	vld [tilespmem:s9+$0x0]  }
0x179: {  	s17 =	sshra.s32 s6, $0xB;
	s10 =	sand.u32 $0x1FFFE0, s8;
	v8 =	vadd.f32 v8, v9;
	v9 =	vld [tilespmem:s11+$0x0];
	[tilespmem:s29+$0x90] =	vst v7  }
0x17a: {  	s5 =	sand.u32 $0xFFFFFFE0, s17;
	v1 =	vadd.f32 v1, v5;
	v5 =	vld [tilespmem:s10+$0x0]  }
0x17b: {  	v7 =	vld [tilespmem:s5+$0x0];
	[tilespmem:s12+$0xFFFFFF40] =	vst v8  }
0x17c: {  	v8 =	vld [tilespmem:s0+$0x10]  }
0x17d: {  	v50 =	vld [tilespmem:s2+$0x10]  }
0x17e: {  	(v2sf) =	vpush v2, $0xD;
	[tilespmem:s29+$0xFFFFFE80] =	vst v1;
	v6 =	vadd.f32 v11, v6  }
0x17f: {  	(v2sf) =	vpush v0, $0x6;
	s19 =	sshll.u32 s4, $0x5;
	v1 =	vld [tilespmem:s3+$0x10]  }
0x180: {  	s22 =	sshra.s32 s4, $0xB;
	v9 =	vadd.f32 v9, v10;
	v10 =	vld [tilespmem:s1+$0x10];
	[tilespmem:s12+$0x170] =	vst v6;
	s1 =	sand.u32 $0x1FFFE0, s19  }
0x181: {  	s2 =	sand.u32 $0xFFFFFFE0, s22;
	v6 =	vld [tilespmem:s1+$0x0]  }
0x182: {  	v5 =	vadd.f32 v7, v5;
	[tilespmem:s25+$0xFFFFFFA0] =	vst v9;
	v7 =	vadd.f32 v50, v8;
	v8 =	vld [tilespmem:s2+$0x0]  }
0x183: {  	v9 =	vld [tilespmem:s9+$0x10]  }
0x184: {  	s23 =	sshll.u32 s13, $0x5;
	v11 =	vld [tilespmem:s11+$0x10];
	[tilespmem:s29+$0xA0] =	vst v5  }
0x185: {  	s24 =	sshra.s32 s13, $0xB;
	s3 =	sand.u32 $0x1FFFE0, s23;
	v5 =	vld [tilespmem:s10+$0x10];
	[tilespmem:s12+$0xFFFFFF50] =	vst v7;
	v1 =	vadd.f32 v10, v1  }
0x186: {  	s6 =	sshll.u32 s21, $0x5;
	s26 =	sand.u32 $0xFFFFFFE0, s24;
	v7 =	vld [tilespmem:s3+$0x0]  }
0x187: {  	s9 =	sand.u32 $0x1FFFE0, s6;
	v10 =	vld [tilespmem:s26+$0x0];
	[tilespmem:s29+$0xFFFFFE90] =	vst v1;
	v1 =	vadd.f32 v8, v6  }
0x188: {  	s8 =	sshra.s32 s21, $0xB;
	v6 =	vld [tilespmem:s9+$0x0]  }
0x189: {  	s11 =	sand.u32 $0xFFFFFFE0, s8;
	v8 =	vld [tilespmem:s5+$0x10];
	[tilespmem:s12+$0x180] =	vst v1  }
0x18a: {  	s10 =	simm.s32 $0x10070;
	v51 =	vld [tilespmem:s11+$0x0];
	s13 =	sld [smem:$0x7E6]  }
0x18b: {  	v1 =	vld [tilespmem:s10+$0x0]  }
0x18c: {  	v9 =	vadd.f32 v11, v9;
	v13 =	vld [tilespmem:s1+$0x10]  }
0x18d: {  	s17 =	spop (v2sf);
	v11 =	vld [tilespmem:s2+$0x10];
	s14 =	sshll.u32 s13, $0x5  }
0x18e: {  	s21 =	spop (v2sf);
	[tilespmem:s25+$0xFFFFFFB0] =	vst v9;
	v8 =	vadd.f32 v8, v5;
	v5 =	vld [tilespmem:s10+$0xFFFFFFF0];
	s19 =	sshra.s32 s13, $0xB;
	s2 =	sand.u32 $0x1FFFE0, s14  }
0x18f: {  	s22 =	sshll.u32 s21, $0x5;
	s13 =	sand.u32 $0xFFFFFFE0, s19;
	v9 =	vld [tilespmem:s2+$0x0]  }
0x190: {  	(v2sf) =	vpush v2, $0xE;
	s1 =	sshra.s32 s21, $0xB;
	v6 =	vadd.f32 v51, v6;
	[tilespmem:s29+$0xB0] =	vst v8;
	s14 =	sand.u32 $0x1FFFE0, s22;
	v14 =	vld [tilespmem:s13+$0x0]  }
0x191: {  	(v2sf) =	vpush v0, $0x7;
	v7 =	vadd.f32 v10, v7;
	s1 =	sand.u32 $0xFFFFFFE0, s1;
	v8 =	vld [tilespmem:s14+$0x0]  }
0x192: {  	[tilespmem:s29+$0xFFFFFEA0] =	vst v6;
	v6 =	vld [tilespmem:s1+$0x0]  }
0x193: {  	[tilespmem:s12+$0xFFFFFF60] =	vst v7;
	(v2sf) =	vpush v1, $0x0;
	v10 =	vld [tilespmem:s9+$0x10];
	v7 =	vadd.f32 v11, v13  }
0x194: {  	s23 =	sshll.u32 s17, $0x5;
	v11 =	vld [tilespmem:s11+$0x10]  }
0x195: {  	s24 =	sand.u32 $0x1FFFE0, s23;
	s8 =	sshra.s32 s17, $0xB;
	v52 =	vld [tilespmem:s3+$0x10];
	[tilespmem:s12+$0x190] =	vst v7  }
0x196: {  	s3 =	sand.u32 $0xFFFFFFE0, s8;
	(v2sf) =	vpush v5, $0x0;
	v7 =	vld [tilespmem:s24+$0x0];
	v9 =	vadd.f32 v14, v9  }
0x197: {  	v6 =	vadd.f32 v6, v8;
	v8 =	vld [tilespmem:s3+$0x0]  }
0x198: {  	v53 =	vld [tilespmem:s26+$0x10];
	[tilespmem:s25+$0xFFFFFFC0] =	vst v9  }
0x199: {  	v9 =	vadd.f32 v11, v10;
	[tilespmem:s29+$0xC0] =	vst v6;
	v54 =	vld [tilespmem:s2+$0x10]  }
0x19a: {  	s9 =	sshll.u32 s20, $0x5;
	v10 =	vld [tilespmem:s14+$0x10]  }
0x19b: {  	s10 =	sshra.s32 s20, $0xB;
	s2 =	sand.u32 $0x1FFFE0, s9;
	[tilespmem:s29+$0xFFFFFEB0] =	vst v9;
	v9 =	vld [tilespmem:s1+$0x10]  }
0x19c: {  	s11 =	sand.u32 $0xFFFFFFE0, s10;
	v11 =	vld [tilespmem:s2+$0x0];
	s26 =	sld [smem:$0x7E7];
	v7 =	vadd.f32 v8, v7  }
0x19d: {  	v6 =	vadd.f32 v53, v52;
	v8 =	vld [tilespmem:s11+$0x0]  }
0x19e: {  	(v2sf) =	vpush v5, $0x1;
	v55 =	vld [tilespmem:s13+$0x10];
	[tilespmem:s12+$0x1A0] =	vst v7  }
0x19f: {  	s22 =	spop (v2sf);
	(v2sf) =	vpush v5, $0x2;
	[tilespmem:s12+$0xFFFFFF70] =	vst v6;
	s6 =	sshll.u32 s26, $0x5;
	v6 =	vld [tilespmem:s24+$0x10]  }
0x1a0: {  	(v2sf) =	vpush v5, $0x3;
	s9 =	spop (v2sf);
	s8 =	sshra.s32 s26, $0xB;
	s5 =	sand.u32 $0x1FFFE0, s6;
	v7 =	vadd.f32 v9, v10;
	v9 =	vld [tilespmem:s3+$0x10]  }
0x1a1: {  	(v2sf) =	vpush v5, $0x4;
	s13 =	sshll.u32 s9, $0x5;
	s10 =	sand.u32 $0xFFFFFFE0, s8;
	v56 =	vld [tilespmem:s5+$0x0]  }
0x1a2: {  	(v2sf) =	vpush v2, $0xF;
	s0 =	sshra.s32 s9, $0xB;
	s3 =	sand.u32 $0x1FFFE0, s13;
	s14 =	spop (v2sf);
	v2 =	vld [tilespmem:s10+$0x0];
	v8 =	vadd.f32 v8, v11;
	[tilespmem:s29+$0xD0] =	vst v7  }
0x1a3: {  	s0 =	sand.u32 $0xFFFFFFE0, s0;
	s17 =	sshll.u32 s14, $0x5;
	v7 =	vld [tilespmem:s3+$0x0]  }
0x1a4: {  	s6 =	sshra.s32 s14, $0xB;
	s20 =	sand.u32 $0x1FFFE0, s17;
	[tilespmem:s29+$0xFFFFFEC0] =	vst v8;
	v8 =	vld [tilespmem:s0+$0x0]  }
0x1a5: {  	(v2sf) =	vpush v5, $0x5;
	s23 =	sand.u32 $0xFFFFFFE0, s6;
	s19 =	spop (v2sf);
	v11 =	vld [tilespmem:s20+$0x0]  }
0x1a6: {  	(v2sf) =	vpush v0, $0x8;
	v15 =	vld [tilespmem:s23+$0x0];
	s21 =	sshll.u32 s19, $0x5  }
0x1a7: {  	v10 =	vld [tilespmem:s2+$0x10];
	s2 =	sshra.s32 s19, $0xB;
	s24 =	sand.u32 $0x1FFFE0, s21  }
0x1a8: {  	s2 =	sand.u32 $0xFFFFFFE0, s2;
	v57 =	vld [tilespmem:s24+$0x0]  }
0x1a9: {  	(v2sf) =	vpush v5, $0x6;
	v16 =	vld [tilespmem:s2+$0x0]  }
0x1aa: {  	(v2sf) =	vpush v1, $0x1;
	v2 =	vadd.f32 v2, v56  }
0x1ab: {  	v8 =	vadd.f32 v8, v7  }
0x1ac: {  	[tilespmem:s12+$0xFFFFFF80] =	vst v2;
	v2 =	vadd.f32 v15, v11  }
0x1ad: {  	s30 =	simm.s32 $0x11440;
	v17 =	vld [tilespmem:s11+$0x10];
	[tilespmem:s29+$0xE0] =	vst v8  }
0x1ae: {  	v7 =	vld [tilespmem:s5+$0x10];
	[tilespmem:s30+$0x0] =	vst v2;
	v2 =	vadd.f32 v16, v57  }
0x1af: {  	s4 =	spop (v2sf);
	v11 =	vld [tilespmem:s3+$0x10]  }
0x1b0: {  	s9 =	spop (v2sf);
	v58 =	vld [tilespmem:s0+$0x10];
	[tilespmem:s30+$0xFFFFFE00] =	vst v2  }
0x1b1: {  	(v2sf) =	vpush v5, $0x7;
	s21 =	spop (v2sf);
	v8 =	vld [tilespmem:s10+$0x10];
	s5 =	sld [smem:$0x7E8]  }
0x1b2: {  	(v2sf) =	vpush v5, $0x8;
	s17 =	spop (v2sf);
	v59 =	vld [tilespmem:s20+$0x10]  }
0x1b3: {  	v12 =	vadd.f32 v55, v54;
	(v2sf) =	vpush v5, $0x9;
	s26 =	spop (v2sf);
	v60 =	vld [tilespmem:s23+$0x10]  }
0x1b4: {  	(v2sf) =	vpush v5, $0xA;
	s10 =	spop (v2sf);
	v2 =	vld [tilespmem:s24+$0x10];
	s8 =	sshll.u32 s5, $0x5;
	s1 =	sshra.s32 s5, $0xB  }
0x1b5: {  	(v2sf) =	vpush v5, $0xB;
	s11 =	spop (v2sf);
	[tilespmem:s25+$0xFFFFFFD0] =	vst v12;
	v61 =	vld [tilespmem:s2+$0x10];
	v11 =	vadd.f32 v58, v11;
	s19 =	sand.u32 $0x1FFFE0, s8;
	s13 =	sand.u32 $0xFFFFFFE0, s1  }
0x1b6: {  	(v2sf) =	vpush v5, $0xC;
	s14 =	sshll.u32 s11, $0x5;
	v62 =	vld [tilespmem:s19+$0x0];
	[dreg:$0x4] =	wrdreg s13  }
0x1b7: {  	v10 =	vadd.f32 v17, v10;
	(v2sf) =	vpush v5, $0xD;
	s3 =	sshra.s32 s11, $0xB;
	s1 =	sand.u32 $0x1FFFE0, s14;
	v63 =	vld [tilespmem:s13+$0x0];
	[tilespmem:s29+$0xF0] =	vst v11  }
0x1b8: {  	(v2sf) =	vpush v5, $0xE;
	s20 =	sshll.u32 s18, $0x5;
	s5 =	sand.u32 $0xFFFFFFE0, s3;
	s8 =	spop (v2sf);
	v11 =	vld [tilespmem:s1+$0x0]  }
0x1b9: {  	s23 =	sshra.s32 s18, $0xB;
	s11 =	sand.u32 $0x1FFFE0, s20;
	s24 =	spop (v2sf);
	[tilespmem:s29+$0xFFFFFED0] =	vst v10;
	v10 =	vadd.f32 v60, v59;
	v20 =	vld [tilespmem:s5+$0x0]  }
0x1ba: {  	(v2sf) =	vpush v0, $0x9;
	s13 =	sand.u32 $0xFFFFFFE0, s23;
	s0 =	sshll.u32 s24, $0x5;
	v21 =	vld [tilespmem:s11+$0x0]  }
0x1bb: {  	(v2sf) =	vpush v5, $0xF;
	v2 =	vadd.f32 v61, v2;
	s14 =	sshra.s32 s24, $0xB;
	s18 =	sand.u32 $0x1FFFE0, s0;
	v5 =	vld [tilespmem:s13+$0x0];
	[tilespmem:s30+$0x10] =	vst v10  }
0x1bc: {  	s3 =	sshll.u32 s4, $0x5;
	s2 =	sand.u32 $0xFFFFFFE0, s14;
	v10 =	vld [tilespmem:s18+$0x0]  }
0x1bd: {  	s6 =	sshra.s32 s4, $0xB;
	s4 =	sand.u32 $0x1FFFE0, s3;
	[tilespmem:s30+$0xFFFFFE10] =	vst v2;
	v23 =	vld [tilespmem:s2+$0x0];
	v22 =	vadd.f32 v63, v62  }
0x1be: {  	s31 =	sand.u32 $0xFFFFFFE0, s6;
	v24 =	vld [tilespmem:s4+$0x0];
	v11 =	vadd.f32 v20, v11  }
0x1bf: {  	v25 =	vld [tilespmem:s31+$0x0];
	[tilespmem:s25+$0xFFFFFFE0] =	vst v22  }
0x1c0: {  	(v2sf) =	vpush v1, $0x2;
	s24 =	spop (v2sf);
	v5 =	vadd.f32 v5, v21;
	v2 =	vld [tilespmem:s19+$0x10];
	[tilespmem:s29+$0x100] =	vst v11  }
0x1c1: {  	s19 =	spop (v2sf);
	v11 =	vld [tilespmem:s1+$0x10]  }
0x1c2: {  	[tilespmem:s29+$0xFFFFFEE0] =	vst v5;
	v5 =	vadd.f32 v23, v10;
	s14 =	spop (v2sf);
	v26 =	vld [tilespmem:s5+$0x10]  }
0x1c3: {  	v10 =	vld [tilespmem:s11+$0x10];
	s28 =	spop (v2sf)  }
0x1c4: {  	v27 =	vld [tilespmem:s13+$0x10];
	[tilespmem:s30+$0x20] =	vst v5;
	s5 =	spop (v2sf)  }
0x1c5: {  	v5 =	vadd.f32 v25, v24;
	v28 =	vld [tilespmem:s18+$0x10];
	s6 =	spop (v2sf)  }
0x1c6: {  	v6 =	vadd.f32 v9, v6;
	v9 =	vld [tilespmem:s2+$0x10];
	s11 =	spop (v2sf)  }
0x1c7: {  	[tilespmem:s30+$0xFFFFFE20] =	vst v5;
	s23 =	spop (v2sf)  }
0x1c8: {  	s20 =	sshll.u32 s22, $0x5;
	[smem:$0x7F1] =	sst s23  }
0x1c9: {  	s25 =	sshra.s32 s22, $0xB;
	v10 =	vadd.f32 v27, v10;
	v5 =	vld [tilespmem:s4+$0x10];
	[tilespmem:s12+$0x1B0] =	vst v6;
	s4 =	sand.u32 $0x1FFFE0, s20  }
0x1ca: {  	s3 =	sand.u32 $0xFFFFFFE0, s25;
	s2 =	sshll.u32 s16, $0x5;
	v6 =	vadd.f32 v26, v11;
	v11 =	vld [tilespmem:s4+$0x0]  }
0x1cb: {  	s16 =	sshra.s32 s16, $0xB;
	s13 =	sand.u32 $0x1FFFE0, s2;
	s0 =	spop (v2sf);
	v9 =	vadd.f32 v9, v28;
	[tilespmem:s29+$0xFFFFFEF0] =	vst v10;
	v29 =	vld [tilespmem:s3+$0x0]  }
0x1cc: {  	s16 =	sand.u32 $0xFFFFFFE0, s16;
	s1 =	sshll.u32 s0, $0x5;
	v30 =	vld [tilespmem:s13+$0x0];
	[tilespmem:s29+$0x110] =	vst v6  }
0x1cd: {  	s18 =	sshra.s32 s0, $0xB;
	s20 =	sand.u32 $0x1FFFE0, s1;
	[tilespmem:s30+$0x30] =	vst v9;
	v9 =	vld [tilespmem:s16+$0x0]  }
0x1ce: {  	(v2sf) =	vpush v0, $0xA;
	s22 =	sand.u32 $0xFFFFFFE0, s18;
	s18 =	spop (v2sf);
	v6 =	vld [tilespmem:s20+$0x0]  }
0x1cf: {  	s23 =	spop (v2sf);
	v10 =	vld [tilespmem:s22+$0x0]  }
0x1d0: {  	s25 =	sshll.u32 s23, $0x5  }
0x1d1: {  	v33 =	vld [tilespmem:s31+$0x10];
	s0 =	sshra.s32 s23, $0xB;
	s1 =	sand.u32 $0x1FFFE0, s25;
	v11 =	vadd.f32 v29, v11  }
0x1d2: {  	s0 =	sand.u32 $0xFFFFFFE0, s0;
	v31 =	vld [tilespmem:s1+$0x0]  }
0x1d3: {  	v32 =	vld [tilespmem:s0+$0x0];
	v9 =	vadd.f32 v9, v30;
	[tilespmem:s12+$0x1C0] =	vst v11  }
0x1d4: {  	v6 =	vadd.f32 v10, v6;
	v10 =	vld [tilespmem:s4+$0x10]  }
0x1d5: {  	v11 =	vld [tilespmem:s3+$0x10];
	[tilespmem:s29+$0xFFFFFF00] =	vst v9  }
0x1d6: {  	v9 =	vld [tilespmem:s13+$0x10]  }
0x1d7: {  	v5 =	vadd.f32 v33, v5;
	[tilespmem:s29+$0x120] =	vst v6;
	v35 =	vld [tilespmem:s16+$0x10]  }
0x1d8: {  	s4 =	sshll.u32 s9, $0x5;
	v13 =	vadd.f32 v32, v31;
	v6 =	vld [tilespmem:s20+$0x10]  }
0x1d9: {  	[tilespmem:s30+$0xFFFFFE30] =	vst v5;
	s13 =	sand.u32 $0x1FFFE0, s4;
	v34 =	vld [tilespmem:s22+$0x10]  }
0x1da: {  	s16 =	sshra.s32 s9, $0xB;
	v5 =	vld [tilespmem:s13+$0x0];
	[tilespmem:s30+$0x40] =	vst v13;
	v10 =	vadd.f32 v11, v10  }
0x1db: {  	(v2sf) =	vpush v1, $0x3;
	s2 =	sand.u32 $0xFFFFFFE0, s16;
	v13 =	vld [tilespmem:s1+$0x10]  }
0x1dc: {  	s20 =	sshll.u32 s26, $0x5;
	[tilespmem:s12+$0x1D0] =	vst v10;
	v10 =	vld [tilespmem:s2+$0x0]  }
0x1dd: {  	s23 =	spop (v2sf);
	s22 =	sshra.s32 s26, $0xB;
	s3 =	sand.u32 $0x1FFFE0, s20;
	v38 =	vld [tilespmem:s0+$0x10];
	v9 =	vadd.f32 v35, v9  }
0x1de: {  	s26 =	sshll.u32 s15, $0x5;
	s15 =	sshra.s32 s15, $0xB;
	s4 =	sand.u32 $0xFFFFFFE0, s22;
	v6 =	vadd.f32 v34, v6;
	v11 =	vld [tilespmem:s3+$0x0]  }
0x1df: {  	s25 =	sshll.u32 s23, $0x5;
	s15 =	sand.u32 $0xFFFFFFE0, s15;
	v36 =	vld [tilespmem:s4+$0x0];
	[tilespmem:s29+$0xFFFFFF10] =	vst v9  }
0x1e0: {  	s9 =	sshra.s32 s23, $0xB;
	s16 =	sand.u32 $0x1FFFE0, s25;
	[tilespmem:s29+$0x130] =	vst v6;
	v37 =	vld [tilespmem:s15+$0x0]  }
0x1e1: {  	s9 =	sand.u32 $0xFFFFFFE0, s9;
	v6 =	vld [tilespmem:s16+$0x0];
	v5 =	vadd.f32 v10, v5  }
0x1e2: {  	s20 =	sand.u32 $0x1FFFE0, s26;
	v9 =	vld [tilespmem:s9+$0x0]  }
0x1e3: {  	(v2sf) =	vpush v0, $0xB;
	v10 =	vld [tilespmem:s20+$0x0];
	[tilespmem:s30+$0xFFFFFE40] =	vst v5  }
0x1e4: {  	v39 =	vld [tilespmem:s13+$0x10]  }
0x1e5: {  	v40 =	vld [tilespmem:s2+$0x10]  }
0x1e6: {  	v11 =	vadd.f32 v36, v11  }
0x1e7: {  	v9 =	vadd.f32 v9, v6  }
0x1e8: {  	[tilespmem:s12+$0x1E0] =	vst v11;
	v11 =	vadd.f32 v38, v13  }
0x1e9: {  	v5 =	vld [tilespmem:s3+$0x10];
	v10 =	vadd.f32 v37, v10;
	[tilespmem:s29+$0x140] =	vst v9  }
0x1ea: {  	s13 =	spop (v2sf);
	v6 =	vld [tilespmem:s4+$0x10];
	[tilespmem:s30+$0x50] =	vst v11;
	v11 =	vadd.f32 v40, v39  }
0x1eb: {  	s0 =	sshra.s32 s13, $0xB;
	v9 =	vld [tilespmem:s16+$0x10];
	[tilespmem:s29+$0xFFFFFF20] =	vst v10  }
0x1ec: {  	s0 =	sand.u32 $0xFFFFFFE0, s0;
	v41 =	vld [tilespmem:s9+$0x10];
	[tilespmem:s30+$0xFFFFFE50] =	vst v11  }
0x1ed: {  	v7 =	vadd.f32 v8, v7;
	s16 =	sshll.u32 s13, $0x5;
	v8 =	vld [tilespmem:s0+$0x0];
	s22 =	sld [smem:$0x7E9]  }
0x1ee: {  	s1 =	sand.u32 $0x1FFFE0, s16;
	v10 =	vld [tilespmem:s20+$0x10];
	s20 =	sshll.u32 s21, $0x5  }
0x1ef: {  	v42 =	vld [tilespmem:s1+$0x0];
	s21 =	sshra.s32 s21, $0xB;
	s2 =	sand.u32 $0x1FFFE0, s20  }
0x1f0: {  	s3 =	sand.u32 $0xFFFFFFE0, s21;
	v11 =	vld [tilespmem:s2+$0x0];
	s23 =	sshll.u32 s22, $0x5  }
0x1f1: {  	[tilespmem:s12+$0xFFFFFF90] =	vst v7;
	v7 =	vld [tilespmem:s3+$0x0];
	s9 =	sshra.s32 s22, $0xB;
	s4 =	sand.u32 $0x1FFFE0, s23  }
0x1f2: {  	s25 =	spop (v2sf);
	v9 =	vadd.f32 v41, v9;
	s9 =	sand.u32 $0xFFFFFFE0, s9;
	v43 =	vld [tilespmem:s4+$0x0]  }
0x1f3: {  	(v2sf) =	vpush v1, $0x4;
	s26 =	sshll.u32 s25, $0x5;
	v44 =	vld [tilespmem:s9+$0x0]  }
0x1f4: {  	s16 =	sshra.s32 s25, $0xB;
	v46 =	vld [tilespmem:s15+$0x10];
	s20 =	sand.u32 $0x1FFFE0, s26;
	[tilespmem:s29+$0x150] =	vst v9;
	v8 =	vadd.f32 v8, v42  }
0x1f5: {  	s16 =	sand.u32 $0xFFFFFFE0, s16;
	v9 =	vld [tilespmem:s20+$0x0]  }
0x1f6: {  	v45 =	vld [tilespmem:s16+$0x0];
	[tilespmem:s30+$0x60] =	vst v8;
	v7 =	vadd.f32 v7, v11  }
0x1f7: {  	v8 =	vld [tilespmem:s1+$0x10]  }
0x1f8: {  	v11 =	vld [tilespmem:s0+$0x10];
	[tilespmem:s30+$0xFFFFFE60] =	vst v7;
	v13 =	vadd.f32 v44, v43  }
0x1f9: {  	v7 =	vld [tilespmem:s2+$0x10]  }
0x1fa: {  	v47 =	vld [tilespmem:s3+$0x10];
	[tilespmem:s12+$0xFFFFFFA0] =	vst v13  }
0x1fb: {  	v10 =	vadd.f32 v46, v10;
	v48 =	vld [tilespmem:s4+$0x10]  }
0x1fc: {  	s3 =	sshll.u32 s7, $0x5;
	v13 =	vld [tilespmem:s9+$0x10]  }
0x1fd: {  	[tilespmem:s29+$0xFFFFFF30] =	vst v10;
	s0 =	sand.u32 $0x1FFFE0, s3;
	v8 =	vadd.f32 v11, v8;
	s4 =	sshra.s32 s7, $0xB  }
0x1fe: {  	v9 =	vadd.f32 v45, v9;
	v10 =	vld [tilespmem:s0+$0x0];
	s3 =	sand.u32 $0xFFFFFFE0, s4  }
0x1ff: {  	[tilespmem:s30+$0x70] =	vst v8;
	v7 =	vadd.f32 v47, v7;
	v8 =	vld [tilespmem:s3+$0x0]  }
0x200: {  	[tilespmem:s29+$0x160] =	vst v9  }
0x201: {  	[tilespmem:s30+$0xFFFFFE70] =	vst v7;
	v12 =	vadd.f32 v13, v48  }
0x202: {  	s15 =	sshll.u32 s17, $0x5;
	v9 =	vld [tilespmem:s20+$0x10];
	s7 =	spop (v2sf);
	s20 =	sld [smem:$0x7EA]  }
0x203: {  	s17 =	sshra.s32 s17, $0xB;
	s15 =	sand.u32 $0x1FFFE0, s15;
	s9 =	sshll.u32 s7, $0x5;
	[tilespmem:s12+$0xFFFFFFB0] =	vst v12  }
0x204: {  	v52 =	vld [tilespmem:s16+$0x10];
	s13 =	sshra.s32 s7, $0xB;
	s4 =	sand.u32 $0x1FFFE0, s9;
	v8 =	vadd.f32 v8, v10;
	s22 =	sld [smem:$0x7EB]  }
0x205: {  	s17 =	sand.u32 $0xFFFFFFE0, s17;
	s2 =	sand.u32 $0xFFFFFFE0, s13;
	v11 =	vld [tilespmem:s4+$0x0];
	s7 =	sshra.s32 s20, $0xB  }
0x206: {  	v49 =	vld [tilespmem:s2+$0x0];
	s21 =	sshll.u32 s20, $0x5;
	s9 =	sand.u32 $0xFFFFFFE0, s7;
	s25 =	sld [smem:$0x7EC];
	[tilespmem:s29+$0xFFFFFF40] =	vst v8  }
0x207: {  	(v2sf) =	vpush v0, $0xC;
	v7 =	vld [tilespmem:s15+$0x0];
	s23 =	sshll.u32 s22, $0x5;
	s7 =	sshra.s32 s22, $0xB;
	s22 =	sld [smem:$0x7ED]  }
0x208: {  	v50 =	vld [tilespmem:s17+$0x0];
	s20 =	sand.u32 $0x1FFFE0, s21  }
0x209: {  	v51 =	vld [tilespmem:s20+$0x0]  }
0x20a: {  	(v2sf) =	vpush v1, $0x5;
	v10 =	vld [tilespmem:s9+$0x0];
	s13 =	sand.u32 $0x1FFFE0, s23;
	s23 =	sshll.u32 s22, $0x5  }
0x20b: {  	v11 =	vadd.f32 v49, v11;
	v8 =	vld [tilespmem:s0+$0x10];
	s0 =	sand.u32 $0x1FFFE0, s23  }
0x20c: {  	v53 =	vld [tilespmem:s3+$0x10];
	[dreg:$0xd] =	wrdreg s0  }
0x20d: {  	[tilespmem:s30+$0x80] =	vst v11  }
0x20e: {  	s26 =	sshll.u32 s25, $0x5;
	s16 =	sshra.s32 s25, $0xB;
	s25 =	sld [smem:$0x7EE]  }
0x20f: {  	_ = 	snop  }
0x210: {  	s21 =	sand.u32 $0xFFFFFFE0, s7;
	s7 =	sand.u32 $0xFFFFFFE0, s16;
	s16 =	sshra.s32 s22, $0xB  }
0x211: {  	s1 =	sand.u32 $0x1FFFE0, s26;
	s22 =	sand.u32 $0xFFFFFFE0, s16;
	s26 =	sshll.u32 s25, $0x5  }
0x212: {  	s16 =	sld [smem:$0x7EF];
	s3 =	sshra.s32 s25, $0xB;
	s0 =	sand.u32 $0x1FFFE0, s26  }
0x213: {  	v7 =	vadd.f32 v50, v7;
	v11 =	vld [tilespmem:s4+$0x10];
	s25 =	sand.u32 $0xFFFFFFE0, s3;
	[dreg:$0x5] =	wrdreg s0  }
0x214: {  	v54 =	vld [tilespmem:s2+$0x10];
	[dreg:$0x6] =	wrdreg s25  }
0x215: {  	[tilespmem:s30+$0xFFFFFE80] =	vst v7  }
0x216: {  	v10 =	vadd.f32 v10, v51;
	s4 =	spop (v2sf);
	s0 =	sld [smem:$0x7F0]  }
0x217: {  	s23 =	sshll.u32 s16, $0x5;
	s26 =	sshra.s32 s16, $0xB;
	s16 =	sshll.u32 s10, $0x5  }
0x218: {  	v8 =	vadd.f32 v53, v8;
	s10 =	sshra.s32 s10, $0xB;
	s25 =	sand.u32 $0x1FFFE0, s23;
	v7 =	vld [tilespmem:s15+$0x10];
	[tilespmem:s12+$0xFFFFFFC0] =	vst v10;
	s15 =	sshll.u32 s4, $0x5  }
0x219: {  	v9 =	vadd.f32 v52, v9;
	v10 =	vld [tilespmem:s20+$0x10];
	s20 =	spop (v2sf);
	s2 =	sshll.u32 s0, $0x5;
	s3 =	sshra.s32 s0, $0xB  }
0x21a: {  	v55 =	vld [tilespmem:s17+$0x10];
	[tilespmem:s29+$0xFFFFFF50] =	vst v8;
	s0 =	sand.u32 $0x1FFFE0, s15;
	s15 =	sshll.u32 s8, $0x5;
	s8 =	sshra.s32 s8, $0xB  }
0x21b: {  	[tilespmem:s29+$0x170] =	vst v9;
	v56 =	vld [tilespmem:s1+$0x0];
	s23 =	sand.u32 $0x1FFFE0, s2;
	s17 =	sand.u32 $0xFFFFFFE0, s3;
	s2 =	sshra.s32 s4, $0xB  }
0x21c: {  	v11 =	vadd.f32 v54, v11;
	v9 =	vld [tilespmem:s0+$0x0];
	s12 =	sand.u32 $0xFFFFFFE0, s2;
	s2 =	sand.u32 $0xFFFFFFE0, s10;
	s10 =	sand.u32 $0x1FFFE0, s15  }
0x21d: {  	s4 =	sand.u32 $0x1FFFE0, s16;
	s16 =	sshll.u32 s20, $0x5;
	v8 =	vld [tilespmem:s12+$0x0];
	[dreg:$0x1b] =	wrdreg s10  }
0x21e: {  	s3 =	sshra.s32 s20, $0xB;
	s8 =	sand.u32 $0xFFFFFFE0, s8;
	s20 =	sshll.u32 s24, $0x5;
	[tilespmem:s30+$0x90] =	vst v11  }
0x21f: {  	v7 =	vadd.f32 v55, v7;
	s10 =	sand.u32 $0x1FFFE0, s16;
	v11 =	vld [tilespmem:s7+$0x0];
	[dreg:$0x1a] =	wrdreg s8;
	s8 =	sand.u32 $0x1FFFE0, s20  }
0x220: {  	s24 =	sshra.s32 s24, $0xB;
	v57 =	vld [tilespmem:s10+$0x0];
	[dreg:$0x15] =	wrdreg s8  }
0x221: {  	s3 =	sand.u32 $0xFFFFFFE0, s3;
	s15 =	sand.u32 $0xFFFFFFE0, s24;
	s16 =	sshll.u32 s19, $0x5;
	[tilespmem:s30+$0xFFFFFE90] =	vst v7  }
0x222: {  	s19 =	sshra.s32 s19, $0xB;
	s8 =	sand.u32 $0x1FFFE0, s16;
	v58 =	vld [tilespmem:s3+$0x0];
	[dreg:$0x14] =	wrdreg s15  }
0x223: {  	(v2sf) =	vpush v0, $0xD;
	s20 =	sand.u32 $0xFFFFFFE0, s19;
	[dreg:$0xe] =	wrdreg s8  }
0x224: {  	s24 =	sshll.u32 s14, $0x5;
	v7 =	vadd.f32 v8, v9;
	v8 =	vld [tilespmem:s4+$0x0];
	[dreg:$0xf] =	wrdreg s20  }
0x225: {  	s8 =	sand.u32 $0x1FFFE0, s24;
	v9 =	vld [tilespmem:s2+$0x0]  }
0x226: {  	v59 =	vld [tilespmem:s9+$0x10];
	[dreg:$0xc] =	wrdreg s8  }
0x227: {  	v11 =	vadd.f32 v11, v56;
	[tilespmem:s29+$0x180] =	vst v7  }
0x228: {  	(v2sf) =	vpush v1, $0x6;
	s14 =	sshra.s32 s14, $0xB;
	v60 =	vld [tilespmem:s0+$0x10];
	v7 =	vadd.f32 v58, v57  }
0x229: {  	s19 =	sshra.s32 s5, $0xB;
	s16 =	sshll.u32 s5, $0x5;
	s5 =	sshra.s32 s6, $0xB;
	[tilespmem:s29+$0xFFFFFF60] =	vst v11;
	v61 =	vld [tilespmem:s12+$0x10]  }
0x22a: {  	v3 =	vadd.f32 v4, v3;
	s31 =	sand.u32 $0xFFFFFFE0, s14;
	v11 =	vld [tilespmem:s1+$0x10];
	s1 =	sshll.u32 s6, $0x5;
	s6 =	sand.u32 $0xFFFFFFE0, s5;
	[tilespmem:s30+$0xA0] =	vst v7  }
0x22b: {  	s14 =	sshll.u32 s28, $0x5;
	v62 =	vld [tilespmem:s7+$0x10];
	s7 =	simm.s32 $0x10840;
	[dreg:$0x17] =	wrdreg s6;
	v7 =	vadd.f32 v9, v8  }
0x22c: {  	s15 =	sshra.s32 s28, $0xB;
	s20 =	sand.u32 $0x1FFFE0, s14;
	v4 =	vadd.f32 v59, v10;
	v9 =	vld [tilespmem:s10+$0x10];
	s10 =	sld [smem:$0x7F1];
	[tilespmem:s7+$0x1F0] =	vst v3  }
0x22d: {  	s28 =	sand.u32 $0x1FFFE0, s1;
	s1 =	sshll.u32 s18, $0x5;
	s6 =	simm.s32 $0x10C40;
	v63 =	vld [tilespmem:s3+$0x10];
	[tilespmem:s30+$0xFFFFFEA0] =	vst v7  }
0x22e: {  	s24 =	sand.u32 $0xFFFFFFE0, s15;
	s8 =	sshll.u32 s11, $0x5;
	s0 =	sand.u32 $0x1FFFE0, s1;
	v3 =	vadd.f32 v61, v60;
	[tilespmem:s6+$0xFFFFFFD0] =	vst v4;
	v7 =	vld [tilespmem:s4+$0x10]  }
0x22f: {  	v5 =	vadd.f32 v6, v5;
	s9 =	sshra.s32 s11, $0xB;
	s15 =	sand.u32 $0x1FFFE0, s8;
	v8 =	vld [tilespmem:s2+$0x10];
	[dreg:$0x8] =	wrdreg s0  }
0x230: {  	s14 =	sand.u32 $0xFFFFFFE0, s9;
	s12 =	sand.u32 $0x1FFFE0, s16;
	s5 =	sld [smem:$0x7F2];
	[tilespmem:s29+$0x190] =	vst v3  }
0x231: {  	s4 =	sshra.s32 s18, $0xB;
	s11 =	sshll.u32 s10, $0x5;
	s16 =	sshra.s32 s10, $0xB;
	[tilespmem:s6+$0x1F0] =	vst v5  }
0x232: {  	s9 =	sand.u32 $0x1FFFE0, s11;
	s11 =	spop (v2sf);
	s18 =	sld [smem:$0x7FB]  }
0x233: {  	s8 =	sand.u32 $0xFFFFFFE0, s16;
	s10 =	smul.u32 $0x640, s5;
	s16 =	sshll.u32 s11, $0x5  }
0x234: {  	s26 =	sand.u32 $0xFFFFFFE0, s26;
	v4 =	vld [tilespmem:s13+$0x0];
	s1 =	sshra.s32 s11, $0xB;
	s0 =	sand.u32 $0x1FFFE0, s16  }
0x235: {  	v6 =	vadd.f32 v62, v11;
	s2 =	sand.u32 $0xFFFFFFE0, s1;
	v5 =	vld [tilespmem:s0+$0x0];
	[smem:$0x7F3] =	sst s10;
	s1 =	sadd.s32 s18, s10  }
0x236: {  	s19 =	sand.u32 $0xFFFFFFE0, s19;
	s11 =	sand.u32 $0xFFFFFFE0, s4;
	[smem:$0x7F4] =	sst s1  }
0x237: {  	(v2sf) =	vpush v0, $0xE;
	v9 =	vadd.f32 v63, v9;
	s3 =	spop (v2sf);
	s16 =	simm.s32 $0x10090;
	s18 =	simm.s32 $0x6;
	[tilespmem:s29+$0xFFFFFF70] =	vst v6;
	v6 =	vld [tilespmem:s2+$0x0]  }
.LBB2_3:
0x238: {  	v10 =	vld [tilespmem:s16+$0x0]  }
0x239: {  	[smem:$0x7D1] =	sst s14;
	v3 =	vld [tilespmem:s16+$0xFFFFFFF0];
	(v2sf) =	vpush v1, $0x7  }
0x23a: {  	[smem:$0x7DF] =	sst s19;
	s5 =	sshra.s32 s3, $0xB  }
0x23b: {  	[smem:$0x7D5] =	sst s20;
	s4 =	sshll.u32 s3, $0x5;
	[tilespmem:s30+$0xB0] =	vst v9;
	s3 =	sand.u32 $0xFFFFFFE0, s5;
	v7 =	vadd.f32 v8, v7  }
0x23c: {  	[smem:$0x7DD] =	sst s9;
	s4 =	sand.u32 $0x1FFFE0, s4;
	v9 =	vld [tilespmem:s3+$0x0]  }
0x23d: {  	s5 =	rddreg [dreg:$0x1b];
	v8 =	vld [tilespmem:s4+$0x0];
	(v2sf) =	vpush v10, $0x0;
	[tilespmem:s30+$0xFFFFFEB0] =	vst v7  }
0x23e: {  	s1 =	rddreg [dreg:$0x1a];
	v5 =	vadd.f32 v6, v5;
	(v2sf) =	vpush v3, $0x0;
	v6 =	vld [tilespmem:s5+$0x0]  }
0x23f: {  	s10 =	rddreg [dreg:$0xd];
	v11 =	vld [tilespmem:s1+$0x0]  }
0x240: {  	[smem:$0x7DE] =	sst s12;
	[tilespmem:s29+$0x1A0] =	vst v5;
	v7 =	vld [tilespmem:s10+$0x0];
	(v2sf) =	vpush v3, $0x1  }
0x241: {  	[dreg:$0x1f] =	wrdreg s8;
	v5 =	vld [tilespmem:s0+$0x10];
	(v2sf) =	vpush v3, $0x2  }
0x242: {  	s9 =	rddreg [dreg:$0x4];
	s19 =	smov.u32 s11;
	v8 =	vadd.f32 v9, v8;
	v9 =	vld [tilespmem:s2+$0x10];
	(v2sf) =	vpush v3, $0x3  }
0x243: {  	[smem:$0x7D0] =	sst s19;
	s12 =	smov.u32 s21;
	v12 =	vld [tilespmem:s22+$0x0]  }
0x244: {  	s14 =	smov.u32 s17;
	[dreg:$0x4] =	wrdreg s12;
	[tilespmem:s30+$0xC0] =	vst v8;
	v8 =	vld [tilespmem:s21+$0x0];
	v6 =	vadd.f32 v11, v6  }
0x245: {  	[smem:$0x7D8] =	sst s14;
	s12 =	smov.u32 s6;
	v11 =	vld [tilespmem:s4+$0x10]  }
0x246: {  	[smem:$0x7DC] =	sst s12;
	v13 =	vld [tilespmem:s3+$0x10];
	[tilespmem:s30+$0xFFFFFEC0] =	vst v6  }
0x247: {  	s4 =	rddreg [dreg:$0x17];
	v5 =	vadd.f32 v9, v5;
	s8 =	spop (v2sf);
	(v2sf) =	vpush v3, $0x4;
	v6 =	vld [tilespmem:s9+$0x10]  }
0x248: {  	v7 =	vadd.f32 v12, v7;
	v9 =	vld [tilespmem:s5+$0x10];
	s17 =	sshll.u32 s8, $0x5;
	s0 =	sshra.s32 s8, $0xB;
	s20 =	spop (v2sf)  }
0x249: {  	v63 =	vld [tilespmem:s1+$0x10];
	(v2sf) =	vpush v0, $0xF;
	s1 =	smov.u32 s28;
	s8 =	smov.u32 s4;
	[tilespmem:s29+$0x1B0] =	vst v5;
	s3 =	sand.u32 $0x1FFFE0, s17;
	v4 =	vadd.f32 v8, v4  }
0x24a: {  	[tilespmem:s29+$0xFFFFFF80] =	vst v7;
	s5 =	sand.u32 $0xFFFFFFE0, s0;
	(v2sf) =	vpush v3, $0x5;
	s21 =	sshll.u32 s20, $0x5;
	[dreg:$0xd] =	wrdreg s1;
	v5 =	vld [tilespmem:s3+$0x0]  }
0x24b: {  	s2 =	sshra.s32 s20, $0xB;
	[smem:$0x7DA] =	sst s8;
	v7 =	vadd.f32 v13, v11;
	v8 =	vld [tilespmem:s5+$0x0];
	s0 =	sand.u32 $0x1FFFE0, s21;
	[tilespmem:s6+$0xFFFFFFE0] =	vst v4  }
0x24c: {  	s21 =	smov.u32 s29;
	s29 =	smov.u32 s30;
	v4 =	vld [tilespmem:s10+$0x10];
	s9 =	spop (v2sf)  }
0x24d: {  	v0 =	vmov v1;
	[tilespmem:s30+$0xD0] =	vst v7;
	s10 =	sand.u32 $0xFFFFFFE0, s2;
	v2 =	vadd.f32 v6, v2;
	v6 =	vld [tilespmem:s22+$0x10];
	s14 =	sshll.u32 s9, $0x5;
	s17 =	spop (v2sf)  }
0x24e: {  	v7 =	vadd.f32 v63, v9;
	v9 =	vld [tilespmem:s0+$0x0];
	(v2sf) =	vpush v0, $0x8;
	s4 =	sshra.s32 s9, $0xB;
	s19 =	sshll.u32 s17, $0x5;
	s11 =	sand.u32 $0x1FFFE0, s14  }
0x24f: {  	v1 =	vmov v10;
	v10 =	vld [tilespmem:s10+$0x0];
	(v2sf) =	vpush v3, $0x6;
	[tilespmem:s7+$0xFFFFFFF0] =	vst v2;
	s6 =	sshra.s32 s17, $0xB;
	s8 =	sand.u32 $0xFFFFFFE0, s4;
	s20 =	spop (v2sf)  }
0x250: {  	[tilespmem:s30+$0xFFFFFED0] =	vst v7;
	s2 =	sand.u32 $0x1FFFE0, s19;
	s4 =	sand.u32 $0xFFFFFFE0, s6;
	s1 =	spop (v2sf)  }
0x251: {  	v5 =	vadd.f32 v8, v5;
	(v2sf) =	vpush v1, $0x1;
	v2 =	vld [tilespmem:s13+$0x10];
	s22 =	sshll.u32 s20, $0x5;
	s6 =	sshra.s32 s20, $0xB;
	s13 =	spop (v2sf)  }
0x252: {  	v7 =	vld [tilespmem:s11+$0x0];
	s9 =	sand.u32 $0xFFFFFFE0, s6;
	s7 =	sshll.u32 s1, $0x5;
	s14 =	sshll.u32 s13, $0x5  }
0x253: {  	v8 =	vld [tilespmem:s8+$0x0];
	[tilespmem:s21+$0x1C0] =	vst v5;
	s12 =	sshra.s32 s1, $0xB;
	v4 =	vadd.f32 v6, v4;
	s17 =	sshra.s32 s13, $0xB;
	s19 =	sand.u32 $0x1FFFE0, s14  }
0x254: {  	(v2sf) =	vpush v3, $0x7;
	v5 =	vld [tilespmem:s3+$0x10];
	s3 =	sand.u32 $0x1FFFE0, s22;
	v6 =	vadd.f32 v10, v9;
	s22 =	sand.u32 $0xFFFFFFE0, s17;
	[smem:$0x7D2] =	sst s19  }
0x255: {  	s20 =	sand.u32 $0x1FFFE0, s7;
	s6 =	sand.u32 $0xFFFFFFE0, s12;
	[tilespmem:s21+$0xFFFFFF90] =	vst v4;
	v4 =	vld [tilespmem:s5+$0x10];
	[smem:$0x7D3] =	sst s22  }
0x256: {  	(v2sf) =	vpush v3, $0x8;
	[tilespmem:s30+$0xE0] =	vst v6;
	s30 =	sadd.s32 $0x400, s30;
	s22 =	smov.u32 s23;
	v9 =	vld [tilespmem:s2+$0x0];
	s1 =	spop (v2sf)  }
0x257: {  	(v2sf) =	vpush v3, $0x9;
	v10 =	vld [tilespmem:s4+$0x0];
	[smem:$0x7E0] =	sst s22;
	s7 =	sshll.u32 s1, $0x5;
	s5 =	sshra.s32 s1, $0xB  }
0x258: {  	v6 =	vadd.f32 v8, v7;
	v7 =	vld [tilespmem:s0+$0x10];
	s1 =	rddreg [dreg:$0x15];
	s13 =	spop (v2sf);
	s0 =	sand.u32 $0x1FFFE0, s7  }
0x259: {  	(v2sf) =	vpush v3, $0xA;
	s12 =	sand.u32 $0xFFFFFFE0, s5;
	s17 =	spop (v2sf);
	[smem:$0x7D6] =	sst s0  }
0x25a: {  	v8 =	vld [tilespmem:s10+$0x10];
	s19 =	sshll.u32 s13, $0x5;
	s5 =	sshra.s32 s13, $0xB;
	[smem:$0x7D7] =	sst s12  }
0x25b: {  	[tilespmem:s30+$0x0] =	vst v6;
	v6 =	vld [tilespmem:s1+$0x0];
	v4 =	vadd.f32 v4, v5;
	s14 =	sand.u32 $0x1FFFE0, s19;
	s7 =	sshll.u32 s17, $0x5;
	s13 =	sshra.s32 s17, $0xB  }
0x25c: {  	(v2sf) =	vpush v3, $0xB;
	v5 =	vld [tilespmem:s11+$0x10];
	s10 =	sand.u32 $0xFFFFFFE0, s5;
	s12 =	sand.u32 $0x1FFFE0, s7;
	s19 =	sand.u32 $0xFFFFFFE0, s13  }
0x25d: {  	v9 =	vadd.f32 v10, v9;
	v10 =	vld [tilespmem:s8+$0x10];
	s7 =	smov.u32 s15;
	[tilespmem:s21+$0x1D0] =	vst v4;
	[smem:$0x7E1] =	sst s12;
	s17 =	spop (v2sf)  }
0x25e: {  	(v2sf) =	vpush v3, $0xC;
	[smem:$0x7E2] =	sst s19;
	v4 =	vld [tilespmem:s14+$0x0];
	s22 =	spop (v2sf);
	s23 =	sshll.u32 s17, $0x5  }
0x25f: {  	v7 =	vadd.f32 v8, v7;
	[tilespmem:s30+$0xFFFFFE00] =	vst v9;
	v8 =	vld [tilespmem:s10+$0x0];
	s12 =	sshra.s32 s17, $0xB;
	s0 =	sshll.u32 s22, $0x5;
	s11 =	sand.u32 $0x1FFFE0, s23  }
0x260: {  	(v2sf) =	vpush v3, $0xD;
	v9 =	vld [tilespmem:s2+$0x10];
	s2 =	sshra.s32 s22, $0xB;
	s13 =	spop (v2sf);
	s8 =	sand.u32 $0xFFFFFFE0, s12  }
0x261: {  	s17 =	sand.u32 $0x1FFFE0, s0;
	s19 =	sand.u32 $0xFFFFFFE0, s2;
	s0 =	rddreg [dreg:$0x14]  }
0x262: {  	[tilespmem:s29+$0xF0] =	vst v7;
	v11 =	vld [tilespmem:s4+$0x10];
	(v2sf) =	vpush v3, $0xE;
	s22 =	sshll.u32 s13, $0x5;
	s23 =	sshra.s32 s13, $0xB;
	[dreg:$0x1b] =	wrdreg s17  }
0x263: {  	v5 =	vadd.f32 v10, v5;
	v7 =	vld [tilespmem:s11+$0x0];
	s12 =	spop (v2sf);
	[dreg:$0x1a] =	wrdreg s19;
	s5 =	sand.u32 $0x1FFFE0, s22  }
0x264: {  	(v2sf) =	vpush v0, $0x9;
	v10 =	vld [tilespmem:s8+$0x0];
	s13 =	sshll.u32 s12, $0x5;
	s4 =	sshra.s32 s12, $0xB;
	s28 =	sand.u32 $0xFFFFFFE0, s23  }
0x265: {  	(v2sf) =	vpush v3, $0xF;
	v3 =	vld [tilespmem:s0+$0x0];
	s15 =	spop (v2sf);
	s12 =	smov.u32 s25;
	[tilespmem:s30+$0x10] =	vst v5;
	v4 =	vadd.f32 v8, v4;
	s17 =	sand.u32 $0x1FFFE0, s13  }
0x266: {  	s19 =	sand.u32 $0xFFFFFFE0, s4;
	s22 =	sshll.u32 s15, $0x5;
	s23 =	spop (v2sf);
	v5 =	vld [tilespmem:s5+$0x0]  }
0x267: {  	s2 =	sshra.s32 s15, $0xB;
	v8 =	vadd.f32 v11, v9;
	v9 =	vld [tilespmem:s28+$0x0];
	s15 =	sand.u32 $0x1FFFE0, s22;
	s4 =	sshll.u32 s23, $0x5;
	[tilespmem:s21+$0x1E0] =	vst v4  }
0x268: {  	v4 =	vld [tilespmem:s14+$0x10];
	s14 =	sand.u32 $0xFFFFFFE0, s2;
	s2 =	sand.u32 $0x1FFFE0, s4;
	s13 =	spop (v2sf)  }
0x269: {  	[tilespmem:s30+$0xFFFFFE10] =	vst v8;
	v7 =	vadd.f32 v10, v7;
	v8 =	vld [tilespmem:s10+$0x10];
	s10 =	sshra.s32 s23, $0xB;
	s22 =	sshll.u32 s13, $0x5;
	s23 =	sshra.s32 s13, $0xB  }
0x26a: {  	(v2sf) =	vpush v1, $0x2;
	v10 =	vld [tilespmem:s3+$0x0];
	[smem:$0x7D4] =	sst s2;
	v3 =	vadd.f32 v3, v6;
	s2 =	sand.u32 $0x1FFFE0, s22;
	s25 =	sand.u32 $0xFFFFFFE0, s23  }
0x26b: {  	v6 =	vld [tilespmem:s9+$0x0];
	[tilespmem:s29+$0x100] =	vst v7;
	s4 =	spop (v2sf);
	s22 =	smov.u32 s24;
	[smem:$0x7D9] =	sst s2  }
0x26c: {  	[tilespmem:s29+$0xFFFFFEE0] =	vst v3;
	v3 =	vld [tilespmem:s11+$0x10];
	[smem:$0x7DB] =	sst s25;
	s13 =	sshll.u32 s4, $0x5;
	s25 =	sshra.s32 s4, $0xB  }
0x26d: {  	v7 =	vld [tilespmem:s8+$0x10];
	s23 =	spop (v2sf);
	s8 =	sand.u32 $0x1FFFE0, s13;
	s11 =	sand.u32 $0xFFFFFFE0, s25  }
0x26e: {  	v5 =	vadd.f32 v9, v5;
	s13 =	sshll.u32 s23, $0x5;
	s23 =	sshra.s32 s23, $0xB;
	[smem:$0x7E3] =	sst s8  }
0x26f: {  	s24 =	spop (v2sf);
	[smem:$0x7E4] =	sst s11;
	s4 =	sand.u32 $0x1FFFE0, s13  }
0x270: {  	v4 =	vadd.f32 v8, v4;
	[tilespmem:s30+$0x20] =	vst v5;
	v5 =	vld [tilespmem:s0+$0x10];
	s25 =	sand.u32 $0xFFFFFFE0, s23;
	s0 =	sshll.u32 s24, $0x5;
	s23 =	rddreg [dreg:$0x5]  }
0x271: {  	v9 =	vld [tilespmem:s1+$0x10];
	v6 =	vadd.f32 v6, v10;
	s11 =	sshra.s32 s24, $0xB;
	[dreg:$0x17] =	wrdreg s25;
	s1 =	spop (v2sf)  }
0x272: {  	v8 =	vld [tilespmem:s5+$0x10];
	[tilespmem:s21+$0x1F0] =	vst v4;
	s5 =	sand.u32 $0x1FFFE0, s0;
	s2 =	sand.u32 $0xFFFFFFE0, s11;
	s11 =	sshll.u32 s1, $0x5  }
0x273: {  	v4 =	vld [tilespmem:s28+$0x10];
	[tilespmem:s30+$0xFFFFFE20] =	vst v6;
	s8 =	sshra.s32 s1, $0xB;
	s13 =	spop (v2sf);
	s28 =	sand.u32 $0x1FFFE0, s11  }
0x274: {  	v3 =	vadd.f32 v7, v3;
	v7 =	vld [tilespmem:s3+$0x10];
	s3 =	sand.u32 $0xFFFFFFE0, s8;
	s0 =	sshll.u32 s13, $0x5;
	s1 =	spop (v2sf)  }
0x275: {  	s11 =	sshra.s32 s13, $0xB;
	s8 =	sand.u32 $0x1FFFE0, s0;
	s13 =	sshll.u32 s1, $0x5  }
0x276: {  	v10 =	vld [tilespmem:s9+$0x10];
	s9 =	sshra.s32 s1, $0xB;
	s24 =	sand.u32 $0xFFFFFFE0, s11;
	s0 =	rddreg [dreg:$0xe]  }
0x277: {  	v6 =	vld [tilespmem:s23+$0x0];
	v5 =	vadd.f32 v5, v9;
	[tilespmem:s29+$0x110] =	vst v3;
	s1 =	smov.u32 s17;
	s17 =	smov.u32 s19;
	s19 =	rddreg [dreg:$0x8]  }
0x278: {  	v3 =	vld [tilespmem:s8+$0x0];
	s25 =	sand.u32 $0x1FFFE0, s13;
	s11 =	sand.u32 $0xFFFFFFE0, s9;
	[dreg:$0x15] =	wrdreg s1  }
0x279: {  	(v2sf) =	vpush v0, $0xA;
	s9 =	spop (v2sf);
	[tilespmem:s29+$0xFFFFFEF0] =	vst v5;
	v5 =	vld [tilespmem:s24+$0x0];
	s13 =	smov.u32 s26;
	[dreg:$0x14] =	wrdreg s17;
	v4 =	vadd.f32 v4, v8  }
0x27a: {  	s1 =	rddreg [dreg:$0xf];
	s26 =	sshll.u32 s9, $0x5;
	v8 =	vld [tilespmem:s0+$0x0];
	s9 =	sshra.s32 s9, $0xB  }
0x27b: {  	s17 =	sand.u32 $0x1FFFE0, s26;
	s26 =	smov.u32 s19;
	v7 =	vadd.f32 v10, v7;
	s19 =	smov.u32 s25;
	[tilespmem:s30+$0x30] =	vst v4;
	v4 =	vld [tilespmem:s1+$0x0]  }
0x27c: {  	s9 =	sand.u32 $0xFFFFFFE0, s9;
	[dreg:$0x8] =	wrdreg s19;
	v9 =	vld [tilespmem:s17+$0x0]  }
0x27d: {  	(v2sf) =	vpush v1, $0x3;
	s19 =	rddreg [dreg:$0x6];
	v10 =	vld [tilespmem:s9+$0x0];
	[tilespmem:s30+$0xFFFFFE30] =	vst v7  }
0x27e: {  	v3 =	vadd.f32 v5, v3;
	v5 =	vld [tilespmem:s19+$0x0]  }
0x27f: {  	v7 =	vld [tilespmem:s20+$0x0]  }
0x280: {  	v11 =	vld [tilespmem:s6+$0x0]  }
0x281: {  	[tilespmem:s29+$0x120] =	vst v3;
	v4 =	vadd.f32 v4, v8  }
0x282: {  	v3 =	vld [tilespmem:s8+$0x10]  }
0x283: {  	v8 =	vadd.f32 v10, v9;
	[tilespmem:s29+$0xFFFFFF00] =	vst v4;
	v4 =	vld [tilespmem:s24+$0x10]  }
0x284: {  	v5 =	vadd.f32 v5, v6;
	v9 =	vld [tilespmem:s0+$0x10]  }
0x285: {  	v7 =	vadd.f32 v11, v7;
	[tilespmem:s30+$0x40] =	vst v8;
	v6 =	vld [tilespmem:s1+$0x10]  }
0x286: {  	v8 =	vld [tilespmem:s17+$0x10];
	[tilespmem:s21+$0xFFFFFFA0] =	vst v5  }
0x287: {  	v5 =	vld [tilespmem:s9+$0x10];
	[tilespmem:s30+$0xFFFFFE40] =	vst v7  }
0x288: {  	s8 =	smov.u32 s14;
	s14 =	spop (v2sf);
	v7 =	vld [tilespmem:s20+$0x10];
	v3 =	vadd.f32 v4, v3  }
0x289: {  	s0 =	smov.u32 s15;
	s15 =	smov.u32 s5;
	v10 =	vld [tilespmem:s6+$0x10];
	s25 =	sshll.u32 s14, $0x5  }
0x28a: {  	v4 =	vld [tilespmem:s23+$0x10];
	s23 =	smov.u32 s26;
	s5 =	sand.u32 $0x1FFFE0, s25;
	s26 =	sshra.s32 s14, $0xB;
	v6 =	vadd.f32 v6, v9;
	[tilespmem:s29+$0x130] =	vst v3  }
0x28b: {  	s24 =	smov.u32 s7;
	s7 =	rddreg [dreg:$0xc];
	s6 =	sand.u32 $0xFFFFFFE0, s26;
	v3 =	vld [tilespmem:s5+$0x0]  }
0x28c: {  	[dreg:$0xe] =	wrdreg s0;
	(v2sf) =	vpush v0, $0xB;
	s0 =	spop (v2sf);
	v5 =	vadd.f32 v5, v8;
	[tilespmem:s29+$0xFFFFFF10] =	vst v6;
	v6 =	vld [tilespmem:s6+$0x0]  }
0x28d: {  	[dreg:$0xf] =	wrdreg s8;
	s1 =	sshll.u32 s0, $0x5;
	v8 =	vld [tilespmem:s7+$0x0]  }
0x28e: {  	s25 =	sld [smem:$0x7D2];
	s8 =	sshra.s32 s0, $0xB;
	s9 =	sand.u32 $0x1FFFE0, s1;
	v7 =	vadd.f32 v10, v7;
	[tilespmem:s30+$0x50] =	vst v5;
	v5 =	vld [tilespmem:s31+$0x0]  }
0x28f: {  	s26 =	sld [smem:$0x7D3];
	s8 =	sand.u32 $0xFFFFFFE0, s8;
	v9 =	vld [tilespmem:s9+$0x0]  }
0x290: {  	(v2sf) =	vpush v1, $0x4;
	v10 =	vld [tilespmem:s8+$0x0];
	[tilespmem:s30+$0xFFFFFE50] =	vst v7  }
0x291: {  	v7 =	vld [tilespmem:s25+$0x0]  }
0x292: {  	v11 =	vld [tilespmem:s26+$0x0];
	v3 =	vadd.f32 v6, v3  }
0x293: {  	v6 =	vld [tilespmem:s19+$0x10]  }
0x294: {  	v5 =	vadd.f32 v5, v8;
	[tilespmem:s29+$0x140] =	vst v3  }
0x295: {  	v3 =	vld [tilespmem:s5+$0x10]  }
0x296: {  	v8 =	vadd.f32 v10, v9;
	[tilespmem:s29+$0xFFFFFF20] =	vst v5;
	v5 =	vld [tilespmem:s6+$0x10]  }
0x297: {  	v7 =	vadd.f32 v11, v7;
	v9 =	vld [tilespmem:s7+$0x10]  }
0x298: {  	s19 =	sld [smem:$0x7D1];
	[tilespmem:s30+$0x60] =	vst v8;
	v4 =	vadd.f32 v6, v4;
	v6 =	vld [tilespmem:s31+$0x10]  }
0x299: {  	s6 =	sld [smem:$0x7D4];
	v8 =	vld [tilespmem:s9+$0x10];
	[tilespmem:s30+$0xFFFFFE60] =	vst v7  }
0x29a: {  	[tilespmem:s21+$0xFFFFFFB0] =	vst v4;
	v4 =	vld [tilespmem:s8+$0x10]  }
0x29b: {  	[dreg:$0x5] =	wrdreg s24;
	s24 =	smov.u32 s19;
	s19 =	spop (v2sf);
	v3 =	vadd.f32 v5, v3;
	v7 =	vld [tilespmem:s25+$0x10]  }
0x29c: {  	s7 =	smov.u32 s6;
	s20 =	sshll.u32 s19, $0x5;
	v10 =	vld [tilespmem:s26+$0x10]  }
0x29d: {  	s5 =	sshra.s32 s19, $0xB;
	s6 =	sand.u32 $0x1FFFE0, s20;
	v5 =	vld [tilespmem:s12+$0x0];
	s26 =	sld [smem:$0x7D5];
	v6 =	vadd.f32 v6, v9;
	[tilespmem:s29+$0x150] =	vst v3  }
0x29e: {  	s5 =	sand.u32 $0xFFFFFFE0, s5;
	v3 =	vld [tilespmem:s6+$0x0]  }
0x29f: {  	[dreg:$0x6] =	wrdreg s24;
	(v2sf) =	vpush v0, $0xC;
	s24 =	spop (v2sf);
	v4 =	vadd.f32 v4, v8;
	[tilespmem:s29+$0xFFFFFF30] =	vst v6;
	v6 =	vld [tilespmem:s5+$0x0]  }
0x2a0: {  	s1 =	sld [smem:$0x7D6];
	s25 =	sshll.u32 s24, $0x5;
	v8 =	vld [tilespmem:s26+$0x0]  }
0x2a1: {  	[dreg:$0xc] =	wrdreg s7;
	s7 =	sshra.s32 s24, $0xB;
	s8 =	sand.u32 $0x1FFFE0, s25;
	v7 =	vadd.f32 v10, v7;
	[tilespmem:s30+$0x70] =	vst v4;
	v4 =	vld [tilespmem:s22+$0x0]  }
0x2a2: {  	s14 =	smov.u32 s2;
	s2 =	sld [smem:$0x7D7];
	s7 =	sand.u32 $0xFFFFFFE0, s7;
	v9 =	vld [tilespmem:s8+$0x0]  }
0x2a3: {  	(v2sf) =	vpush v1, $0x5;
	v10 =	vld [tilespmem:s7+$0x0];
	[tilespmem:s30+$0xFFFFFE70] =	vst v7  }
0x2a4: {  	v7 =	vld [tilespmem:s1+$0x0]  }
0x2a5: {  	v11 =	vld [tilespmem:s2+$0x0];
	v3 =	vadd.f32 v6, v3  }
0x2a6: {  	v6 =	vld [tilespmem:s13+$0x0]  }
0x2a7: {  	v4 =	vadd.f32 v4, v8;
	[tilespmem:s29+$0x160] =	vst v3  }
0x2a8: {  	v3 =	vld [tilespmem:s6+$0x10]  }
0x2a9: {  	v8 =	vadd.f32 v10, v9;
	[tilespmem:s29+$0xFFFFFF40] =	vst v4;
	v4 =	vld [tilespmem:s5+$0x10]  }
0x2aa: {  	v7 =	vadd.f32 v11, v7;
	v9 =	vld [tilespmem:s26+$0x10]  }
0x2ab: {  	v5 =	vadd.f32 v6, v5;
	[tilespmem:s30+$0x80] =	vst v8;
	v6 =	vld [tilespmem:s22+$0x10]  }
0x2ac: {  	s6 =	smov.u32 s21;
	s5 =	sld [smem:$0x7D9];
	v8 =	vld [tilespmem:s8+$0x10];
	[tilespmem:s30+$0xFFFFFE80] =	vst v7  }
0x2ad: {  	[tilespmem:s6+$0xFFFFFFC0] =	vst v5;
	v5 =	vld [tilespmem:s7+$0x10]  }
0x2ae: {  	s10 =	sand.u32 $0xFFFFFFE0, s10;
	s19 =	spop (v2sf);
	v7 =	vld [tilespmem:s1+$0x10];
	v3 =	vadd.f32 v4, v3  }
0x2af: {  	s9 =	sld [smem:$0x7DB];
	s20 =	smov.u32 s5;
	s5 =	sshll.u32 s19, $0x5;
	v10 =	vld [tilespmem:s2+$0x10]  }
0x2b0: {  	s0 =	sand.u32 $0x1FFFE0, s5;
	s2 =	sshra.s32 s19, $0xB;
	s1 =	sld [smem:$0x7DE];
	v4 =	vld [tilespmem:s12+$0x10];
	v6 =	vadd.f32 v6, v9;
	[tilespmem:s29+$0x170] =	vst v3  }
0x2b1: {  	s31 =	smov.u32 s10;
	s19 =	sld [smem:$0x7DF];
	s2 =	sand.u32 $0xFFFFFFE0, s2;
	v3 =	vld [tilespmem:s0+$0x0]  }
0x2b2: {  	s24 =	smov.u32 s9;
	s9 =	smov.u32 s28;
	(v2sf) =	vpush v0, $0xD;
	s8 =	spop (v2sf);
	v5 =	vadd.f32 v5, v8;
	[tilespmem:s29+$0xFFFFFF50] =	vst v6;
	v6 =	vld [tilespmem:s2+$0x0]  }
0x2b3: {  	s28 =	smov.u32 s4;
	s10 =	sshll.u32 s8, $0x5;
	s4 =	sshra.s32 s8, $0xB;
	v8 =	vld [tilespmem:s1+$0x0]  }
0x2b4: {  	s8 =	smov.u32 s3;
	s3 =	sld [smem:$0x7E1];
	s5 =	sand.u32 $0x1FFFE0, s10;
	v7 =	vadd.f32 v10, v7;
	[tilespmem:s30+$0x90] =	vst v5;
	v5 =	vld [tilespmem:s19+$0x0]  }
0x2b5: {  	s4 =	sand.u32 $0xFFFFFFE0, s4;
	s10 =	sld [smem:$0x7E2];
	v9 =	vld [tilespmem:s5+$0x0]  }
0x2b6: {  	(v2sf) =	vpush v1, $0x6;
	v10 =	vld [tilespmem:s4+$0x0];
	[tilespmem:s30+$0xFFFFFE90] =	vst v7  }
0x2b7: {  	v7 =	vld [tilespmem:s3+$0x0]  }
0x2b8: {  	v11 =	vld [tilespmem:s10+$0x0];
	v3 =	vadd.f32 v6, v3  }
0x2b9: {  	v6 =	vld [tilespmem:s13+$0x10]  }
0x2ba: {  	s17 =	sld [smem:$0x7D0];
	v5 =	vadd.f32 v5, v8;
	[tilespmem:s29+$0x180] =	vst v3  }
0x2bb: {  	s21 =	sld [smem:$0x7D8];
	v3 =	vld [tilespmem:s0+$0x10]  }
0x2bc: {  	s22 =	sld [smem:$0x7DA];
	v8 =	vadd.f32 v10, v9;
	[tilespmem:s29+$0xFFFFFF60] =	vst v5;
	v5 =	vld [tilespmem:s2+$0x10]  }
0x2bd: {  	s26 =	sld [smem:$0x7DD];
	v7 =	vadd.f32 v11, v7;
	v9 =	vld [tilespmem:s1+$0x10]  }
0x2be: {  	s13 =	sld [smem:$0x7E0];
	v4 =	vadd.f32 v6, v4;
	[tilespmem:s30+$0xA0] =	vst v8;
	v6 =	vld [tilespmem:s19+$0x10]  }
0x2bf: {  	s18 =	sadd.s32 $0x2, s18;
	s7 =	sld [smem:$0x7DC];
	v10 =	vld [tilespmem:s5+$0x10];
	[tilespmem:s30+$0xFFFFFEA0] =	vst v7  }
0x2c0: {  	p1 =	slt.u32 s18, $0x30;
	s2 =	sld [smem:$0x7E4];
	v11 =	vld [tilespmem:s4+$0x10];
	[tilespmem:s6+$0xFFFFFFD0] =	vst v4  }
.Ltmp2:
0x2c1: {  	s4 =	spop (v2sf);
	v4 =	vld [tilespmem:s13+$0x0];
	v3 =	vadd.f32 v5, v3;
	(pc) =	sbr.rel @p1 .LBB2_3-.Ltmp2, $4  }
0x2c2: {  	s16 =	sadd.s32 $0x20, s16;
	s1 =	sld [smem:$0x7E3];
	s5 =	sshll.u32 s4, $0x5;
	v7 =	vld [tilespmem:s3+$0x10]  }
0x2c3: {  	s19 =	smov.u32 s2;
	s2 =	sshra.s32 s4, $0xB;
	v8 =	vld [tilespmem:s10+$0x10];
	s0 =	sand.u32 $0x1FFFE0, s5;
	v6 =	vadd.f32 v6, v9;
	[tilespmem:s29+$0x190] =	vst v3  }
0x2c4: {  	s25 =	smov.u32 s26;
	s12 =	rddreg [dreg:$0x1f];
	s2 =	sand.u32 $0xFFFFFFE0, s2;
	v5 =	vld [tilespmem:s0+$0x0]  }
0x2c5: {  	s26 =	smov.u32 s12;
	(v2sf) =	vpush v0, $0xE;
	s12 =	smov.u32 s1;
	s3 =	spop (v2sf);
	v9 =	vadd.f32 v11, v10;
	[tilespmem:s29+$0xFFFFFF70] =	vst v6;
	v6 =	vld [tilespmem:s2+$0x0]  }
0x2c6: {  	s1 =	sshll.u32 s3, $0x5  }
0x2c7: {  	s10 =	sshra.s32 s3, $0xB;
	[tilespmem:s30+$0xB0] =	vst v9;
	s1 =	sand.u32 $0x1FFFE0, s1  }
0x2c8: {  	s3 =	sand.u32 $0xFFFFFFE0, s10;
	v3 =	vld [tilespmem:s1+$0x0]  }
0x2c9: {  	v9 =	vld [tilespmem:s3+$0x0];
	v7 =	vadd.f32 v8, v7;
	_ =	sdelay $0x1  }
0x2ca: {  	[tilespmem:s30+$0xFFFFFEB0] =	vst v7  }
0x2cb: {  	v11 =	vld [tilespmem:s22+$0x0];
	v5 =	vadd.f32 v6, v5;
	s5 =	rddreg [dreg:$0x1b]  }
0x2cc: {  	(v2sf) =	vpush v1, $0x7;
	s4 =	rddreg [dreg:$0x1a];
	v6 =	vld [tilespmem:s5+$0x0]  }
0x2cd: {  	v7 =	vld [tilespmem:s4+$0x0];
	[tilespmem:s29+$0x1A0] =	vst v5;
	v3 =	vadd.f32 v9, v3  }
0x2ce: {  	v5 =	vld [tilespmem:s0+$0x10]  }
0x2cf: {  	v8 =	vld [tilespmem:s2+$0x10];
	[tilespmem:s30+$0xC0] =	vst v3  }
0x2d0: {  	v9 =	vld [tilespmem:s1+$0x10]  }
0x2d1: {  	v10 =	vld [tilespmem:s3+$0x10];
	s16 =	rddreg [dreg:$0x4]  }
0x2d2: {  	s18 =	rddreg [dreg:$0xd];
	v3 =	vld [tilespmem:s16+$0x10];
	v6 =	vadd.f32 v7, v6  }
0x2d3: {  	v7 =	vld [tilespmem:s18+$0x0]  }
0x2d4: {  	v5 =	vadd.f32 v8, v5;
	v8 =	vld [tilespmem:s21+$0x0];
	[tilespmem:s30+$0xFFFFFEC0] =	vst v6;
	s3 =	spop (v2sf)  }
0x2d5: {  	v6 =	vld [tilespmem:s5+$0x10];
	s5 =	sshll.u32 s3, $0x5  }
0x2d6: {  	v12 =	vld [tilespmem:s4+$0x10];
	[tilespmem:s29+$0x1B0] =	vst v5;
	s0 =	sshra.s32 s3, $0xB;
	s1 =	sand.u32 $0x1FFFE0, s5  }
0x2d7: {  	s0 =	sand.u32 $0xFFFFFFE0, s0;
	v5 =	vld [tilespmem:s1+$0x0]  }
0x2d8: {  	v7 =	vadd.f32 v11, v7;
	v11 =	vld [tilespmem:s0+$0x0]  }
0x2d9: {  	v2 =	vadd.f32 v3, v2  }
0x2da: {  	v8 =	vadd.f32 v8, v4;
	[tilespmem:s29+$0xFFFFFF80] =	vst v7  }
0x2db: {  	s10 =	spop (v2sf);
	[tilespmem:s7+$0xFFFFFFF0] =	vst v2;
	v7 =	vadd.f32 v10, v9  }
0x2dc: {  	s2 =	sshra.s32 s10, $0xB;
	[tilespmem:s6+$0xFFFFFFE0] =	vst v8;
	v6 =	vadd.f32 v12, v6  }
0x2dd: {  	(v2sf) =	vpush v0, $0xF;
	s16 =	sshll.u32 s10, $0x5;
	s2 =	sand.u32 $0xFFFFFFE0, s2;
	v3 =	vld [tilespmem:s18+$0x10];
	[tilespmem:s30+$0xD0] =	vst v7;
	v0 =	vadd.f32 v11, v5  }
0x2de: {  	(v2sf) =	vpush v1, $0x8;
	s3 =	sand.u32 $0x1FFFE0, s16;
	[tilespmem:s30+$0xFFFFFED0] =	vst v6;
	v6 =	vld [tilespmem:s2+$0x0]  }
0x2df: {  	v5 =	vld [tilespmem:s3+$0x0];
	[tilespmem:s29+$0x1C0] =	vst v0  }
0x2e0: {  	v4 =	vld [tilespmem:s22+$0x10];
	s18 =	rddreg [dreg:$0x15]  }
0x2e1: {  	s22 =	rddreg [dreg:$0x14];
	v7 =	vld [tilespmem:s18+$0x0]  }
0x2e2: {  	v8 =	vld [tilespmem:s22+$0x0];
	_ =	sdelay $0x1  }
0x2e3: {  	v5 =	vadd.f32 v6, v5;
	_ =	sdelay $0x1  }
0x2e4: {  	[tilespmem:s30+$0xE0] =	vst v5  }
0x2e5: {  	v5 =	vld [tilespmem:s3+$0x10];
	v6 =	vadd.f32 v8, v7  }
0x2e6: {  	v7 =	vld [tilespmem:s2+$0x10]  }
0x2e7: {  	[tilespmem:s30+$0xFFFFFEE0] =	vst v6  }
0x2e8: {  	v6 =	vld [tilespmem:s18+$0x10]  }
0x2e9: {  	v8 =	vld [tilespmem:s22+$0x10]  }
0x2ea: {  	v0 =	vld [tilespmem:s1+$0x10];
	s1 =	spop (v2sf)  }
0x2eb: {  	s5 =	spop (v2sf);
	v5 =	vadd.f32 v7, v5  }
0x2ec: {  	s7 =	sshll.u32 s5, $0x5  }
0x2ed: {  	s3 =	sand.u32 $0x1FFFE0, s7;
	s2 =	sshra.s32 s5, $0xB;
	[tilespmem:s30+$0xF0] =	vst v5  }
0x2ee: {  	(v2sf) =	vpush v1, $0x9;
	s2 =	sand.u32 $0xFFFFFFE0, s2;
	v5 =	vld [tilespmem:s3+$0x0];
	v6 =	vadd.f32 v8, v6  }
0x2ef: {  	v7 =	vld [tilespmem:s2+$0x0]  }
0x2f0: {  	[tilespmem:s30+$0xFFFFFEF0] =	vst v6  }
0x2f1: {  	v2 =	vld [tilespmem:s13+$0x10];
	s10 =	rddreg [dreg:$0xe]  }
0x2f2: {  	s13 =	rddreg [dreg:$0xf];
	v6 =	vld [tilespmem:s10+$0x0]  }
0x2f3: {  	v8 =	vld [tilespmem:s13+$0x0]  }
0x2f4: {  	v5 =	vadd.f32 v7, v5;
	_ =	sdelay $0x1  }
0x2f5: {  	[tilespmem:s30+$0x100] =	vst v5  }
0x2f6: {  	v5 =	vld [tilespmem:s3+$0x10]  }
0x2f7: {  	v7 =	vld [tilespmem:s2+$0x10];
	v6 =	vadd.f32 v8, v6;
	_ =	sdelay $0x1  }
0x2f8: {  	[tilespmem:s30+$0xFFFFFF00] =	vst v6  }
0x2f9: {  	v6 =	vld [tilespmem:s10+$0x10]  }
0x2fa: {  	v8 =	vld [tilespmem:s13+$0x10]  }
0x2fb: {  	s16 =	spop (v2sf);
	v5 =	vadd.f32 v7, v5  }
0x2fc: {  	s18 =	sshll.u32 s16, $0x5  }
0x2fd: {  	s3 =	sand.u32 $0x1FFFE0, s18;
	s2 =	sshra.s32 s16, $0xB;
	[tilespmem:s30+$0x110] =	vst v5  }
0x2fe: {  	(v2sf) =	vpush v1, $0xA;
	s2 =	sand.u32 $0xFFFFFFE0, s2;
	v5 =	vld [tilespmem:s3+$0x0]  }
0x2ff: {  	v7 =	vld [tilespmem:s2+$0x0];
	v6 =	vadd.f32 v8, v6;
	_ =	sdelay $0x1  }
0x300: {  	[tilespmem:s30+$0xFFFFFF10] =	vst v6  }
0x301: {  	s22 =	rddreg [dreg:$0xc];
	v8 =	vld [tilespmem:s31+$0x0]  }
0x302: {  	v6 =	vld [tilespmem:s22+$0x0]  }
0x303: {  	v5 =	vadd.f32 v7, v5;
	_ =	sdelay $0x1  }
0x304: {  	[tilespmem:s30+$0x120] =	vst v5  }
0x305: {  	v5 =	vld [tilespmem:s3+$0x10]  }
0x306: {  	v7 =	vld [tilespmem:s2+$0x10];
	v6 =	vadd.f32 v8, v6;
	_ =	sdelay $0x1  }
0x307: {  	[tilespmem:s30+$0xFFFFFF20] =	vst v6  }
0x308: {  	v6 =	vld [tilespmem:s22+$0x10]  }
0x309: {  	v8 =	vld [tilespmem:s31+$0x10]  }
0x30a: {  	s5 =	spop (v2sf);
	v5 =	vadd.f32 v7, v5  }
0x30b: {  	s7 =	sshll.u32 s5, $0x5  }
0x30c: {  	s3 =	sand.u32 $0x1FFFE0, s7;
	s2 =	sshra.s32 s5, $0xB;
	[tilespmem:s30+$0x130] =	vst v5  }
0x30d: {  	(v2sf) =	vpush v1, $0xB;
	s2 =	sand.u32 $0xFFFFFFE0, s2;
	v5 =	vld [tilespmem:s3+$0x0]  }
0x30e: {  	v7 =	vld [tilespmem:s2+$0x0];
	v6 =	vadd.f32 v8, v6;
	_ =	sdelay $0x1  }
0x30f: {  	[tilespmem:s30+$0xFFFFFF30] =	vst v6  }
0x310: {  	v6 =	vld [tilespmem:s20+$0x0]  }
0x311: {  	v8 =	vld [tilespmem:s24+$0x0]  }
0x312: {  	v5 =	vadd.f32 v7, v5;
	_ =	sdelay $0x1  }
0x313: {  	[tilespmem:s30+$0x140] =	vst v5  }
0x314: {  	v5 =	vld [tilespmem:s3+$0x10]  }
0x315: {  	v7 =	vld [tilespmem:s2+$0x10];
	v6 =	vadd.f32 v8, v6;
	_ =	sdelay $0x1  }
0x316: {  	[tilespmem:s30+$0xFFFFFF40] =	vst v6  }
0x317: {  	v6 =	vld [tilespmem:s20+$0x10]  }
0x318: {  	v8 =	vld [tilespmem:s24+$0x10]  }
0x319: {  	v5 =	vadd.f32 v7, v5;
	s10 =	spop (v2sf)  }
0x31a: {  	s13 =	sshll.u32 s10, $0x5  }
0x31b: {  	s2 =	sshra.s32 s10, $0xB;
	[tilespmem:s30+$0x150] =	vst v5;
	s3 =	sand.u32 $0x1FFFE0, s13  }
0x31c: {  	(v2sf) =	vpush v1, $0xC;
	s2 =	sand.u32 $0xFFFFFFE0, s2;
	v5 =	vld [tilespmem:s3+$0x0]  }
0x31d: {  	v7 =	vld [tilespmem:s2+$0x0];
	v6 =	vadd.f32 v8, v6;
	_ =	sdelay $0x1  }
0x31e: {  	[tilespmem:s30+$0xFFFFFF50] =	vst v6  }
0x31f: {  	v6 =	vld [tilespmem:s12+$0x0]  }
0x320: {  	v8 =	vld [tilespmem:s19+$0x0]  }
0x321: {  	v5 =	vadd.f32 v7, v5;
	_ =	sdelay $0x1  }
0x322: {  	[tilespmem:s30+$0x160] =	vst v5  }
0x323: {  	v5 =	vld [tilespmem:s3+$0x10]  }
0x324: {  	v7 =	vld [tilespmem:s2+$0x10];
	v6 =	vadd.f32 v8, v6;
	_ =	sdelay $0x1  }
0x325: {  	[tilespmem:s30+$0xFFFFFF60] =	vst v6  }
0x326: {  	v6 =	vld [tilespmem:s12+$0x10]  }
0x327: {  	v8 =	vld [tilespmem:s19+$0x10]  }
0x328: {  	s16 =	spop (v2sf);
	v5 =	vadd.f32 v7, v5  }
0x329: {  	s18 =	sshll.u32 s16, $0x5  }
0x32a: {  	s2 =	sshra.s32 s16, $0xB;
	s3 =	sand.u32 $0x1FFFE0, s18;
	[tilespmem:s30+$0x170] =	vst v5  }
0x32b: {  	(v2sf) =	vpush v1, $0xD;
	s2 =	sand.u32 $0xFFFFFFE0, s2;
	v5 =	vld [tilespmem:s3+$0x0]  }
0x32c: {  	v7 =	vld [tilespmem:s2+$0x0];
	v6 =	vadd.f32 v8, v6;
	_ =	sdelay $0x1  }
0x32d: {  	[tilespmem:s30+$0xFFFFFF70] =	vst v6  }
0x32e: {  	v6 =	vld [tilespmem:s28+$0x0];
	s19 =	rddreg [dreg:$0x17]  }
0x32f: {  	v8 =	vld [tilespmem:s19+$0x0]  }
0x330: {  	v5 =	vadd.f32 v7, v5;
	_ =	sdelay $0x1  }
0x331: {  	[tilespmem:s30+$0x180] =	vst v5  }
0x332: {  	v5 =	vld [tilespmem:s3+$0x10]  }
0x333: {  	v7 =	vld [tilespmem:s2+$0x10];
	v6 =	vadd.f32 v8, v6  }
0x334: {  	v3 =	vadd.f32 v4, v3  }
0x335: {  	[tilespmem:s30+$0xFFFFFF80] =	vst v6  }
0x336: {  	[tilespmem:s29+$0xFFFFFF90] =	vst v3;
	v6 =	vld [tilespmem:s28+$0x10]  }
0x337: {  	v4 =	vld [tilespmem:s19+$0x10];
	s22 =	rddreg [dreg:$0x5]  }
0x338: {  	s20 =	spop (v2sf);
	v3 =	vadd.f32 v7, v5;
	s31 =	rddreg [dreg:$0x6];
	v5 =	vld [tilespmem:s22+$0x0]  }
0x339: {  	s24 =	sshll.u32 s20, $0x5;
	v7 =	vld [tilespmem:s31+$0x0]  }
0x33a: {  	s3 =	sand.u32 $0x1FFFE0, s24;
	s2 =	sshra.s32 s20, $0xB;
	[tilespmem:s30+$0x190] =	vst v3  }
0x33b: {  	(v2sf) =	vpush v1, $0xE;
	s2 =	sand.u32 $0xFFFFFFE0, s2;
	v3 =	vld [tilespmem:s3+$0x0]  }
0x33c: {  	v4 =	vadd.f32 v4, v6;
	v6 =	vld [tilespmem:s2+$0x0];
	_ =	sdelay $0x1  }
0x33d: {  	v5 =	vadd.f32 v7, v5;
	[tilespmem:s30+$0xFFFFFF90] =	vst v4  }
0x33e: {  	v4 =	vld [tilespmem:s15+$0x0]  }
0x33f: {  	v7 =	vld [tilespmem:s14+$0x0];
	[tilespmem:s29+$0xFFFFFFA0] =	vst v5  }
0x340: {  	v5 =	vld [tilespmem:s22+$0x10];
	v3 =	vadd.f32 v6, v3  }
0x341: {  	v6 =	vld [tilespmem:s31+$0x10]  }
0x342: {  	[tilespmem:s30+$0x1A0] =	vst v3  }
0x343: {  	v3 =	vld [tilespmem:s3+$0x10]  }
0x344: {  	v4 =	vadd.f32 v7, v4;
	v7 =	vld [tilespmem:s2+$0x10];
	_ =	sdelay $0x1  }
0x345: {  	[tilespmem:s30+$0xFFFFFFA0] =	vst v4;
	v5 =	vadd.f32 v6, v5  }
0x346: {  	v4 =	vld [tilespmem:s15+$0x10]  }
0x347: {  	v6 =	vld [tilespmem:s14+$0x10];
	[tilespmem:s29+$0xFFFFFFB0] =	vst v5  }
0x348: {  	s4 =	spop (v2sf);
	v3 =	vadd.f32 v7, v3;
	v5 =	vld [tilespmem:s25+$0x0]  }
0x349: {  	s5 =	sshll.u32 s4, $0x5;
	v7 =	vld [tilespmem:s26+$0x0]  }
0x34a: {  	s3 =	sand.u32 $0x1FFFE0, s5;
	s2 =	sshra.s32 s4, $0xB;
	[tilespmem:s30+$0x1B0] =	vst v3  }
0x34b: {  	(v2sf) =	vpush v1, $0xF;
	s2 =	sand.u32 $0xFFFFFFE0, s2;
	v3 =	vld [tilespmem:s3+$0x0]  }
0x34c: {  	v1 =	vadd.f32 v6, v4;
	v4 =	vld [tilespmem:s2+$0x0];
	_ =	sdelay $0x1  }
0x34d: {  	[tilespmem:s30+$0xFFFFFFB0] =	vst v1;
	v5 =	vadd.f32 v7, v5;
	v7 =	vld [tilespmem:s0+$0x10]  }
0x34e: {  	v1 =	vld [tilespmem:s9+$0x0]  }
0x34f: {  	v6 =	vld [tilespmem:s8+$0x0];
	[tilespmem:s29+$0xFFFFFFC0] =	vst v5  }
0x350: {  	v3 =	vadd.f32 v4, v3;
	v4 =	vld [tilespmem:s25+$0x10]  }
0x351: {  	v5 =	vld [tilespmem:s26+$0x10]  }
0x352: {  	[tilespmem:s30+$0x1C0] =	vst v3  }
0x353: {  	v0 =	vadd.f32 v7, v0;
	v3 =	vld [tilespmem:s3+$0x10]  }
0x354: {  	s7 =	sshll.u32 s1, $0x5;
	v1 =	vadd.f32 v6, v1;
	v6 =	vld [tilespmem:s2+$0x10]  }
0x355: {  	s0 =	sand.u32 $0x1FFFE0, s7;
	[tilespmem:s29+$0x1D0] =	vst v0  }
0x356: {  	[tilespmem:s30+$0xFFFFFFC0] =	vst v1;
	v0 =	vadd.f32 v5, v4;
	v5 =	vld [tilespmem:s0+$0x0]  }
0x357: {  	s1 =	sshra.s32 s1, $0xB;
	v1 =	vld [tilespmem:s9+$0x10]  }
0x358: {  	s1 =	sand.u32 $0xFFFFFFE0, s1;
	v4 =	vld [tilespmem:s8+$0x10]  }
0x359: {  	v7 =	vld [tilespmem:s1+$0x0];
	s8 =	spop (v2sf);
	[tilespmem:s29+$0xFFFFFFD0] =	vst v0;
	v0 =	vadd.f32 v6, v3  }
0x35a: {  	s9 =	sshll.u32 s8, $0x5  }
0x35b: {  	s2 =	sshra.s32 s8, $0xB;
	v3 =	vld [tilespmem:s23+$0x0];
	s3 =	sand.u32 $0x1FFFE0, s9;
	[tilespmem:s30+$0x1D0] =	vst v0  }
0x35c: {  	s2 =	sand.u32 $0xFFFFFFE0, s2;
	v0 =	vld [tilespmem:s3+$0x0]  }
0x35d: {  	v1 =	vadd.f32 v4, v1;
	v4 =	vld [tilespmem:s2+$0x0]  }
0x35e: {  	v6 =	vld [tilespmem:s17+$0x0];
	v5 =	vadd.f32 v7, v5  }
0x35f: {  	[tilespmem:s30+$0xFFFFFFD0] =	vst v1  }
0x360: {  	s10 =	rddreg [dreg:$0x8];
	[tilespmem:s29+$0x1E0] =	vst v5;
	v5 =	vld [tilespmem:s11+$0x0]  }
0x361: {  	v1 =	vld [tilespmem:s10+$0x0]  }
0x362: {  	v7 =	vld [tilespmem:s0+$0x10];
	v0 =	vadd.f32 v4, v0  }
0x363: {  	v3 =	vadd.f32 v6, v3;
	v6 =	vld [tilespmem:s1+$0x10]  }
0x364: {  	v4 =	vld [tilespmem:s21+$0x10];
	[tilespmem:s30+$0x1E0] =	vst v0  }
0x365: {  	v0 =	vld [tilespmem:s3+$0x10]  }
0x366: {  	[tilespmem:s29+$0xFFFFFFE0] =	vst v3;
	v1 =	vadd.f32 v5, v1;
	v5 =	vld [tilespmem:s2+$0x10]  }
0x367: {  	v3 =	vld [tilespmem:s23+$0x10]  }
0x368: {  	v8 =	vld [tilespmem:s17+$0x10];
	[tilespmem:s30+$0xFFFFFFE0] =	vst v1  }
0x369: {  	v6 =	vadd.f32 v6, v7;
	v1 =	vld [tilespmem:s10+$0x10]  }
0x36a: {  	v2 =	vadd.f32 v4, v2;
	v9 =	vld [tilespmem:s11+$0x10]  }
0x36b: {  	[tilespmem:s29+$0x1F0] =	vst v6;
	v0 =	vadd.f32 v5, v0  }
0x36c: {  	[tilespmem:s6+$0xFFFFFFF0] =	vst v2  }
0x36d: {  	s4 =	sld [smem:$0x7F4];
	[tilespmem:s30+$0x1F0] =	vst v0  }
0x36e: {  	v2 =	vadd.f32 v8, v3;
	s13 =	sld [smem:$0x7F9]  }
0x36f: {  	v0 =	vadd.f32 v9, v1  }
0x370: {  	s12 =	sshll.u32 s4, $0x7;
	[tilespmem:s29+$0xFFFFFFF0] =	vst v2  }
0x371: {  	s16 =	simm.s32 $0x80;
	s14 =	rddreg [dreg:$0x1];
	[tilespmem:s30+$0xFFFFFFF0] =	vst v0;
	s0 =	sor.u32 s13, s12  }
0x372: {  	s15 =	simm.s32 $0x20;
	s18 =	sld [smem:$0x7F2];
	s0 =	sshrl.u32 s0, $0x3  }
0x373: {  	s17 =	simm.s32 $0x10640;
	s1 =	sld [smem:$0x7F6];
	s0 =	sadd.s32 s14, s0  }
0x374: {  	[hbm4b:s0+s15] =	stream.strided.scatter [tilespmem:s17], [sflag:$0x3], $0x6400, s16, s15, $0x38;
	[tilespmem:$0x1CE40] =	vst v63  }
0x375: {  	p1 =	seq.s32 s18, $0x3F  }
0x376: {  	s0 =	sshrl.u32 @!p1 s4, $0x3  }
0x377: {  	s19 =	simm.s32 $0x2;
	s0 =	sadd.s32 @!p1 s1, s0  }
0x378: {  	s2 =	simm.s32 @!p1 $0x10000;
	s1 =	simm.s32 @!p1 $0x0;
	s0 =	sadd.s32 @!p1 $0xC8, s0  }
0x379: {  	[tilespmem:s2], [sflag:$0x1] =	stream.linear.gather @!p1 [hbm4b:s0+s1], $0x320, $0x38;
	[tilespmem:$0x1CE40] =	vst v63  }
0x37a: {  	_ =	swait.ge [sflag:s19], $0x320  }
0x37b: {  	[sflag:s19] =	ssyncset.done $0x0  }
0x37c: {  	s0 =	simm.s32 @!p0 $0x4;
	[sflag:s19] =	ssyncadd.s32 $0xFFFFFCE0  }
0x37d: {  	_ =	swait.ge @!p0 [sflag:s0], $0x6400  }
0x37e: {  	[sflag:s0] =	ssyncset.done @!p0 $0x0  }
0x37f: {  	s20 =	simm.s32 $0x10330;
	[sflag:s0] =	ssyncadd.s32 @!p0 $0xFFFF9C00  }
0x380: {  	v1 =	vld [tilespmem:s20+$0x0];
	_ =	sdelay $0x4  }
0x381: {  	(v2sf) =	vpush v1, $0x0;
	_ =	sdelay $0x5  }
0x382: {  	v0 =	vld [tilespmem:s20+$0xFFFFFFF0];
	_ =	sdelay $0x4  }
0x383: {  	(v2sf) =	vpush v0, $0x0  }
0x384: {  	(v2sf) =	vpush v0, $0x1  }
0x385: {  	(v2sf) =	vpush v0, $0x2  }
0x386: {  	(v2sf) =	vpush v0, $0x3  }
0x387: {  	(v2sf) =	vpush v0, $0x4;
	s21 =	spop (v2sf)  }
0x388: {  	(v2sf) =	vpush v0, $0x5;
	s22 =	sshll.u32 s21, $0x5  }
0x389: {  	(v2sf) =	vpush v0, $0x6;
	s0 =	sshra.s32 s21, $0xB;
	s1 =	sand.u32 $0x1FFFE0, s22  }
0x38a: {  	(v2sf) =	vpush v1, $0x1;
	s0 =	sand.u32 $0xFFFFFFE0, s0;
	v2 =	vld [tilespmem:s1+$0x0]  }
0x38b: {  	v3 =	vld [tilespmem:s0+$0x0];
	_ =	sdelay $0x4  }
0x38c: {  	v2 =	vadd.f32 v3, v2  }
0x38d: {  	s23 =	simm.s32 $0x16A40  }
0x38e: {  	s24 =	spop (v2sf);
	[tilespmem:s23+$0x200] =	vst v2  }
0x38f: {  	(v2sf) =	vpush v0, $0x7;
	s25 =	spop (v2sf);
	v2 =	vld [tilespmem:s1+$0x10]  }
0x390: {  	(v2sf) =	vpush v0, $0x8;
	s26 =	spop (v2sf);
	v3 =	vld [tilespmem:s0+$0x10]  }
0x391: {  	(v2sf) =	vpush v0, $0x9;
	s11 =	spop (v2sf)  }
0x392: {  	(v2sf) =	vpush v0, $0xA;
	s9 =	spop (v2sf)  }
0x393: {  	(v2sf) =	vpush v0, $0xB;
	s7 =	spop (v2sf)  }
0x394: {  	(v2sf) =	vpush v0, $0xC;
	s3 =	spop (v2sf)  }
0x395: {  	(v2sf) =	vpush v0, $0xD;
	s31 =	spop (v2sf);
	v2 =	vadd.f32 v3, v2  }
0x396: {  	(v2sf) =	vpush v0, $0xE;
	s5 =	sshll.u32 s31, $0x5  }
0x397: {  	(v2sf) =	vpush v0, $0xF;
	s0 =	sshra.s32 s31, $0xB;
	s6 =	sand.u32 $0x1FFFE0, s5;
	[tilespmem:s23+$0x210] =	vst v2  }
0x398: {  	(v2sf) =	vpush v1, $0x2;
	s0 =	sand.u32 $0xFFFFFFE0, s0;
	v0 =	vld [tilespmem:s6+$0x0]  }
0x399: {  	v2 =	vld [tilespmem:s0+$0x0]  }
0x39a: {  	s16 =	sshra.s32 s24, $0xB  }
0x39b: {  	s10 =	sshll.u32 s24, $0x5;
	s17 =	sand.u32 $0xFFFFFFE0, s16  }
0x39c: {  	s14 =	sand.u32 $0x1FFFE0, s10;
	v4 =	vld [tilespmem:s17+$0x0]  }
0x39d: {  	v3 =	vld [tilespmem:s14+$0x0]  }
0x39e: {  	s1 =	spop (v2sf);
	v0 =	vadd.f32 v2, v0  }
0x39f: {  	s2 =	simm.s32 $0x16A40;
	s15 =	spop (v2sf)  }
0x3a0: {  	s10 =	spop (v2sf);
	[tilespmem:s2+$0x220] =	vst v0  }
0x3a1: {  	s8 =	spop (v2sf);
	v0 =	vld [tilespmem:s6+$0x10]  }
0x3a2: {  	s5 =	spop (v2sf);
	v2 =	vadd.f32 v4, v3;
	v3 =	vld [tilespmem:s0+$0x10]  }
0x3a3: {  	s4 =	spop (v2sf)  }
0x3a4: {  	s18 =	spop (v2sf);
	[tilespmem:s2+$0x0] =	vst v2  }
0x3a5: {  	s19 =	spop (v2sf);
	[smem:$0x7C3] =	sst s18  }
0x3a6: {  	s20 =	spop (v2sf);
	v2 =	vld [tilespmem:s14+$0x10];
	[smem:$0x7C4] =	sst s19  }
0x3a7: {  	s21 =	spop (v2sf);
	v4 =	vld [tilespmem:s17+$0x10];
	v0 =	vadd.f32 v3, v0  }
0x3a8: {  	s16 =	sshll.u32 s21, $0x5;
	[smem:$0x7C6] =	sst s20  }
0x3a9: {  	s16 =	sand.u32 $0x1FFFE0, s16;
	s14 =	sshra.s32 s21, $0xB;
	[tilespmem:s2+$0x230] =	vst v0  }
0x3aa: {  	(v2sf) =	vpush v1, $0x3;
	s14 =	sand.u32 $0xFFFFFFE0, s14;
	v0 =	vld [tilespmem:s16+$0x0]  }
0x3ab: {  	v3 =	vld [tilespmem:s14+$0x0]  }
0x3ac: {  	v2 =	vadd.f32 v4, v2  }
0x3ad: {  	s22 =	sshll.u32 s25, $0x5  }
0x3ae: {  	s13 =	sshra.s32 s25, $0xB;
	s17 =	sand.u32 $0x1FFFE0, s22;
	[tilespmem:s2+$0x10] =	vst v2  }
0x3af: {  	s13 =	sand.u32 $0xFFFFFFE0, s13;
	v2 =	vld [tilespmem:s17+$0x0]  }
0x3b0: {  	v4 =	vld [tilespmem:s13+$0x0];
	v0 =	vadd.f32 v3, v0;
	_ =	sdelay $0x1  }
0x3b1: {  	[tilespmem:s2+$0x240] =	vst v0  }
0x3b2: {  	v0 =	vld [tilespmem:s16+$0x10]  }
0x3b3: {  	v3 =	vld [tilespmem:s14+$0x10]  }
0x3b4: {  	v2 =	vadd.f32 v4, v2;
	_ =	sdelay $0x1  }
0x3b5: {  	[tilespmem:s2+$0x20] =	vst v2  }
0x3b6: {  	v2 =	vld [tilespmem:s17+$0x10]  }
0x3b7: {  	s23 =	spop (v2sf);
	v4 =	vld [tilespmem:s13+$0x10];
	v0 =	vadd.f32 v3, v0  }
0x3b8: {  	s24 =	sshll.u32 s23, $0x5  }
0x3b9: {  	s14 =	sand.u32 $0x1FFFE0, s24;
	s13 =	sshra.s32 s23, $0xB;
	[tilespmem:s2+$0x250] =	vst v0  }
0x3ba: {  	(v2sf) =	vpush v1, $0x4;
	s13 =	sand.u32 $0xFFFFFFE0, s13;
	v0 =	vld [tilespmem:s14+$0x0]  }
0x3bb: {  	v3 =	vld [tilespmem:s13+$0x0]  }
0x3bc: {  	v2 =	vadd.f32 v4, v2  }
0x3bd: {  	s25 =	sshll.u32 s26, $0x5  }
0x3be: {  	s12 =	sshra.s32 s26, $0xB;
	s16 =	sand.u32 $0x1FFFE0, s25;
	[tilespmem:s2+$0x30] =	vst v2  }
0x3bf: {  	s12 =	sand.u32 $0xFFFFFFE0, s12;
	v2 =	vld [tilespmem:s16+$0x0]  }
0x3c0: {  	v4 =	vld [tilespmem:s12+$0x0];
	v0 =	vadd.f32 v3, v0;
	_ =	sdelay $0x1  }
0x3c1: {  	[tilespmem:s2+$0x260] =	vst v0  }
0x3c2: {  	v0 =	vld [tilespmem:s14+$0x10]  }
0x3c3: {  	v3 =	vld [tilespmem:s13+$0x10]  }
0x3c4: {  	v2 =	vadd.f32 v4, v2;
	_ =	sdelay $0x1  }
0x3c5: {  	[tilespmem:s2+$0x40] =	vst v2  }
0x3c6: {  	v2 =	vld [tilespmem:s16+$0x10]  }
0x3c7: {  	s26 =	spop (v2sf);
	v4 =	vld [tilespmem:s12+$0x10];
	v0 =	vadd.f32 v3, v0  }
0x3c8: {  	s31 =	sshll.u32 s26, $0x5  }
0x3c9: {  	s13 =	sand.u32 $0x1FFFE0, s31;
	s12 =	sshra.s32 s26, $0xB;
	[tilespmem:s2+$0x270] =	vst v0  }
0x3ca: {  	(v2sf) =	vpush v1, $0x5;
	s12 =	sand.u32 $0xFFFFFFE0, s12;
	v0 =	vld [tilespmem:s13+$0x0]  }
0x3cb: {  	v3 =	vld [tilespmem:s12+$0x0]  }
0x3cc: {  	v2 =	vadd.f32 v4, v2  }
0x3cd: {  	s0 =	sshll.u32 s11, $0x5  }
0x3ce: {  	s11 =	sshra.s32 s11, $0xB;
	s14 =	sand.u32 $0x1FFFE0, s0;
	[tilespmem:s2+$0x50] =	vst v2  }
0x3cf: {  	s11 =	sand.u32 $0xFFFFFFE0, s11;
	v2 =	vld [tilespmem:s14+$0x0]  }
0x3d0: {  	v4 =	vld [tilespmem:s11+$0x0];
	v0 =	vadd.f32 v3, v0;
	_ =	sdelay $0x1  }
0x3d1: {  	[tilespmem:s2+$0x280] =	vst v0  }
0x3d2: {  	v0 =	vld [tilespmem:s13+$0x10]  }
0x3d3: {  	v3 =	vld [tilespmem:s12+$0x10]  }
0x3d4: {  	v2 =	vadd.f32 v4, v2;
	_ =	sdelay $0x1  }
0x3d5: {  	[tilespmem:s2+$0x60] =	vst v2  }
0x3d6: {  	v2 =	vld [tilespmem:s14+$0x10]  }
0x3d7: {  	s6 =	spop (v2sf);
	v4 =	vld [tilespmem:s11+$0x10];
	v0 =	vadd.f32 v3, v0  }
0x3d8: {  	s13 =	sshll.u32 s6, $0x5  }
0x3d9: {  	s12 =	sand.u32 $0x1FFFE0, s13;
	s11 =	sshra.s32 s6, $0xB;
	[tilespmem:s2+$0x290] =	vst v0  }
0x3da: {  	(v2sf) =	vpush v1, $0x6;
	s11 =	sand.u32 $0xFFFFFFE0, s11;
	v0 =	vld [tilespmem:s12+$0x0]  }
0x3db: {  	v3 =	vld [tilespmem:s11+$0x0]  }
0x3dc: {  	v2 =	vadd.f32 v4, v2  }
0x3dd: {  	s14 =	sshll.u32 s9, $0x5  }
0x3de: {  	s9 =	sshra.s32 s9, $0xB;
	s13 =	sand.u32 $0x1FFFE0, s14;
	[tilespmem:s2+$0x70] =	vst v2  }
0x3df: {  	s9 =	sand.u32 $0xFFFFFFE0, s9;
	v2 =	vld [tilespmem:s13+$0x0]  }
0x3e0: {  	v4 =	vld [tilespmem:s9+$0x0];
	v0 =	vadd.f32 v3, v0;
	_ =	sdelay $0x1  }
0x3e1: {  	[tilespmem:s2+$0x2A0] =	vst v0  }
0x3e2: {  	v0 =	vld [tilespmem:s12+$0x10]  }
0x3e3: {  	v3 =	vld [tilespmem:s11+$0x10]  }
0x3e4: {  	v2 =	vadd.f32 v4, v2  }
0x3e5: {  	s16 =	simm.s32 $0x10350  }
0x3e6: {  	[tilespmem:s2+$0x80] =	vst v2;
	v2 =	vld [tilespmem:s16+$0x0]  }
0x3e7: {  	v4 =	vld [tilespmem:s13+$0x10]  }
0x3e8: {  	s17 =	spop (v2sf);
	v5 =	vld [tilespmem:s9+$0x10];
	v0 =	vadd.f32 v3, v0  }
0x3e9: {  	s18 =	sshll.u32 s17, $0x5  }
0x3ea: {  	s12 =	sand.u32 $0x1FFFE0, s18;
	s11 =	sshra.s32 s17, $0xB;
	[tilespmem:s2+$0x2B0] =	vst v0  }
0x3eb: {  	(v2sf) =	vpush v1, $0x7;
	s11 =	sand.u32 $0xFFFFFFE0, s11;
	v0 =	vld [tilespmem:s12+$0x0]  }
0x3ec: {  	v3 =	vld [tilespmem:s11+$0x0]  }
0x3ed: {  	(v2sf) =	vpush v2, $0x0;
	v4 =	vadd.f32 v5, v4;
	v5 =	vld [tilespmem:s16+$0xFFFFFFF0]  }
0x3ee: {  	s19 =	sshll.u32 s7, $0x5  }
0x3ef: {  	s7 =	sshra.s32 s7, $0xB;
	s9 =	sand.u32 $0x1FFFE0, s19;
	[tilespmem:s2+$0x90] =	vst v4  }
0x3f0: {  	s7 =	sand.u32 $0xFFFFFFE0, s7;
	v4 =	vld [tilespmem:s9+$0x0]  }
0x3f1: {  	v6 =	vld [tilespmem:s7+$0x0];
	v0 =	vadd.f32 v3, v0  }
0x3f2: {  	(v2sf) =	vpush v5, $0x0  }
0x3f3: {  	[tilespmem:s2+$0x2C0] =	vst v0  }
0x3f4: {  	v0 =	vld [tilespmem:s12+$0x10]  }
0x3f5: {  	v3 =	vld [tilespmem:s11+$0x10]  }
0x3f6: {  	v4 =	vadd.f32 v6, v4;
	_ =	sdelay $0x1  }
0x3f7: {  	(v2sf) =	vpush v5, $0x1;
	[tilespmem:s2+$0xA0] =	vst v4  }
0x3f8: {  	(v2sf) =	vpush v5, $0x2;
	v4 =	vld [tilespmem:s9+$0x10]  }
0x3f9: {  	s20 =	spop (v2sf);
	(v2sf) =	vpush v5, $0x3;
	v6 =	vld [tilespmem:s7+$0x10];
	v0 =	vadd.f32 v3, v0  }
0x3fa: {  	s21 =	sshll.u32 s20, $0x5;
	(v2sf) =	vpush v5, $0x4;
	s2 =	simm.s32 $0x16A40  }
0x3fb: {  	(v2sf) =	vpush v5, $0x5;
	s9 =	sand.u32 $0x1FFFE0, s21;
	s7 =	sshra.s32 s20, $0xB;
	s22 =	spop (v2sf);
	[tilespmem:s2+$0x2D0] =	vst v0  }
0x3fc: {  	(v2sf) =	vpush v1, $0x8;
	s7 =	sand.u32 $0xFFFFFFE0, s7;
	s23 =	sshll.u32 s22, $0x5;
	v0 =	vld [tilespmem:s9+$0x0]  }
0x3fd: {  	(v2sf) =	vpush v5, $0x6;
	s11 =	sshra.s32 s22, $0xB;
	s12 =	sand.u32 $0x1FFFE0, s23;
	v3 =	vld [tilespmem:s7+$0x0]  }
0x3fe: {  	(v2sf) =	vpush v2, $0x1;
	v4 =	vadd.f32 v6, v4;
	s11 =	sand.u32 $0xFFFFFFE0, s11;
	v6 =	vld [tilespmem:s12+$0x0]  }
0x3ff: {  	s24 =	sshll.u32 s3, $0x5;
	v7 =	vld [tilespmem:s11+$0x0]  }
0x400: {  	s3 =	sshra.s32 s3, $0xB;
	s13 =	sand.u32 $0x1FFFE0, s24;
	[tilespmem:s2+$0xB0] =	vst v4;
	s25 =	spop (v2sf)  }
0x401: {  	s3 =	sand.u32 $0xFFFFFFE0, s3;
	v4 =	vld [tilespmem:s13+$0x0];
	s26 =	sshll.u32 s25, $0x5  }
0x402: {  	v8 =	vld [tilespmem:s3+$0x0];
	s14 =	sshra.s32 s25, $0xB;
	s16 =	sand.u32 $0x1FFFE0, s26;
	v0 =	vadd.f32 v3, v0  }
0x403: {  	s14 =	sand.u32 $0xFFFFFFE0, s14;
	v3 =	vld [tilespmem:s16+$0x0]  }
0x404: {  	v9 =	vld [tilespmem:s14+$0x0];
	[tilespmem:s2+$0x2E0] =	vst v0;
	v0 =	vadd.f32 v7, v6  }
0x405: {  	s31 =	simm.s32 $0x16E40;
	v6 =	vld [tilespmem:s9+$0x10]  }
0x406: {  	(v2sf) =	vpush v5, $0x7;
	s6 =	spop (v2sf);
	v7 =	vld [tilespmem:s7+$0x10];
	[tilespmem:s31+$0x200] =	vst v0  }
0x407: {  	(v2sf) =	vpush v5, $0x8;
	s21 =	spop (v2sf);
	v0 =	vadd.f32 v8, v4;
	v4 =	vld [tilespmem:s12+$0x10]  }
0x408: {  	(v2sf) =	vpush v5, $0x9;
	s20 =	spop (v2sf);
	v8 =	vld [tilespmem:s11+$0x10]  }
0x409: {  	(v2sf) =	vpush v5, $0xA;
	s19 =	spop (v2sf);
	[tilespmem:s2+$0xC0] =	vst v0;
	v0 =	vadd.f32 v9, v3  }
0x40a: {  	s0 =	simm.s32 $0x16E40;
	(v2sf) =	vpush v5, $0xB;
	s17 =	spop (v2sf);
	v3 =	vld [tilespmem:s13+$0x10]  }
0x40b: {  	(v2sf) =	vpush v5, $0xC;
	v9 =	vld [tilespmem:s3+$0x10];
	s13 =	spop (v2sf);
	[tilespmem:s0+$0x0] =	vst v0;
	v0 =	vadd.f32 v7, v6  }
0x40c: {  	s11 =	spop (v2sf);
	s18 =	sshll.u32 s13, $0x5;
	v6 =	vld [tilespmem:s16+$0x10]  }
0x40d: {  	(v2sf) =	vpush v5, $0xD;
	s3 =	sshra.s32 s13, $0xB;
	v7 =	vld [tilespmem:s14+$0x10];
	s7 =	sand.u32 $0x1FFFE0, s18;
	s22 =	spop (v2sf);
	[tilespmem:s2+$0x2F0] =	vst v0;
	v0 =	vadd.f32 v8, v4  }
0x40e: {  	s3 =	sand.u32 $0xFFFFFFE0, s3;
	s23 =	sshll.u32 s22, $0x5;
	v4 =	vld [tilespmem:s7+$0x0]  }
0x40f: {  	(v2sf) =	vpush v5, $0xE;
	s12 =	sshra.s32 s22, $0xB;
	v8 =	vld [tilespmem:s3+$0x0];
	s13 =	sand.u32 $0x1FFFE0, s23;
	[tilespmem:s0+$0x210] =	vst v0  }
0x410: {  	(v2sf) =	vpush v1, $0x9;
	s12 =	sand.u32 $0xFFFFFFE0, s12;
	v0 =	vadd.f32 v9, v3;
	v3 =	vld [tilespmem:s13+$0x0]  }
0x411: {  	s24 =	sshll.u32 s1, $0x5;
	(v2sf) =	vpush v5, $0xF;
	v5 =	vld [tilespmem:s12+$0x0]  }
0x412: {  	s1 =	sshra.s32 s1, $0xB;
	s25 =	sand.u32 $0x1FFFE0, s24;
	[tilespmem:s2+$0xD0] =	vst v0;
	v0 =	vadd.f32 v7, v6  }
0x413: {  	s1 =	sand.u32 $0xFFFFFFE0, s1;
	(v2sf) =	vpush v2, $0x2;
	v6 =	vld [tilespmem:s25+$0x0]  }
0x414: {  	s26 =	sshll.u32 s6, $0x5;
	s9 =	sshra.s32 s6, $0xB;
	v7 =	vld [tilespmem:s1+$0x0];
	[tilespmem:s0+$0x10] =	vst v0;
	v0 =	vadd.f32 v8, v4  }
0x415: {  	s31 =	sand.u32 $0x1FFFE0, s26;
	s6 =	sand.u32 $0xFFFFFFE0, s9;
	s9 =	spop (v2sf)  }
0x416: {  	s18 =	spop (v2sf);
	v4 =	vld [tilespmem:s31+$0x0];
	[tilespmem:s2+$0x300] =	vst v0;
	v0 =	vadd.f32 v5, v3  }
0x417: {  	s16 =	spop (v2sf);
	v8 =	vld [tilespmem:s6+$0x0]  }
0x418: {  	s14 =	spop (v2sf);
	v3 =	vld [tilespmem:s7+$0x10];
	[tilespmem:s0+$0x220] =	vst v0  }
0x419: {  	v0 =	vadd.f32 v7, v6;
	v6 =	vld [tilespmem:s13+$0x10];
	s13 =	spop (v2sf)  }
0x41a: {  	v5 =	vld [tilespmem:s3+$0x10];
	s7 =	spop (v2sf)  }
0x41b: {  	v7 =	vld [tilespmem:s12+$0x10];
	[smem:$0x7C5] =	sst s7  }
0x41c: {  	s12 =	spop (v2sf);
	[tilespmem:s2+$0xE0] =	vst v0  }
0x41d: {  	[smem:$0x7C7] =	sst s12  }
0x41e: {  	v0 =	vadd.f32 v8, v4;
	v4 =	vld [tilespmem:s25+$0x10];
	s25 =	spop (v2sf)  }
0x41f: {  	[smem:$0x7C8] =	sst s25;
	s26 =	spop (v2sf)  }
0x420: {  	v8 =	vld [tilespmem:s1+$0x10];
	[tilespmem:s0+$0x20] =	vst v0;
	v0 =	vadd.f32 v5, v3;
	s2 =	spop (v2sf)  }
0x421: {  	s3 =	simm.s32 $0x16A40;
	v3 =	vld [tilespmem:s31+$0x10];
	s31 =	sshll.u32 s26, $0x5;
	[smem:$0x7CA] =	sst s2  }
0x422: {  	s22 =	sshra.s32 s26, $0xB;
	v5 =	vld [tilespmem:s6+$0x10];
	[tilespmem:s3+$0x310] =	vst v0;
	s23 =	sand.u32 $0x1FFFE0, s31;
	v0 =	vadd.f32 v7, v6;
	s6 =	spop (v2sf)  }
0x423: {  	(v2sf) =	vpush v1, $0xA;
	s22 =	sand.u32 $0xFFFFFFE0, s22;
	v6 =	vld [tilespmem:s23+$0x0];
	s7 =	sshll.u32 s6, $0x5  }
0x424: {  	v7 =	vld [tilespmem:s22+$0x0];
	s24 =	sshra.s32 s6, $0xB;
	[tilespmem:s0+$0x230] =	vst v0;
	s25 =	sand.u32 $0x1FFFE0, s7  }
0x425: {  	(v2sf) =	vpush v2, $0x3;
	s24 =	sand.u32 $0xFFFFFFE0, s24;
	v0 =	vadd.f32 v8, v4;
	v4 =	vld [tilespmem:s25+$0x0]  }
0x426: {  	s12 =	sshll.u32 s15, $0x5;
	v8 =	vld [tilespmem:s24+$0x0]  }
0x427: {  	s15 =	sshra.s32 s15, $0xB;
	s26 =	sand.u32 $0x1FFFE0, s12;
	[tilespmem:s3+$0xF0] =	vst v0;
	v0 =	vadd.f32 v5, v3  }
0x428: {  	s28 =	sshll.u32 s21, $0x5;
	s15 =	sand.u32 $0xFFFFFFE0, s15;
	v3 =	vld [tilespmem:s26+$0x0]  }
0x429: {  	s21 =	sshra.s32 s21, $0xB;
	s28 =	sand.u32 $0x1FFFE0, s28;
	v5 =	vld [tilespmem:s15+$0x0];
	[tilespmem:s0+$0x30] =	vst v0;
	v0 =	vadd.f32 v7, v6  }
0x42a: {  	s21 =	sand.u32 $0xFFFFFFE0, s21;
	v6 =	vld [tilespmem:s28+$0x0]  }
0x42b: {  	v7 =	vld [tilespmem:s21+$0x0];
	[tilespmem:s3+$0x320] =	vst v0;
	v0 =	vadd.f32 v8, v4  }
0x42c: {  	v4 =	vld [tilespmem:s23+$0x10]  }
0x42d: {  	v8 =	vld [tilespmem:s22+$0x10];
	[tilespmem:s0+$0x240] =	vst v0  }
0x42e: {  	v3 =	vadd.f32 v5, v3;
	v0 =	vld [tilespmem:s25+$0x10]  }
0x42f: {  	v5 =	vld [tilespmem:s24+$0x10]  }
0x430: {  	[tilespmem:s3+$0x100] =	vst v3;
	v3 =	vadd.f32 v7, v6  }
0x431: {  	v6 =	vld [tilespmem:s26+$0x10]  }
0x432: {  	v7 =	vld [tilespmem:s15+$0x10];
	s26 =	spop (v2sf);
	[tilespmem:s0+$0x40] =	vst v3;
	v3 =	vadd.f32 v8, v4  }
0x433: {  	s31 =	sshll.u32 s26, $0x5;
	v4 =	vld [tilespmem:s28+$0x10]  }
0x434: {  	s15 =	sshra.s32 s26, $0xB;
	v8 =	vld [tilespmem:s21+$0x10];
	s2 =	sand.u32 $0x1FFFE0, s31;
	[tilespmem:s3+$0x330] =	vst v3;
	v0 =	vadd.f32 v5, v0;
	s3 =	spop (v2sf)  }
0x435: {  	(v2sf) =	vpush v1, $0xB;
	s15 =	sand.u32 $0xFFFFFFE0, s15;
	v3 =	vld [tilespmem:s2+$0x0];
	s6 =	sshll.u32 s3, $0x5  }
0x436: {  	v5 =	vld [tilespmem:s15+$0x0];
	s22 =	sshra.s32 s3, $0xB;
	[tilespmem:s0+$0x250] =	vst v0;
	s23 =	sand.u32 $0x1FFFE0, s6  }
0x437: {  	(v2sf) =	vpush v2, $0x4;
	v0 =	vadd.f32 v7, v6;
	s22 =	sand.u32 $0xFFFFFFE0, s22;
	v6 =	vld [tilespmem:s23+$0x0]  }
0x438: {  	s1 =	simm.s32 $0x16A40;
	s7 =	sshll.u32 s10, $0x5;
	v7 =	vld [tilespmem:s22+$0x0]  }
0x439: {  	s10 =	sshra.s32 s10, $0xB;
	s24 =	sand.u32 $0x1FFFE0, s7;
	[tilespmem:s1+$0x110] =	vst v0;
	v0 =	vadd.f32 v8, v4  }
0x43a: {  	s12 =	sshll.u32 s20, $0x5;
	s10 =	sand.u32 $0xFFFFFFE0, s10;
	v4 =	vld [tilespmem:s24+$0x0]  }
0x43b: {  	s20 =	sshra.s32 s20, $0xB;
	s25 =	sand.u32 $0x1FFFE0, s12;
	v8 =	vld [tilespmem:s10+$0x0];
	[tilespmem:s0+$0x50] =	vst v0;
	v0 =	vadd.f32 v5, v3  }
0x43c: {  	s20 =	sand.u32 $0xFFFFFFE0, s20;
	v3 =	vld [tilespmem:s25+$0x0]  }
0x43d: {  	v5 =	vld [tilespmem:s20+$0x0];
	[tilespmem:s1+$0x340] =	vst v0;
	v0 =	vadd.f32 v7, v6  }
0x43e: {  	v6 =	vld [tilespmem:s2+$0x10]  }
0x43f: {  	v7 =	vld [tilespmem:s15+$0x10];
	[tilespmem:s0+$0x260] =	vst v0  }
0x440: {  	v4 =	vadd.f32 v8, v4;
	v0 =	vld [tilespmem:s23+$0x10]  }
0x441: {  	v8 =	vld [tilespmem:s22+$0x10]  }
0x442: {  	[tilespmem:s1+$0x120] =	vst v4;
	v3 =	vadd.f32 v5, v3  }
0x443: {  	v4 =	vld [tilespmem:s24+$0x10]  }
0x444: {  	v5 =	vld [tilespmem:s10+$0x10];
	s24 =	spop (v2sf);
	[tilespmem:s0+$0x60] =	vst v3;
	v3 =	vadd.f32 v7, v6  }
0x445: {  	v6 =	vld [tilespmem:s25+$0x10];
	s25 =	sshll.u32 s24, $0x5  }
0x446: {  	s10 =	sshra.s32 s24, $0xB;
	s26 =	spop (v2sf);
	v7 =	vld [tilespmem:s20+$0x10];
	[tilespmem:s1+$0x350] =	vst v3;
	s15 =	sand.u32 $0x1FFFE0, s25;
	v0 =	vadd.f32 v8, v0  }
0x447: {  	s10 =	sand.u32 $0xFFFFFFE0, s10;
	s31 =	sshll.u32 s26, $0x5;
	v3 =	vld [tilespmem:s15+$0x0]  }
0x448: {  	(v2sf) =	vpush v1, $0xC;
	s20 =	sshra.s32 s26, $0xB;
	s21 =	sand.u32 $0x1FFFE0, s31;
	v8 =	vld [tilespmem:s10+$0x0];
	[tilespmem:s0+$0x270] =	vst v0  }
0x449: {  	(v2sf) =	vpush v2, $0x5;
	s20 =	sand.u32 $0xFFFFFFE0, s20;
	v0 =	vadd.f32 v5, v4;
	v4 =	vld [tilespmem:s21+$0x0]  }
0x44a: {  	s2 =	sshll.u32 s8, $0x5;
	v5 =	vld [tilespmem:s20+$0x0]  }
0x44b: {  	s8 =	sshra.s32 s8, $0xB;
	s22 =	sand.u32 $0x1FFFE0, s2;
	[tilespmem:s1+$0x130] =	vst v0;
	v0 =	vadd.f32 v7, v6  }
0x44c: {  	s3 =	sshll.u32 s19, $0x5;
	s8 =	sand.u32 $0xFFFFFFE0, s8;
	v6 =	vld [tilespmem:s22+$0x0]  }
0x44d: {  	s19 =	sshra.s32 s19, $0xB;
	s23 =	sand.u32 $0x1FFFE0, s3;
	v7 =	vld [tilespmem:s8+$0x0];
	[tilespmem:s0+$0x70] =	vst v0;
	v0 =	vadd.f32 v8, v3  }
0x44e: {  	s19 =	sand.u32 $0xFFFFFFE0, s19;
	v3 =	vld [tilespmem:s23+$0x0]  }
0x44f: {  	v8 =	vld [tilespmem:s19+$0x0];
	[tilespmem:s1+$0x360] =	vst v0;
	v0 =	vadd.f32 v5, v4  }
0x450: {  	v4 =	vld [tilespmem:s15+$0x10]  }
0x451: {  	v5 =	vld [tilespmem:s10+$0x10];
	[tilespmem:s0+$0x280] =	vst v0  }
0x452: {  	v0 =	vadd.f32 v7, v6;
	v6 =	vld [tilespmem:s21+$0x10]  }
0x453: {  	v7 =	vld [tilespmem:s20+$0x10]  }
0x454: {  	[tilespmem:s1+$0x140] =	vst v0;
	v0 =	vadd.f32 v8, v3;
	_ =	sdelay $0x1  }
0x455: {  	v3 =	vld [tilespmem:s22+$0x10];
	[tilespmem:s0+$0x80] =	vst v0;
	v0 =	vadd.f32 v5, v4  }
0x456: {  	s6 =	spop (v2sf);
	v8 =	vld [tilespmem:s8+$0x10]  }
0x457: {  	s21 =	spop (v2sf);
	[tilespmem:s1+$0x370] =	vst v0;
	v0 =	vadd.f32 v7, v6  }
0x458: {  	s22 =	sshll.u32 s21, $0x5;
	v4 =	vld [tilespmem:s23+$0x10]  }
0x459: {  	(v2sf) =	vpush v1, $0xD;
	s15 =	sshra.s32 s21, $0xB;
	v5 =	vld [tilespmem:s19+$0x10];
	s19 =	sand.u32 $0x1FFFE0, s22;
	[tilespmem:s0+$0x290] =	vst v0  }
0x45a: {  	(v2sf) =	vpush v2, $0x6;
	s7 =	sshll.u32 s6, $0x5;
	s15 =	sand.u32 $0xFFFFFFE0, s15;
	v0 =	vld [tilespmem:s19+$0x0]  }
0x45b: {  	s10 =	sand.u32 $0x1FFFE0, s7;
	s8 =	sshra.s32 s6, $0xB;
	v3 =	vadd.f32 v8, v3;
	v8 =	vld [tilespmem:s15+$0x0]  }
0x45c: {  	s12 =	simm.s32 $0x16A40;
	s8 =	sand.u32 $0xFFFFFFE0, s8;
	s23 =	sshll.u32 s5, $0x5;
	v6 =	vld [tilespmem:s10+$0x0]  }
0x45d: {  	s5 =	sshra.s32 s5, $0xB;
	s20 =	sand.u32 $0x1FFFE0, s23;
	v7 =	vld [tilespmem:s8+$0x0];
	[tilespmem:s12+$0x150] =	vst v3  }
0x45e: {  	s5 =	sand.u32 $0xFFFFFFE0, s5;
	v3 =	vadd.f32 v5, v4;
	v4 =	vld [tilespmem:s20+$0x0]  }
0x45f: {  	v5 =	vld [tilespmem:s5+$0x0]  }
0x460: {  	v0 =	vadd.f32 v8, v0;
	_ =	sdelay $0x1  }
0x461: {  	[tilespmem:s0+$0x2A0] =	vst v0  }
0x462: {  	[tilespmem:s0+$0x90] =	vst v3;
	v3 =	vadd.f32 v7, v6;
	v8 =	vld [tilespmem:s19+$0x10]  }
0x463: {  	s25 =	simm.s32 $0x10370;
	v4 =	vadd.f32 v5, v4;
	v5 =	vld [tilespmem:s15+$0x10]  }
0x464: {  	[tilespmem:s12+$0x380] =	vst v3;
	v0 =	vld [tilespmem:s25+$0x0]  }
0x465: {  	v3 =	vld [tilespmem:s10+$0x10]  }
0x466: {  	[tilespmem:s12+$0x160] =	vst v4;
	v4 =	vld [tilespmem:s8+$0x10]  }
0x467: {  	(v2sf) =	vpush v1, $0xE;
	s24 =	sshll.u32 s17, $0x5;
	s26 =	spop (v2sf)  }
0x468: {  	(v2sf) =	vpush v2, $0x7;
	s17 =	sshra.s32 s17, $0xB;
	s21 =	sand.u32 $0x1FFFE0, s24;
	s31 =	spop (v2sf);
	v5 =	vadd.f32 v5, v8  }
0x469: {  	s17 =	sand.u32 $0xFFFFFFE0, s17;
	s1 =	sshll.u32 s31, $0x5;
	v6 =	vld [tilespmem:s21+$0x0];
	(v2sf) =	vpush v0, $0x0  }
0x46a: {  	v7 =	vld [tilespmem:s17+$0x0];
	s15 =	sand.u32 $0x1FFFE0, s1;
	s8 =	sshra.s32 s31, $0xB;
	[tilespmem:s0+$0x2B0] =	vst v5  }
0x46b: {  	s2 =	sand.u32 $0xFFFFFFE0, s8;
	v3 =	vadd.f32 v4, v3;
	v4 =	vld [tilespmem:s15+$0x0]  }
0x46c: {  	s6 =	simm.s32 $0x16A40;
	v5 =	vld [tilespmem:s2+$0x0]  }
0x46d: {  	[tilespmem:s6+$0x390] =	vst v3;
	v3 =	vld [tilespmem:s25+$0xFFFFFFF0];
	_ =	sdelay $0x3  }
0x46e: {  	v4 =	vadd.f32 v5, v4  }
0x46f: {  	s23 =	simm.s32 $0x16E40;
	v6 =	vadd.f32 v7, v6;
	v7 =	vld [tilespmem:s20+$0x10];
	(v2sf) =	vpush v3, $0x0  }
0x470: {  	v9 =	vld [tilespmem:s5+$0x10];
	(v2sf) =	vpush v3, $0x1;
	[tilespmem:s23+$0x2C0] =	vst v4  }
0x471: {  	(v2sf) =	vpush v3, $0x2;
	v4 =	vld [tilespmem:s15+$0x10]  }
0x472: {  	(v2sf) =	vpush v3, $0x3;
	v5 =	vld [tilespmem:s2+$0x10]  }
0x473: {  	[tilespmem:s0+$0xA0] =	vst v6;
	s25 =	spop (v2sf)  }
0x474: {  	s3 =	sshll.u32 s26, $0x5;
	v6 =	vld [tilespmem:s21+$0x10];
	s24 =	spop (v2sf);
	(v2sf) =	vpush v3, $0x4  }
0x475: {  	s7 =	sand.u32 $0x1FFFE0, s3;
	s5 =	sshra.s32 s26, $0xB;
	v8 =	vld [tilespmem:s17+$0x10];
	v7 =	vadd.f32 v9, v7;
	(v2sf) =	vpush v1, $0xF;
	s26 =	spop (v2sf)  }
0x476: {  	s5 =	sand.u32 $0xFFFFFFE0, s5;
	v9 =	vld [tilespmem:s7+$0x0];
	(v2sf) =	vpush v3, $0x5;
	s31 =	sshll.u32 s26, $0x5  }
0x477: {  	[tilespmem:s6+$0x170] =	vst v7;
	v7 =	vld [tilespmem:s5+$0x0];
	(v2sf) =	vpush v2, $0x8;
	s15 =	sshra.s32 s26, $0xB;
	v1 =	vadd.f32 v5, v4;
	s17 =	sand.u32 $0x1FFFE0, s31  }
0x478: {  	s12 =	simm.s32 $0x16E40;
	s0 =	sshll.u32 s24, $0x5;
	(v2sf) =	vpush v3, $0x6;
	s15 =	sand.u32 $0xFFFFFFE0, s15;
	v4 =	vld [tilespmem:s17+$0x0]  }
0x479: {  	s10 =	sshra.s32 s24, $0xB;
	s20 =	sand.u32 $0x1FFFE0, s0;
	(v2sf) =	vpush v0, $0x1;
	[tilespmem:s12+$0x2D0] =	vst v1;
	v1 =	vld [tilespmem:s15+$0x0]  }
0x47a: {  	s10 =	sand.u32 $0xFFFFFFE0, s10;
	v5 =	vld [tilespmem:s20+$0x0]  }
0x47b: {  	s21 =	sshll.u32 s4, $0x5;
	v6 =	vadd.f32 v8, v6;
	v10 =	vld [tilespmem:s10+$0x0]  }
0x47c: {  	s22 =	sshll.u32 s11, $0x5;
	s30 =	sand.u32 $0x1FFFE0, s21;
	v7 =	vadd.f32 v7, v9  }
0x47d: {  	s8 =	sand.u32 $0x1FFFE0, s22;
	s6 =	simm.s32 $0x16A40;
	[tilespmem:s23+$0xB0] =	vst v6;
	v6 =	vld [tilespmem:s30+$0x0]  }
0x47e: {  	s11 =	sshra.s32 s11, $0xB;
	v8 =	vld [tilespmem:s8+$0x0];
	[tilespmem:s6+$0x3A0] =	vst v7;
	v1 =	vadd.f32 v1, v4;
	s1 =	spop (v2sf)  }
0x47f: {  	s29 =	simm.s32 $0x17240;
	s11 =	sand.u32 $0xFFFFFFE0, s11;
	v7 =	vld [tilespmem:s7+$0x10];
	s31 =	spop (v2sf)  }
0x480: {  	v4 =	vld [tilespmem:s11+$0x0];
	(v2sf) =	vpush v3, $0x7;
	v5 =	vadd.f32 v10, v5;
	[tilespmem:s29+$0x200] =	vst v1;
	s26 =	spop (v2sf)  }
0x481: {  	(v2sf) =	vpush v3, $0x8;
	v1 =	vld [tilespmem:s17+$0x10];
	s23 =	spop (v2sf)  }
0x482: {  	v9 =	vld [tilespmem:s15+$0x10];
	(v2sf) =	vpush v3, $0x9;
	[tilespmem:s12+$0x2E0] =	vst v5  }
0x483: {  	s2 =	sshll.u32 s1, $0x5;
	s22 =	spop (v2sf);
	v5 =	vld [tilespmem:s20+$0x10];
	(v2sf) =	vpush v3, $0xA  }
0x484: {  	s3 =	sand.u32 $0x1FFFE0, s2;
	v10 =	vld [tilespmem:s10+$0x10];
	s24 =	spop (v2sf);
	(v2sf) =	vpush v3, $0xB  }
0x485: {  	s7 =	sshra.s32 s1, $0xB;
	v4 =	vadd.f32 v4, v8;
	v8 =	vld [tilespmem:s3+$0x0];
	s21 =	spop (v2sf);
	(v2sf) =	vpush v3, $0xC  }
0x486: {  	s7 =	sand.u32 $0xFFFFFFE0, s7;
	v44 =	vld [tilespmem:s5+$0x10];
	s17 =	spop (v2sf);
	(v2sf) =	vpush v3, $0xD  }
0x487: {  	[tilespmem:s12+$0xC0] =	vst v4;
	v4 =	vld [tilespmem:s7+$0x0];
	s20 =	spop (v2sf)  }
0x488: {  	s4 =	sshra.s32 s4, $0xB;
	v11 =	vld [tilespmem:s8+$0x10];
	v1 =	vadd.f32 v9, v1;
	(v2sf) =	vpush v3, $0xE;
	s19 =	spop (v2sf)  }
0x489: {  	s4 =	sand.u32 $0xFFFFFFE0, s4;
	v9 =	vld [tilespmem:s11+$0x10];
	(v2sf) =	vpush v2, $0x9;
	s0 =	sshll.u32 s19, $0x5  }
0x48a: {  	v5 =	vadd.f32 v10, v5;
	[tilespmem:s29+$0x210] =	vst v1;
	v10 =	vld [tilespmem:s4+$0x0];
	s8 =	sshra.s32 s19, $0xB;
	(v2sf) =	vpush v3, $0xF;
	s5 =	sand.u32 $0x1FFFE0, s0  }
0x48b: {  	s1 =	sshll.u32 s17, $0x5;
	s8 =	sand.u32 $0xFFFFFFE0, s8;
	v1 =	vld [tilespmem:s5+$0x0]  }
0x48c: {  	s2 =	sshra.s32 s17, $0xB;
	(v2sf) =	vpush v0, $0x2;
	v3 =	vadd.f32 v4, v8;
	[tilespmem:s12+$0x2F0] =	vst v5;
	s0 =	sand.u32 $0x1FFFE0, s1;
	v4 =	vld [tilespmem:s8+$0x0]  }
0x48d: {  	s11 =	sand.u32 $0xFFFFFFE0, s2;
	v5 =	vld [tilespmem:s0+$0x0]  }
0x48e: {  	v8 =	vadd.f32 v9, v11;
	[tilespmem:s29+$0x0] =	vst v3;
	v3 =	vld [tilespmem:s11+$0x0]  }
0x48f: {  	v9 =	vld [tilespmem:s3+$0x10];
	s3 =	sshll.u32 s9, $0x5;
	s19 =	spop (v2sf)  }
0x490: {  	s9 =	sshra.s32 s9, $0xB;
	[tilespmem:s12+$0xD0] =	vst v8;
	v11 =	vld [tilespmem:s7+$0x10];
	s1 =	sand.u32 $0x1FFFE0, s3;
	s17 =	spop (v2sf)  }
0x491: {  	s28 =	sand.u32 $0xFFFFFFE0, s9;
	v8 =	vld [tilespmem:s1+$0x0];
	v1 =	vadd.f32 v4, v1;
	s15 =	spop (v2sf)  }
0x492: {  	v4 =	vld [tilespmem:s28+$0x0];
	s7 =	spop (v2sf)  }
0x493: {  	v3 =	vadd.f32 v3, v5;
	[tilespmem:s29+$0x220] =	vst v1;
	s10 =	spop (v2sf)  }
0x494: {  	v13 =	vld [tilespmem:s5+$0x10];
	s9 =	spop (v2sf)  }
0x495: {  	v1 =	vadd.f32 v10, v6;
	v14 =	vld [tilespmem:s8+$0x10];
	[tilespmem:s12+$0x300] =	vst v3;
	s8 =	spop (v2sf)  }
0x496: {  	v3 =	vld [tilespmem:s0+$0x10];
	[smem:$0x7CB] =	sst s8  }
0x497: {  	v4 =	vadd.f32 v4, v8;
	s2 =	spop (v2sf);
	[tilespmem:s6+$0x180] =	vst v1  }
0x498: {  	v6 =	vld [tilespmem:s11+$0x10];
	[smem:$0x7CC] =	sst s2;
	s2 =	spop (v2sf)  }
0x499: {  	v8 =	vadd.f32 v11, v9;
	v5 =	vld [tilespmem:s4+$0x10];
	[tilespmem:s12+$0xE0] =	vst v4;
	s4 =	spop (v2sf)  }
0x49a: {  	s3 =	sshll.u32 s31, $0x5;
	v1 =	vld [tilespmem:s30+$0x10];
	[smem:$0x7CD] =	sst s4  }
0x49b: {  	s5 =	sshra.s32 s31, $0xB;
	s11 =	sand.u32 $0x1FFFE0, s3;
	s30 =	spop (v2sf);
	v4 =	vld [tilespmem:s1+$0x10];
	[tilespmem:s29+$0x10] =	vst v8;
	v8 =	vadd.f32 v14, v13  }
0x49c: {  	s8 =	sand.u32 $0xFFFFFFE0, s5;
	s0 =	sshll.u32 s30, $0x5;
	v9 =	vld [tilespmem:s11+$0x0]  }
0x49d: {  	(v2sf) =	vpush v2, $0xA;
	s30 =	sshra.s32 s30, $0xB;
	v10 =	vld [tilespmem:s8+$0x0];
	v3 =	vadd.f32 v6, v3;
	s31 =	sand.u32 $0x1FFFE0, s0;
	[tilespmem:s29+$0x230] =	vst v8  }
0x49e: {  	(v2sf) =	vpush v0, $0x3;
	s1 =	sshll.u32 s2, $0x5;
	s30 =	sand.u32 $0xFFFFFFE0, s30;
	v6 =	vld [tilespmem:s31+$0x0]  }
0x49f: {  	v7 =	vadd.f32 v44, v7;
	s2 =	sshra.s32 s2, $0xB;
	s4 =	sand.u32 $0x1FFFE0, s1;
	[tilespmem:s12+$0x310] =	vst v3;
	v3 =	vld [tilespmem:s30+$0x0]  }
0x4a0: {  	s5 =	sshll.u32 s25, $0x5;
	s2 =	sand.u32 $0xFFFFFFE0, s2;
	v8 =	vld [tilespmem:s4+$0x0]  }
0x4a1: {  	s25 =	sshra.s32 s25, $0xB;
	[tilespmem:s6+$0x3B0] =	vst v7;
	s0 =	sand.u32 $0x1FFFE0, s5;
	v7 =	vld [tilespmem:s2+$0x0]  }
0x4a2: {  	s25 =	sand.u32 $0xFFFFFFE0, s25;
	v11 =	vld [tilespmem:s0+$0x0];
	v9 =	vadd.f32 v10, v9  }
0x4a3: {  	v10 =	vld [tilespmem:s25+$0x0]  }
0x4a4: {  	v45 =	vld [tilespmem:s28+$0x10];
	[tilespmem:s29+$0x20] =	vst v9;
	v3 =	vadd.f32 v3, v6  }
0x4a5: {  	v6 =	vld [tilespmem:s11+$0x10]  }
0x4a6: {  	v9 =	vld [tilespmem:s8+$0x10];
	v7 =	vadd.f32 v7, v8;
	[tilespmem:s29+$0x240] =	vst v3  }
0x4a7: {  	v3 =	vld [tilespmem:s31+$0x10]  }
0x4a8: {  	v8 =	vld [tilespmem:s30+$0x10];
	v10 =	vadd.f32 v10, v11;
	[tilespmem:s12+$0x320] =	vst v7  }
0x4a9: {  	v4 =	vadd.f32 v45, v4;
	v7 =	vld [tilespmem:s4+$0x10]  }
0x4aa: {  	s8 =	sshll.u32 s18, $0x5;
	v11 =	vld [tilespmem:s2+$0x10];
	[tilespmem:s6+$0x3C0] =	vst v10  }
0x4ab: {  	[tilespmem:s12+$0xF0] =	vst v4;
	s11 =	sshra.s32 s18, $0xB;
	s1 =	sand.u32 $0x1FFFE0, s8;
	v10 =	vld [tilespmem:s0+$0x10];
	v4 =	vadd.f32 v9, v6  }
0x4ac: {  	s18 =	sshll.u32 s26, $0x5;
	s31 =	spop (v2sf);
	s0 =	sand.u32 $0xFFFFFFE0, s11;
	v6 =	vld [tilespmem:s1+$0x0]  }
0x4ad: {  	s2 =	sand.u32 $0x1FFFE0, s18;
	s4 =	sshra.s32 s26, $0xB;
	s5 =	spop (v2sf);
	v9 =	vld [tilespmem:s0+$0x0];
	[tilespmem:s29+$0x30] =	vst v4;
	v3 =	vadd.f32 v8, v3  }
0x4ae: {  	s8 =	sshll.u32 s5, $0x5;
	s11 =	sand.u32 $0xFFFFFFE0, s4;
	v4 =	vld [tilespmem:s2+$0x0]  }
0x4af: {  	s18 =	sshra.s32 s5, $0xB;
	s26 =	sand.u32 $0x1FFFE0, s8;
	v8 =	vld [tilespmem:s11+$0x0];
	v7 =	vadd.f32 v11, v7;
	[tilespmem:s29+$0x250] =	vst v3  }
0x4b0: {  	(v2sf) =	vpush v2, $0xB;
	s28 =	sshll.u32 s31, $0x5;
	s18 =	sand.u32 $0xFFFFFFE0, s18;
	v3 =	vld [tilespmem:s26+$0x0]  }
0x4b1: {  	(v2sf) =	vpush v0, $0x4;
	s3 =	sshra.s32 s31, $0xB;
	s28 =	sand.u32 $0x1FFFE0, s28;
	[tilespmem:s12+$0x330] =	vst v7;
	v7 =	vld [tilespmem:s18+$0x0]  }
0x4b2: {  	s3 =	sand.u32 $0xFFFFFFE0, s3;
	v6 =	vadd.f32 v9, v6;
	v9 =	vld [tilespmem:s28+$0x0]  }
0x4b3: {  	v11 =	vld [tilespmem:s3+$0x0]  }
0x4b4: {  	v46 =	vld [tilespmem:s25+$0x10];
	[tilespmem:s12+$0x100] =	vst v6;
	v4 =	vadd.f32 v8, v4  }
0x4b5: {  	v6 =	vld [tilespmem:s1+$0x10]  }
0x4b6: {  	v8 =	vld [tilespmem:s0+$0x10];
	[tilespmem:s29+$0x40] =	vst v4;
	v3 =	vadd.f32 v7, v3  }
0x4b7: {  	v4 =	vld [tilespmem:s2+$0x10]  }
0x4b8: {  	v7 =	vld [tilespmem:s11+$0x10];
	v9 =	vadd.f32 v11, v9;
	[tilespmem:s29+$0x260] =	vst v3  }
0x4b9: {  	v10 =	vadd.f32 v46, v10;
	v3 =	vld [tilespmem:s26+$0x10]  }
0x4ba: {  	s25 =	sshll.u32 s24, $0x5;
	v11 =	vld [tilespmem:s18+$0x10];
	[tilespmem:s12+$0x340] =	vst v9  }
0x4bb: {  	[tilespmem:s6+$0x3D0] =	vst v10;
	s0 =	sand.u32 $0x1FFFE0, s25;
	v9 =	vld [tilespmem:s28+$0x10]  }
0x4bc: {  	s26 =	sshra.s32 s24, $0xB;
	v6 =	vadd.f32 v8, v6;
	v8 =	vld [tilespmem:s0+$0x0]  }
0x4bd: {  	s31 =	sshll.u32 s16, $0x5;
	s1 =	sand.u32 $0xFFFFFFE0, s26;
	v48 =	vld [tilespmem:s3+$0x10]  }
0x4be: {  	s4 =	sshra.s32 s16, $0xB;
	s2 =	sand.u32 $0x1FFFE0, s31;
	v10 =	vld [tilespmem:s1+$0x0];
	[tilespmem:s12+$0x110] =	vst v6;
	v4 =	vadd.f32 v7, v4  }
0x4bf: {  	s5 =	sshll.u32 s23, $0x5;
	s8 =	spop (v2sf);
	s11 =	sand.u32 $0xFFFFFFE0, s4;
	v6 =	vld [tilespmem:s2+$0x0]  }
0x4c0: {  	s23 =	sshra.s32 s23, $0xB;
	s16 =	sand.u32 $0x1FFFE0, s5;
	s26 =	spop (v2sf);
	v7 =	vld [tilespmem:s11+$0x0];
	[tilespmem:s29+$0x50] =	vst v4;
	v3 =	vadd.f32 v11, v3  }
0x4c1: {  	s23 =	sand.u32 $0xFFFFFFE0, s23;
	s31 =	sshll.u32 s26, $0x5;
	v11 =	vld [tilespmem:s16+$0x0]  }
0x4c2: {  	s24 =	sshra.s32 s26, $0xB;
	s25 =	sand.u32 $0x1FFFE0, s31;
	v47 =	vld [tilespmem:s23+$0x0];
	[tilespmem:s29+$0x270] =	vst v3  }
0x4c3: {  	s24 =	sand.u32 $0xFFFFFFE0, s24;
	v3 =	vadd.f32 v10, v8;
	v8 =	vld [tilespmem:s25+$0x0]  }
0x4c4: {  	v10 =	vld [tilespmem:s24+$0x0]  }
0x4c5: {  	v6 =	vadd.f32 v7, v6  }
0x4c6: {  	v9 =	vadd.f32 v48, v9;
	[tilespmem:s6+$0x3E0] =	vst v3  }
0x4c7: {  	(v2sf) =	vpush v2, $0xC;
	s3 =	sshll.u32 s8, $0x5;
	v3 =	vld [tilespmem:s0+$0x10];
	[tilespmem:s12+$0x120] =	vst v6;
	v6 =	vadd.f32 v47, v11  }
0x4c8: {  	(v2sf) =	vpush v0, $0x5;
	[tilespmem:s12+$0x350] =	vst v9;
	v4 =	vld [tilespmem:s1+$0x10];
	s0 =	sand.u32 $0x1FFFE0, s3  }
0x4c9: {  	v1 =	vadd.f32 v5, v1;
	v5 =	vld [tilespmem:s0+$0x0];
	[tilespmem:s29+$0x60] =	vst v6;
	v6 =	vadd.f32 v10, v8  }
0x4ca: {  	v7 =	vld [tilespmem:s2+$0x10]  }
0x4cb: {  	v11 =	vld [tilespmem:s11+$0x10];
	[tilespmem:s29+$0x280] =	vst v6  }
0x4cc: {  	v8 =	vld [tilespmem:s16+$0x10];
	s5 =	sld [smem:$0x7C3]  }
0x4cd: {  	s4 =	sshra.s32 s8, $0xB;
	v10 =	vld [tilespmem:s23+$0x10]  }
0x4ce: {  	s8 =	simm.s32 $0x16A40;
	s1 =	sand.u32 $0xFFFFFFE0, s4;
	v6 =	vld [tilespmem:s25+$0x10]  }
0x4cf: {  	[tilespmem:s8+$0x190] =	vst v1;
	v1 =	vld [tilespmem:s1+$0x0];
	s6 =	sshll.u32 s5, $0x5  }
0x4d0: {  	v49 =	vld [tilespmem:s24+$0x10];
	v7 =	vadd.f32 v11, v7;
	s3 =	sshra.s32 s5, $0xB;
	s2 =	sand.u32 $0x1FFFE0, s6  }
0x4d1: {  	s23 =	sshll.u32 s14, $0x5;
	s3 =	sand.u32 $0xFFFFFFE0, s3;
	v9 =	vld [tilespmem:s2+$0x0]  }
0x4d2: {  	s14 =	sshra.s32 s14, $0xB;
	s11 =	sand.u32 $0x1FFFE0, s23;
	[tilespmem:s12+$0x130] =	vst v7;
	v11 =	vld [tilespmem:s3+$0x0]  }
0x4d3: {  	s14 =	sand.u32 $0xFFFFFFE0, s14;
	v7 =	vadd.f32 v10, v8;
	v8 =	vld [tilespmem:s11+$0x0]  }
0x4d4: {  	s24 =	sshll.u32 s22, $0x5;
	v10 =	vld [tilespmem:s14+$0x0]  }
0x4d5: {  	s25 =	sshra.s32 s22, $0xB;
	s16 =	sand.u32 $0x1FFFE0, s24;
	[tilespmem:s29+$0x70] =	vst v7;
	v1 =	vadd.f32 v1, v5  }
0x4d6: {  	s26 =	spop (v2sf);
	s18 =	sand.u32 $0xFFFFFFE0, s25;
	v5 =	vld [tilespmem:s16+$0x0]  }
0x4d7: {  	s31 =	spop (v2sf);
	v6 =	vadd.f32 v49, v6;
	[tilespmem:s12+$0x360] =	vst v1;
	v7 =	vadd.f32 v11, v9;
	v9 =	vld [tilespmem:s18+$0x0]  }
0x4d8: {  	s4 =	sshll.u32 s31, $0x5;
	v1 =	vld [tilespmem:s0+$0x10]  }
0x4d9: {  	[tilespmem:s29+$0x290] =	vst v6;
	s0 =	sshra.s32 s31, $0xB;
	v8 =	vadd.f32 v10, v8;
	v11 =	vld [tilespmem:s1+$0x10];
	s1 =	sand.u32 $0x1FFFE0, s4  }
0x4da: {  	s0 =	sand.u32 $0xFFFFFFE0, s0;
	v6 =	vld [tilespmem:s1+$0x0]  }
0x4db: {  	[tilespmem:s12+$0x140] =	vst v8;
	v8 =	vld [tilespmem:s0+$0x0]  }
0x4dc: {  	[tilespmem:s8+$0x1A0] =	vst v7;
	v10 =	vld [tilespmem:s14+$0x10];
	v5 =	vadd.f32 v9, v5  }
0x4dd: {  	v7 =	vld [tilespmem:s2+$0x10]  }
0x4de: {  	(v2sf) =	vpush v2, $0xD;
	v9 =	vld [tilespmem:s11+$0x10];
	v1 =	vadd.f32 v11, v1;
	[tilespmem:s29+$0x80] =	vst v5  }
0x4df: {  	(v2sf) =	vpush v0, $0x6;
	s5 =	sshll.u32 s26, $0x5;
	v5 =	vld [tilespmem:s16+$0x10]  }
0x4e0: {  	s6 =	sshra.s32 s26, $0xB;
	s2 =	sand.u32 $0x1FFFE0, s5;
	[tilespmem:s12+$0x370] =	vst v1;
	v11 =	vld [tilespmem:s18+$0x10]  }
0x4e1: {  	s11 =	sand.u32 $0xFFFFFFE0, s6;
	v1 =	vld [tilespmem:s2+$0x0]  }
0x4e2: {  	v6 =	vadd.f32 v8, v6;
	v8 =	vld [tilespmem:s11+$0x0];
	_ =	sdelay $0x1  }
0x4e3: {  	v50 =	vld [tilespmem:s3+$0x10];
	[tilespmem:s29+$0x2A0] =	vst v6;
	v9 =	vadd.f32 v10, v9  }
0x4e4: {  	s8 =	sshll.u32 s13, $0x5;
	v6 =	vld [tilespmem:s1+$0x10]  }
0x4e5: {  	s13 =	sshra.s32 s13, $0xB;
	s1 =	sand.u32 $0x1FFFE0, s8;
	[tilespmem:s12+$0x150] =	vst v9;
	v9 =	vld [tilespmem:s0+$0x10];
	v5 =	vadd.f32 v11, v5  }
0x4e6: {  	s14 =	sand.u32 $0xFFFFFFE0, s13;
	v10 =	vld [tilespmem:s1+$0x0];
	v1 =	vadd.f32 v8, v1  }
0x4e7: {  	s22 =	simm.s32 $0x10390;
	s18 =	sshll.u32 s21, $0x5;
	v11 =	vld [tilespmem:s14+$0x0];
	[tilespmem:s29+$0x90] =	vst v5  }
0x4e8: {  	s21 =	sshra.s32 s21, $0xB;
	s3 =	sand.u32 $0x1FFFE0, s18;
	[tilespmem:s12+$0x380] =	vst v1;
	v1 =	vld [tilespmem:s22+$0x0]  }
0x4e9: {  	s13 =	sand.u32 $0xFFFFFFE0, s21;
	v8 =	vld [tilespmem:s3+$0x0];
	s4 =	sld [smem:$0x7C4]  }
0x4ea: {  	v51 =	vld [tilespmem:s13+$0x0]  }
0x4eb: {  	v7 =	vadd.f32 v50, v7;
	v5 =	vld [tilespmem:s22+$0xFFFFFFF0]  }
0x4ec: {  	s25 =	simm.s32 $0x16A40;
	s24 =	spop (v2sf);
	v52 =	vld [tilespmem:s2+$0x10];
	s23 =	sshll.u32 s4, $0x5  }
0x4ed: {  	s31 =	spop (v2sf);
	v53 =	vld [tilespmem:s11+$0x10];
	[tilespmem:s25+$0x1B0] =	vst v7;
	v6 =	vadd.f32 v9, v6;
	s26 =	sshra.s32 s4, $0xB;
	s11 =	sand.u32 $0x1FFFE0, s23  }
0x4ee: {  	(v2sf) =	vpush v2, $0xE;
	s4 =	sshll.u32 s31, $0x5;
	s2 =	sand.u32 $0xFFFFFFE0, s26;
	v7 =	vld [tilespmem:s11+$0x0]  }
0x4ef: {  	(v2sf) =	vpush v0, $0x7;
	s16 =	sshra.s32 s31, $0xB;
	[tilespmem:s29+$0x2B0] =	vst v6;
	s18 =	sand.u32 $0x1FFFE0, s4;
	v9 =	vld [tilespmem:s2+$0x0];
	v8 =	vadd.f32 v51, v8  }
0x4f0: {  	s16 =	sand.u32 $0xFFFFFFE0, s16;
	v10 =	vadd.f32 v11, v10;
	(v2sf) =	vpush v1, $0x0;
	v6 =	vld [tilespmem:s18+$0x0]  }
0x4f1: {  	[tilespmem:s29+$0xA0] =	vst v8;
	v8 =	vld [tilespmem:s16+$0x0]  }
0x4f2: {  	[tilespmem:s12+$0x160] =	vst v10;
	v10 =	vadd.f32 v53, v52;
	v11 =	vld [tilespmem:s3+$0x10]  }
0x4f3: {  	s5 =	sshll.u32 s24, $0x5;
	v54 =	vld [tilespmem:s13+$0x10]  }
0x4f4: {  	s6 =	sand.u32 $0x1FFFE0, s5;
	s8 =	sshra.s32 s24, $0xB;
	v55 =	vld [tilespmem:s1+$0x10];
	[tilespmem:s12+$0x390] =	vst v10;
	v7 =	vadd.f32 v9, v7  }
0x4f5: {  	(v2sf) =	vpush v5, $0x0;
	s1 =	sand.u32 $0xFFFFFFE0, s8;
	v10 =	vld [tilespmem:s6+$0x0]  }
0x4f6: {  	[tilespmem:s25+$0x1C0] =	vst v7;
	v7 =	vld [tilespmem:s1+$0x0]  }
0x4f7: {  	v9 =	vld [tilespmem:s14+$0x10];
	v6 =	vadd.f32 v8, v6  }
0x4f8: {  	v56 =	vld [tilespmem:s11+$0x10];
	v8 =	vadd.f32 v54, v11  }
0x4f9: {  	v58 =	vld [tilespmem:s2+$0x10];
	[tilespmem:s29+$0x2C0] =	vst v6  }
0x4fa: {  	s11 =	sshll.u32 s20, $0x5;
	v11 =	vld [tilespmem:s18+$0x10];
	[tilespmem:s29+$0xB0] =	vst v8  }
0x4fb: {  	s13 =	sshra.s32 s20, $0xB;
	s3 =	sand.u32 $0x1FFFE0, s11;
	v8 =	vld [tilespmem:s16+$0x10];
	s14 =	sld [smem:$0x7C5];
	v7 =	vadd.f32 v7, v10  }
0x4fc: {  	s11 =	sand.u32 $0xFFFFFFE0, s13;
	v6 =	vadd.f32 v9, v55;
	v57 =	vld [tilespmem:s3+$0x0]  }
0x4fd: {  	(v2sf) =	vpush v5, $0x1;
	s16 =	spop (v2sf);
	v10 =	vld [tilespmem:s11+$0x0];
	[tilespmem:s12+$0x3A0] =	vst v7  }
0x4fe: {  	(v2sf) =	vpush v5, $0x2;
	s21 =	spop (v2sf);
	[tilespmem:s12+$0x170] =	vst v6;
	s18 =	sshll.u32 s14, $0x5;
	v6 =	vld [tilespmem:s6+$0x10]  }
0x4ff: {  	(v2sf) =	vpush v5, $0x3;
	s20 =	sshra.s32 s14, $0xB;
	s23 =	spop (v2sf);
	s13 =	sand.u32 $0x1FFFE0, s18;
	v9 =	vld [tilespmem:s1+$0x10]  }
0x500: {  	(v2sf) =	vpush v5, $0x4;
	s2 =	sand.u32 $0xFFFFFFE0, s20;
	s24 =	sshll.u32 s23, $0x5;
	v15 =	vld [tilespmem:s13+$0x0]  }
0x501: {  	(v2sf) =	vpush v2, $0xF;
	v7 =	vadd.f32 v8, v11;
	s6 =	sshra.s32 s23, $0xB;
	v2 =	vld [tilespmem:s2+$0x0];
	s31 =	sand.u32 $0x1FFFE0, s24  }
0x502: {  	s22 =	sshll.u32 s21, $0x5;
	s4 =	sand.u32 $0xFFFFFFE0, s6;
	v11 =	vld [tilespmem:s31+$0x0]  }
0x503: {  	s0 =	sshra.s32 s21, $0xB;
	s1 =	sand.u32 $0x1FFFE0, s22;
	v8 =	vadd.f32 v10, v57;
	[tilespmem:s29+$0x2D0] =	vst v7;
	v59 =	vld [tilespmem:s4+$0x0]  }
0x504: {  	(v2sf) =	vpush v5, $0x5;
	s0 =	sand.u32 $0xFFFFFFE0, s0;
	s26 =	spop (v2sf);
	v7 =	vld [tilespmem:s1+$0x0]  }
0x505: {  	(v2sf) =	vpush v0, $0x8;
	s5 =	sshll.u32 s26, $0x5;
	[tilespmem:s29+$0xC0] =	vst v8;
	v8 =	vld [tilespmem:s0+$0x0]  }
0x506: {  	s8 =	sand.u32 $0x1FFFE0, s5;
	v10 =	vld [tilespmem:s3+$0x10];
	s3 =	sshra.s32 s26, $0xB  }
0x507: {  	v60 =	vld [tilespmem:s8+$0x0];
	s3 =	sand.u32 $0xFFFFFFE0, s3  }
0x508: {  	(v2sf) =	vpush v5, $0x6;
	v2 =	vadd.f32 v2, v15;
	v16 =	vld [tilespmem:s3+$0x0]  }
0x509: {  	(v2sf) =	vpush v1, $0x1  }
0x50a: {  	[tilespmem:s12+$0x180] =	vst v2;
	v2 =	vadd.f32 v59, v11  }
0x50b: {  	s30 =	simm.s32 $0x17640;
	v8 =	vadd.f32 v8, v7  }
0x50c: {  	v17 =	vld [tilespmem:s11+$0x10];
	[tilespmem:s30+$0x200] =	vst v2  }
0x50d: {  	v7 =	vld [tilespmem:s13+$0x10];
	[tilespmem:s29+$0x2E0] =	vst v8;
	v2 =	vadd.f32 v16, v60  }
0x50e: {  	s14 =	spop (v2sf);
	v11 =	vld [tilespmem:s1+$0x10]  }
0x50f: {  	(v2sf) =	vpush v5, $0x7;
	s22 =	spop (v2sf);
	v61 =	vld [tilespmem:s0+$0x10];
	[tilespmem:s30+$0x0] =	vst v2  }
0x510: {  	(v2sf) =	vpush v5, $0x8;
	s6 =	spop (v2sf);
	v8 =	vld [tilespmem:s2+$0x10];
	s20 =	sld [smem:$0x7C6]  }
0x511: {  	(v2sf) =	vpush v5, $0x9;
	s13 =	spop (v2sf);
	v62 =	vld [tilespmem:s31+$0x10]  }
0x512: {  	v13 =	vadd.f32 v58, v56;
	(v2sf) =	vpush v5, $0xA;
	s23 =	spop (v2sf);
	v63 =	vld [tilespmem:s4+$0x10]  }
0x513: {  	(v2sf) =	vpush v5, $0xB;
	v2 =	vld [tilespmem:s8+$0x10];
	s8 =	spop (v2sf);
	s21 =	sshll.u32 s20, $0x5;
	s1 =	sshra.s32 s20, $0xB  }
0x514: {  	(v2sf) =	vpush v5, $0xC;
	v20 =	vld [tilespmem:s3+$0x10];
	[tilespmem:s25+$0x1D0] =	vst v13;
	s24 =	spop (v2sf);
	v11 =	vadd.f32 v61, v11;
	s21 =	sand.u32 $0x1FFFE0, s21;
	s26 =	sand.u32 $0xFFFFFFE0, s1  }
0x515: {  	(v2sf) =	vpush v5, $0xD;
	s31 =	sshll.u32 s24, $0x5;
	v21 =	vld [tilespmem:s21+$0x0];
	[dreg:$0x3] =	wrdreg s26  }
0x516: {  	v10 =	vadd.f32 v17, v10;
	s3 =	sshra.s32 s24, $0xB;
	s1 =	sand.u32 $0x1FFFE0, s31;
	v13 =	vld [tilespmem:s26+$0x0];
	[tilespmem:s29+$0x2F0] =	vst v11  }
0x517: {  	s0 =	sshll.u32 s19, $0x5;
	(v2sf) =	vpush v5, $0xE;
	s5 =	spop (v2sf);
	s11 =	sand.u32 $0xFFFFFFE0, s3;
	v11 =	vld [tilespmem:s1+$0x0]  }
0x518: {  	s19 =	sshra.s32 s19, $0xB;
	s18 =	sand.u32 $0x1FFFE0, s0;
	s2 =	spop (v2sf);
	[tilespmem:s29+$0xD0] =	vst v10;
	v10 =	vadd.f32 v63, v62;
	v22 =	vld [tilespmem:s11+$0x0]  }
0x519: {  	s28 =	sand.u32 $0xFFFFFFE0, s19;
	(v2sf) =	vpush v0, $0x9;
	s3 =	sshll.u32 s2, $0x5;
	v23 =	vld [tilespmem:s18+$0x0]  }
0x51a: {  	(v2sf) =	vpush v5, $0xF;
	s0 =	sshra.s32 s2, $0xB;
	s4 =	sand.u32 $0x1FFFE0, s3;
	v5 =	vld [tilespmem:s28+$0x0];
	[tilespmem:s30+$0x210] =	vst v10  }
0x51b: {  	v2 =	vadd.f32 v20, v2;
	s20 =	sand.u32 $0xFFFFFFE0, s0;
	v10 =	vld [tilespmem:s4+$0x0]  }
0x51c: {  	s2 =	sshll.u32 s14, $0x5;
	v24 =	vld [tilespmem:s20+$0x0]  }
0x51d: {  	s14 =	sshra.s32 s14, $0xB;
	s3 =	sand.u32 $0x1FFFE0, s2;
	[tilespmem:s30+$0x10] =	vst v2;
	v12 =	vadd.f32 v13, v21  }
0x51e: {  	(v2sf) =	vpush v1, $0x2;
	s19 =	spop (v2sf);
	s24 =	sand.u32 $0xFFFFFFE0, s14;
	v25 =	vld [tilespmem:s3+$0x0];
	v11 =	vadd.f32 v22, v11  }
0x51f: {  	s14 =	spop (v2sf);
	v26 =	vld [tilespmem:s24+$0x0];
	v5 =	vadd.f32 v5, v23;
	[tilespmem:s25+$0x1E0] =	vst v12  }
0x520: {  	s26 =	spop (v2sf);
	v2 =	vld [tilespmem:s21+$0x10];
	[tilespmem:s29+$0x300] =	vst v11  }
0x521: {  	s25 =	spop (v2sf);
	[tilespmem:s29+$0xE0] =	vst v5;
	v5 =	vadd.f32 v24, v10;
	v11 =	vld [tilespmem:s1+$0x10]  }
0x522: {  	s21 =	spop (v2sf);
	v27 =	vld [tilespmem:s11+$0x10]  }
0x523: {  	v10 =	vld [tilespmem:s18+$0x10];
	s18 =	spop (v2sf);
	[tilespmem:s30+$0x220] =	vst v5  }
0x524: {  	v5 =	vadd.f32 v26, v25;
	v29 =	vld [tilespmem:s4+$0x10];
	s4 =	spop (v2sf)  }
0x525: {  	v28 =	vld [tilespmem:s28+$0x10];
	[smem:$0x7CE] =	sst s4  }
0x526: {  	v6 =	vadd.f32 v9, v6;
	v9 =	vld [tilespmem:s20+$0x10];
	[tilespmem:s30+$0x20] =	vst v5;
	s20 =	spop (v2sf)  }
0x527: {  	s11 =	sshll.u32 s16, $0x5;
	[smem:$0x7CF] =	sst s20  }
0x528: {  	s31 =	sshra.s32 s16, $0xB;
	s4 =	sand.u32 $0x1FFFE0, s11;
	s0 =	spop (v2sf);
	v5 =	vld [tilespmem:s3+$0x10];
	[tilespmem:s12+$0x3B0] =	vst v6;
	v6 =	vadd.f32 v27, v11  }
0x529: {  	s3 =	sand.u32 $0xFFFFFFE0, s31;
	s28 =	sshll.u32 s0, $0x5;
	v11 =	vld [tilespmem:s4+$0x0]  }
0x52a: {  	v10 =	vadd.f32 v28, v10;
	s16 =	sshra.s32 s0, $0xB;
	v30 =	vld [tilespmem:s3+$0x0];
	s28 =	sand.u32 $0x1FFFE0, s28;
	[tilespmem:s29+$0x310] =	vst v6  }
0x52b: {  	s31 =	sand.u32 $0xFFFFFFE0, s16;
	v6 =	vld [tilespmem:s28+$0x0]  }
0x52c: {  	s2 =	sshll.u32 s17, $0x5;
	(v2sf) =	vpush v0, $0xA;
	s11 =	spop (v2sf);
	[tilespmem:s29+$0xF0] =	vst v10;
	v10 =	vld [tilespmem:s31+$0x0]  }
0x52d: {  	s17 =	sshra.s32 s17, $0xB;
	s2 =	sand.u32 $0x1FFFE0, s2;
	v34 =	vld [tilespmem:s24+$0x10];
	s16 =	spop (v2sf);
	v9 =	vadd.f32 v9, v29  }
0x52e: {  	s17 =	sand.u32 $0xFFFFFFE0, s17;
	v31 =	vld [tilespmem:s2+$0x0];
	s20 =	sshll.u32 s16, $0x5  }
0x52f: {  	s0 =	sshra.s32 s16, $0xB;
	s1 =	sand.u32 $0x1FFFE0, s20;
	[tilespmem:s30+$0x230] =	vst v9;
	v9 =	vld [tilespmem:s17+$0x0];
	v11 =	vadd.f32 v30, v11  }
0x530: {  	s0 =	sand.u32 $0xFFFFFFE0, s0;
	v32 =	vld [tilespmem:s1+$0x0]  }
0x531: {  	v33 =	vld [tilespmem:s0+$0x0];
	[tilespmem:s12+$0x3C0] =	vst v11;
	v6 =	vadd.f32 v10, v6  }
0x532: {  	v10 =	vld [tilespmem:s4+$0x10]  }
0x533: {  	v5 =	vadd.f32 v34, v5;
	v11 =	vld [tilespmem:s3+$0x10];
	[tilespmem:s29+$0x320] =	vst v6  }
0x534: {  	s4 =	sshll.u32 s22, $0x5;
	v9 =	vadd.f32 v9, v31;
	v6 =	vld [tilespmem:s28+$0x10]  }
0x535: {  	[tilespmem:s30+$0x30] =	vst v5;
	s16 =	sand.u32 $0x1FFFE0, s4;
	v35 =	vld [tilespmem:s31+$0x10]  }
0x536: {  	v13 =	vadd.f32 v33, v32;
	v5 =	vld [tilespmem:s16+$0x0];
	[tilespmem:s29+$0x100] =	vst v9  }
0x537: {  	v9 =	vld [tilespmem:s2+$0x10]  }
0x538: {  	v36 =	vld [tilespmem:s17+$0x10];
	[tilespmem:s30+$0x240] =	vst v13;
	s17 =	sshra.s32 s22, $0xB;
	v10 =	vadd.f32 v11, v10  }
0x539: {  	(v2sf) =	vpush v1, $0x3;
	v13 =	vld [tilespmem:s1+$0x10];
	s2 =	sand.u32 $0xFFFFFFE0, s17  }
0x53a: {  	s20 =	sshll.u32 s23, $0x5;
	[tilespmem:s12+$0x3D0] =	vst v10;
	v10 =	vld [tilespmem:s2+$0x0]  }
0x53b: {  	s3 =	sand.u32 $0x1FFFE0, s20;
	s22 =	sshra.s32 s23, $0xB;
	s23 =	spop (v2sf);
	v39 =	vld [tilespmem:s0+$0x10];
	v6 =	vadd.f32 v35, v6  }
0x53c: {  	s4 =	sand.u32 $0xFFFFFFE0, s22;
	s24 =	sshll.u32 s23, $0x5;
	v11 =	vld [tilespmem:s3+$0x0]  }
0x53d: {  	s17 =	sshra.s32 s23, $0xB;
	s22 =	sand.u32 $0x1FFFE0, s24;
	v37 =	vld [tilespmem:s4+$0x0];
	v9 =	vadd.f32 v36, v9;
	[tilespmem:s29+$0x330] =	vst v6  }
0x53e: {  	s31 =	sshll.u32 s15, $0x5;
	s17 =	sand.u32 $0xFFFFFFE0, s17;
	v6 =	vld [tilespmem:s22+$0x0]  }
0x53f: {  	s15 =	sshra.s32 s15, $0xB;
	s23 =	sand.u32 $0x1FFFE0, s31;
	[tilespmem:s29+$0x110] =	vst v9;
	v9 =	vld [tilespmem:s17+$0x0];
	v5 =	vadd.f32 v10, v5  }
0x540: {  	s15 =	sand.u32 $0xFFFFFFE0, s15;
	v10 =	vld [tilespmem:s23+$0x0]  }
0x541: {  	(v2sf) =	vpush v0, $0xB;
	v38 =	vld [tilespmem:s15+$0x0];
	[tilespmem:s30+$0x40] =	vst v5  }
0x542: {  	v40 =	vld [tilespmem:s16+$0x10]  }
0x543: {  	v11 =	vadd.f32 v37, v11;
	v41 =	vld [tilespmem:s2+$0x10];
	_ =	sdelay $0x1  }
0x544: {  	[tilespmem:s12+$0x3E0] =	vst v11;
	v11 =	vadd.f32 v39, v13  }
0x545: {  	v9 =	vadd.f32 v9, v6  }
0x546: {  	v5 =	vld [tilespmem:s3+$0x10];
	v10 =	vadd.f32 v38, v10;
	[tilespmem:s30+$0x250] =	vst v11  }
0x547: {  	v6 =	vld [tilespmem:s4+$0x10];
	s4 =	spop (v2sf);
	[tilespmem:s29+$0x340] =	vst v9;
	v11 =	vadd.f32 v41, v40  }
0x548: {  	s16 =	sshll.u32 s4, $0x5;
	v9 =	vld [tilespmem:s22+$0x10];
	[tilespmem:s29+$0x120] =	vst v10  }
0x549: {  	s0 =	sshra.s32 s4, $0xB;
	s1 =	sand.u32 $0x1FFFE0, s16;
	v42 =	vld [tilespmem:s17+$0x10];
	[tilespmem:s30+$0x50] =	vst v11  }
0x54a: {  	s0 =	sand.u32 $0xFFFFFFE0, s0;
	v43 =	vld [tilespmem:s1+$0x0];
	s22 =	sld [smem:$0x7C7]  }
0x54b: {  	v7 =	vadd.f32 v8, v7;
	s17 =	sshll.u32 s6, $0x5;
	v8 =	vld [tilespmem:s0+$0x0]  }
0x54c: {  	s20 =	sshra.s32 s6, $0xB;
	v10 =	vld [tilespmem:s23+$0x10];
	s2 =	sand.u32 $0x1FFFE0, s17  }
0x54d: {  	s3 =	sand.u32 $0xFFFFFFE0, s20;
	v11 =	vld [tilespmem:s2+$0x0];
	s23 =	sshll.u32 s22, $0x5  }
0x54e: {  	[tilespmem:s12+$0x190] =	vst v7;
	v7 =	vld [tilespmem:s3+$0x0];
	s6 =	sshra.s32 s22, $0xB;
	s4 =	sand.u32 $0x1FFFE0, s23  }
0x54f: {  	s24 =	spop (v2sf);
	v9 =	vadd.f32 v42, v9;
	s6 =	sand.u32 $0xFFFFFFE0, s6;
	v44 =	vld [tilespmem:s4+$0x0]  }
0x550: {  	(v2sf) =	vpush v1, $0x4;
	s31 =	sshll.u32 s24, $0x5;
	v45 =	vld [tilespmem:s6+$0x0]  }
0x551: {  	s17 =	sshra.s32 s24, $0xB;
	v47 =	vld [tilespmem:s15+$0x10];
	v8 =	vadd.f32 v8, v43;
	[tilespmem:s29+$0x350] =	vst v9;
	s22 =	sand.u32 $0x1FFFE0, s31  }
0x552: {  	s17 =	sand.u32 $0xFFFFFFE0, s17;
	v9 =	vld [tilespmem:s22+$0x0]  }
0x553: {  	[tilespmem:s30+$0x260] =	vst v8;
	v46 =	vld [tilespmem:s17+$0x0];
	v7 =	vadd.f32 v7, v11  }
0x554: {  	v8 =	vld [tilespmem:s1+$0x10]  }
0x555: {  	v11 =	vld [tilespmem:s0+$0x10];
	[tilespmem:s30+$0x60] =	vst v7;
	v13 =	vadd.f32 v45, v44  }
0x556: {  	v7 =	vld [tilespmem:s2+$0x10]  }
0x557: {  	v48 =	vld [tilespmem:s3+$0x10];
	[tilespmem:s12+$0x1A0] =	vst v13  }
0x558: {  	v49 =	vld [tilespmem:s4+$0x10]  }
0x559: {  	v13 =	vld [tilespmem:s6+$0x10]  }
0x55a: {  	v10 =	vadd.f32 v47, v10  }
0x55b: {  	v9 =	vadd.f32 v46, v9  }
0x55c: {  	[tilespmem:s29+$0x130] =	vst v10;
	v8 =	vadd.f32 v11, v8  }
0x55d: {  	[tilespmem:s29+$0x360] =	vst v9;
	v7 =	vadd.f32 v48, v7  }
0x55e: {  	[tilespmem:s30+$0x270] =	vst v8;
	s4 =	sshll.u32 s7, $0x5;
	v12 =	vadd.f32 v13, v49  }
0x55f: {  	(v2sf) =	vpush v0, $0xC;
	v9 =	vld [tilespmem:s22+$0x10];
	s6 =	sshra.s32 s7, $0xB;
	s7 =	spop (v2sf);
	s0 =	sand.u32 $0x1FFFE0, s4;
	[tilespmem:s30+$0x70] =	vst v7  }
0x560: {  	s1 =	sand.u32 $0xFFFFFFE0, s6;
	s15 =	sshll.u32 s7, $0x5;
	v10 =	vld [tilespmem:s0+$0x0];
	s22 =	sld [smem:$0x7C8];
	[tilespmem:s12+$0x1B0] =	vst v12  }
0x561: {  	s2 =	sshra.s32 s7, $0xB;
	s3 =	sand.u32 $0x1FFFE0, s15;
	v8 =	vld [tilespmem:s1+$0x0];
	s24 =	sld [smem:$0x7FC]  }
0x562: {  	s16 =	sshll.u32 s13, $0x5;
	s2 =	sand.u32 $0xFFFFFFE0, s2;
	v11 =	vld [tilespmem:s3+$0x0];
	s31 =	sld [smem:$0x7F3]  }
0x563: {  	s20 =	sshra.s32 s13, $0xB;
	s4 =	sand.u32 $0x1FFFE0, s16;
	v50 =	vld [tilespmem:s2+$0x0]  }
0x564: {  	s13 =	sand.u32 $0xFFFFFFE0, s20;
	v7 =	vld [tilespmem:s4+$0x0];
	s23 =	sshll.u32 s22, $0x5  }
0x565: {  	v51 =	vld [tilespmem:s13+$0x0];
	s7 =	sshra.s32 s22, $0xB;
	s15 =	sand.u32 $0x1FFFE0, s23;
	s6 =	sadd.s32 s31, s24  }
0x566: {  	s7 =	sand.u32 $0xFFFFFFE0, s7;
	v8 =	vadd.f32 v8, v10;
	v52 =	vld [tilespmem:s15+$0x0];
	[smem:$0x7C9] =	sst s6  }
0x567: {  	v10 =	vld [tilespmem:s7+$0x0]  }
0x568: {  	(v2sf) =	vpush v1, $0x5;
	s24 =	sshll.u32 s9, $0x5;
	s6 =	sld [smem:$0x7CA];
	v53 =	vld [tilespmem:s17+$0x10];
	[tilespmem:s29+$0x140] =	vst v8  }
0x569: {  	v11 =	vadd.f32 v50, v11;
	s31 =	sand.u32 $0x1FFFE0, s24;
	v8 =	vld [tilespmem:s0+$0x10]  }
0x56a: {  	v54 =	vld [tilespmem:s1+$0x10];
	[dreg:$0x9] =	wrdreg s31  }
0x56b: {  	[tilespmem:s30+$0x280] =	vst v11  }
0x56c: {  	s22 =	sshll.u32 s10, $0x5;
	s23 =	sshra.s32 s10, $0xB;
	s10 =	sld [smem:$0x7CB]  }
0x56d: {  	_ = 	snop  }
0x56e: {  	s9 =	sshra.s32 s9, $0xB;
	s24 =	spop (v2sf);
	s1 =	sand.u32 $0xFFFFFFE0, s23  }
0x56f: {  	s0 =	sand.u32 $0xFFFFFFE0, s9;
	s20 =	sshra.s32 s6, $0xB;
	v11 =	vld [tilespmem:s3+$0x10];
	s3 =	sshra.s32 s10, $0xB  }
0x570: {  	v7 =	vadd.f32 v51, v7;
	s17 =	sand.u32 $0xFFFFFFE0, s20;
	[dreg:$0xa] =	wrdreg s0;
	s20 =	sand.u32 $0xFFFFFFE0, s3  }
0x571: {  	s16 =	sshll.u32 s6, $0x5;
	s0 =	sshra.s32 s24, $0xB;
	v55 =	vld [tilespmem:s2+$0x10];
	[dreg:$0x7] =	wrdreg s20  }
0x572: {  	s6 =	sand.u32 $0x1FFFE0, s22;
	s28 =	sand.u32 $0x1FFFE0, s16;
	s0 =	sand.u32 $0xFFFFFFE0, s0;
	v10 =	vadd.f32 v10, v52;
	[tilespmem:s30+$0x80] =	vst v7  }
0x573: {  	s16 =	sshll.u32 s10, $0x5;
	s10 =	sshll.u32 s24, $0x5;
	s22 =	sld [smem:$0x7CC]  }
0x574: {  	s24 =	sshll.u32 s5, $0x5;
	s5 =	sshra.s32 s5, $0xB;
	s31 =	sand.u32 $0x1FFFE0, s16;
	[tilespmem:s12+$0x1C0] =	vst v10  }
0x575: {  	v9 =	vadd.f32 v53, v9;
	s5 =	sand.u32 $0xFFFFFFE0, s5;
	v7 =	vld [tilespmem:s4+$0x10];
	s12 =	sshll.u32 s8, $0x5;
	s3 =	sld [smem:$0x7CD]  }
0x576: {  	v8 =	vadd.f32 v54, v8;
	v56 =	vld [tilespmem:s13+$0x10];
	s8 =	sshra.s32 s8, $0xB;
	s23 =	sshll.u32 s22, $0x5;
	s2 =	sshra.s32 s22, $0xB  }
0x577: {  	s13 =	spop (v2sf);
	v10 =	vld [tilespmem:s15+$0x10];
	[tilespmem:s29+$0x370] =	vst v9;
	s20 =	sand.u32 $0x1FFFE0, s23;
	s22 =	sand.u32 $0xFFFFFFE0, s2  }
0x578: {  	v11 =	vadd.f32 v55, v11;
	[tilespmem:s29+$0x150] =	vst v8;
	v8 =	vld [tilespmem:s0+$0x0];
	s9 =	sshll.u32 s3, $0x5;
	s4 =	sshra.s32 s3, $0xB;
	s3 =	sand.u32 $0x1FFFE0, s10  }
0x579: {  	v57 =	vld [tilespmem:s6+$0x0];
	s2 =	sand.u32 $0xFFFFFFE0, s8;
	s23 =	sshll.u32 s13, $0x5;
	s10 =	sand.u32 $0x1FFFE0, s24  }
0x57a: {  	[tilespmem:s30+$0x290] =	vst v11;
	s15 =	sand.u32 $0x1FFFE0, s9;
	s16 =	sand.u32 $0xFFFFFFE0, s4;
	v9 =	vld [tilespmem:s3+$0x0];
	s4 =	sand.u32 $0x1FFFE0, s12  }
0x57b: {  	v11 =	vld [tilespmem:s1+$0x0];
	s8 =	sand.u32 $0x1FFFE0, s23;
	s9 =	sshra.s32 s13, $0xB;
	v7 =	vadd.f32 v56, v7;
	[dreg:$0x1d] =	wrdreg s10  }
0x57c: {  	s12 =	sshll.u32 s19, $0x5;
	s13 =	sshra.s32 s19, $0xB;
	v58 =	vld [tilespmem:s8+$0x0];
	[dreg:$0x1c] =	wrdreg s5  }
0x57d: {  	s19 =	sshll.u32 s14, $0x5;
	s9 =	sand.u32 $0xFFFFFFE0, s9;
	s5 =	sand.u32 $0x1FFFE0, s12;
	[tilespmem:s30+$0x90] =	vst v7  }
0x57e: {  	(v2sf) =	vpush v0, $0xD;
	v59 =	vld [tilespmem:s9+$0x0];
	[dreg:$0x16] =	wrdreg s5;
	s5 =	sand.u32 $0x1FFFE0, s19  }
0x57f: {  	s12 =	sshll.u32 s26, $0x5;
	v7 =	vadd.f32 v8, v9;
	v8 =	vld [tilespmem:s4+$0x0];
	[dreg:$0x13] =	wrdreg s5  }
0x580: {  	s5 =	sand.u32 $0x1FFFE0, s12;
	v9 =	vld [tilespmem:s2+$0x0]  }
0x581: {  	s23 =	sand.u32 $0xFFFFFFE0, s13;
	s13 =	sshra.s32 s26, $0xB;
	v60 =	vld [tilespmem:s7+$0x10];
	[dreg:$0x11] =	wrdreg s5  }
0x582: {  	s24 =	sshra.s32 s14, $0xB;
	s14 =	sand.u32 $0xFFFFFFE0, s13;
	s19 =	sshll.u32 s25, $0x5;
	[tilespmem:s29+$0x380] =	vst v7  }
0x583: {  	(v2sf) =	vpush v1, $0x6;
	v11 =	vadd.f32 v11, v57;
	v61 =	vld [tilespmem:s3+$0x10];
	[dreg:$0x12] =	wrdreg s14;
	s3 =	sand.u32 $0x1FFFE0, s19  }
0x584: {  	v7 =	vadd.f32 v59, v58;
	v62 =	vld [tilespmem:s0+$0x10];
	[dreg:$0x10] =	wrdreg s3  }
0x585: {  	s13 =	sshll.u32 s18, $0x5;
	[tilespmem:s29+$0x160] =	vst v11  }
0x586: {  	s10 =	sshll.u32 s21, $0x5;
	s0 =	sand.u32 $0x1FFFE0, s13;
	[tilespmem:s30+$0x2A0] =	vst v7;
	v11 =	vld [tilespmem:s6+$0x10]  }
0x587: {  	s26 =	sshra.s32 s25, $0xB;
	s19 =	sshra.s32 s18, $0xB;
	v63 =	vld [tilespmem:s1+$0x10];
	[dreg:$0x18] =	wrdreg s0  }
0x588: {  	s12 =	sshra.s32 s21, $0xB;
	v7 =	vadd.f32 v9, v8;
	s0 =	sand.u32 $0xFFFFFFE0, s19;
	s21 =	sld [smem:$0x7CE]  }
0x589: {  	s24 =	sand.u32 $0xFFFFFFE0, s24;
	s25 =	sand.u32 $0xFFFFFFE0, s26;
	v9 =	vld [tilespmem:s8+$0x10];
	[dreg:$0x19] =	wrdreg s0  }
0x58a: {  	v3 =	vadd.f32 v4, v3;
	s7 =	simm.s32 $0x16A40;
	s14 =	sand.u32 $0xFFFFFFE0, s12;
	s18 =	smov.u32 s31;
	[tilespmem:s30+$0xA0] =	vst v7  }
0x58b: {  	s12 =	sshll.u32 s11, $0x5;
	s31 =	sshra.s32 s11, $0xB;
	v10 =	vadd.f32 v60, v10;
	s3 =	sld [smem:$0x7CF]  }
0x58c: {  	v5 =	vadd.f32 v6, v5;
	s6 =	sand.u32 $0x1FFFE0, s10;
	s8 =	simm.s32 $0x16E40;
	s26 =	sshll.u32 s21, $0x5;
	[tilespmem:s7+$0x3F0] =	vst v3  }
0x58d: {  	v4 =	vld [tilespmem:s9+$0x10];
	s9 =	spop (v2sf);
	s1 =	sshra.s32 s21, $0xB;
	v12 =	vadd.f32 v62, v61;
	[tilespmem:s8+$0x1D0] =	vst v10;
	s21 =	sand.u32 $0x1FFFE0, s26  }
0x58e: {  	v7 =	vld [tilespmem:s4+$0x10];
	[tilespmem:s8+$0x3F0] =	vst v5;
	s19 =	sand.u32 $0xFFFFFFE0, s1;
	s26 =	sshll.u32 s9, $0x5;
	s1 =	sshra.s32 s3, $0xB  }
0x58f: {  	v8 =	vld [tilespmem:s2+$0x10];
	[tilespmem:s29+$0x390] =	vst v12;
	s0 =	sand.u32 $0x1FFFE0, s26;
	s13 =	sand.u32 $0xFFFFFFE0, s1;
	s1 =	sand.u32 $0x1FFFE0, s12  }
0x590: {  	v3 =	vld [tilespmem:s28+$0x0];
	v6 =	vadd.f32 v63, v11;
	s5 =	sshll.u32 s3, $0x5;
	s3 =	sshra.s32 s9, $0xB;
	[dreg:$0xb] =	wrdreg s1  }
0x591: {  	s26 =	sand.u32 $0xFFFFFFE0, s31;
	s10 =	sand.u32 $0x1FFFE0, s5;
	s2 =	sand.u32 $0xFFFFFFE0, s3;
	v5 =	vld [tilespmem:s0+$0x0]  }
0x592: {  	(v2sf) =	vpush v0, $0xE;
	v9 =	vadd.f32 v4, v9;
	s12 =	simm.s32 $0x6;
	s3 =	spop (v2sf);
	s1 =	simm.s32 $0x103B0;
	[tilespmem:s29+$0x170] =	vst v6;
	v6 =	vld [tilespmem:s2+$0x0]  }
.LBB2_5:
0x593: {  	[smem:$0x7BD] =	sst s14  }
0x594: {  	[smem:$0x7B6] =	sst s22  }
0x595: {  	[smem:$0x7B5] =	sst s25;
	v10 =	vld [tilespmem:s1+$0x0]  }
0x596: {  	[smem:$0x7B3] =	sst s20;
	v4 =	vld [tilespmem:s1+$0xFFFFFFF0];
	s20 =	sshra.s32 s3, $0xB  }
0x597: {  	[smem:$0x7BC] =	sst s10;
	s4 =	sshll.u32 s3, $0x5;
	[tilespmem:s30+$0x2B0] =	vst v9;
	s3 =	sand.u32 $0xFFFFFFE0, s20;
	v7 =	vadd.f32 v8, v7  }
0x598: {  	[smem:$0x7BE] =	sst s13;
	(v2sf) =	vpush v1, $0x7;
	s4 =	sand.u32 $0x1FFFE0, s4;
	v9 =	vld [tilespmem:s3+$0x0]  }
0x599: {  	s31 =	rddreg [dreg:$0x1d];
	v8 =	vld [tilespmem:s4+$0x0];
	[tilespmem:s30+$0xB0] =	vst v7  }
0x59a: {  	s11 =	rddreg [dreg:$0x1c];
	v5 =	vadd.f32 v6, v5;
	(v2sf) =	vpush v10, $0x0;
	v6 =	vld [tilespmem:s31+$0x0]  }
0x59b: {  	s5 =	rddreg [dreg:$0x9];
	(v2sf) =	vpush v4, $0x0;
	v11 =	vld [tilespmem:s11+$0x0]  }
0x59c: {  	[dreg:$0x1e] =	wrdreg s6;
	[tilespmem:s29+$0x3A0] =	vst v5;
	v7 =	vld [tilespmem:s5+$0x0]  }
0x59d: {  	s9 =	rddreg [dreg:$0xa];
	v5 =	vld [tilespmem:s0+$0x10];
	(v2sf) =	vpush v4, $0x1  }
0x59e: {  	s25 =	rddreg [dreg:$0x3];
	v8 =	vadd.f32 v9, v8;
	v9 =	vld [tilespmem:s2+$0x10]  }
0x59f: {  	s10 =	smov.u32 s26;
	s14 =	rddreg [dreg:$0x18];
	v12 =	vld [tilespmem:s9+$0x0];
	(v2sf) =	vpush v4, $0x2  }
0x5a0: {  	[smem:$0x7B4] =	sst s10;
	(v2sf) =	vpush v4, $0x3;
	[tilespmem:s30+$0x2C0] =	vst v8;
	v8 =	vld [tilespmem:s17+$0x0];
	v6 =	vadd.f32 v11, v6  }
0x5a1: {  	v13 =	vld [tilespmem:s3+$0x10];
	s3 =	smov.u32 s17;
	s17 =	rddreg [dreg:$0x19]  }
0x5a2: {  	v11 =	vld [tilespmem:s4+$0x10];
	s4 =	smov.u32 s16;
	[dreg:$0x3] =	wrdreg s3;
	[tilespmem:s30+$0xC0] =	vst v6;
	s22 =	spop (v2sf);
	(v2sf) =	vpush v4, $0x4  }
0x5a3: {  	s16 =	smov.u32 s14;
	[smem:$0x7B0] =	sst s4;
	v5 =	vadd.f32 v9, v5;
	v6 =	vld [tilespmem:s25+$0x10]  }
0x5a4: {  	v7 =	vadd.f32 v12, v7;
	[dreg:$0x9] =	wrdreg s16;
	v9 =	vld [tilespmem:s31+$0x10];
	s6 =	sshll.u32 s22, $0x5  }
0x5a5: {  	s20 =	smov.u32 s17;
	v63 =	vld [tilespmem:s11+$0x10];
	s0 =	sshra.s32 s22, $0xB;
	(v2sf) =	vpush v0, $0xF;
	[tilespmem:s29+$0x3B0] =	vst v5;
	s6 =	sand.u32 $0x1FFFE0, s6;
	v3 =	vadd.f32 v8, v3  }
0x5a6: {  	[dreg:$0xa] =	wrdreg s20;
	[tilespmem:s29+$0x180] =	vst v7;
	s3 =	sand.u32 $0xFFFFFFE0, s0;
	(v2sf) =	vpush v4, $0x5;
	v5 =	vld [tilespmem:s6+$0x0]  }
0x5a7: {  	s20 =	smov.u32 s29;
	s11 =	spop (v2sf);
	s25 =	smov.u32 s8;
	v7 =	vadd.f32 v13, v11;
	v8 =	vld [tilespmem:s3+$0x0];
	[tilespmem:s8+$0x1E0] =	vst v3  }
0x5a8: {  	s13 =	sshll.u32 s11, $0x5;
	s2 =	sshra.s32 s11, $0xB;
	[smem:$0x7BB] =	sst s25;
	v3 =	vld [tilespmem:s5+$0x10]  }
0x5a9: {  	v0 =	vmov v1;
	s29 =	smov.u32 s30;
	s0 =	sand.u32 $0x1FFFE0, s13;
	[tilespmem:s30+$0x2D0] =	vst v7;
	v2 =	vadd.f32 v6, v2;
	v6 =	vld [tilespmem:s9+$0x10];
	s22 =	spop (v2sf)  }
0x5aa: {  	s5 =	sand.u32 $0xFFFFFFE0, s2;
	v7 =	vadd.f32 v63, v9;
	v9 =	vld [tilespmem:s0+$0x0];
	(v2sf) =	vpush v0, $0x8;
	s26 =	sshll.u32 s22, $0x5;
	s31 =	spop (v2sf)  }
0x5ab: {  	v1 =	vmov v10;
	v10 =	vld [tilespmem:s5+$0x0];
	(v2sf) =	vpush v4, $0x6;
	s4 =	sshra.s32 s22, $0xB;
	s9 =	sshll.u32 s31, $0x5;
	s10 =	sand.u32 $0x1FFFE0, s26  }
0x5ac: {  	[tilespmem:s7+$0x1F0] =	vst v2;
	s7 =	sshra.s32 s31, $0xB;
	s8 =	sand.u32 $0xFFFFFFE0, s4;
	s11 =	spop (v2sf)  }
0x5ad: {  	[tilespmem:s30+$0xD0] =	vst v7;
	v5 =	vadd.f32 v8, v5;
	(v2sf) =	vpush v1, $0x1;
	s2 =	sand.u32 $0x1FFFE0, s9;
	v7 =	vld [tilespmem:s10+$0x0];
	s4 =	sand.u32 $0xFFFFFFE0, s7;
	s13 =	sshll.u32 s11, $0x5  }
0x5ae: {  	v8 =	vld [tilespmem:s8+$0x0];
	s7 =	sshra.s32 s11, $0xB;
	s14 =	spop (v2sf);
	s9 =	sand.u32 $0x1FFFE0, s13  }
0x5af: {  	v2 =	vld [tilespmem:s28+$0x10];
	(v2sf) =	vpush v4, $0x7;
	[tilespmem:s20+$0x3C0] =	vst v5;
	s25 =	sand.u32 $0xFFFFFFE0, s7;
	s17 =	sshll.u32 s14, $0x5;
	s26 =	spop (v2sf);
	v3 =	vadd.f32 v6, v3  }
0x5b0: {  	s22 =	sshra.s32 s14, $0xB;
	v5 =	vld [tilespmem:s6+$0x10];
	v6 =	vadd.f32 v10, v9;
	s16 =	sand.u32 $0x1FFFE0, s17;
	s6 =	sshra.s32 s26, $0xB  }
0x5b1: {  	s31 =	sshll.u32 s26, $0x5;
	s6 =	sand.u32 $0xFFFFFFE0, s6;
	[tilespmem:s20+$0x190] =	vst v3;
	v3 =	vld [tilespmem:s3+$0x10];
	s11 =	spop (v2sf)  }
0x5b2: {  	(v2sf) =	vpush v4, $0x8;
	s7 =	sand.u32 $0x1FFFE0, s31;
	[tilespmem:s30+$0x2E0] =	vst v6;
	[smem:$0x7B2] =	sst s6;
	v9 =	vld [tilespmem:s2+$0x0];
	s13 =	sshll.u32 s11, $0x5  }
0x5b3: {  	(v2sf) =	vpush v4, $0x9;
	s30 =	sadd.s32 $0x400, s30;
	v6 =	vadd.f32 v8, v7;
	v7 =	vld [tilespmem:s0+$0x10];
	s3 =	sshra.s32 s11, $0xB;
	s0 =	sand.u32 $0x1FFFE0, s13  }
0x5b4: {  	v10 =	vld [tilespmem:s4+$0x0];
	(v2sf) =	vpush v4, $0xA;
	s17 =	spop (v2sf);
	s14 =	sand.u32 $0xFFFFFFE0, s3;
	[smem:$0x7B7] =	sst s0  }
0x5b5: {  	v8 =	vld [tilespmem:s5+$0x10];
	[tilespmem:s30+$0x200] =	vst v6;
	s26 =	spop (v2sf);
	s31 =	sshll.u32 s17, $0x5;
	[smem:$0x7B8] =	sst s14  }
0x5b6: {  	s5 =	sshra.s32 s17, $0xB;
	s0 =	rddreg [dreg:$0x16];
	v3 =	vadd.f32 v3, v5;
	v5 =	vld [tilespmem:s10+$0x10];
	s10 =	smov.u32 s15  }
0x5b7: {  	(v2sf) =	vpush v4, $0xB;
	s13 =	sshll.u32 s26, $0x5;
	s6 =	sand.u32 $0xFFFFFFE0, s5;
	s15 =	sshra.s32 s26, $0xB  }
0x5b8: {  	v6 =	vld [tilespmem:s0+$0x0];
	[smem:$0x7B1] =	sst s10;
	s10 =	sand.u32 $0x1FFFE0, s31;
	s14 =	sand.u32 $0x1FFFE0, s13  }
0x5b9: {  	(v2sf) =	vpush v4, $0xC;
	v9 =	vadd.f32 v10, v9;
	v10 =	vld [tilespmem:s8+$0x10];
	s26 =	sand.u32 $0xFFFFFFE0, s15;
	[tilespmem:s20+$0x3D0] =	vst v3;
	[smem:$0x7BF] =	sst s14;
	s17 =	spop (v2sf)  }
0x5ba: {  	[smem:$0x7C0] =	sst s26;
	v3 =	vld [tilespmem:s10+$0x0];
	s31 =	spop (v2sf);
	s3 =	sshll.u32 s17, $0x5  }
0x5bb: {  	v7 =	vadd.f32 v8, v7;
	[tilespmem:s30+$0x0] =	vst v9;
	v8 =	vld [tilespmem:s6+$0x0];
	s13 =	sshra.s32 s17, $0xB;
	s11 =	sshll.u32 s31, $0x5;
	s28 =	sand.u32 $0x1FFFE0, s3  }
0x5bc: {  	(v2sf) =	vpush v4, $0xD;
	v9 =	vld [tilespmem:s2+$0x10];
	s2 =	sshra.s32 s31, $0xB;
	s14 =	spop (v2sf);
	s8 =	sand.u32 $0xFFFFFFE0, s13  }
0x5bd: {  	[tilespmem:s29+$0x2F0] =	vst v7;
	v11 =	vld [tilespmem:s4+$0x10];
	s15 =	sand.u32 $0x1FFFE0, s11;
	s2 =	sand.u32 $0xFFFFFFE0, s2;
	s17 =	sshll.u32 s14, $0x5  }
0x5be: {  	(v2sf) =	vpush v4, $0xE;
	v5 =	vadd.f32 v10, v5;
	v7 =	vld [tilespmem:s28+$0x0];
	s26 =	sshra.s32 s14, $0xB;
	s31 =	spop (v2sf);
	[dreg:$0x1d] =	wrdreg s15  }
0x5bf: {  	(v2sf) =	vpush v0, $0x9;
	v10 =	vld [tilespmem:s8+$0x0];
	[dreg:$0x1c] =	wrdreg s2;
	s5 =	sand.u32 $0x1FFFE0, s17;
	s3 =	sshll.u32 s31, $0x5  }
0x5c0: {  	(v2sf) =	vpush v4, $0xF;
	v4 =	vld [tilespmem:s23+$0x0];
	s4 =	sshra.s32 s31, $0xB;
	s11 =	sand.u32 $0xFFFFFFE0, s26;
	[tilespmem:s30+$0x210] =	vst v5;
	v3 =	vadd.f32 v8, v3;
	s14 =	sand.u32 $0x1FFFE0, s3  }
0x5c1: {  	s15 =	sand.u32 $0xFFFFFFE0, s4;
	s4 =	spop (v2sf);
	s3 =	smov.u32 s21;
	v5 =	vld [tilespmem:s5+$0x0]  }
0x5c2: {  	v8 =	vadd.f32 v11, v9;
	v9 =	vld [tilespmem:s11+$0x0];
	s13 =	sshll.u32 s4, $0x5;
	s2 =	sshra.s32 s4, $0xB;
	s17 =	spop (v2sf);
	[tilespmem:s20+$0x3E0] =	vst v3  }
0x5c3: {  	s21 =	sand.u32 $0x1FFFE0, s13;
	s31 =	sshll.u32 s17, $0x5;
	v3 =	vld [tilespmem:s10+$0x10];
	s13 =	spop (v2sf)  }
0x5c4: {  	(v2sf) =	vpush v1, $0x2;
	s4 =	sshra.s32 s17, $0xB;
	[tilespmem:s30+$0x10] =	vst v8;
	s10 =	sand.u32 $0xFFFFFFE0, s2;
	v7 =	vadd.f32 v10, v7;
	v8 =	vld [tilespmem:s6+$0x10];
	s17 =	sshll.u32 s13, $0x5  }
0x5c5: {  	s6 =	sand.u32 $0x1FFFE0, s31;
	v4 =	vadd.f32 v4, v6;
	v10 =	vld [tilespmem:s9+$0x0];
	s26 =	sshra.s32 s13, $0xB;
	s2 =	sand.u32 $0x1FFFE0, s17  }
0x5c6: {  	v6 =	vld [tilespmem:s25+$0x0];
	[tilespmem:s29+$0x300] =	vst v7;
	s31 =	sand.u32 $0xFFFFFFE0, s26;
	s13 =	spop (v2sf);
	[smem:$0x7B9] =	sst s2  }
0x5c7: {  	[tilespmem:s29+$0xE0] =	vst v4;
	v4 =	vld [tilespmem:s28+$0x10];
	[smem:$0x7BA] =	sst s31;
	s28 =	sshll.u32 s13, $0x5;
	s17 =	sshra.s32 s13, $0xB  }
0x5c8: {  	s2 =	smov.u32 s19;
	s19 =	spop (v2sf);
	s26 =	sand.u32 $0x1FFFE0, s28  }
0x5c9: {  	s31 =	sand.u32 $0xFFFFFFE0, s17;
	s13 =	sshll.u32 s19, $0x5;
	[smem:$0x7C1] =	sst s26  }
0x5ca: {  	v5 =	vadd.f32 v9, v5;
	v7 =	vld [tilespmem:s8+$0x10];
	s19 =	sshra.s32 s19, $0xB;
	[smem:$0x7C2] =	sst s31;
	s17 =	sand.u32 $0x1FFFE0, s13  }
0x5cb: {  	v9 =	vld [tilespmem:s0+$0x10];
	v3 =	vadd.f32 v8, v3;
	s26 =	spop (v2sf);
	s31 =	sand.u32 $0xFFFFFFE0, s19;
	[dreg:$0x18] =	wrdreg s17  }
0x5cc: {  	[tilespmem:s30+$0x220] =	vst v5;
	v5 =	vld [tilespmem:s23+$0x10];
	v6 =	vadd.f32 v6, v10;
	[dreg:$0x19] =	wrdreg s31;
	s0 =	sshll.u32 s26, $0x5;
	s17 =	sshra.s32 s26, $0xB  }
0x5cd: {  	v8 =	vld [tilespmem:s5+$0x10];
	[tilespmem:s20+$0x3F0] =	vst v3;
	s31 =	smov.u32 s14;
	s28 =	sand.u32 $0x1FFFE0, s0;
	s5 =	sand.u32 $0xFFFFFFE0, s17  }
0x5ce: {  	v3 =	vld [tilespmem:s11+$0x10];
	s13 =	spop (v2sf);
	[tilespmem:s30+$0x20] =	vst v6;
	s0 =	smov.u32 s18;
	[dreg:$0x16] =	wrdreg s31  }
0x5cf: {  	v4 =	vadd.f32 v7, v4;
	s17 =	sshll.u32 s13, $0x5;
	s8 =	sshra.s32 s13, $0xB;
	s19 =	spop (v2sf);
	v7 =	vld [tilespmem:s9+$0x10]  }
0x5d0: {  	v10 =	vld [tilespmem:s25+$0x10];
	s9 =	sand.u32 $0x1FFFE0, s17;
	s11 =	sand.u32 $0xFFFFFFE0, s8;
	s23 =	sshll.u32 s19, $0x5  }
0x5d1: {  	v6 =	vld [tilespmem:s18+$0x0];
	s25 =	spop (v2sf);
	v5 =	vadd.f32 v5, v9;
	[tilespmem:s29+$0x310] =	vst v4;
	s17 =	sshra.s32 s19, $0xB;
	s8 =	sand.u32 $0x1FFFE0, s23  }
0x5d2: {  	s26 =	sshll.u32 s25, $0x5;
	s18 =	sshra.s32 s25, $0xB;
	s17 =	sand.u32 $0xFFFFFFE0, s17;
	v4 =	vld [tilespmem:s8+$0x0]  }
0x5d3: {  	s23 =	smov.u32 s24;
	s24 =	rddreg [dreg:$0x13];
	s25 =	spop (v2sf);
	[tilespmem:s29+$0xF0] =	vst v5;
	v5 =	vld [tilespmem:s17+$0x0];
	v3 =	vadd.f32 v3, v8  }
0x5d4: {  	(v2sf) =	vpush v0, $0xA;
	s19 =	sand.u32 $0x1FFFE0, s26;
	s26 =	sand.u32 $0xFFFFFFE0, s18;
	s18 =	sshll.u32 s25, $0x5;
	v8 =	vld [tilespmem:s24+$0x0]  }
0x5d5: {  	s31 =	smov.u32 s15;
	s15 =	sshra.s32 s25, $0xB;
	s14 =	sand.u32 $0x1FFFE0, s18;
	v7 =	vadd.f32 v10, v7;
	[tilespmem:s30+$0x230] =	vst v3;
	v3 =	vld [tilespmem:s23+$0x0]  }
0x5d6: {  	s18 =	rddreg [dreg:$0xb];
	s15 =	sand.u32 $0xFFFFFFE0, s15;
	v9 =	vld [tilespmem:s14+$0x0]  }
0x5d7: {  	s25 =	smov.u32 s18;
	s18 =	smov.u32 s19;
	s19 =	rddreg [dreg:$0x7];
	v10 =	vld [tilespmem:s15+$0x0];
	[tilespmem:s30+$0x30] =	vst v7  }
0x5d8: {  	v4 =	vadd.f32 v5, v4;
	v5 =	vld [tilespmem:s19+$0x0]  }
0x5d9: {  	s22 =	sand.u32 $0xFFFFFFE0, s22;
	(v2sf) =	vpush v1, $0x3;
	v7 =	vld [tilespmem:s16+$0x0]  }
0x5da: {  	v11 =	vld [tilespmem:s22+$0x0]  }
0x5db: {  	[tilespmem:s29+$0x320] =	vst v4;
	v3 =	vadd.f32 v3, v8  }
0x5dc: {  	v4 =	vld [tilespmem:s8+$0x10]  }
0x5dd: {  	v8 =	vadd.f32 v10, v9;
	[tilespmem:s29+$0x100] =	vst v3;
	v3 =	vld [tilespmem:s17+$0x10]  }
0x5de: {  	v5 =	vadd.f32 v5, v6;
	v9 =	vld [tilespmem:s24+$0x10]  }
0x5df: {  	v7 =	vadd.f32 v11, v7;
	[tilespmem:s30+$0x240] =	vst v8;
	v6 =	vld [tilespmem:s23+$0x10]  }
0x5e0: {  	v8 =	vld [tilespmem:s14+$0x10];
	[tilespmem:s20+$0x1A0] =	vst v5  }
0x5e1: {  	v5 =	vld [tilespmem:s15+$0x10];
	[tilespmem:s30+$0x40] =	vst v7  }
0x5e2: {  	v7 =	vld [tilespmem:s16+$0x10]  }
0x5e3: {  	s24 =	smov.u32 s21;
	s23 =	smov.u32 s31;
	s31 =	spop (v2sf);
	v10 =	vld [tilespmem:s22+$0x10];
	v3 =	vadd.f32 v3, v4  }
0x5e4: {  	[dreg:$0x13] =	wrdreg s24;
	v4 =	vld [tilespmem:s0+$0x10];
	s0 =	sshll.u32 s31, $0x5  }
0x5e5: {  	s24 =	smov.u32 s10;
	s8 =	sshra.s32 s31, $0xB;
	v6 =	vadd.f32 v6, v9;
	s10 =	sand.u32 $0x1FFFE0, s0;
	[tilespmem:s29+$0x330] =	vst v3  }
0x5e6: {  	s8 =	sand.u32 $0xFFFFFFE0, s8;
	v3 =	vld [tilespmem:s10+$0x0]  }
0x5e7: {  	[dreg:$0xb] =	wrdreg s18;
	[tilespmem:s29+$0x110] =	vst v6;
	v6 =	vld [tilespmem:s8+$0x0]  }
0x5e8: {  	s18 =	smov.u32 s3;
	(v2sf) =	vpush v0, $0xB;
	s16 =	rddreg [dreg:$0x11];
	s3 =	spop (v2sf);
	v5 =	vadd.f32 v5, v8  }
0x5e9: {  	s22 =	rddreg [dreg:$0x12];
	s13 =	sshll.u32 s3, $0x5;
	v7 =	vadd.f32 v10, v7;
	v8 =	vld [tilespmem:s16+$0x0]  }
0x5ea: {  	s15 =	sand.u32 $0x1FFFE0, s13;
	[tilespmem:s30+$0x250] =	vst v5;
	v5 =	vld [tilespmem:s22+$0x0]  }
0x5eb: {  	s14 =	sshra.s32 s3, $0xB;
	v9 =	vld [tilespmem:s15+$0x0];
	[tilespmem:s30+$0x50] =	vst v7  }
0x5ec: {  	(v2sf) =	vpush v1, $0x4;
	s14 =	sand.u32 $0xFFFFFFE0, s14;
	v3 =	vadd.f32 v6, v3;
	v6 =	vld [tilespmem:s19+$0x10];
	s19 =	smov.u32 s5;
	s5 =	sld [smem:$0x7B2]  }
0x5ed: {  	v10 =	vld [tilespmem:s14+$0x0]  }
0x5ee: {  	v7 =	vld [tilespmem:s7+$0x0]  }
0x5ef: {  	v11 =	vld [tilespmem:s5+$0x0]  }
0x5f0: {  	v5 =	vadd.f32 v5, v8;
	[tilespmem:s29+$0x340] =	vst v3  }
0x5f1: {  	v3 =	vld [tilespmem:s10+$0x10]  }
0x5f2: {  	v8 =	vadd.f32 v10, v9;
	[tilespmem:s29+$0x120] =	vst v5;
	v5 =	vld [tilespmem:s8+$0x10]  }
0x5f3: {  	v9 =	vld [tilespmem:s16+$0x10];
	v4 =	vadd.f32 v6, v4  }
0x5f4: {  	[tilespmem:s30+$0x260] =	vst v8;
	v6 =	vld [tilespmem:s22+$0x10];
	v7 =	vadd.f32 v11, v7  }
0x5f5: {  	v8 =	vld [tilespmem:s15+$0x10];
	[tilespmem:s20+$0x1B0] =	vst v4  }
0x5f6: {  	s4 =	sand.u32 $0xFFFFFFE0, s4;
	s31 =	smov.u32 s2;
	s3 =	sld [smem:$0x7B3];
	v4 =	vld [tilespmem:s14+$0x10];
	[tilespmem:s30+$0x60] =	vst v7  }
0x5f7: {  	s2 =	rddreg [dreg:$0x10];
	s10 =	smov.u32 s6;
	s22 =	spop (v2sf);
	v3 =	vadd.f32 v5, v3;
	v7 =	vld [tilespmem:s7+$0x10]  }
0x5f8: {  	[dreg:$0x11] =	wrdreg s10;
	s15 =	smov.u32 s25;
	s25 =	sshll.u32 s22, $0x5;
	v10 =	vld [tilespmem:s5+$0x10]  }
0x5f9: {  	s16 =	smov.u32 s4;
	s4 =	sshra.s32 s22, $0xB;
	v6 =	vadd.f32 v6, v9;
	[tilespmem:s29+$0x350] =	vst v3;
	v5 =	vld [tilespmem:s3+$0x0];
	s5 =	sand.u32 $0x1FFFE0, s25  }
0x5fa: {  	s10 =	sld [smem:$0x7B5];
	s4 =	sand.u32 $0xFFFFFFE0, s4;
	v3 =	vld [tilespmem:s5+$0x0]  }
0x5fb: {  	[dreg:$0x7] =	wrdreg s31;
	(v2sf) =	vpush v0, $0xC;
	s31 =	spop (v2sf);
	v4 =	vadd.f32 v4, v8;
	[tilespmem:s29+$0x130] =	vst v6;
	v6 =	vld [tilespmem:s4+$0x0]  }
0x5fc: {  	s0 =	sshll.u32 s31, $0x5;
	v8 =	vld [tilespmem:s2+$0x0]  }
0x5fd: {  	s13 =	sld [smem:$0x7B6];
	s6 =	sshra.s32 s31, $0xB;
	s7 =	sand.u32 $0x1FFFE0, s0;
	[tilespmem:s30+$0x270] =	vst v4;
	v4 =	vld [tilespmem:s10+$0x0];
	v7 =	vadd.f32 v10, v7  }
0x5fe: {  	s22 =	sld [smem:$0x7B7];
	s6 =	sand.u32 $0xFFFFFFE0, s6;
	v9 =	vld [tilespmem:s7+$0x0]  }
0x5ff: {  	(v2sf) =	vpush v1, $0x5;
	s14 =	sld [smem:$0x7B8];
	v10 =	vld [tilespmem:s6+$0x0];
	[tilespmem:s30+$0x70] =	vst v7  }
0x600: {  	v3 =	vadd.f32 v6, v3;
	v6 =	vld [tilespmem:s13+$0x0]  }
0x601: {  	v7 =	vld [tilespmem:s22+$0x0]  }
0x602: {  	v11 =	vld [tilespmem:s14+$0x0]  }
0x603: {  	v4 =	vadd.f32 v4, v8;
	[tilespmem:s29+$0x360] =	vst v3  }
0x604: {  	v3 =	vld [tilespmem:s5+$0x10]  }
0x605: {  	v8 =	vadd.f32 v10, v9;
	[tilespmem:s29+$0x140] =	vst v4;
	v4 =	vld [tilespmem:s4+$0x10]  }
0x606: {  	v9 =	vld [tilespmem:s2+$0x10];
	v5 =	vadd.f32 v6, v5  }
0x607: {  	[tilespmem:s30+$0x280] =	vst v8;
	v6 =	vld [tilespmem:s10+$0x10];
	v7 =	vadd.f32 v11, v7  }
0x608: {  	v8 =	vld [tilespmem:s7+$0x10];
	[tilespmem:s20+$0x1C0] =	vst v5  }
0x609: {  	v5 =	vld [tilespmem:s6+$0x10];
	[tilespmem:s30+$0x80] =	vst v7  }
0x60a: {  	s25 =	sld [smem:$0x7B9];
	s5 =	spop (v2sf);
	v3 =	vadd.f32 v4, v3;
	v7 =	vld [tilespmem:s22+$0x10]  }
0x60b: {  	s10 =	smov.u32 s9;
	s9 =	sshll.u32 s5, $0x5;
	v10 =	vld [tilespmem:s14+$0x10]  }
0x60c: {  	s2 =	sshra.s32 s5, $0xB;
	s0 =	sand.u32 $0x1FFFE0, s9;
	v4 =	vld [tilespmem:s3+$0x10];
	[tilespmem:s29+$0x370] =	vst v3;
	v6 =	vadd.f32 v6, v9  }
0x60d: {  	s31 =	smov.u32 s25;
	s2 =	sand.u32 $0xFFFFFFE0, s2;
	v3 =	vld [tilespmem:s0+$0x0]  }
0x60e: {  	[dreg:$0x10] =	wrdreg s31;
	s14 =	spop (v2sf);
	[tilespmem:s29+$0x150] =	vst v6;
	v6 =	vld [tilespmem:s2+$0x0]  }
0x60f: {  	s22 =	sshll.u32 s14, $0x5;
	s3 =	sshra.s32 s14, $0xB;
	s14 =	sld [smem:$0x7BD];
	v5 =	vadd.f32 v5, v8  }
0x610: {  	s31 =	rddreg [dreg:$0x1e];
	v7 =	vadd.f32 v10, v7  }
0x611: {  	s4 =	sld [smem:$0x7BA];
	v8 =	vld [tilespmem:s31+$0x0];
	[tilespmem:s30+$0x290] =	vst v5  }
0x612: {  	(v2sf) =	vpush v0, $0xD;
	v5 =	vld [tilespmem:s14+$0x0];
	[tilespmem:s30+$0x90] =	vst v7  }
0x613: {  	v3 =	vadd.f32 v6, v3;
	v6 =	vld [tilespmem:s13+$0x10];
	s13 =	sld [smem:$0x7BE]  }
0x614: {  	s25 =	smov.u32 s4  }
0x615: {  	s9 =	sld [smem:$0x7BF];
	s4 =	sand.u32 $0x1FFFE0, s22;
	s3 =	sand.u32 $0xFFFFFFE0, s3  }
0x616: {  	(v2sf) =	vpush v1, $0x6;
	v9 =	vld [tilespmem:s4+$0x0];
	s22 =	smov.u32 s13;
	s13 =	smov.u32 s11;
	s11 =	sld [smem:$0x7C0]  }
0x617: {  	v10 =	vld [tilespmem:s3+$0x0]  }
0x618: {  	v7 =	vld [tilespmem:s9+$0x0]  }
0x619: {  	v11 =	vld [tilespmem:s11+$0x0]  }
0x61a: {  	v5 =	vadd.f32 v5, v8;
	[tilespmem:s29+$0x380] =	vst v3  }
0x61b: {  	s17 =	sld [smem:$0x7B0];
	v3 =	vld [tilespmem:s0+$0x10]  }
0x61c: {  	s21 =	smov.u32 s28;
	s28 =	sld [smem:$0x7B1];
	v8 =	vadd.f32 v10, v9;
	[tilespmem:s29+$0x160] =	vst v5;
	v5 =	vld [tilespmem:s2+$0x10]  }
0x61d: {  	[dreg:$0x12] =	wrdreg s16;
	v4 =	vadd.f32 v6, v4;
	v9 =	vld [tilespmem:s31+$0x10]  }
0x61e: {  	s8 =	smov.u32 s20;
	s6 =	sld [smem:$0x7BC];
	[tilespmem:s30+$0x2A0] =	vst v8;
	v6 =	vld [tilespmem:s14+$0x10];
	v7 =	vadd.f32 v11, v7  }
0x61f: {  	s12 =	sadd.s32 $0x2, s12;
	s31 =	sld [smem:$0x7C1];
	v10 =	vld [tilespmem:s4+$0x10];
	[tilespmem:s8+$0x1D0] =	vst v4  }
0x620: {  	p0 =	slt.u32 s12, $0x30;
	s2 =	sld [smem:$0x7C2];
	v4 =	vld [tilespmem:s3+$0x10];
	[tilespmem:s30+$0xA0] =	vst v7  }
.Ltmp3:
0x621: {  	s5 =	spop (v2sf);
	v5 =	vadd.f32 v5, v3;
	v3 =	vld [tilespmem:s28+$0x0];
	(pc) =	sbr.rel @p0 .LBB2_5-.Ltmp3, $4  }
0x622: {  	s20 =	smov.u32 s6;
	s6 =	smov.u32 s31;
	s31 =	sshll.u32 s5, $0x5;
	v7 =	vld [tilespmem:s9+$0x10]  }
0x623: {  	s14 =	smov.u32 s2;
	s2 =	sshra.s32 s5, $0xB;
	s0 =	sand.u32 $0x1FFFE0, s31;
	v6 =	vadd.f32 v6, v9;
	[tilespmem:s29+$0x390] =	vst v5;
	v8 =	vld [tilespmem:s11+$0x10]  }
0x624: {  	s16 =	sld [smem:$0x7B4];
	s2 =	sand.u32 $0xFFFFFFE0, s2;
	v5 =	vld [tilespmem:s0+$0x0]  }
0x625: {  	s1 =	sadd.s32 $0x20, s1;
	s7 =	sld [smem:$0x7BB];
	(v2sf) =	vpush v0, $0xE;
	s3 =	spop (v2sf);
	v9 =	vadd.f32 v4, v10;
	[tilespmem:s29+$0x170] =	vst v6;
	v6 =	vld [tilespmem:s2+$0x0]  }
0x626: {  	_ =	sdelay $0x1  }
0x627: {  	s1 =	sshll.u32 s3, $0x5;
	v7 =	vadd.f32 v8, v7  }
0x628: {  	s5 =	sshra.s32 s3, $0xB;
	[tilespmem:s30+$0x2B0] =	vst v9;
	s1 =	sand.u32 $0x1FFFE0, s1  }
0x629: {  	(v2sf) =	vpush v1, $0x7;
	s3 =	sand.u32 $0xFFFFFFE0, s5;
	v4 =	vld [tilespmem:s1+$0x0];
	[tilespmem:s30+$0xB0] =	vst v7  }
0x62a: {  	v46 =	vld [tilespmem:s3+$0x0];
	s5 =	rddreg [dreg:$0x1d]  }
0x62b: {  	s4 =	rddreg [dreg:$0x1c];
	v7 =	vld [tilespmem:s5+$0x0]  }
0x62c: {  	v47 =	vld [tilespmem:s4+$0x0];
	_ =	sdelay $0x2  }
0x62d: {  	v4 =	vadd.f32 v46, v4;
	_ =	sdelay $0x1  }
0x62e: {  	[tilespmem:s30+$0x2C0] =	vst v4;
	v7 =	vadd.f32 v47, v7  }
0x62f: {  	v4 =	vld [tilespmem:s1+$0x10]  }
0x630: {  	v48 =	vld [tilespmem:s3+$0x10];
	[tilespmem:s30+$0xC0] =	vst v7  }
0x631: {  	v7 =	vld [tilespmem:s5+$0x10]  }
0x632: {  	v49 =	vld [tilespmem:s4+$0x10];
	_ =	sdelay $0x1  }
0x633: {  	s3 =	spop (v2sf)  }
0x634: {  	v4 =	vadd.f32 v48, v4;
	s9 =	spop (v2sf)  }
0x635: {  	s11 =	sshll.u32 s9, $0x5  }
0x636: {  	(v2sf) =	vpush v0, $0xF;
	s1 =	sshra.s32 s9, $0xB;
	[tilespmem:s30+$0x2D0] =	vst v4;
	s4 =	sand.u32 $0x1FFFE0, s11;
	v51 =	vadd.f32 v49, v7  }
0x637: {  	(v2sf) =	vpush v1, $0x8;
	s1 =	sand.u32 $0xFFFFFFE0, s1;
	v50 =	vld [tilespmem:s4+$0x0]  }
0x638: {  	v52 =	vld [tilespmem:s1+$0x0];
	[tilespmem:s30+$0xD0] =	vst v51  }
0x639: {  	s12 =	rddreg [dreg:$0x16];
	v53 =	vld [tilespmem:s23+$0x0]  }
0x63a: {  	v4 =	vld [tilespmem:s12+$0x0];
	_ =	sdelay $0x2  }
0x63b: {  	v0 =	vadd.f32 v52, v50;
	_ =	sdelay $0x1  }
0x63c: {  	[tilespmem:s30+$0x2E0] =	vst v0;
	v4 =	vadd.f32 v53, v4  }
0x63d: {  	v0 =	vld [tilespmem:s4+$0x10]  }
0x63e: {  	v54 =	vld [tilespmem:s1+$0x10];
	[tilespmem:s30+$0xE0] =	vst v4  }
0x63f: {  	v4 =	vld [tilespmem:s12+$0x10]  }
0x640: {  	v55 =	vld [tilespmem:s23+$0x10];
	_ =	sdelay $0x1  }
0x641: {  	s1 =	spop (v2sf)  }
0x642: {  	v0 =	vadd.f32 v54, v0;
	s23 =	spop (v2sf)  }
0x643: {  	s31 =	sshll.u32 s23, $0x5  }
0x644: {  	s4 =	sshra.s32 s23, $0xB;
	[tilespmem:s30+$0x2F0] =	vst v0;
	s5 =	sand.u32 $0x1FFFE0, s31;
	v4 =	vadd.f32 v55, v4  }
0x645: {  	(v2sf) =	vpush v1, $0x9;
	s4 =	sand.u32 $0xFFFFFFE0, s4;
	v0 =	vld [tilespmem:s5+$0x0]  }
0x646: {  	v56 =	vld [tilespmem:s4+$0x0];
	[tilespmem:s30+$0xF0] =	vst v4  }
0x647: {  	s9 =	rddreg [dreg:$0x13];
	v57 =	vld [tilespmem:s24+$0x0]  }
0x648: {  	v4 =	vld [tilespmem:s9+$0x0];
	_ =	sdelay $0x2  }
0x649: {  	v0 =	vadd.f32 v56, v0;
	_ =	sdelay $0x1  }
0x64a: {  	[tilespmem:s30+$0x300] =	vst v0;
	v4 =	vadd.f32 v57, v4  }
0x64b: {  	v0 =	vld [tilespmem:s5+$0x10]  }
0x64c: {  	v58 =	vld [tilespmem:s4+$0x10];
	[tilespmem:s30+$0x100] =	vst v4  }
0x64d: {  	v4 =	vld [tilespmem:s9+$0x10]  }
0x64e: {  	v59 =	vld [tilespmem:s24+$0x10];
	_ =	sdelay $0x2  }
0x64f: {  	v0 =	vadd.f32 v58, v0;
	s9 =	spop (v2sf)  }
0x650: {  	s11 =	sshll.u32 s9, $0x5  }
0x651: {  	[tilespmem:s30+$0x310] =	vst v0;
	s4 =	sshra.s32 s9, $0xB;
	s5 =	sand.u32 $0x1FFFE0, s11;
	v4 =	vadd.f32 v59, v4  }
0x652: {  	(v2sf) =	vpush v1, $0xA;
	s4 =	sand.u32 $0xFFFFFFE0, s4;
	v0 =	vld [tilespmem:s5+$0x0]  }
0x653: {  	v60 =	vld [tilespmem:s4+$0x0];
	[tilespmem:s30+$0x110] =	vst v4  }
0x654: {  	s12 =	rddreg [dreg:$0x11]  }
0x655: {  	s11 =	rddreg [dreg:$0x12];
	v4 =	vld [tilespmem:s12+$0x0]  }
0x656: {  	v61 =	vld [tilespmem:s11+$0x0];
	_ =	sdelay $0x1  }
0x657: {  	v0 =	vadd.f32 v60, v0;
	_ =	sdelay $0x1  }
0x658: {  	[tilespmem:s30+$0x320] =	vst v0  }
0x659: {  	v0 =	vld [tilespmem:s5+$0x10];
	v4 =	vadd.f32 v61, v4  }
0x65a: {  	v62 =	vld [tilespmem:s4+$0x10]  }
0x65b: {  	[tilespmem:s30+$0x120] =	vst v4  }
0x65c: {  	v4 =	vld [tilespmem:s12+$0x10]  }
0x65d: {  	v63 =	vld [tilespmem:s11+$0x10];
	_ =	sdelay $0x1  }
0x65e: {  	s23 =	spop (v2sf);
	v0 =	vadd.f32 v62, v0  }
0x65f: {  	s24 =	sshll.u32 s23, $0x5  }
0x660: {  	s4 =	sshra.s32 s23, $0xB;
	s5 =	sand.u32 $0x1FFFE0, s24;
	[tilespmem:s30+$0x330] =	vst v0  }
0x661: {  	(v2sf) =	vpush v1, $0xB;
	s4 =	sand.u32 $0xFFFFFFE0, s4;
	v0 =	vld [tilespmem:s5+$0x0];
	v4 =	vadd.f32 v63, v4  }
0x662: {  	v12 =	vld [tilespmem:s4+$0x0]  }
0x663: {  	[tilespmem:s30+$0x130] =	vst v4  }
0x664: {  	s31 =	rddreg [dreg:$0x10];
	v13 =	vld [tilespmem:s25+$0x0]  }
0x665: {  	v4 =	vld [tilespmem:s31+$0x0];
	_ =	sdelay $0x1  }
0x666: {  	v0 =	vadd.f32 v12, v0;
	_ =	sdelay $0x1  }
0x667: {  	[tilespmem:s30+$0x340] =	vst v0  }
0x668: {  	v0 =	vld [tilespmem:s5+$0x10];
	v4 =	vadd.f32 v13, v4  }
0x669: {  	v14 =	vld [tilespmem:s4+$0x10]  }
0x66a: {  	[tilespmem:s30+$0x140] =	vst v4  }
0x66b: {  	v4 =	vld [tilespmem:s31+$0x10]  }
0x66c: {  	v15 =	vld [tilespmem:s25+$0x10];
	_ =	sdelay $0x1  }
0x66d: {  	s11 =	spop (v2sf);
	v0 =	vadd.f32 v14, v0  }
0x66e: {  	s12 =	sshll.u32 s11, $0x5  }
0x66f: {  	s4 =	sshra.s32 s11, $0xB;
	s5 =	sand.u32 $0x1FFFE0, s12;
	[tilespmem:s30+$0x350] =	vst v0  }
0x670: {  	(v2sf) =	vpush v1, $0xC;
	s4 =	sand.u32 $0xFFFFFFE0, s4;
	v0 =	vld [tilespmem:s5+$0x0];
	v4 =	vadd.f32 v15, v4  }
0x671: {  	v16 =	vld [tilespmem:s4+$0x0]  }
0x672: {  	[tilespmem:s30+$0x150] =	vst v4  }
0x673: {  	v4 =	vld [tilespmem:s6+$0x0]  }
0x674: {  	v17 =	vld [tilespmem:s14+$0x0];
	_ =	sdelay $0x1  }
0x675: {  	v0 =	vadd.f32 v16, v0;
	_ =	sdelay $0x1  }
0x676: {  	[tilespmem:s30+$0x360] =	vst v0  }
0x677: {  	v0 =	vld [tilespmem:s5+$0x10];
	v4 =	vadd.f32 v17, v4  }
0x678: {  	v18 =	vld [tilespmem:s4+$0x10]  }
0x679: {  	[tilespmem:s30+$0x160] =	vst v4  }
0x67a: {  	v4 =	vld [tilespmem:s6+$0x10]  }
0x67b: {  	v19 =	vld [tilespmem:s14+$0x10];
	_ =	sdelay $0x1  }
0x67c: {  	v0 =	vadd.f32 v18, v0;
	s14 =	spop (v2sf);
	s23 =	rddreg [dreg:$0x9]  }
0x67d: {  	s25 =	rddreg [dreg:$0xa];
	v20 =	vld [tilespmem:s23+$0x0];
	s24 =	sshll.u32 s14, $0x5  }
0x67e: {  	[tilespmem:s30+$0x370] =	vst v0;
	v21 =	vld [tilespmem:s25+$0x0];
	s4 =	sshra.s32 s14, $0xB;
	s5 =	sand.u32 $0x1FFFE0, s24  }
0x67f: {  	(v2sf) =	vpush v1, $0xD;
	s4 =	sand.u32 $0xFFFFFFE0, s4;
	v0 =	vld [tilespmem:s5+$0x0];
	v4 =	vadd.f32 v19, v4  }
0x680: {  	v10 =	vld [tilespmem:s4+$0x0]  }
0x681: {  	[tilespmem:s30+$0x170] =	vst v4  }
0x682: {  	s31 =	rddreg [dreg:$0x18]  }
0x683: {  	v22 =	vadd.f32 v21, v20;
	s12 =	rddreg [dreg:$0x19];
	v23 =	vld [tilespmem:s31+$0x0]  }
0x684: {  	v24 =	vld [tilespmem:s12+$0x0]  }
0x685: {  	[tilespmem:s29+$0x180] =	vst v22;
	v0 =	vadd.f32 v10, v0  }
0x686: {  	v4 =	vld [tilespmem:s23+$0x10]  }
0x687: {  	v25 =	vld [tilespmem:s25+$0x10];
	[tilespmem:s30+$0x380] =	vst v0  }
0x688: {  	v0 =	vld [tilespmem:s5+$0x10]  }
0x689: {  	v26 =	vld [tilespmem:s4+$0x10];
	v7 =	vadd.f32 v24, v23;
	_ =	sdelay $0x1  }
0x68a: {  	[tilespmem:s30+$0x180] =	vst v7  }
0x68b: {  	v4 =	vadd.f32 v25, v4;
	v7 =	vld [tilespmem:s31+$0x10]  }
0x68c: {  	v27 =	vld [tilespmem:s12+$0x10]  }
0x68d: {  	s6 =	spop (v2sf);
	[tilespmem:s29+$0x190] =	vst v4;
	v0 =	vadd.f32 v26, v0  }
0x68e: {  	s9 =	sshll.u32 s6, $0x5;
	v4 =	vld [tilespmem:s18+$0x0];
	s11 =	rddreg [dreg:$0x7]  }
0x68f: {  	v5 =	vadd.f32 v6, v5;
	s4 =	sshra.s32 s6, $0xB;
	s5 =	sand.u32 $0x1FFFE0, s9;
	v28 =	vld [tilespmem:s11+$0x0];
	[tilespmem:s30+$0x390] =	vst v0  }
0x690: {  	(v2sf) =	vpush v1, $0xE;
	s4 =	sand.u32 $0xFFFFFFE0, s4;
	v0 =	vld [tilespmem:s5+$0x0]  }
0x691: {  	[tilespmem:s29+$0x3A0] =	vst v5;
	v29 =	vld [tilespmem:s4+$0x0];
	v7 =	vadd.f32 v27, v7  }
0x692: {  	v30 =	vld [tilespmem:s0+$0x10]  }
0x693: {  	v31 =	vld [tilespmem:s2+$0x10];
	[tilespmem:s30+$0x190] =	vst v7  }
0x694: {  	v4 =	vadd.f32 v28, v4;
	v32 =	vld [tilespmem:s21+$0x0]  }
0x695: {  	v7 =	vld [tilespmem:s19+$0x0]  }
0x696: {  	v0 =	vadd.f32 v29, v0;
	[tilespmem:s29+$0x1A0] =	vst v4  }
0x697: {  	v4 =	vld [tilespmem:s18+$0x10]  }
0x698: {  	v8 =	vadd.f32 v31, v30;
	v33 =	vld [tilespmem:s11+$0x10];
	[tilespmem:s30+$0x3A0] =	vst v0  }
0x699: {  	s12 =	sshll.u32 s3, $0x5;
	v0 =	vld [tilespmem:s5+$0x10]  }
0x69a: {  	s14 =	sshra.s32 s3, $0xB;
	s0 =	sand.u32 $0x1FFFE0, s12;
	[tilespmem:s29+$0x3B0] =	vst v8;
	v34 =	vld [tilespmem:s4+$0x10];
	v6 =	vadd.f32 v7, v32  }
0x69b: {  	s2 =	sand.u32 $0xFFFFFFE0, s14;
	v35 =	vld [tilespmem:s0+$0x0]  }
0x69c: {  	v8 =	vld [tilespmem:s2+$0x0];
	[tilespmem:s30+$0x1A0] =	vst v6  }
0x69d: {  	v4 =	vadd.f32 v33, v4;
	v36 =	vld [tilespmem:s21+$0x10]  }
0x69e: {  	v6 =	vld [tilespmem:s19+$0x10]  }
0x69f: {  	s18 =	spop (v2sf);
	v0 =	vadd.f32 v34, v0;
	[tilespmem:s29+$0x1B0] =	vst v4  }
0x6a0: {  	s19 =	sshll.u32 s18, $0x5;
	v4 =	vld [tilespmem:s20+$0x0]  }
0x6a1: {  	s3 =	sshra.s32 s18, $0xB;
	v38 =	vadd.f32 v8, v35;
	v37 =	vld [tilespmem:s22+$0x0];
	[tilespmem:s30+$0x3B0] =	vst v0;
	s4 =	sand.u32 $0x1FFFE0, s19  }
0x6a2: {  	s3 =	sand.u32 $0xFFFFFFE0, s3;
	v39 =	vld [tilespmem:s4+$0x0]  }
0x6a3: {  	[tilespmem:s29+$0x3C0] =	vst v38;
	v40 =	vld [tilespmem:s3+$0x0];
	v5 =	vadd.f32 v6, v36  }
0x6a4: {  	(v2sf) =	vpush v1, $0xF;
	v0 =	vld [tilespmem:s0+$0x10]  }
0x6a5: {  	v42 =	vld [tilespmem:s2+$0x10];
	[tilespmem:s30+$0x1B0] =	vst v5  }
0x6a6: {  	v4 =	vadd.f32 v37, v4;
	v5 =	vld [tilespmem:s10+$0x0]  }
0x6a7: {  	v41 =	vld [tilespmem:s13+$0x0]  }
0x6a8: {  	v45 =	vld [tilespmem:s17+$0x0];
	v1 =	vadd.f32 v40, v39;
	[tilespmem:s29+$0x1C0] =	vst v4  }
0x6a9: {  	v4 =	vld [tilespmem:s20+$0x10]  }
0x6aa: {  	v43 =	vld [tilespmem:s22+$0x10];
	[tilespmem:s30+$0x3C0] =	vst v1  }
0x6ab: {  	v0 =	vadd.f32 v42, v0;
	v1 =	vld [tilespmem:s4+$0x10]  }
0x6ac: {  	s21 =	sshll.u32 s1, $0x5;
	v44 =	vld [tilespmem:s3+$0x10];
	s20 =	rddreg [dreg:$0x3];
	v5 =	vadd.f32 v41, v5  }
0x6ad: {  	s0 =	sand.u32 $0x1FFFE0, s21;
	[tilespmem:s29+$0x3D0] =	vst v0;
	v46 =	vld [tilespmem:s20+$0x10]  }
0x6ae: {  	v49 =	vld [tilespmem:s0+$0x0];
	[tilespmem:s30+$0x1C0] =	vst v5  }
0x6af: {  	v3 =	vadd.f32 v45, v3;
	s1 =	sshra.s32 s1, $0xB;
	v5 =	vld [tilespmem:s10+$0x10]  }
0x6b0: {  	s1 =	sand.u32 $0xFFFFFFE0, s1;
	v47 =	vadd.f32 v43, v4;
	v48 =	vld [tilespmem:s13+$0x10]  }
0x6b1: {  	[tilespmem:s8+$0x1E0] =	vst v3;
	v50 =	vld [tilespmem:s1+$0x0]  }
0x6b2: {  	v55 =	vld [tilespmem:s28+$0x10];
	[tilespmem:s29+$0x1D0] =	vst v47  }
0x6b3: {  	s22 =	spop (v2sf);
	v51 =	vadd.f32 v44, v1;
	v52 =	vld [tilespmem:s15+$0x0]  }
0x6b4: {  	s23 =	sshll.u32 s22, $0x5;
	v53 =	vld [tilespmem:s16+$0x0]  }
0x6b5: {  	v59 =	vld [tilespmem:s17+$0x10];
	s2 =	sshra.s32 s22, $0xB;
	s3 =	sand.u32 $0x1FFFE0, s23;
	[tilespmem:s30+$0x3D0] =	vst v51;
	v4 =	vadd.f32 v48, v5  }
0x6b6: {  	s2 =	sand.u32 $0xFFFFFFE0, s2;
	v0 =	vld [tilespmem:s3+$0x0]  }
0x6b7: {  	v7 =	vadd.f32 v50, v49;
	v54 =	vld [tilespmem:s2+$0x0];
	[tilespmem:s30+$0x1D0] =	vst v4  }
0x6b8: {  	s24 =	rddreg [dreg:$0xb];
	v56 =	vld [tilespmem:s26+$0x0]  }
0x6b9: {  	v1 =	vadd.f32 v53, v52;
	[tilespmem:s29+$0x3E0] =	vst v7;
	v4 =	vld [tilespmem:s24+$0x0]  }
0x6ba: {  	v57 =	vld [tilespmem:s0+$0x10]  }
0x6bb: {  	[tilespmem:s29+$0x1E0] =	vst v1;
	v58 =	vld [tilespmem:s1+$0x10]  }
0x6bc: {  	v1 =	vld [tilespmem:s15+$0x10]  }
0x6bd: {  	v0 =	vadd.f32 v54, v0;
	v61 =	vld [tilespmem:s16+$0x10]  }
0x6be: {  	v2 =	vadd.f32 v46, v2  }
0x6bf: {  	[tilespmem:s30+$0x3E0] =	vst v0;
	v4 =	vadd.f32 v56, v4  }
0x6c0: {  	v62 =	vadd.f32 v59, v55;
	[tilespmem:s7+$0x1F0] =	vst v2;
	v0 =	vld [tilespmem:s3+$0x10]  }
0x6c1: {  	v60 =	vld [tilespmem:s2+$0x10];
	v6 =	vadd.f32 v58, v57;
	[tilespmem:s30+$0x1E0] =	vst v4  }
0x6c2: {  	[tilespmem:s8+$0x1F0] =	vst v62;
	v1 =	vadd.f32 v61, v1;
	v4 =	vld [tilespmem:s24+$0x10]  }
0x6c3: {  	[tilespmem:s29+$0x3F0] =	vst v6;
	v11 =	vld [tilespmem:s26+$0x10]  }
0x6c4: {  	s4 =	sld [smem:$0x7C9];
	[tilespmem:s29+$0x1F0] =	vst v1  }
0x6c5: {  	s26 =	sld [smem:$0x7F9];
	_ =	sdelay $0x1  }
.Ltmp4:
0x6c6: {  	v0 =	vadd.f32 v60, v0;
	s25 =	sshll.u32 s4, $0x7;
	(pc) =	sbr.rel @p1 .LBB2_8-.Ltmp4, $4  }
0x6c7: {  	s0 =	sor.u32 s26, s25;
	v63 =	vadd.f32 v11, v4  }
0x6c8: {  	s31 =	simm.s32 $0x16A40;
	s28 =	rddreg [dreg:$0x1];
	[tilespmem:s30+$0x3F0] =	vst v0;
	s0 =	sshrl.u32 s0, $0x3  }
0x6c9: {  	s29 =	simm.s32 $0x20;
	s0 =	sadd.s32 s28, s0;
	[tilespmem:s30+$0x1F0] =	vst v63;
	s30 =	simm.s32 $0x80  }
0x6ca: {  	[hbm4b:s0+s29] =	stream.strided.scatter [tilespmem:s31], [sflag:$0x4], $0x6400, s30, s29, $0x38;
	[tilespmem:$0x1CE40] =	vst v63  }
0x6cb: {  	s1 =	sld [smem:$0x7F6]  }
.Ltmp5:
0x6cc: {  	s31 =	sld [smem:$0x7F2];
	(pc) =	sbr.rel .LBB2_2-.Ltmp5, $4  }
0x6cd: {  	s0 =	sshrl.u32 s4, $0x3  }
0x6ce: {  	s30 =	simm.s32 $0x0;
	s0 =	sadd.s32 s1, s0  }
0x6cf: {  	s2 =	simm.s32 $0x10320;
	s1 =	sadd.s32 $0x1, s31;
	s0 =	sadd.s32 $0xC8, s0  }
0x6d0: {  	[tilespmem:s2], [sflag:$0x2] =	stream.linear.gather [hbm4b:s0+s30], $0x320, $0x38;
	[tilespmem:$0x1CE40] =	vst v63  }
.LBB2_9:
0x6d1: {  	_ =	sfence.sel $0x180000  }
0x6d2: {  	[bflag:$0x0] =	sbarrier.arrive $0xFFFF  }
0x6d3: {  	_ =	strace $0x90000047  }
0x6d4: {  	s0 =	stileid.u32;
	[bflag:$0x2] =	sbarrier.arrive $0xFFFF  }
0x6d5: {  	p0 =	sne.s32 s0, $0x0;
	s0 =	rddreg [dreg:$0x2]  }
0x6d6: {  	s0 =	sadd.s32 @!p0 $0x100000, s0  }
0x6d7: {  	[sflag:s0] =	ssyncadd.tile.s32 @!p0 $0x1;
	_ =	shalt  }
.Lfunc_end2:
_tile_overlayer_lowered:
.L_overlay_start_2:
0x6d8: {  	(tag) =	ssettag $0x2  }
0x6d9: {  	s0 =	rddreg [dreg:$0x0];
	s2 =	stileid.u32  }
0x6da: {  	s1 =	rddreg [dreg:$0x1];
	p0 =	sne.s32 s2, $0x0  }
0x6db: {  	s3 =	rddreg [dreg:$0x2];
	[bflag:$0x3] =	sbarrier.arrive $0xFFFF;
	s2 =	simm.s32 @!p0 $0x1C05  }
0x6dc: {  	[timem:s3], [sflag:s2] =	dma.local @!p0 [hbm:s0], s1  }
0x6dd: {  	s0 =	simm.s32 @!p0 $0x5  }
0x6de: {  	_ =	swait.ge @!p0 [sflag:s0], s1  }
0x6df: {  	s1 =	ssub.s32 @!p0 $0x0, s1;
	[sflag:s0] =	ssyncset.done @!p0 $0x0  }
0x6e0: {  	[sflag:s0] =	ssyncadd.s32 @!p0 s1  }
0x6e1: {  	[bflag:$0x3] =	sbarrier.arrive $0xFFFF  }
0x6e2: {  	_ =	shalt  }

</sc_bundles>
